<compile_context>
chip_gen: v7x
topology: tpu7x:2x2x1
jax: 0.10.2.dev20260603
libtpu: 0.0.44.dev20260713+nightly
codegen_flags: <defaults>
</compile_context>

<pallas_src>
import functools

import jax
import jax.numpy as jnp
from jax import lax
from jax.experimental import pallas as pl
from jax.experimental.pallas import tpu as pltpu
from jax.experimental.pallas import tpu_sc as plsc

N_BATCH = 16
N_ATOMS = 8192
NBH = 64
NW = 32
L = 16
BWORDS = N_ATOMS * NBH
TJ_PER_W = 4
TA_PER_CHUNK = 16
CHUNK = TA_PER_CHUNK * 8 * 128
N_CHUNKS = TJ_PER_W * (N_ATOMS // 128) // TA_PER_CHUNK


def _safe_dist(sq):
    i = plsc.bitcast(sq, jnp.int32)
    y = plsc.bitcast(jnp.int32(0x5F3759DF) - (i >> 1), jnp.float32)
    xh = 0.5 * sq
    y = y * (1.5 - xh * y * y)
    return sq * y


def _distances_sc(pos, nbr):
    mesh = plsc.VectorSubcoreMesh(core_axis_name="c", subcore_axis_name="s")

    @functools.partial(
        pl.kernel,
        out_type=jax.ShapeDtypeStruct((N_BATCH * N_ATOMS * NBH,), jnp.float32),
        mesh=mesh,
        scratch_types=[
            [pltpu.VMEM((64, 128), jnp.float32) for _ in range(3)],
            pltpu.VMEM((N_ATOMS,), jnp.float32),
            pltpu.VMEM((N_ATOMS,), jnp.float32),
            pltpu.VMEM((N_ATOMS,), jnp.float32),
            [pltpu.VMEM((CHUNK,), jnp.int32) for _ in range(2)],
            [pltpu.VMEM((CHUNK,), jnp.float32) for _ in range(2)],
            [pltpu.SemaphoreType.DMA for _ in range(2)],
            [pltpu.SemaphoreType.DMA for _ in range(2)],
        ],
        compiler_params=pltpu.CompilerParams(needs_layout_passes=False),
    )
    def k(pos_h, nbr_h, out_h, p2_v, x_v, y_v, z_v, idx_v, o_v, in_sem,
          out_sem):
        cid = lax.axis_index("c")
        sid = lax.axis_index("s")
        wid = cid * 16 + sid
        b = wid // 2
        half = wid % 2
        region = b * BWORDS + half * (TJ_PER_W * N_ATOMS * 8)

        for s in range(2):
            pltpu.async_copy(
                nbr_h.at[pl.ds(region + s * CHUNK, CHUNK)], idx_v[s],
                in_sem[s])
        tb = b // 8
        bi = b % 8
        for comp in range(3):
            pltpu.sync_copy(pos_h.at[comp, tb, :, bi, :], p2_v[comp])

        tabs = (x_v, y_v, z_v)

        @plsc.parallel_loop(0, N_ATOMS // L, unroll=4)
        def split_body(t):
            row = t >> 3
            col = (t & 7) * L
            for comp in range(3):
                tabs[comp][pl.ds(t * L, L)] = p2_v[comp][row, pl.ds(col, L)]

        def pair_body(g, carry):
            for s in range(2):
                c = 2 * g + s
                base = region + c * CHUNK
                a0 = (c % 4) * (TA_PER_CHUNK * 128)
                idx_c = idx_v[s]
                o_c = o_v[s]
                pltpu.make_async_copy(
                    nbr_h.at[pl.ds(base, CHUNK)], idx_c, in_sem[s]).wait()

                @pl.when(c >= 2)
                def _():
                    pltpu.make_async_copy(
                        o_c, out_h.at[pl.ds(base, CHUNK)],
                        out_sem[s]).wait()

                @plsc.parallel_loop(0, TA_PER_CHUNK * 8, unroll=2)
                def vec_body(v):
                    ta = v >> 3
                    arb = v & 7
                    a = a0 + ta * 128 + arb * L
                    cx = x_v[pl.ds(a, L)]
                    cy = y_v[pl.ds(a, L)]
                    cz = z_v[pl.ds(a, L)]
                    for tji in range(8):
                        off = ta * 1024 + tji * 128 + arb * L
                        nb = idx_c[pl.ds(off, L)]
                        dx = plsc.load_gather(x_v, [nb]) - cx
                        dy = plsc.load_gather(y_v, [nb]) - cy
                        dz = plsc.load_gather(z_v, [nb]) - cz
                        sq = dx * dx + dy * dy + dz * dz
                        o_c[pl.ds(off, L)] = _safe_dist(sq)

                pltpu.async_copy(o_c, out_h.at[pl.ds(base, CHUNK)],
                                 out_sem[s])

                @pl.when(c + 2 < N_CHUNKS)
                def _():
                    pltpu.async_copy(
                        nbr_h.at[pl.ds(base + 2 * CHUNK, CHUNK)], idx_c,
                        in_sem[s])

            return carry

        lax.fori_loop(0, N_CHUNKS // 2, pair_body, 0)
        for s in range(2):
            pltpu.make_async_copy(
                o_v[s], out_h.at[pl.ds(region, CHUNK)], out_sem[s]).wait()

    return k(pos, nbr)


def kernel(positions, neighbors):
    pos = (positions.transpose(2, 0, 1)
           .reshape(3, 2, 8, 64, 128)
           .transpose(0, 1, 3, 2, 4))
    nbr = (neighbors.astype(jnp.int32)
           .reshape(N_BATCH, 64, 128, 8, 8)
           .transpose(0, 3, 1, 4, 2)
           .reshape(-1))
    out = _distances_sc(pos, nbr)
    return (out.reshape(N_BATCH, 8, 64, 8, 128)
            .transpose(0, 2, 4, 1, 3)
            .reshape(N_BATCH, N_ATOMS, NBH))

# --- scband reference (transcript-rebuilt; emitter-appended) ---
"""Pipeline reference for scband-atom-distances-41051297415622 (READ-ONLY COPY).

The authoritative reference and input builder live on the scoring server;
editing this copy changes nothing except your own understanding.
"""

import jax, jax.numpy as jnp
import numpy as np


def setup_inputs(seed: int = 0) -> dict:
    key = jax.random.key(seed)
    k1, k2 = jax.random.split(key)
    positions = jax.random.normal(k1, (16, 8192, 3), dtype=jnp.float32)
    neighbors = jax.random.randint(k2, (16, 8192, 64), 0, 8192, dtype=jnp.int64)
    return {"positions": positions, "neighbors": neighbors}


def reference(positions, neighbors):
    n_batch = positions.shape[0]
    idx_m = jnp.arange(n_batch)[:, None, None]
    # gather neighbor coordinates: [B, N, nbh, 3]
    pos_xyz = positions[idx_m, neighbors, :]
    dist_vec = pos_xyz - positions[:, :, None, :]
    # torch.norm(dist_vec, 2, 3) with subgradient-0 at zero (safe sqrt)
    sq = jnp.sum(dist_vec * dist_vec, axis=3)
    safe = jnp.where(sq > 0, sq, 1.0)
    distances = jnp.where(sq > 0, jnp.sqrt(safe), 0.0)
    return distances

if __name__ == "__main__":
    import jax
    _d = setup_inputs()
    print(jax.jit(kernel)(*tuple(_d.values())))

</pallas_src>

<mosaic_0001>
#map = affine_map<(d0, d1) -> (0, 0, 0, 0, 0)>
#map1 = affine_map<(d0, d1) -> (0)>
module attributes {stable_mosaic.version = 14 : i64} {
  func.func @k(%arg0: i32, %arg1: i32, %arg2: memref<3x2x64x8x128xf32, #tpu.memory_space<hbm>>, %arg3: memref<8388608xi32, #tpu.memory_space<hbm>>, %arg4: memref<8388608xf32, #tpu.memory_space<hbm>>, %arg5: memref<64x128xf32, #tpu.memory_space<vmem>>, %arg6: memref<64x128xf32, #tpu.memory_space<vmem>>, %arg7: memref<64x128xf32, #tpu.memory_space<vmem>>, %arg8: memref<8192xf32, #tpu.memory_space<vmem>>, %arg9: memref<8192xf32, #tpu.memory_space<vmem>>, %arg10: memref<8192xf32, #tpu.memory_space<vmem>>, %arg11: memref<16384xi32, #tpu.memory_space<vmem>>, %arg12: memref<16384xi32, #tpu.memory_space<vmem>>, %arg13: memref<16384xf32, #tpu.memory_space<vmem>>, %arg14: memref<16384xf32, #tpu.memory_space<vmem>>, %arg15: memref<!tpu.dma_semaphore, #tpu.memory_space<semaphore_mem>>, %arg16: memref<!tpu.dma_semaphore, #tpu.memory_space<semaphore_mem>>, %arg17: memref<!tpu.dma_semaphore, #tpu.memory_space<semaphore_mem>>, %arg18: memref<!tpu.dma_semaphore, #tpu.memory_space<semaphore_mem>>) attributes {dimension_semantics = [#tpu.dimension_semantics<core_parallel>, #tpu.dimension_semantics<subcore_parallel>], iteration_bounds = array<i64: 2, 16>, scalar_prefetch = 0 : i64, scratch_operands = 14 : i64, tpu.core_type = #tpu.core_type<sc_vector_subcore>, window_params = [{transform_indices = #map}, {transform_indices = #map1}, {transform_indices = #map1}]} {
    %mul3A = arith.constant 16 : i32
    %mul3A_0 = arith.muli %arg0, %mul3A : i32
    %add3A = arith.addi %mul3A_0, %arg1 : i32
    %jit3A = arith.constant 2 : i32
    %div3A = arith.divsi %add3A, %jit3A : i32
    %sign3A = arith.constant 0 : i32
    %sign3A_1 = arith.cmpi sgt, %add3A, %sign3A : i32
    %sign3A_2 = arith.extui %sign3A_1 : i1 to i32
    %sign3A_3 = arith.constant 0 : i32
    %sign3A_4 = arith.cmpi slt, %add3A, %sign3A_3 : i32
    %sign3A_5 = arith.extui %sign3A_4 : i1 to i32
    %sign3A_6 = arith.subi %sign3A_2, %sign3A_5 : i32
    %sign3A_7 = arith.constant 0 : i32
    %sign3A_8 = arith.cmpi sgt, %jit3A, %sign3A_7 : i32
    %sign3A_9 = arith.extui %sign3A_8 : i1 to i32
    %sign3A_10 = arith.constant 0 : i32
    %sign3A_11 = arith.cmpi slt, %jit3A, %sign3A_10 : i32
    %sign3A_12 = arith.extui %sign3A_11 : i1 to i32
    %sign3A_13 = arith.subi %sign3A_9, %sign3A_12 : i32
    %ne3A = arith.cmpi ne, %sign3A_6, %sign3A_13 : i32
    %rem3A = arith.remsi %add3A, %jit3A : i32
    %ne3A_14 = arith.constant 0 : i32
    %ne3A_15 = arith.cmpi ne, %rem3A, %ne3A_14 : i32
    %and3A = arith.andi %ne3A, %ne3A_15 : i1
    %sub3A = arith.constant 1 : i32
    %sub3A_16 = arith.subi %div3A, %sub3A : i32
    %select_n3A = arith.select %and3A, %sub3A_16, %div3A : i32
    %jit3A_17 = arith.constant 2 : i32
    %eq3A = arith.constant 0 : i32
    %eq3A_18 = arith.cmpi eq, %jit3A_17, %eq3A : i32
    %jit3A_19 = arith.constant 1 : i32
    %select_n3A_20 = arith.select %eq3A_18, %jit3A_19, %jit3A_17 : i32
    %rem3A_21 = arith.remsi %add3A, %select_n3A_20 : i32
    %ne3A_22 = arith.constant 0 : i32
    %ne3A_23 = arith.cmpi ne, %rem3A_21, %ne3A_22 : i32
    %lt3A = arith.constant 0 : i32
    %lt3A_24 = arith.cmpi slt, %rem3A_21, %lt3A : i32
    %lt3A_25 = arith.constant 0 : i32
    %lt3A_26 = arith.cmpi slt, %select_n3A_20, %lt3A_25 : i32
    %ne3A_27 = arith.xori %lt3A_24, %lt3A_26 : i1
    %and3A_28 = arith.andi %ne3A_27, %ne3A_23 : i1
    %add3A_29 = arith.addi %rem3A_21, %select_n3A_20 : i32
    %select_n3A_30 = arith.select %and3A_28, %add3A_29, %rem3A_21 : i32
    %mul3A_31 = arith.constant 524288 : i32
    %mul3A_32 = arith.muli %select_n3A, %mul3A_31 : i32
    %mul3A_33 = arith.constant 262144 : i32
    %mul3A_34 = arith.muli %select_n3A_30, %mul3A_33 : i32
    %add3A_35 = arith.addi %mul3A_32, %mul3A_34 : i32
    %add3A_36 = arith.constant 0 : i32
    %add3A_37 = arith.addi %add3A_35, %add3A_36 : i32
    %dma_start3A = tpu.memref_slice %arg3[%add3A_37] : memref<8388608xi32, #tpu.memory_space<hbm>> -> memref<16384xi32, #tpu.memory_space<hbm>>
    %dma_start3A_38 = tpu.memref_slice %arg3[%add3A_37] : memref<8388608xi32, #tpu.memory_space<hbm>> -> memref<16384xi32, #tpu.memory_space<hbm>>
    tpu.enqueue_dma source(%dma_start3A_38 : memref<16384xi32, #tpu.memory_space<hbm>>) target(%arg11 : memref<16384xi32, #tpu.memory_space<vmem>>) target_semaphore(%arg15 : memref<!tpu.dma_semaphore, #tpu.memory_space<semaphore_mem>>)
    %add3A_39 = arith.constant 16384 : i32
    %add3A_40 = arith.addi %add3A_35, %add3A_39 : i32
    %dma_start3A_41 = tpu.memref_slice %arg3[%add3A_40] : memref<8388608xi32, #tpu.memory_space<hbm>> -> memref<16384xi32, #tpu.memory_space<hbm>>
    %dma_start3A_42 = tpu.memref_slice %arg3[%add3A_40] : memref<8388608xi32, #tpu.memory_space<hbm>> -> memref<16384xi32, #tpu.memory_space<hbm>>
    tpu.enqueue_dma source(%dma_start3A_42 : memref<16384xi32, #tpu.memory_space<hbm>>) target(%arg12 : memref<16384xi32, #tpu.memory_space<vmem>>) target_semaphore(%arg16 : memref<!tpu.dma_semaphore, #tpu.memory_space<semaphore_mem>>)
    %jit3A_43 = arith.constant 8 : i32
    %div3A_44 = arith.divsi %select_n3A, %jit3A_43 : i32
    %sign3A_45 = arith.constant 0 : i32
    %sign3A_46 = arith.cmpi sgt, %select_n3A, %sign3A_45 : i32
    %sign3A_47 = arith.extui %sign3A_46 : i1 to i32
    %sign3A_48 = arith.constant 0 : i32
    %sign3A_49 = arith.cmpi slt, %select_n3A, %sign3A_48 : i32
    %sign3A_50 = arith.extui %sign3A_49 : i1 to i32
    %sign3A_51 = arith.subi %sign3A_47, %sign3A_50 : i32
    %sign3A_52 = arith.constant 0 : i32
    %sign3A_53 = arith.cmpi sgt, %jit3A_43, %sign3A_52 : i32
    %sign3A_54 = arith.extui %sign3A_53 : i1 to i32
    %sign3A_55 = arith.constant 0 : i32
    %sign3A_56 = arith.cmpi slt, %jit3A_43, %sign3A_55 : i32
    %sign3A_57 = arith.extui %sign3A_56 : i1 to i32
    %sign3A_58 = arith.subi %sign3A_54, %sign3A_57 : i32
    %ne3A_59 = arith.cmpi ne, %sign3A_51, %sign3A_58 : i32
    %rem3A_60 = arith.remsi %select_n3A, %jit3A_43 : i32
    %ne3A_61 = arith.constant 0 : i32
    %ne3A_62 = arith.cmpi ne, %rem3A_60, %ne3A_61 : i32
    %and3A_63 = arith.andi %ne3A_59, %ne3A_62 : i1
    %sub3A_64 = arith.constant 1 : i32
    %sub3A_65 = arith.subi %div3A_44, %sub3A_64 : i32
    %select_n3A_66 = arith.select %and3A_63, %sub3A_65, %div3A_44 : i32
    %jit3A_67 = arith.constant 8 : i32
    %eq3A_68 = arith.constant 0 : i32
    %eq3A_69 = arith.cmpi eq, %jit3A_67, %eq3A_68 : i32
    %jit3A_70 = arith.constant 1 : i32
    %select_n3A_71 = arith.select %eq3A_69, %jit3A_70, %jit3A_67 : i32
    %rem3A_72 = arith.remsi %select_n3A, %select_n3A_71 : i32
    %ne3A_73 = arith.constant 0 : i32
    %ne3A_74 = arith.cmpi ne, %rem3A_72, %ne3A_73 : i32
    %lt3A_75 = arith.constant 0 : i32
    %lt3A_76 = arith.cmpi slt, %rem3A_72, %lt3A_75 : i32
    %lt3A_77 = arith.constant 0 : i32
    %lt3A_78 = arith.cmpi slt, %select_n3A_71, %lt3A_77 : i32
    %ne3A_79 = arith.xori %lt3A_76, %lt3A_78 : i1
    %and3A_80 = arith.andi %ne3A_79, %ne3A_74 : i1
    %add3A_81 = arith.addi %rem3A_72, %select_n3A_71 : i32
    %select_n3A_82 = arith.select %and3A_80, %add3A_81, %rem3A_72 : i32
    %run_scoped3A = arith.constant 0 : i32
    "tpu.region"() ({
      %run_scoped3A_95 = tpu.sem_alloc : memref<!tpu.dma_semaphore, #tpu.memory_space<semaphore_mem>>
      %dma_start3A_96 = arith.constant 0 : i32
      %dma_start3A_97 = arith.constant 0 : i32
      %dma_start3A_98 = tpu.memref_slice %arg2[%run_scoped3A, %select_n3A_66, %dma_start3A_96, %select_n3A_82, %dma_start3A_97] : memref<3x2x64x8x128xf32, #tpu.memory_space<hbm>> -> memref<1x1x64x1x128xf32, #tpu.memory_space<hbm>>
      %dma_start3A_99 = tpu.memref_squeeze %dma_start3A_98 : memref<1x1x64x1x128xf32, #tpu.memory_space<hbm>> -> memref<64x128xf32, #tpu.memory_space<hbm>>
      %dma_start3A_100 = arith.constant 0 : i32
      %dma_start3A_101 = arith.constant 0 : i32
      %dma_start3A_102 = tpu.memref_slice %arg2[%run_scoped3A, %select_n3A_66, %dma_start3A_100, %select_n3A_82, %dma_start3A_101] : memref<3x2x64x8x128xf32, #tpu.memory_space<hbm>> -> memref<1x1x64x1x128xf32, #tpu.memory_space<hbm>>
      %dma_start3A_103 = tpu.memref_squeeze %dma_start3A_102 : memref<1x1x64x1x128xf32, #tpu.memory_space<hbm>> -> memref<64x128xf32, #tpu.memory_space<hbm>>
      tpu.enqueue_dma source(%dma_start3A_103 : memref<64x128xf32, #tpu.memory_space<hbm>>) target(%arg5 : memref<64x128xf32, #tpu.memory_space<vmem>>) target_semaphore(%run_scoped3A_95 : memref<!tpu.dma_semaphore, #tpu.memory_space<semaphore_mem>>)
      %dma_wait3A_104 = arith.constant 0 : i32
      %dma_wait3A_105 = arith.constant 0 : i32
      %dma_wait3A_106 = tpu.memref_slice %arg2[%run_scoped3A, %select_n3A_66, %dma_wait3A_104, %select_n3A_82, %dma_wait3A_105] : memref<3x2x64x8x128xf32, #tpu.memory_space<hbm>> -> memref<1x1x64x1x128xf32, #tpu.memory_space<hbm>>
      %dma_wait3A_107 = tpu.memref_squeeze %dma_wait3A_106 : memref<1x1x64x1x128xf32, #tpu.memory_space<hbm>> -> memref<64x128xf32, #tpu.memory_space<hbm>>
      %dma_wait3A_108 = arith.constant 0 : i32
      %dma_wait3A_109 = arith.constant 0 : i32
      %dma_wait3A_110 = tpu.memref_slice %arg2[%run_scoped3A, %select_n3A_66, %dma_wait3A_108, %select_n3A_82, %dma_wait3A_109] : memref<3x2x64x8x128xf32, #tpu.memory_space<hbm>> -> memref<1x1x64x1x128xf32, #tpu.memory_space<hbm>>
      %dma_wait3A_111 = tpu.memref_squeeze %dma_wait3A_110 : memref<1x1x64x1x128xf32, #tpu.memory_space<hbm>> -> memref<64x128xf32, #tpu.memory_space<hbm>>
      tpu.wait_dma2 semaphore(%run_scoped3A_95 : memref<!tpu.dma_semaphore, #tpu.memory_space<semaphore_mem>>) src(%dma_wait3A_111 : memref<64x128xf32, #tpu.memory_space<hbm>>) dst(%arg5 : memref<64x128xf32, #tpu.memory_space<vmem>>)
      tpu.yield
    }) : () -> ()
    %run_scoped3A_83 = arith.constant 1 : i32
    "tpu.region"() ({
      %run_scoped3A_95 = tpu.sem_alloc : memref<!tpu.dma_semaphore, #tpu.memory_space<semaphore_mem>>
      %dma_start3A_96 = arith.constant 0 : i32
      %dma_start3A_97 = arith.constant 0 : i32
      %dma_start3A_98 = tpu.memref_slice %arg2[%run_scoped3A_83, %select_n3A_66, %dma_start3A_96, %select_n3A_82, %dma_start3A_97] : memref<3x2x64x8x128xf32, #tpu.memory_space<hbm>> -> memref<1x1x64x1x128xf32, #tpu.memory_space<hbm>>
      %dma_start3A_99 = tpu.memref_squeeze %dma_start3A_98 : memref<1x1x64x1x128xf32, #tpu.memory_space<hbm>> -> memref<64x128xf32, #tpu.memory_space<hbm>>
      %dma_start3A_100 = arith.constant 0 : i32
      %dma_start3A_101 = arith.constant 0 : i32
      %dma_start3A_102 = tpu.memref_slice %arg2[%run_scoped3A_83, %select_n3A_66, %dma_start3A_100, %select_n3A_82, %dma_start3A_101] : memref<3x2x64x8x128xf32, #tpu.memory_space<hbm>> -> memref<1x1x64x1x128xf32, #tpu.memory_space<hbm>>
      %dma_start3A_103 = tpu.memref_squeeze %dma_start3A_102 : memref<1x1x64x1x128xf32, #tpu.memory_space<hbm>> -> memref<64x128xf32, #tpu.memory_space<hbm>>
      tpu.enqueue_dma source(%dma_start3A_103 : memref<64x128xf32, #tpu.memory_space<hbm>>) target(%arg6 : memref<64x128xf32, #tpu.memory_space<vmem>>) target_semaphore(%run_scoped3A_95 : memref<!tpu.dma_semaphore, #tpu.memory_space<semaphore_mem>>)
      %dma_wait3A_104 = arith.constant 0 : i32
      %dma_wait3A_105 = arith.constant 0 : i32
      %dma_wait3A_106 = tpu.memref_slice %arg2[%run_scoped3A_83, %select_n3A_66, %dma_wait3A_104, %select_n3A_82, %dma_wait3A_105] : memref<3x2x64x8x128xf32, #tpu.memory_space<hbm>> -> memref<1x1x64x1x128xf32, #tpu.memory_space<hbm>>
      %dma_wait3A_107 = tpu.memref_squeeze %dma_wait3A_106 : memref<1x1x64x1x128xf32, #tpu.memory_space<hbm>> -> memref<64x128xf32, #tpu.memory_space<hbm>>
      %dma_wait3A_108 = arith.constant 0 : i32
      %dma_wait3A_109 = arith.constant 0 : i32
      %dma_wait3A_110 = tpu.memref_slice %arg2[%run_scoped3A_83, %select_n3A_66, %dma_wait3A_108, %select_n3A_82, %dma_wait3A_109] : memref<3x2x64x8x128xf32, #tpu.memory_space<hbm>> -> memref<1x1x64x1x128xf32, #tpu.memory_space<hbm>>
      %dma_wait3A_111 = tpu.memref_squeeze %dma_wait3A_110 : memref<1x1x64x1x128xf32, #tpu.memory_space<hbm>> -> memref<64x128xf32, #tpu.memory_space<hbm>>
      tpu.wait_dma2 semaphore(%run_scoped3A_95 : memref<!tpu.dma_semaphore, #tpu.memory_space<semaphore_mem>>) src(%dma_wait3A_111 : memref<64x128xf32, #tpu.memory_space<hbm>>) dst(%arg6 : memref<64x128xf32, #tpu.memory_space<vmem>>)
      tpu.yield
    }) : () -> ()
    %run_scoped3A_84 = arith.constant 2 : i32
    "tpu.region"() ({
      %run_scoped3A_95 = tpu.sem_alloc : memref<!tpu.dma_semaphore, #tpu.memory_space<semaphore_mem>>
      %dma_start3A_96 = arith.constant 0 : i32
      %dma_start3A_97 = arith.constant 0 : i32
      %dma_start3A_98 = tpu.memref_slice %arg2[%run_scoped3A_84, %select_n3A_66, %dma_start3A_96, %select_n3A_82, %dma_start3A_97] : memref<3x2x64x8x128xf32, #tpu.memory_space<hbm>> -> memref<1x1x64x1x128xf32, #tpu.memory_space<hbm>>
      %dma_start3A_99 = tpu.memref_squeeze %dma_start3A_98 : memref<1x1x64x1x128xf32, #tpu.memory_space<hbm>> -> memref<64x128xf32, #tpu.memory_space<hbm>>
      %dma_start3A_100 = arith.constant 0 : i32
      %dma_start3A_101 = arith.constant 0 : i32
      %dma_start3A_102 = tpu.memref_slice %arg2[%run_scoped3A_84, %select_n3A_66, %dma_start3A_100, %select_n3A_82, %dma_start3A_101] : memref<3x2x64x8x128xf32, #tpu.memory_space<hbm>> -> memref<1x1x64x1x128xf32, #tpu.memory_space<hbm>>
      %dma_start3A_103 = tpu.memref_squeeze %dma_start3A_102 : memref<1x1x64x1x128xf32, #tpu.memory_space<hbm>> -> memref<64x128xf32, #tpu.memory_space<hbm>>
      tpu.enqueue_dma source(%dma_start3A_103 : memref<64x128xf32, #tpu.memory_space<hbm>>) target(%arg7 : memref<64x128xf32, #tpu.memory_space<vmem>>) target_semaphore(%run_scoped3A_95 : memref<!tpu.dma_semaphore, #tpu.memory_space<semaphore_mem>>)
      %dma_wait3A_104 = arith.constant 0 : i32
      %dma_wait3A_105 = arith.constant 0 : i32
      %dma_wait3A_106 = tpu.memref_slice %arg2[%run_scoped3A_84, %select_n3A_66, %dma_wait3A_104, %select_n3A_82, %dma_wait3A_105] : memref<3x2x64x8x128xf32, #tpu.memory_space<hbm>> -> memref<1x1x64x1x128xf32, #tpu.memory_space<hbm>>
      %dma_wait3A_107 = tpu.memref_squeeze %dma_wait3A_106 : memref<1x1x64x1x128xf32, #tpu.memory_space<hbm>> -> memref<64x128xf32, #tpu.memory_space<hbm>>
      %dma_wait3A_108 = arith.constant 0 : i32
      %dma_wait3A_109 = arith.constant 0 : i32
      %dma_wait3A_110 = tpu.memref_slice %arg2[%run_scoped3A_84, %select_n3A_66, %dma_wait3A_108, %select_n3A_82, %dma_wait3A_109] : memref<3x2x64x8x128xf32, #tpu.memory_space<hbm>> -> memref<1x1x64x1x128xf32, #tpu.memory_space<hbm>>
      %dma_wait3A_111 = tpu.memref_squeeze %dma_wait3A_110 : memref<1x1x64x1x128xf32, #tpu.memory_space<hbm>> -> memref<64x128xf32, #tpu.memory_space<hbm>>
      tpu.wait_dma2 semaphore(%run_scoped3A_95 : memref<!tpu.dma_semaphore, #tpu.memory_space<semaphore_mem>>) src(%dma_wait3A_111 : memref<64x128xf32, #tpu.memory_space<hbm>>) dst(%arg7 : memref<64x128xf32, #tpu.memory_space<vmem>>)
      tpu.yield
    }) : () -> ()
    %parallel_loop3A = arith.constant 0 : i32
    %parallel_loop3A_85 = arith.constant 512 : i32
    %parallel_loop3A_86 = arith.constant 1 : i32
    scf.for %parallel_loop3A_95 = %parallel_loop3A to %parallel_loop3A_85 step %parallel_loop3A_86  : i32 {
      %parallel_loop3A_96 = arith.constant 3 : i32
      %parallel_loop3A_97 = arith.shrsi %parallel_loop3A_95, %parallel_loop3A_96 : i32
      %parallel_loop3A_98 = arith.constant 7 : i32
      %parallel_loop3A_99 = arith.andi %parallel_loop3A_95, %parallel_loop3A_98 : i32
      %parallel_loop3A_100 = arith.constant 16 : i32
      %parallel_loop3A_101 = arith.muli %parallel_loop3A_99, %parallel_loop3A_100 : i32
      %parallel_loop3A_102 = arith.index_cast %parallel_loop3A_97 : i32 to index
      %parallel_loop3A_103 = arith.index_cast %parallel_loop3A_101 : i32 to index
      %parallel_loop3A_104 = tpu.vector_load %arg5[%parallel_loop3A_102, %parallel_loop3A_103] {strides = array<i32>} : memref<64x128xf32, #tpu.memory_space<vmem>>, vector<16xf32>,
      %parallel_loop3A_105 = arith.constant 16 : i32
      %parallel_loop3A_106 = arith.muli %parallel_loop3A_95, %parallel_loop3A_105 : i32
      %parallel_loop3A_107 = arith.index_cast %parallel_loop3A_106 : i32 to index
      %parallel_loop3A_108 = tpu.vector_load %arg8[%parallel_loop3A_107] {strides = array<i32>} : memref<8192xf32, #tpu.memory_space<vmem>>, vector<16xf32>,
      tpu.vector_store %arg8[%parallel_loop3A_107], %parallel_loop3A_104 {strides = array<i32>} : memref<8192xf32, #tpu.memory_space<vmem>>, vector<16xf32>,
      %parallel_loop3A_109 = arith.index_cast %parallel_loop3A_97 : i32 to index
      %parallel_loop3A_110 = arith.index_cast %parallel_loop3A_101 : i32 to index
      %parallel_loop3A_111 = tpu.vector_load %arg6[%parallel_loop3A_109, %parallel_loop3A_110] {strides = array<i32>} : memref<64x128xf32, #tpu.memory_space<vmem>>, vector<16xf32>,
      %parallel_loop3A_112 = arith.constant 16 : i32
      %parallel_loop3A_113 = arith.muli %parallel_loop3A_95, %parallel_loop3A_112 : i32
      %parallel_loop3A_114 = arith.index_cast %parallel_loop3A_113 : i32 to index
      %parallel_loop3A_115 = tpu.vector_load %arg9[%parallel_loop3A_114] {strides = array<i32>} : memref<8192xf32, #tpu.memory_space<vmem>>, vector<16xf32>,
      tpu.vector_store %arg9[%parallel_loop3A_114], %parallel_loop3A_111 {strides = array<i32>} : memref<8192xf32, #tpu.memory_space<vmem>>, vector<16xf32>,
      %parallel_loop3A_116 = arith.index_cast %parallel_loop3A_97 : i32 to index
      %parallel_loop3A_117 = arith.index_cast %parallel_loop3A_101 : i32 to index
      %parallel_loop3A_118 = tpu.vector_load %arg7[%parallel_loop3A_116, %parallel_loop3A_117] {strides = array<i32>} : memref<64x128xf32, #tpu.memory_space<vmem>>, vector<16xf32>,
      %parallel_loop3A_119 = arith.constant 16 : i32
      %parallel_loop3A_120 = arith.muli %parallel_loop3A_95, %parallel_loop3A_119 : i32
      %parallel_loop3A_121 = arith.index_cast %parallel_loop3A_120 : i32 to index
      %parallel_loop3A_122 = tpu.vector_load %arg10[%parallel_loop3A_121] {strides = array<i32>} : memref<8192xf32, #tpu.memory_space<vmem>>, vector<16xf32>,
      tpu.vector_store %arg10[%parallel_loop3A_121], %parallel_loop3A_118 {strides = array<i32>} : memref<8192xf32, #tpu.memory_space<vmem>>, vector<16xf32>,
    } {sc.loop_unroll_factor = 4 : i64, sc.parallel_access}
    %scan3A = arith.constant 0 : i32
    %scan3A_87 = arith.constant 0 : i32
    %scan3A_88 = arith.constant 8 : i32
    %scan3A_89 = arith.addi %scan3A_87, %scan3A_88 : i32
    %scan3A_90 = arith.constant 1 : i32
    scf.for %scan3A_95 = %scan3A_87 to %scan3A_89 step %scan3A_90  : i32 {
      %mul3A_96 = arith.constant 2 : i32
      %mul3A_97 = arith.muli %mul3A_96, %scan3A_95 : i32
      %add3A_98 = arith.constant 0 : i32
      %add3A_99 = arith.addi %mul3A_97, %add3A_98 : i32
      %mul3A_100 = arith.constant 16384 : i32
      %mul3A_101 = arith.muli %add3A_99, %mul3A_100 : i32
      %add3A_102 = arith.addi %add3A_35, %mul3A_101 : i32
      %jit3A_103 = arith.constant 4 : i32
      %eq3A_104 = arith.constant 0 : i32
      %eq3A_105 = arith.cmpi eq, %jit3A_103, %eq3A_104 : i32
      %jit3A_106 = arith.constant 1 : i32
      %select_n3A_107 = arith.select %eq3A_105, %jit3A_106, %jit3A_103 : i32
      %rem3A_108 = arith.remsi %add3A_99, %select_n3A_107 : i32
      %ne3A_109 = arith.constant 0 : i32
      %ne3A_110 = arith.cmpi ne, %rem3A_108, %ne3A_109 : i32
      %lt3A_111 = arith.constant 0 : i32
      %lt3A_112 = arith.cmpi slt, %rem3A_108, %lt3A_111 : i32
      %lt3A_113 = arith.constant 0 : i32
      %lt3A_114 = arith.cmpi slt, %select_n3A_107, %lt3A_113 : i32
      %ne3A_115 = arith.xori %lt3A_112, %lt3A_114 : i1
      %and3A_116 = arith.andi %ne3A_115, %ne3A_110 : i1
      %add3A_117 = arith.addi %rem3A_108, %select_n3A_107 : i32
      %select_n3A_118 = arith.select %and3A_116, %add3A_117, %rem3A_108 : i32
      %mul3A_119 = arith.constant 2048 : i32
      %mul3A_120 = arith.muli %select_n3A_118, %mul3A_119 : i32
      %dma_wait3A_121 = tpu.memref_slice %arg3[%add3A_102] : memref<8388608xi32, #tpu.memory_space<hbm>> -> memref<16384xi32, #tpu.memory_space<hbm>>
      %dma_wait3A_122 = tpu.memref_slice %arg3[%add3A_102] : memref<8388608xi32, #tpu.memory_space<hbm>> -> memref<16384xi32, #tpu.memory_space<hbm>>
      tpu.wait_dma2 semaphore(%arg15 : memref<!tpu.dma_semaphore, #tpu.memory_space<semaphore_mem>>) src(%dma_wait3A_122 : memref<16384xi32, #tpu.memory_space<hbm>>) dst(%arg11 : memref<16384xi32, #tpu.memory_space<vmem>>)
      %ge3A = arith.constant 2 : i32
      %ge3A_123 = arith.cmpi sge, %add3A_99, %ge3A : i32
      %convert_element_type3A = arith.extui %ge3A_123 : i1 to i32
      %cond3A = arith.constant 0 : i32
      %cond3A_124 = arith.cmpi ne, %convert_element_type3A, %cond3A : i32
      scf.if %cond3A_124 {
        %dma_wait3A_181 = tpu.memref_slice %arg4[%add3A_102] : memref<8388608xf32, #tpu.memory_space<hbm>> -> memref<16384xf32, #tpu.memory_space<hbm>>
        %dma_wait3A_182 = tpu.memref_slice %arg4[%add3A_102] : memref<8388608xf32, #tpu.memory_space<hbm>> -> memref<16384xf32, #tpu.memory_space<hbm>>
        tpu.wait_dma2 semaphore(%arg17 : memref<!tpu.dma_semaphore, #tpu.memory_space<semaphore_mem>>) src(%arg13 : memref<16384xf32, #tpu.memory_space<vmem>>) dst(%dma_wait3A_182 : memref<16384xf32, #tpu.memory_space<hbm>>)
      } else {
      }
      %parallel_loop3A_125 = arith.constant 0 : i32
      %parallel_loop3A_126 = arith.constant 128 : i32
      %parallel_loop3A_127 = arith.constant 1 : i32
      scf.for %parallel_loop3A_181 = %parallel_loop3A_125 to %parallel_loop3A_126 step %parallel_loop3A_127  : i32 {
        %parallel_loop3A_182 = arith.constant 3 : i32
        %parallel_loop3A_183 = arith.shrsi %parallel_loop3A_181, %parallel_loop3A_182 : i32
        %parallel_loop3A_184 = arith.constant 7 : i32
        %parallel_loop3A_185 = arith.andi %parallel_loop3A_181, %parallel_loop3A_184 : i32
        %parallel_loop3A_186 = arith.constant 128 : i32
        %parallel_loop3A_187 = arith.muli %parallel_loop3A_183, %parallel_loop3A_186 : i32
        %parallel_loop3A_188 = arith.addi %mul3A_120, %parallel_loop3A_187 : i32
        %parallel_loop3A_189 = arith.constant 16 : i32
        %parallel_loop3A_190 = arith.muli %parallel_loop3A_185, %parallel_loop3A_189 : i32
        %parallel_loop3A_191 = arith.addi %parallel_loop3A_188, %parallel_loop3A_190 : i32
        %parallel_loop3A_192 = arith.index_cast %parallel_loop3A_191 : i32 to index
        %parallel_loop3A_193 = tpu.vector_load %arg8[%parallel_loop3A_192] {strides = array<i32>} : memref<8192xf32, #tpu.memory_space<vmem>>, vector<16xf32>,
        %parallel_loop3A_194 = arith.index_cast %parallel_loop3A_191 : i32 to index
        %parallel_loop3A_195 = tpu.vector_load %arg9[%parallel_loop3A_194] {strides = array<i32>} : memref<8192xf32, #tpu.memory_space<vmem>>, vector<16xf32>,
        %parallel_loop3A_196 = arith.index_cast %parallel_loop3A_191 : i32 to index
        %parallel_loop3A_197 = tpu.vector_load %arg10[%parallel_loop3A_196] {strides = array<i32>} : memref<8192xf32, #tpu.memory_space<vmem>>, vector<16xf32>,
        %parallel_loop3A_198 = arith.constant 1024 : i32
        %parallel_loop3A_199 = arith.muli %parallel_loop3A_183, %parallel_loop3A_198 : i32
        %parallel_loop3A_200 = arith.constant 0 : i32
        %parallel_loop3A_201 = arith.addi %parallel_loop3A_199, %parallel_loop3A_200 : i32
        %parallel_loop3A_202 = arith.constant 16 : i32
        %parallel_loop3A_203 = arith.muli %parallel_loop3A_185, %parallel_loop3A_202 : i32
        %parallel_loop3A_204 = arith.addi %parallel_loop3A_201, %parallel_loop3A_203 : i32
        %parallel_loop3A_205 = arith.index_cast %parallel_loop3A_204 : i32 to index
        %parallel_loop3A_206 = tpu.vector_load %arg11[%parallel_loop3A_205] {strides = array<i32>} : memref<16384xi32, #tpu.memory_space<vmem>>, vector<16xi32>,
        %parallel_loop3A_207 = tpu.vector_load_idx %arg8[%parallel_loop3A_206] : memref<8192xf32, #tpu.memory_space<vmem>>[vector<16xi32>], vector<16xf32>,
        %parallel_loop3A_208 = arith.subf %parallel_loop3A_207, %parallel_loop3A_193 : vector<16xf32>
        %parallel_loop3A_209 = tpu.vector_load_idx %arg9[%parallel_loop3A_206] : memref<8192xf32, #tpu.memory_space<vmem>>[vector<16xi32>], vector<16xf32>,
        %parallel_loop3A_210 = arith.subf %parallel_loop3A_209, %parallel_loop3A_195 : vector<16xf32>
        %parallel_loop3A_211 = tpu.vector_load_idx %arg10[%parallel_loop3A_206] : memref<8192xf32, #tpu.memory_space<vmem>>[vector<16xi32>], vector<16xf32>,
        %parallel_loop3A_212 = arith.subf %parallel_loop3A_211, %parallel_loop3A_197 : vector<16xf32>
        %parallel_loop3A_213 = arith.mulf %parallel_loop3A_208, %parallel_loop3A_208 : vector<16xf32>
        %parallel_loop3A_214 = arith.mulf %parallel_loop3A_210, %parallel_loop3A_210 : vector<16xf32>
        %parallel_loop3A_215 = arith.addf %parallel_loop3A_213, %parallel_loop3A_214 : vector<16xf32>
        %parallel_loop3A_216 = arith.mulf %parallel_loop3A_212, %parallel_loop3A_212 : vector<16xf32>
        %parallel_loop3A_217 = arith.addf %parallel_loop3A_215, %parallel_loop3A_216 : vector<16xf32>
        %parallel_loop3A_218 = vector.bitcast %parallel_loop3A_217 : vector<16xf32> to vector<16xi32>
        %parallel_loop3A_219 = arith.constant 1 : i32
        %parallel_loop3A_220 = vector.broadcast %parallel_loop3A_219 : i32 to vector<16xi32>
        %parallel_loop3A_221 = arith.shrsi %parallel_loop3A_218, %parallel_loop3A_220 : vector<16xi32>
        %parallel_loop3A_222 = arith.constant 1597463007 : i32
        %parallel_loop3A_223 = vector.broadcast %parallel_loop3A_222 : i32 to vector<16xi32>
        %parallel_loop3A_224 = arith.subi %parallel_loop3A_223, %parallel_loop3A_221 : vector<16xi32>
        %parallel_loop3A_225 = vector.bitcast %parallel_loop3A_224 : vector<16xi32> to vector<16xf32>
        %parallel_loop3A_226 = arith.constant 5.000000e-01 : f32
        %parallel_loop3A_227 = vector.broadcast %parallel_loop3A_226 : f32 to vector<16xf32>
        %parallel_loop3A_228 = arith.mulf %parallel_loop3A_227, %parallel_loop3A_217 : vector<16xf32>
        %parallel_loop3A_229 = arith.mulf %parallel_loop3A_228, %parallel_loop3A_225 : vector<16xf32>
        %parallel_loop3A_230 = arith.mulf %parallel_loop3A_229, %parallel_loop3A_225 : vector<16xf32>
        %parallel_loop3A_231 = arith.constant 1.500000e+00 : f32
        %parallel_loop3A_232 = vector.broadcast %parallel_loop3A_231 : f32 to vector<16xf32>
        %parallel_loop3A_233 = arith.subf %parallel_loop3A_232, %parallel_loop3A_230 : vector<16xf32>
        %parallel_loop3A_234 = arith.mulf %parallel_loop3A_225, %parallel_loop3A_233 : vector<16xf32>
        %parallel_loop3A_235 = arith.mulf %parallel_loop3A_217, %parallel_loop3A_234 : vector<16xf32>
        %parallel_loop3A_236 = arith.index_cast %parallel_loop3A_204 : i32 to index
        %parallel_loop3A_237 = tpu.vector_load %arg13[%parallel_loop3A_236] {strides = array<i32>} : memref<16384xf32, #tpu.memory_space<vmem>>, vector<16xf32>,
        tpu.vector_store %arg13[%parallel_loop3A_236], %parallel_loop3A_235 {strides = array<i32>} : memref<16384xf32, #tpu.memory_space<vmem>>, vector<16xf32>,
        %parallel_loop3A_238 = arith.constant 1024 : i32
        %parallel_loop3A_239 = arith.muli %parallel_loop3A_183, %parallel_loop3A_238 : i32
        %parallel_loop3A_240 = arith.constant 128 : i32
        %parallel_loop3A_241 = arith.addi %parallel_loop3A_239, %parallel_loop3A_240 : i32
        %parallel_loop3A_242 = arith.constant 16 : i32
        %parallel_loop3A_243 = arith.muli %parallel_loop3A_185, %parallel_loop3A_242 : i32
        %parallel_loop3A_244 = arith.addi %parallel_loop3A_241, %parallel_loop3A_243 : i32
        %parallel_loop3A_245 = arith.index_cast %parallel_loop3A_244 : i32 to index
        %parallel_loop3A_246 = tpu.vector_load %arg11[%parallel_loop3A_245] {strides = array<i32>} : memref<16384xi32, #tpu.memory_space<vmem>>, vector<16xi32>,
        %parallel_loop3A_247 = tpu.vector_load_idx %arg8[%parallel_loop3A_246] : memref<8192xf32, #tpu.memory_space<vmem>>[vector<16xi32>], vector<16xf32>,
        %parallel_loop3A_248 = arith.subf %parallel_loop3A_247, %parallel_loop3A_193 : vector<16xf32>
        %parallel_loop3A_249 = tpu.vector_load_idx %arg9[%parallel_loop3A_246] : memref<8192xf32, #tpu.memory_space<vmem>>[vector<16xi32>], vector<16xf32>,
        %parallel_loop3A_250 = arith.subf %parallel_loop3A_249, %parallel_loop3A_195 : vector<16xf32>
        %parallel_loop3A_251 = tpu.vector_load_idx %arg10[%parallel_loop3A_246] : memref<8192xf32, #tpu.memory_space<vmem>>[vector<16xi32>], vector<16xf32>,
        %parallel_loop3A_252 = arith.subf %parallel_loop3A_251, %parallel_loop3A_197 : vector<16xf32>
        %parallel_loop3A_253 = arith.mulf %parallel_loop3A_248, %parallel_loop3A_248 : vector<16xf32>
        %parallel_loop3A_254 = arith.mulf %parallel_loop3A_250, %parallel_loop3A_250 : vector<16xf32>
        %parallel_loop3A_255 = arith.addf %parallel_loop3A_253, %parallel_loop3A_254 : vector<16xf32>
        %parallel_loop3A_256 = arith.mulf %parallel_loop3A_252, %parallel_loop3A_252 : vector<16xf32>
        %parallel_loop3A_257 = arith.addf %parallel_loop3A_255, %parallel_loop3A_256 : vector<16xf32>
        %parallel_loop3A_258 = vector.bitcast %parallel_loop3A_257 : vector<16xf32> to vector<16xi32>
        %parallel_loop3A_259 = arith.constant 1 : i32
        %parallel_loop3A_260 = vector.broadcast %parallel_loop3A_259 : i32 to vector<16xi32>
        %parallel_loop3A_261 = arith.shrsi %parallel_loop3A_258, %parallel_loop3A_260 : vector<16xi32>
        %parallel_loop3A_262 = arith.constant 1597463007 : i32
        %parallel_loop3A_263 = vector.broadcast %parallel_loop3A_262 : i32 to vector<16xi32>
        %parallel_loop3A_264 = arith.subi %parallel_loop3A_263, %parallel_loop3A_261 : vector<16xi32>
        %parallel_loop3A_265 = vector.bitcast %parallel_loop3A_264 : vector<16xi32> to vector<16xf32>
        %parallel_loop3A_266 = arith.constant 5.000000e-01 : f32
        %parallel_loop3A_267 = vector.broadcast %parallel_loop3A_266 : f32 to vector<16xf32>
        %parallel_loop3A_268 = arith.mulf %parallel_loop3A_267, %parallel_loop3A_257 : vector<16xf32>
        %parallel_loop3A_269 = arith.mulf %parallel_loop3A_268, %parallel_loop3A_265 : vector<16xf32>
        %parallel_loop3A_270 = arith.mulf %parallel_loop3A_269, %parallel_loop3A_265 : vector<16xf32>
        %parallel_loop3A_271 = arith.constant 1.500000e+00 : f32
        %parallel_loop3A_272 = vector.broadcast %parallel_loop3A_271 : f32 to vector<16xf32>
        %parallel_loop3A_273 = arith.subf %parallel_loop3A_272, %parallel_loop3A_270 : vector<16xf32>
        %parallel_loop3A_274 = arith.mulf %parallel_loop3A_265, %parallel_loop3A_273 : vector<16xf32>
        %parallel_loop3A_275 = arith.mulf %parallel_loop3A_257, %parallel_loop3A_274 : vector<16xf32>
        %parallel_loop3A_276 = arith.index_cast %parallel_loop3A_244 : i32 to index
        %parallel_loop3A_277 = tpu.vector_load %arg13[%parallel_loop3A_276] {strides = array<i32>} : memref<16384xf32, #tpu.memory_space<vmem>>, vector<16xf32>,
        tpu.vector_store %arg13[%parallel_loop3A_276], %parallel_loop3A_275 {strides = array<i32>} : memref<16384xf32, #tpu.memory_space<vmem>>, vector<16xf32>,
        %parallel_loop3A_278 = arith.constant 1024 : i32
        %parallel_loop3A_279 = arith.muli %parallel_loop3A_183, %parallel_loop3A_278 : i32
        %parallel_loop3A_280 = arith.constant 256 : i32
        %parallel_loop3A_281 = arith.addi %parallel_loop3A_279, %parallel_loop3A_280 : i32
        %parallel_loop3A_282 = arith.constant 16 : i32
        %parallel_loop3A_283 = arith.muli %parallel_loop3A_185, %parallel_loop3A_282 : i32
        %parallel_loop3A_284 = arith.addi %parallel_loop3A_281, %parallel_loop3A_283 : i32
        %parallel_loop3A_285 = arith.index_cast %parallel_loop3A_284 : i32 to index
        %parallel_loop3A_286 = tpu.vector_load %arg11[%parallel_loop3A_285] {strides = array<i32>} : memref<16384xi32, #tpu.memory_space<vmem>>, vector<16xi32>,
        %parallel_loop3A_287 = tpu.vector_load_idx %arg8[%parallel_loop3A_286] : memref<8192xf32, #tpu.memory_space<vmem>>[vector<16xi32>], vector<16xf32>,
        %parallel_loop3A_288 = arith.subf %parallel_loop3A_287, %parallel_loop3A_193 : vector<16xf32>
        %parallel_loop3A_289 = tpu.vector_load_idx %arg9[%parallel_loop3A_286] : memref<8192xf32, #tpu.memory_space<vmem>>[vector<16xi32>], vector<16xf32>,
        %parallel_loop3A_290 = arith.subf %parallel_loop3A_289, %parallel_loop3A_195 : vector<16xf32>
        %parallel_loop3A_291 = tpu.vector_load_idx %arg10[%parallel_loop3A_286] : memref<8192xf32, #tpu.memory_space<vmem>>[vector<16xi32>], vector<16xf32>,
        %parallel_loop3A_292 = arith.subf %parallel_loop3A_291, %parallel_loop3A_197 : vector<16xf32>
        %parallel_loop3A_293 = arith.mulf %parallel_loop3A_288, %parallel_loop3A_288 : vector<16xf32>
        %parallel_loop3A_294 = arith.mulf %parallel_loop3A_290, %parallel_loop3A_290 : vector<16xf32>
        %parallel_loop3A_295 = arith.addf %parallel_loop3A_293, %parallel_loop3A_294 : vector<16xf32>
        %parallel_loop3A_296 = arith.mulf %parallel_loop3A_292, %parallel_loop3A_292 : vector<16xf32>
        %parallel_loop3A_297 = arith.addf %parallel_loop3A_295, %parallel_loop3A_296 : vector<16xf32>
        %parallel_loop3A_298 = vector.bitcast %parallel_loop3A_297 : vector<16xf32> to vector<16xi32>
        %parallel_loop3A_299 = arith.constant 1 : i32
        %parallel_loop3A_300 = vector.broadcast %parallel_loop3A_299 : i32 to vector<16xi32>
        %parallel_loop3A_301 = arith.shrsi %parallel_loop3A_298, %parallel_loop3A_300 : vector<16xi32>
        %parallel_loop3A_302 = arith.constant 1597463007 : i32
        %parallel_loop3A_303 = vector.broadcast %parallel_loop3A_302 : i32 to vector<16xi32>
        %parallel_loop3A_304 = arith.subi %parallel_loop3A_303, %parallel_loop3A_301 : vector<16xi32>
        %parallel_loop3A_305 = vector.bitcast %parallel_loop3A_304 : vector<16xi32> to vector<16xf32>
        %parallel_loop3A_306 = arith.constant 5.000000e-01 : f32
        %parallel_loop3A_307 = vector.broadcast %parallel_loop3A_306 : f32 to vector<16xf32>
        %parallel_loop3A_308 = arith.mulf %parallel_loop3A_307, %parallel_loop3A_297 : vector<16xf32>
        %parallel_loop3A_309 = arith.mulf %parallel_loop3A_308, %parallel_loop3A_305 : vector<16xf32>
        %parallel_loop3A_310 = arith.mulf %parallel_loop3A_309, %parallel_loop3A_305 : vector<16xf32>
        %parallel_loop3A_311 = arith.constant 1.500000e+00 : f32
        %parallel_loop3A_312 = vector.broadcast %parallel_loop3A_311 : f32 to vector<16xf32>
        %parallel_loop3A_313 = arith.subf %parallel_loop3A_312, %parallel_loop3A_310 : vector<16xf32>
        %parallel_loop3A_314 = arith.mulf %parallel_loop3A_305, %parallel_loop3A_313 : vector<16xf32>
        %parallel_loop3A_315 = arith.mulf %parallel_loop3A_297, %parallel_loop3A_314 : vector<16xf32>
        %parallel_loop3A_316 = arith.index_cast %parallel_loop3A_284 : i32 to index
        %parallel_loop3A_317 = tpu.vector_load %arg13[%parallel_loop3A_316] {strides = array<i32>} : memref<16384xf32, #tpu.memory_space<vmem>>, vector<16xf32>,
        tpu.vector_store %arg13[%parallel_loop3A_316], %parallel_loop3A_315 {strides = array<i32>} : memref<16384xf32, #tpu.memory_space<vmem>>, vector<16xf32>,
        %parallel_loop3A_318 = arith.constant 1024 : i32
        %parallel_loop3A_319 = arith.muli %parallel_loop3A_183, %parallel_loop3A_318 : i32
        %parallel_loop3A_320 = arith.constant 384 : i32
        %parallel_loop3A_321 = arith.addi %parallel_loop3A_319, %parallel_loop3A_320 : i32
        %parallel_loop3A_322 = arith.constant 16 : i32
        %parallel_loop3A_323 = arith.muli %parallel_loop3A_185, %parallel_loop3A_322 : i32
        %parallel_loop3A_324 = arith.addi %parallel_loop3A_321, %parallel_loop3A_323 : i32
        %parallel_loop3A_325 = arith.index_cast %parallel_loop3A_324 : i32 to index
        %parallel_loop3A_326 = tpu.vector_load %arg11[%parallel_loop3A_325] {strides = array<i32>} : memref<16384xi32, #tpu.memory_space<vmem>>, vector<16xi32>,
        %parallel_loop3A_327 = tpu.vector_load_idx %arg8[%parallel_loop3A_326] : memref<8192xf32, #tpu.memory_space<vmem>>[vector<16xi32>], vector<16xf32>,
        %parallel_loop3A_328 = arith.subf %parallel_loop3A_327, %parallel_loop3A_193 : vector<16xf32>
        %parallel_loop3A_329 = tpu.vector_load_idx %arg9[%parallel_loop3A_326] : memref<8192xf32, #tpu.memory_space<vmem>>[vector<16xi32>], vector<16xf32>,
        %parallel_loop3A_330 = arith.subf %parallel_loop3A_329, %parallel_loop3A_195 : vector<16xf32>
        %parallel_loop3A_331 = tpu.vector_load_idx %arg10[%parallel_loop3A_326] : memref<8192xf32, #tpu.memory_space<vmem>>[vector<16xi32>], vector<16xf32>,
        %parallel_loop3A_332 = arith.subf %parallel_loop3A_331, %parallel_loop3A_197 : vector<16xf32>
        %parallel_loop3A_333 = arith.mulf %parallel_loop3A_328, %parallel_loop3A_328 : vector<16xf32>
        %parallel_loop3A_334 = arith.mulf %parallel_loop3A_330, %parallel_loop3A_330 : vector<16xf32>
        %parallel_loop3A_335 = arith.addf %parallel_loop3A_333, %parallel_loop3A_334 : vector<16xf32>
        %parallel_loop3A_336 = arith.mulf %parallel_loop3A_332, %parallel_loop3A_332 : vector<16xf32>
        %parallel_loop3A_337 = arith.addf %parallel_loop3A_335, %parallel_loop3A_336 : vector<16xf32>
        %parallel_loop3A_338 = vector.bitcast %parallel_loop3A_337 : vector<16xf32> to vector<16xi32>
        %parallel_loop3A_339 = arith.constant 1 : i32
        %parallel_loop3A_340 = vector.broadcast %parallel_loop3A_339 : i32 to vector<16xi32>
        %parallel_loop3A_341 = arith.shrsi %parallel_loop3A_338, %parallel_loop3A_340 : vector<16xi32>
        %parallel_loop3A_342 = arith.constant 1597463007 : i32
        %parallel_loop3A_343 = vector.broadcast %parallel_loop3A_342 : i32 to vector<16xi32>
        %parallel_loop3A_344 = arith.subi %parallel_loop3A_343, %parallel_loop3A_341 : vector<16xi32>
        %parallel_loop3A_345 = vector.bitcast %parallel_loop3A_344 : vector<16xi32> to vector<16xf32>
        %parallel_loop3A_346 = arith.constant 5.000000e-01 : f32
        %parallel_loop3A_347 = vector.broadcast %parallel_loop3A_346 : f32 to vector<16xf32>
        %parallel_loop3A_348 = arith.mulf %parallel_loop3A_347, %parallel_loop3A_337 : vector<16xf32>
        %parallel_loop3A_349 = arith.mulf %parallel_loop3A_348, %parallel_loop3A_345 : vector<16xf32>
        %parallel_loop3A_350 = arith.mulf %parallel_loop3A_349, %parallel_loop3A_345 : vector<16xf32>
        %parallel_loop3A_351 = arith.constant 1.500000e+00 : f32
        %parallel_loop3A_352 = vector.broadcast %parallel_loop3A_351 : f32 to vector<16xf32>
        %parallel_loop3A_353 = arith.subf %parallel_loop3A_352, %parallel_loop3A_350 : vector<16xf32>
        %parallel_loop3A_354 = arith.mulf %parallel_loop3A_345, %parallel_loop3A_353 : vector<16xf32>
        %parallel_loop3A_355 = arith.mulf %parallel_loop3A_337, %parallel_loop3A_354 : vector<16xf32>
        %parallel_loop3A_356 = arith.index_cast %parallel_loop3A_324 : i32 to index
        %parallel_loop3A_357 = tpu.vector_load %arg13[%parallel_loop3A_356] {strides = array<i32>} : memref<16384xf32, #tpu.memory_space<vmem>>, vector<16xf32>,
        tpu.vector_store %arg13[%parallel_loop3A_356], %parallel_loop3A_355 {strides = array<i32>} : memref<16384xf32, #tpu.memory_space<vmem>>, vector<16xf32>,
        %parallel_loop3A_358 = arith.constant 1024 : i32
        %parallel_loop3A_359 = arith.muli %parallel_loop3A_183, %parallel_loop3A_358 : i32
        %parallel_loop3A_360 = arith.constant 512 : i32
        %parallel_loop3A_361 = arith.addi %parallel_loop3A_359, %parallel_loop3A_360 : i32
        %parallel_loop3A_362 = arith.constant 16 : i32
        %parallel_loop3A_363 = arith.muli %parallel_loop3A_185, %parallel_loop3A_362 : i32
        %parallel_loop3A_364 = arith.addi %parallel_loop3A_361, %parallel_loop3A_363 : i32
        %parallel_loop3A_365 = arith.index_cast %parallel_loop3A_364 : i32 to index
        %parallel_loop3A_366 = tpu.vector_load %arg11[%parallel_loop3A_365] {strides = array<i32>} : memref<16384xi32, #tpu.memory_space<vmem>>, vector<16xi32>,
        %parallel_loop3A_367 = tpu.vector_load_idx %arg8[%parallel_loop3A_366] : memref<8192xf32, #tpu.memory_space<vmem>>[vector<16xi32>], vector<16xf32>,
        %parallel_loop3A_368 = arith.subf %parallel_loop3A_367, %parallel_loop3A_193 : vector<16xf32>
        %parallel_loop3A_369 = tpu.vector_load_idx %arg9[%parallel_loop3A_366] : memref<8192xf32, #tpu.memory_space<vmem>>[vector<16xi32>], vector<16xf32>,
        %parallel_loop3A_370 = arith.subf %parallel_loop3A_369, %parallel_loop3A_195 : vector<16xf32>
        %parallel_loop3A_371 = tpu.vector_load_idx %arg10[%parallel_loop3A_366] : memref<8192xf32, #tpu.memory_space<vmem>>[vector<16xi32>], vector<16xf32>,
        %parallel_loop3A_372 = arith.subf %parallel_loop3A_371, %parallel_loop3A_197 : vector<16xf32>
        %parallel_loop3A_373 = arith.mulf %parallel_loop3A_368, %parallel_loop3A_368 : vector<16xf32>
        %parallel_loop3A_374 = arith.mulf %parallel_loop3A_370, %parallel_loop3A_370 : vector<16xf32>
        %parallel_loop3A_375 = arith.addf %parallel_loop3A_373, %parallel_loop3A_374 : vector<16xf32>
        %parallel_loop3A_376 = arith.mulf %parallel_loop3A_372, %parallel_loop3A_372 : vector<16xf32>
        %parallel_loop3A_377 = arith.addf %parallel_loop3A_375, %parallel_loop3A_376 : vector<16xf32>
        %parallel_loop3A_378 = vector.bitcast %parallel_loop3A_377 : vector<16xf32> to vector<16xi32>
        %parallel_loop3A_379 = arith.constant 1 : i32
        %parallel_loop3A_380 = vector.broadcast %parallel_loop3A_379 : i32 to vector<16xi32>
        %parallel_loop3A_381 = arith.shrsi %parallel_loop3A_378, %parallel_loop3A_380 : vector<16xi32>
        %parallel_loop3A_382 = arith.constant 1597463007 : i32
        %parallel_loop3A_383 = vector.broadcast %parallel_loop3A_382 : i32 to vector<16xi32>
        %parallel_loop3A_384 = arith.subi %parallel_loop3A_383, %parallel_loop3A_381 : vector<16xi32>
        %parallel_loop3A_385 = vector.bitcast %parallel_loop3A_384 : vector<16xi32> to vector<16xf32>
        %parallel_loop3A_386 = arith.constant 5.000000e-01 : f32
        %parallel_loop3A_387 = vector.broadcast %parallel_loop3A_386 : f32 to vector<16xf32>
        %parallel_loop3A_388 = arith.mulf %parallel_loop3A_387, %parallel_loop3A_377 : vector<16xf32>
        %parallel_loop3A_389 = arith.mulf %parallel_loop3A_388, %parallel_loop3A_385 : vector<16xf32>
        %parallel_loop3A_390 = arith.mulf %parallel_loop3A_389, %parallel_loop3A_385 : vector<16xf32>
        %parallel_loop3A_391 = arith.constant 1.500000e+00 : f32
        %parallel_loop3A_392 = vector.broadcast %parallel_loop3A_391 : f32 to vector<16xf32>
        %parallel_loop3A_393 = arith.subf %parallel_loop3A_392, %parallel_loop3A_390 : vector<16xf32>
        %parallel_loop3A_394 = arith.mulf %parallel_loop3A_385, %parallel_loop3A_393 : vector<16xf32>
        %parallel_loop3A_395 = arith.mulf %parallel_loop3A_377, %parallel_loop3A_394 : vector<16xf32>
        %parallel_loop3A_396 = arith.index_cast %parallel_loop3A_364 : i32 to index
        %parallel_loop3A_397 = tpu.vector_load %arg13[%parallel_loop3A_396] {strides = array<i32>} : memref<16384xf32, #tpu.memory_space<vmem>>, vector<16xf32>,
        tpu.vector_store %arg13[%parallel_loop3A_396], %parallel_loop3A_395 {strides = array<i32>} : memref<16384xf32, #tpu.memory_space<vmem>>, vector<16xf32>,
        %parallel_loop3A_398 = arith.constant 1024 : i32
        %parallel_loop3A_399 = arith.muli %parallel_loop3A_183, %parallel_loop3A_398 : i32
        %parallel_loop3A_400 = arith.constant 640 : i32
        %parallel_loop3A_401 = arith.addi %parallel_loop3A_399, %parallel_loop3A_400 : i32
        %parallel_loop3A_402 = arith.constant 16 : i32
        %parallel_loop3A_403 = arith.muli %parallel_loop3A_185, %parallel_loop3A_402 : i32
        %parallel_loop3A_404 = arith.addi %parallel_loop3A_401, %parallel_loop3A_403 : i32
        %parallel_loop3A_405 = arith.index_cast %parallel_loop3A_404 : i32 to index
        %parallel_loop3A_406 = tpu.vector_load %arg11[%parallel_loop3A_405] {strides = array<i32>} : memref<16384xi32, #tpu.memory_space<vmem>>, vector<16xi32>,
        %parallel_loop3A_407 = tpu.vector_load_idx %arg8[%parallel_loop3A_406] : memref<8192xf32, #tpu.memory_space<vmem>>[vector<16xi32>], vector<16xf32>,
        %parallel_loop3A_408 = arith.subf %parallel_loop3A_407, %parallel_loop3A_193 : vector<16xf32>
        %parallel_loop3A_409 = tpu.vector_load_idx %arg9[%parallel_loop3A_406] : memref<8192xf32, #tpu.memory_space<vmem>>[vector<16xi32>], vector<16xf32>,
        %parallel_loop3A_410 = arith.subf %parallel_loop3A_409, %parallel_loop3A_195 : vector<16xf32>
        %parallel_loop3A_411 = tpu.vector_load_idx %arg10[%parallel_loop3A_406] : memref<8192xf32, #tpu.memory_space<vmem>>[vector<16xi32>], vector<16xf32>,
        %parallel_loop3A_412 = arith.subf %parallel_loop3A_411, %parallel_loop3A_197 : vector<16xf32>
        %parallel_loop3A_413 = arith.mulf %parallel_loop3A_408, %parallel_loop3A_408 : vector<16xf32>
        %parallel_loop3A_414 = arith.mulf %parallel_loop3A_410, %parallel_loop3A_410 : vector<16xf32>
        %parallel_loop3A_415 = arith.addf %parallel_loop3A_413, %parallel_loop3A_414 : vector<16xf32>
        %parallel_loop3A_416 = arith.mulf %parallel_loop3A_412, %parallel_loop3A_412 : vector<16xf32>
        %parallel_loop3A_417 = arith.addf %parallel_loop3A_415, %parallel_loop3A_416 : vector<16xf32>
        %parallel_loop3A_418 = vector.bitcast %parallel_loop3A_417 : vector<16xf32> to vector<16xi32>
        %parallel_loop3A_419 = arith.constant 1 : i32
        %parallel_loop3A_420 = vector.broadcast %parallel_loop3A_419 : i32 to vector<16xi32>
        %parallel_loop3A_421 = arith.shrsi %parallel_loop3A_418, %parallel_loop3A_420 : vector<16xi32>
        %parallel_loop3A_422 = arith.constant 1597463007 : i32
        %parallel_loop3A_423 = vector.broadcast %parallel_loop3A_422 : i32 to vector<16xi32>
        %parallel_loop3A_424 = arith.subi %parallel_loop3A_423, %parallel_loop3A_421 : vector<16xi32>
        %parallel_loop3A_425 = vector.bitcast %parallel_loop3A_424 : vector<16xi32> to vector<16xf32>
        %parallel_loop3A_426 = arith.constant 5.000000e-01 : f32
        %parallel_loop3A_427 = vector.broadcast %parallel_loop3A_426 : f32 to vector<16xf32>
        %parallel_loop3A_428 = arith.mulf %parallel_loop3A_427, %parallel_loop3A_417 : vector<16xf32>
        %parallel_loop3A_429 = arith.mulf %parallel_loop3A_428, %parallel_loop3A_425 : vector<16xf32>
        %parallel_loop3A_430 = arith.mulf %parallel_loop3A_429, %parallel_loop3A_425 : vector<16xf32>
        %parallel_loop3A_431 = arith.constant 1.500000e+00 : f32
        %parallel_loop3A_432 = vector.broadcast %parallel_loop3A_431 : f32 to vector<16xf32>
        %parallel_loop3A_433 = arith.subf %parallel_loop3A_432, %parallel_loop3A_430 : vector<16xf32>
        %parallel_loop3A_434 = arith.mulf %parallel_loop3A_425, %parallel_loop3A_433 : vector<16xf32>
        %parallel_loop3A_435 = arith.mulf %parallel_loop3A_417, %parallel_loop3A_434 : vector<16xf32>
        %parallel_loop3A_436 = arith.index_cast %parallel_loop3A_404 : i32 to index
        %parallel_loop3A_437 = tpu.vector_load %arg13[%parallel_loop3A_436] {strides = array<i32>} : memref<16384xf32, #tpu.memory_space<vmem>>, vector<16xf32>,
        tpu.vector_store %arg13[%parallel_loop3A_436], %parallel_loop3A_435 {strides = array<i32>} : memref<16384xf32, #tpu.memory_space<vmem>>, vector<16xf32>,
        %parallel_loop3A_438 = arith.constant 1024 : i32
        %parallel_loop3A_439 = arith.muli %parallel_loop3A_183, %parallel_loop3A_438 : i32
        %parallel_loop3A_440 = arith.constant 768 : i32
        %parallel_loop3A_441 = arith.addi %parallel_loop3A_439, %parallel_loop3A_440 : i32
        %parallel_loop3A_442 = arith.constant 16 : i32
        %parallel_loop3A_443 = arith.muli %parallel_loop3A_185, %parallel_loop3A_442 : i32
        %parallel_loop3A_444 = arith.addi %parallel_loop3A_441, %parallel_loop3A_443 : i32
        %parallel_loop3A_445 = arith.index_cast %parallel_loop3A_444 : i32 to index
        %parallel_loop3A_446 = tpu.vector_load %arg11[%parallel_loop3A_445] {strides = array<i32>} : memref<16384xi32, #tpu.memory_space<vmem>>, vector<16xi32>,
        %parallel_loop3A_447 = tpu.vector_load_idx %arg8[%parallel_loop3A_446] : memref<8192xf32, #tpu.memory_space<vmem>>[vector<16xi32>], vector<16xf32>,
        %parallel_loop3A_448 = arith.subf %parallel_loop3A_447, %parallel_loop3A_193 : vector<16xf32>
        %parallel_loop3A_449 = tpu.vector_load_idx %arg9[%parallel_loop3A_446] : memref<8192xf32, #tpu.memory_space<vmem>>[vector<16xi32>], vector<16xf32>,
        %parallel_loop3A_450 = arith.subf %parallel_loop3A_449, %parallel_loop3A_195 : vector<16xf32>
        %parallel_loop3A_451 = tpu.vector_load_idx %arg10[%parallel_loop3A_446] : memref<8192xf32, #tpu.memory_space<vmem>>[vector<16xi32>], vector<16xf32>,
        %parallel_loop3A_452 = arith.subf %parallel_loop3A_451, %parallel_loop3A_197 : vector<16xf32>
        %parallel_loop3A_453 = arith.mulf %parallel_loop3A_448, %parallel_loop3A_448 : vector<16xf32>
        %parallel_loop3A_454 = arith.mulf %parallel_loop3A_450, %parallel_loop3A_450 : vector<16xf32>
        %parallel_loop3A_455 = arith.addf %parallel_loop3A_453, %parallel_loop3A_454 : vector<16xf32>
        %parallel_loop3A_456 = arith.mulf %parallel_loop3A_452, %parallel_loop3A_452 : vector<16xf32>
        %parallel_loop3A_457 = arith.addf %parallel_loop3A_455, %parallel_loop3A_456 : vector<16xf32>
        %parallel_loop3A_458 = vector.bitcast %parallel_loop3A_457 : vector<16xf32> to vector<16xi32>
        %parallel_loop3A_459 = arith.constant 1 : i32
        %parallel_loop3A_460 = vector.broadcast %parallel_loop3A_459 : i32 to vector<16xi32>
        %parallel_loop3A_461 = arith.shrsi %parallel_loop3A_458, %parallel_loop3A_460 : vector<16xi32>
        %parallel_loop3A_462 = arith.constant 1597463007 : i32
        %parallel_loop3A_463 = vector.broadcast %parallel_loop3A_462 : i32 to vector<16xi32>
        %parallel_loop3A_464 = arith.subi %parallel_loop3A_463, %parallel_loop3A_461 : vector<16xi32>
        %parallel_loop3A_465 = vector.bitcast %parallel_loop3A_464 : vector<16xi32> to vector<16xf32>
        %parallel_loop3A_466 = arith.constant 5.000000e-01 : f32
        %parallel_loop3A_467 = vector.broadcast %parallel_loop3A_466 : f32 to vector<16xf32>
        %parallel_loop3A_468 = arith.mulf %parallel_loop3A_467, %parallel_loop3A_457 : vector<16xf32>
        %parallel_loop3A_469 = arith.mulf %parallel_loop3A_468, %parallel_loop3A_465 : vector<16xf32>
        %parallel_loop3A_470 = arith.mulf %parallel_loop3A_469, %parallel_loop3A_465 : vector<16xf32>
        %parallel_loop3A_471 = arith.constant 1.500000e+00 : f32
        %parallel_loop3A_472 = vector.broadcast %parallel_loop3A_471 : f32 to vector<16xf32>
        %parallel_loop3A_473 = arith.subf %parallel_loop3A_472, %parallel_loop3A_470 : vector<16xf32>
        %parallel_loop3A_474 = arith.mulf %parallel_loop3A_465, %parallel_loop3A_473 : vector<16xf32>
        %parallel_loop3A_475 = arith.mulf %parallel_loop3A_457, %parallel_loop3A_474 : vector<16xf32>
        %parallel_loop3A_476 = arith.index_cast %parallel_loop3A_444 : i32 to index
        %parallel_loop3A_477 = tpu.vector_load %arg13[%parallel_loop3A_476] {strides = array<i32>} : memref<16384xf32, #tpu.memory_space<vmem>>, vector<16xf32>,
        tpu.vector_store %arg13[%parallel_loop3A_476], %parallel_loop3A_475 {strides = array<i32>} : memref<16384xf32, #tpu.memory_space<vmem>>, vector<16xf32>,
        %parallel_loop3A_478 = arith.constant 1024 : i32
        %parallel_loop3A_479 = arith.muli %parallel_loop3A_183, %parallel_loop3A_478 : i32
        %parallel_loop3A_480 = arith.constant 896 : i32
        %parallel_loop3A_481 = arith.addi %parallel_loop3A_479, %parallel_loop3A_480 : i32
        %parallel_loop3A_482 = arith.constant 16 : i32
        %parallel_loop3A_483 = arith.muli %parallel_loop3A_185, %parallel_loop3A_482 : i32
        %parallel_loop3A_484 = arith.addi %parallel_loop3A_481, %parallel_loop3A_483 : i32
        %parallel_loop3A_485 = arith.index_cast %parallel_loop3A_484 : i32 to index
        %parallel_loop3A_486 = tpu.vector_load %arg11[%parallel_loop3A_485] {strides = array<i32>} : memref<16384xi32, #tpu.memory_space<vmem>>, vector<16xi32>,
        %parallel_loop3A_487 = tpu.vector_load_idx %arg8[%parallel_loop3A_486] : memref<8192xf32, #tpu.memory_space<vmem>>[vector<16xi32>], vector<16xf32>,
        %parallel_loop3A_488 = arith.subf %parallel_loop3A_487, %parallel_loop3A_193 : vector<16xf32>
        %parallel_loop3A_489 = tpu.vector_load_idx %arg9[%parallel_loop3A_486] : memref<8192xf32, #tpu.memory_space<vmem>>[vector<16xi32>], vector<16xf32>,
        %parallel_loop3A_490 = arith.subf %parallel_loop3A_489, %parallel_loop3A_195 : vector<16xf32>
        %parallel_loop3A_491 = tpu.vector_load_idx %arg10[%parallel_loop3A_486] : memref<8192xf32, #tpu.memory_space<vmem>>[vector<16xi32>], vector<16xf32>,
        %parallel_loop3A_492 = arith.subf %parallel_loop3A_491, %parallel_loop3A_197 : vector<16xf32>
        %parallel_loop3A_493 = arith.mulf %parallel_loop3A_488, %parallel_loop3A_488 : vector<16xf32>
        %parallel_loop3A_494 = arith.mulf %parallel_loop3A_490, %parallel_loop3A_490 : vector<16xf32>
        %parallel_loop3A_495 = arith.addf %parallel_loop3A_493, %parallel_loop3A_494 : vector<16xf32>
        %parallel_loop3A_496 = arith.mulf %parallel_loop3A_492, %parallel_loop3A_492 : vector<16xf32>
        %parallel_loop3A_497 = arith.addf %parallel_loop3A_495, %parallel_loop3A_496 : vector<16xf32>
        %parallel_loop3A_498 = vector.bitcast %parallel_loop3A_497 : vector<16xf32> to vector<16xi32>
        %parallel_loop3A_499 = arith.constant 1 : i32
        %parallel_loop3A_500 = vector.broadcast %parallel_loop3A_499 : i32 to vector<16xi32>
        %parallel_loop3A_501 = arith.shrsi %parallel_loop3A_498, %parallel_loop3A_500 : vector<16xi32>
        %parallel_loop3A_502 = arith.constant 1597463007 : i32
        %parallel_loop3A_503 = vector.broadcast %parallel_loop3A_502 : i32 to vector<16xi32>
        %parallel_loop3A_504 = arith.subi %parallel_loop3A_503, %parallel_loop3A_501 : vector<16xi32>
        %parallel_loop3A_505 = vector.bitcast %parallel_loop3A_504 : vector<16xi32> to vector<16xf32>
        %parallel_loop3A_506 = arith.constant 5.000000e-01 : f32
        %parallel_loop3A_507 = vector.broadcast %parallel_loop3A_506 : f32 to vector<16xf32>
        %parallel_loop3A_508 = arith.mulf %parallel_loop3A_507, %parallel_loop3A_497 : vector<16xf32>
        %parallel_loop3A_509 = arith.mulf %parallel_loop3A_508, %parallel_loop3A_505 : vector<16xf32>
        %parallel_loop3A_510 = arith.mulf %parallel_loop3A_509, %parallel_loop3A_505 : vector<16xf32>
        %parallel_loop3A_511 = arith.constant 1.500000e+00 : f32
        %parallel_loop3A_512 = vector.broadcast %parallel_loop3A_511 : f32 to vector<16xf32>
        %parallel_loop3A_513 = arith.subf %parallel_loop3A_512, %parallel_loop3A_510 : vector<16xf32>
        %parallel_loop3A_514 = arith.mulf %parallel_loop3A_505, %parallel_loop3A_513 : vector<16xf32>
        %parallel_loop3A_515 = arith.mulf %parallel_loop3A_497, %parallel_loop3A_514 : vector<16xf32>
        %parallel_loop3A_516 = arith.index_cast %parallel_loop3A_484 : i32 to index
        %parallel_loop3A_517 = tpu.vector_load %arg13[%parallel_loop3A_516] {strides = array<i32>} : memref<16384xf32, #tpu.memory_space<vmem>>, vector<16xf32>,
        tpu.vector_store %arg13[%parallel_loop3A_516], %parallel_loop3A_515 {strides = array<i32>} : memref<16384xf32, #tpu.memory_space<vmem>>, vector<16xf32>,
      } {sc.loop_unroll_factor = 2 : i64, sc.parallel_access}
      %dma_start3A_128 = tpu.memref_slice %arg4[%add3A_102] : memref<8388608xf32, #tpu.memory_space<hbm>> -> memref<16384xf32, #tpu.memory_space<hbm>>
      %dma_start3A_129 = tpu.memref_slice %arg4[%add3A_102] : memref<8388608xf32, #tpu.memory_space<hbm>> -> memref<16384xf32, #tpu.memory_space<hbm>>
      tpu.enqueue_dma source(%arg13 : memref<16384xf32, #tpu.memory_space<vmem>>) target(%dma_start3A_129 : memref<16384xf32, #tpu.memory_space<hbm>>) target_semaphore(%arg17 : memref<!tpu.dma_semaphore, #tpu.memory_space<semaphore_mem>>)
      %add3A_130 = arith.constant 2 : i32
      %add3A_131 = arith.addi %add3A_99, %add3A_130 : i32
      %lt3A_132 = arith.constant 16 : i32
      %lt3A_133 = arith.cmpi slt, %add3A_131, %lt3A_132 : i32
      %convert_element_type3A_134 = arith.extui %lt3A_133 : i1 to i32
      %cond3A_135 = arith.constant 0 : i32
      %cond3A_136 = arith.cmpi ne, %convert_element_type3A_134, %cond3A_135 : i32
      scf.if %cond3A_136 {
        %add3A_181 = arith.constant 32768 : i32
        %add3A_182 = arith.addi %add3A_102, %add3A_181 : i32
        %dma_start3A_183 = tpu.memref_slice %arg3[%add3A_182] : memref<8388608xi32, #tpu.memory_space<hbm>> -> memref<16384xi32, #tpu.memory_space<hbm>>
        %dma_start3A_184 = tpu.memref_slice %arg3[%add3A_182] : memref<8388608xi32, #tpu.memory_space<hbm>> -> memref<16384xi32, #tpu.memory_space<hbm>>
        tpu.enqueue_dma source(%dma_start3A_184 : memref<16384xi32, #tpu.memory_space<hbm>>) target(%arg11 : memref<16384xi32, #tpu.memory_space<vmem>>) target_semaphore(%arg15 : memref<!tpu.dma_semaphore, #tpu.memory_space<semaphore_mem>>)
      } else {
      }
      %mul3A_137 = arith.constant 2 : i32
      %mul3A_138 = arith.muli %mul3A_137, %scan3A_95 : i32
      %add3A_139 = arith.constant 1 : i32
      %add3A_140 = arith.addi %mul3A_138, %add3A_139 : i32
      %mul3A_141 = arith.constant 16384 : i32
      %mul3A_142 = arith.muli %add3A_140, %mul3A_141 : i32
      %add3A_143 = arith.addi %add3A_35, %mul3A_142 : i32
      %jit3A_144 = arith.constant 4 : i32
      %eq3A_145 = arith.constant 0 : i32
      %eq3A_146 = arith.cmpi eq, %jit3A_144, %eq3A_145 : i32
      %jit3A_147 = arith.constant 1 : i32
      %select_n3A_148 = arith.select %eq3A_146, %jit3A_147, %jit3A_144 : i32
      %rem3A_149 = arith.remsi %add3A_140, %select_n3A_148 : i32
      %ne3A_150 = arith.constant 0 : i32
      %ne3A_151 = arith.cmpi ne, %rem3A_149, %ne3A_150 : i32
      %lt3A_152 = arith.constant 0 : i32
      %lt3A_153 = arith.cmpi slt, %rem3A_149, %lt3A_152 : i32
      %lt3A_154 = arith.constant 0 : i32
      %lt3A_155 = arith.cmpi slt, %select_n3A_148, %lt3A_154 : i32
      %ne3A_156 = arith.xori %lt3A_153, %lt3A_155 : i1
      %and3A_157 = arith.andi %ne3A_156, %ne3A_151 : i1
      %add3A_158 = arith.addi %rem3A_149, %select_n3A_148 : i32
      %select_n3A_159 = arith.select %and3A_157, %add3A_158, %rem3A_149 : i32
      %mul3A_160 = arith.constant 2048 : i32
      %mul3A_161 = arith.muli %select_n3A_159, %mul3A_160 : i32
      %dma_wait3A_162 = tpu.memref_slice %arg3[%add3A_143] : memref<8388608xi32, #tpu.memory_space<hbm>> -> memref<16384xi32, #tpu.memory_space<hbm>>
      %dma_wait3A_163 = tpu.memref_slice %arg3[%add3A_143] : memref<8388608xi32, #tpu.memory_space<hbm>> -> memref<16384xi32, #tpu.memory_space<hbm>>
      tpu.wait_dma2 semaphore(%arg16 : memref<!tpu.dma_semaphore, #tpu.memory_space<semaphore_mem>>) src(%dma_wait3A_163 : memref<16384xi32, #tpu.memory_space<hbm>>) dst(%arg12 : memref<16384xi32, #tpu.memory_space<vmem>>)
      %ge3A_164 = arith.constant 2 : i32
      %ge3A_165 = arith.cmpi sge, %add3A_140, %ge3A_164 : i32
      %convert_element_type3A_166 = arith.extui %ge3A_165 : i1 to i32
      %cond3A_167 = arith.constant 0 : i32
      %cond3A_168 = arith.cmpi ne, %convert_element_type3A_166, %cond3A_167 : i32
      scf.if %cond3A_168 {
        %dma_wait3A_181 = tpu.memref_slice %arg4[%add3A_143] : memref<8388608xf32, #tpu.memory_space<hbm>> -> memref<16384xf32, #tpu.memory_space<hbm>>
        %dma_wait3A_182 = tpu.memref_slice %arg4[%add3A_143] : memref<8388608xf32, #tpu.memory_space<hbm>> -> memref<16384xf32, #tpu.memory_space<hbm>>
        tpu.wait_dma2 semaphore(%arg18 : memref<!tpu.dma_semaphore, #tpu.memory_space<semaphore_mem>>) src(%arg14 : memref<16384xf32, #tpu.memory_space<vmem>>) dst(%dma_wait3A_182 : memref<16384xf32, #tpu.memory_space<hbm>>)
      } else {
      }
      %parallel_loop3A_169 = arith.constant 0 : i32
      %parallel_loop3A_170 = arith.constant 128 : i32
      %parallel_loop3A_171 = arith.constant 1 : i32
      scf.for %parallel_loop3A_181 = %parallel_loop3A_169 to %parallel_loop3A_170 step %parallel_loop3A_171  : i32 {
        %parallel_loop3A_182 = arith.constant 3 : i32
        %parallel_loop3A_183 = arith.shrsi %parallel_loop3A_181, %parallel_loop3A_182 : i32
        %parallel_loop3A_184 = arith.constant 7 : i32
        %parallel_loop3A_185 = arith.andi %parallel_loop3A_181, %parallel_loop3A_184 : i32
        %parallel_loop3A_186 = arith.constant 128 : i32
        %parallel_loop3A_187 = arith.muli %parallel_loop3A_183, %parallel_loop3A_186 : i32
        %parallel_loop3A_188 = arith.addi %mul3A_161, %parallel_loop3A_187 : i32
        %parallel_loop3A_189 = arith.constant 16 : i32
        %parallel_loop3A_190 = arith.muli %parallel_loop3A_185, %parallel_loop3A_189 : i32
        %parallel_loop3A_191 = arith.addi %parallel_loop3A_188, %parallel_loop3A_190 : i32
        %parallel_loop3A_192 = arith.index_cast %parallel_loop3A_191 : i32 to index
        %parallel_loop3A_193 = tpu.vector_load %arg8[%parallel_loop3A_192] {strides = array<i32>} : memref<8192xf32, #tpu.memory_space<vmem>>, vector<16xf32>,
        %parallel_loop3A_194 = arith.index_cast %parallel_loop3A_191 : i32 to index
        %parallel_loop3A_195 = tpu.vector_load %arg9[%parallel_loop3A_194] {strides = array<i32>} : memref<8192xf32, #tpu.memory_space<vmem>>, vector<16xf32>,
        %parallel_loop3A_196 = arith.index_cast %parallel_loop3A_191 : i32 to index
        %parallel_loop3A_197 = tpu.vector_load %arg10[%parallel_loop3A_196] {strides = array<i32>} : memref<8192xf32, #tpu.memory_space<vmem>>, vector<16xf32>,
        %parallel_loop3A_198 = arith.constant 1024 : i32
        %parallel_loop3A_199 = arith.muli %parallel_loop3A_183, %parallel_loop3A_198 : i32
        %parallel_loop3A_200 = arith.constant 0 : i32
        %parallel_loop3A_201 = arith.addi %parallel_loop3A_199, %parallel_loop3A_200 : i32
        %parallel_loop3A_202 = arith.constant 16 : i32
        %parallel_loop3A_203 = arith.muli %parallel_loop3A_185, %parallel_loop3A_202 : i32
        %parallel_loop3A_204 = arith.addi %parallel_loop3A_201, %parallel_loop3A_203 : i32
        %parallel_loop3A_205 = arith.index_cast %parallel_loop3A_204 : i32 to index
        %parallel_loop3A_206 = tpu.vector_load %arg12[%parallel_loop3A_205] {strides = array<i32>} : memref<16384xi32, #tpu.memory_space<vmem>>, vector<16xi32>,
        %parallel_loop3A_207 = tpu.vector_load_idx %arg8[%parallel_loop3A_206] : memref<8192xf32, #tpu.memory_space<vmem>>[vector<16xi32>], vector<16xf32>,
        %parallel_loop3A_208 = arith.subf %parallel_loop3A_207, %parallel_loop3A_193 : vector<16xf32>
        %parallel_loop3A_209 = tpu.vector_load_idx %arg9[%parallel_loop3A_206] : memref<8192xf32, #tpu.memory_space<vmem>>[vector<16xi32>], vector<16xf32>,
        %parallel_loop3A_210 = arith.subf %parallel_loop3A_209, %parallel_loop3A_195 : vector<16xf32>
        %parallel_loop3A_211 = tpu.vector_load_idx %arg10[%parallel_loop3A_206] : memref<8192xf32, #tpu.memory_space<vmem>>[vector<16xi32>], vector<16xf32>,
        %parallel_loop3A_212 = arith.subf %parallel_loop3A_211, %parallel_loop3A_197 : vector<16xf32>
        %parallel_loop3A_213 = arith.mulf %parallel_loop3A_208, %parallel_loop3A_208 : vector<16xf32>
        %parallel_loop3A_214 = arith.mulf %parallel_loop3A_210, %parallel_loop3A_210 : vector<16xf32>
        %parallel_loop3A_215 = arith.addf %parallel_loop3A_213, %parallel_loop3A_214 : vector<16xf32>
        %parallel_loop3A_216 = arith.mulf %parallel_loop3A_212, %parallel_loop3A_212 : vector<16xf32>
        %parallel_loop3A_217 = arith.addf %parallel_loop3A_215, %parallel_loop3A_216 : vector<16xf32>
        %parallel_loop3A_218 = vector.bitcast %parallel_loop3A_217 : vector<16xf32> to vector<16xi32>
        %parallel_loop3A_219 = arith.constant 1 : i32
        %parallel_loop3A_220 = vector.broadcast %parallel_loop3A_219 : i32 to vector<16xi32>
        %parallel_loop3A_221 = arith.shrsi %parallel_loop3A_218, %parallel_loop3A_220 : vector<16xi32>
        %parallel_loop3A_222 = arith.constant 1597463007 : i32
        %parallel_loop3A_223 = vector.broadcast %parallel_loop3A_222 : i32 to vector<16xi32>
        %parallel_loop3A_224 = arith.subi %parallel_loop3A_223, %parallel_loop3A_221 : vector<16xi32>
        %parallel_loop3A_225 = vector.bitcast %parallel_loop3A_224 : vector<16xi32> to vector<16xf32>
        %parallel_loop3A_226 = arith.constant 5.000000e-01 : f32
        %parallel_loop3A_227 = vector.broadcast %parallel_loop3A_226 : f32 to vector<16xf32>
        %parallel_loop3A_228 = arith.mulf %parallel_loop3A_227, %parallel_loop3A_217 : vector<16xf32>
        %parallel_loop3A_229 = arith.mulf %parallel_loop3A_228, %parallel_loop3A_225 : vector<16xf32>
        %parallel_loop3A_230 = arith.mulf %parallel_loop3A_229, %parallel_loop3A_225 : vector<16xf32>
        %parallel_loop3A_231 = arith.constant 1.500000e+00 : f32
        %parallel_loop3A_232 = vector.broadcast %parallel_loop3A_231 : f32 to vector<16xf32>
        %parallel_loop3A_233 = arith.subf %parallel_loop3A_232, %parallel_loop3A_230 : vector<16xf32>
        %parallel_loop3A_234 = arith.mulf %parallel_loop3A_225, %parallel_loop3A_233 : vector<16xf32>
        %parallel_loop3A_235 = arith.mulf %parallel_loop3A_217, %parallel_loop3A_234 : vector<16xf32>
        %parallel_loop3A_236 = arith.index_cast %parallel_loop3A_204 : i32 to index
        %parallel_loop3A_237 = tpu.vector_load %arg14[%parallel_loop3A_236] {strides = array<i32>} : memref<16384xf32, #tpu.memory_space<vmem>>, vector<16xf32>,
        tpu.vector_store %arg14[%parallel_loop3A_236], %parallel_loop3A_235 {strides = array<i32>} : memref<16384xf32, #tpu.memory_space<vmem>>, vector<16xf32>,
        %parallel_loop3A_238 = arith.constant 1024 : i32
        %parallel_loop3A_239 = arith.muli %parallel_loop3A_183, %parallel_loop3A_238 : i32
        %parallel_loop3A_240 = arith.constant 128 : i32
        %parallel_loop3A_241 = arith.addi %parallel_loop3A_239, %parallel_loop3A_240 : i32
        %parallel_loop3A_242 = arith.constant 16 : i32
        %parallel_loop3A_243 = arith.muli %parallel_loop3A_185, %parallel_loop3A_242 : i32
        %parallel_loop3A_244 = arith.addi %parallel_loop3A_241, %parallel_loop3A_243 : i32
        %parallel_loop3A_245 = arith.index_cast %parallel_loop3A_244 : i32 to index
        %parallel_loop3A_246 = tpu.vector_load %arg12[%parallel_loop3A_245] {strides = array<i32>} : memref<16384xi32, #tpu.memory_space<vmem>>, vector<16xi32>,
        %parallel_loop3A_247 = tpu.vector_load_idx %arg8[%parallel_loop3A_246] : memref<8192xf32, #tpu.memory_space<vmem>>[vector<16xi32>], vector<16xf32>,
        %parallel_loop3A_248 = arith.subf %parallel_loop3A_247, %parallel_loop3A_193 : vector<16xf32>
        %parallel_loop3A_249 = tpu.vector_load_idx %arg9[%parallel_loop3A_246] : memref<8192xf32, #tpu.memory_space<vmem>>[vector<16xi32>], vector<16xf32>,
        %parallel_loop3A_250 = arith.subf %parallel_loop3A_249, %parallel_loop3A_195 : vector<16xf32>
        %parallel_loop3A_251 = tpu.vector_load_idx %arg10[%parallel_loop3A_246] : memref<8192xf32, #tpu.memory_space<vmem>>[vector<16xi32>], vector<16xf32>,
        %parallel_loop3A_252 = arith.subf %parallel_loop3A_251, %parallel_loop3A_197 : vector<16xf32>
        %parallel_loop3A_253 = arith.mulf %parallel_loop3A_248, %parallel_loop3A_248 : vector<16xf32>
        %parallel_loop3A_254 = arith.mulf %parallel_loop3A_250, %parallel_loop3A_250 : vector<16xf32>
        %parallel_loop3A_255 = arith.addf %parallel_loop3A_253, %parallel_loop3A_254 : vector<16xf32>
        %parallel_loop3A_256 = arith.mulf %parallel_loop3A_252, %parallel_loop3A_252 : vector<16xf32>
        %parallel_loop3A_257 = arith.addf %parallel_loop3A_255, %parallel_loop3A_256 : vector<16xf32>
        %parallel_loop3A_258 = vector.bitcast %parallel_loop3A_257 : vector<16xf32> to vector<16xi32>
        %parallel_loop3A_259 = arith.constant 1 : i32
        %parallel_loop3A_260 = vector.broadcast %parallel_loop3A_259 : i32 to vector<16xi32>
        %parallel_loop3A_261 = arith.shrsi %parallel_loop3A_258, %parallel_loop3A_260 : vector<16xi32>
        %parallel_loop3A_262 = arith.constant 1597463007 : i32
        %parallel_loop3A_263 = vector.broadcast %parallel_loop3A_262 : i32 to vector<16xi32>
        %parallel_loop3A_264 = arith.subi %parallel_loop3A_263, %parallel_loop3A_261 : vector<16xi32>
        %parallel_loop3A_265 = vector.bitcast %parallel_loop3A_264 : vector<16xi32> to vector<16xf32>
        %parallel_loop3A_266 = arith.constant 5.000000e-01 : f32
        %parallel_loop3A_267 = vector.broadcast %parallel_loop3A_266 : f32 to vector<16xf32>
        %parallel_loop3A_268 = arith.mulf %parallel_loop3A_267, %parallel_loop3A_257 : vector<16xf32>
        %parallel_loop3A_269 = arith.mulf %parallel_loop3A_268, %parallel_loop3A_265 : vector<16xf32>
        %parallel_loop3A_270 = arith.mulf %parallel_loop3A_269, %parallel_loop3A_265 : vector<16xf32>
        %parallel_loop3A_271 = arith.constant 1.500000e+00 : f32
        %parallel_loop3A_272 = vector.broadcast %parallel_loop3A_271 : f32 to vector<16xf32>
        %parallel_loop3A_273 = arith.subf %parallel_loop3A_272, %parallel_loop3A_270 : vector<16xf32>
        %parallel_loop3A_274 = arith.mulf %parallel_loop3A_265, %parallel_loop3A_273 : vector<16xf32>
        %parallel_loop3A_275 = arith.mulf %parallel_loop3A_257, %parallel_loop3A_274 : vector<16xf32>
        %parallel_loop3A_276 = arith.index_cast %parallel_loop3A_244 : i32 to index
        %parallel_loop3A_277 = tpu.vector_load %arg14[%parallel_loop3A_276] {strides = array<i32>} : memref<16384xf32, #tpu.memory_space<vmem>>, vector<16xf32>,
        tpu.vector_store %arg14[%parallel_loop3A_276], %parallel_loop3A_275 {strides = array<i32>} : memref<16384xf32, #tpu.memory_space<vmem>>, vector<16xf32>,
        %parallel_loop3A_278 = arith.constant 1024 : i32
        %parallel_loop3A_279 = arith.muli %parallel_loop3A_183, %parallel_loop3A_278 : i32
        %parallel_loop3A_280 = arith.constant 256 : i32
        %parallel_loop3A_281 = arith.addi %parallel_loop3A_279, %parallel_loop3A_280 : i32
        %parallel_loop3A_282 = arith.constant 16 : i32
        %parallel_loop3A_283 = arith.muli %parallel_loop3A_185, %parallel_loop3A_282 : i32
        %parallel_loop3A_284 = arith.addi %parallel_loop3A_281, %parallel_loop3A_283 : i32
        %parallel_loop3A_285 = arith.index_cast %parallel_loop3A_284 : i32 to index
        %parallel_loop3A_286 = tpu.vector_load %arg12[%parallel_loop3A_285] {strides = array<i32>} : memref<16384xi32, #tpu.memory_space<vmem>>, vector<16xi32>,
        %parallel_loop3A_287 = tpu.vector_load_idx %arg8[%parallel_loop3A_286] : memref<8192xf32, #tpu.memory_space<vmem>>[vector<16xi32>], vector<16xf32>,
        %parallel_loop3A_288 = arith.subf %parallel_loop3A_287, %parallel_loop3A_193 : vector<16xf32>
        %parallel_loop3A_289 = tpu.vector_load_idx %arg9[%parallel_loop3A_286] : memref<8192xf32, #tpu.memory_space<vmem>>[vector<16xi32>], vector<16xf32>,
        %parallel_loop3A_290 = arith.subf %parallel_loop3A_289, %parallel_loop3A_195 : vector<16xf32>
        %parallel_loop3A_291 = tpu.vector_load_idx %arg10[%parallel_loop3A_286] : memref<8192xf32, #tpu.memory_space<vmem>>[vector<16xi32>], vector<16xf32>,
        %parallel_loop3A_292 = arith.subf %parallel_loop3A_291, %parallel_loop3A_197 : vector<16xf32>
        %parallel_loop3A_293 = arith.mulf %parallel_loop3A_288, %parallel_loop3A_288 : vector<16xf32>
        %parallel_loop3A_294 = arith.mulf %parallel_loop3A_290, %parallel_loop3A_290 : vector<16xf32>
        %parallel_loop3A_295 = arith.addf %parallel_loop3A_293, %parallel_loop3A_294 : vector<16xf32>
        %parallel_loop3A_296 = arith.mulf %parallel_loop3A_292, %parallel_loop3A_292 : vector<16xf32>
        %parallel_loop3A_297 = arith.addf %parallel_loop3A_295, %parallel_loop3A_296 : vector<16xf32>
        %parallel_loop3A_298 = vector.bitcast %parallel_loop3A_297 : vector<16xf32> to vector<16xi32>
        %parallel_loop3A_299 = arith.constant 1 : i32
        %parallel_loop3A_300 = vector.broadcast %parallel_loop3A_299 : i32 to vector<16xi32>
        %parallel_loop3A_301 = arith.shrsi %parallel_loop3A_298, %parallel_loop3A_300 : vector<16xi32>
        %parallel_loop3A_302 = arith.constant 1597463007 : i32
        %parallel_loop3A_303 = vector.broadcast %parallel_loop3A_302 : i32 to vector<16xi32>
        %parallel_loop3A_304 = arith.subi %parallel_loop3A_303, %parallel_loop3A_301 : vector<16xi32>
        %parallel_loop3A_305 = vector.bitcast %parallel_loop3A_304 : vector<16xi32> to vector<16xf32>
        %parallel_loop3A_306 = arith.constant 5.000000e-01 : f32
        %parallel_loop3A_307 = vector.broadcast %parallel_loop3A_306 : f32 to vector<16xf32>
        %parallel_loop3A_308 = arith.mulf %parallel_loop3A_307, %parallel_loop3A_297 : vector<16xf32>
        %parallel_loop3A_309 = arith.mulf %parallel_loop3A_308, %parallel_loop3A_305 : vector<16xf32>
        %parallel_loop3A_310 = arith.mulf %parallel_loop3A_309, %parallel_loop3A_305 : vector<16xf32>
        %parallel_loop3A_311 = arith.constant 1.500000e+00 : f32
        %parallel_loop3A_312 = vector.broadcast %parallel_loop3A_311 : f32 to vector<16xf32>
        %parallel_loop3A_313 = arith.subf %parallel_loop3A_312, %parallel_loop3A_310 : vector<16xf32>
        %parallel_loop3A_314 = arith.mulf %parallel_loop3A_305, %parallel_loop3A_313 : vector<16xf32>
        %parallel_loop3A_315 = arith.mulf %parallel_loop3A_297, %parallel_loop3A_314 : vector<16xf32>
        %parallel_loop3A_316 = arith.index_cast %parallel_loop3A_284 : i32 to index
        %parallel_loop3A_317 = tpu.vector_load %arg14[%parallel_loop3A_316] {strides = array<i32>} : memref<16384xf32, #tpu.memory_space<vmem>>, vector<16xf32>,
        tpu.vector_store %arg14[%parallel_loop3A_316], %parallel_loop3A_315 {strides = array<i32>} : memref<16384xf32, #tpu.memory_space<vmem>>, vector<16xf32>,
        %parallel_loop3A_318 = arith.constant 1024 : i32
        %parallel_loop3A_319 = arith.muli %parallel_loop3A_183, %parallel_loop3A_318 : i32
        %parallel_loop3A_320 = arith.constant 384 : i32
        %parallel_loop3A_321 = arith.addi %parallel_loop3A_319, %parallel_loop3A_320 : i32
        %parallel_loop3A_322 = arith.constant 16 : i32
        %parallel_loop3A_323 = arith.muli %parallel_loop3A_185, %parallel_loop3A_322 : i32
        %parallel_loop3A_324 = arith.addi %parallel_loop3A_321, %parallel_loop3A_323 : i32
        %parallel_loop3A_325 = arith.index_cast %parallel_loop3A_324 : i32 to index
        %parallel_loop3A_326 = tpu.vector_load %arg12[%parallel_loop3A_325] {strides = array<i32>} : memref<16384xi32, #tpu.memory_space<vmem>>, vector<16xi32>,
        %parallel_loop3A_327 = tpu.vector_load_idx %arg8[%parallel_loop3A_326] : memref<8192xf32, #tpu.memory_space<vmem>>[vector<16xi32>], vector<16xf32>,
        %parallel_loop3A_328 = arith.subf %parallel_loop3A_327, %parallel_loop3A_193 : vector<16xf32>
        %parallel_loop3A_329 = tpu.vector_load_idx %arg9[%parallel_loop3A_326] : memref<8192xf32, #tpu.memory_space<vmem>>[vector<16xi32>], vector<16xf32>,
        %parallel_loop3A_330 = arith.subf %parallel_loop3A_329, %parallel_loop3A_195 : vector<16xf32>
        %parallel_loop3A_331 = tpu.vector_load_idx %arg10[%parallel_loop3A_326] : memref<8192xf32, #tpu.memory_space<vmem>>[vector<16xi32>], vector<16xf32>,
        %parallel_loop3A_332 = arith.subf %parallel_loop3A_331, %parallel_loop3A_197 : vector<16xf32>
        %parallel_loop3A_333 = arith.mulf %parallel_loop3A_328, %parallel_loop3A_328 : vector<16xf32>
        %parallel_loop3A_334 = arith.mulf %parallel_loop3A_330, %parallel_loop3A_330 : vector<16xf32>
        %parallel_loop3A_335 = arith.addf %parallel_loop3A_333, %parallel_loop3A_334 : vector<16xf32>
        %parallel_loop3A_336 = arith.mulf %parallel_loop3A_332, %parallel_loop3A_332 : vector<16xf32>
        %parallel_loop3A_337 = arith.addf %parallel_loop3A_335, %parallel_loop3A_336 : vector<16xf32>
        %parallel_loop3A_338 = vector.bitcast %parallel_loop3A_337 : vector<16xf32> to vector<16xi32>
        %parallel_loop3A_339 = arith.constant 1 : i32
        %parallel_loop3A_340 = vector.broadcast %parallel_loop3A_339 : i32 to vector<16xi32>
        %parallel_loop3A_341 = arith.shrsi %parallel_loop3A_338, %parallel_loop3A_340 : vector<16xi32>
        %parallel_loop3A_342 = arith.constant 1597463007 : i32
        %parallel_loop3A_343 = vector.broadcast %parallel_loop3A_342 : i32 to vector<16xi32>
        %parallel_loop3A_344 = arith.subi %parallel_loop3A_343, %parallel_loop3A_341 : vector<16xi32>
        %parallel_loop3A_345 = vector.bitcast %parallel_loop3A_344 : vector<16xi32> to vector<16xf32>
        %parallel_loop3A_346 = arith.constant 5.000000e-01 : f32
        %parallel_loop3A_347 = vector.broadcast %parallel_loop3A_346 : f32 to vector<16xf32>
        %parallel_loop3A_348 = arith.mulf %parallel_loop3A_347, %parallel_loop3A_337 : vector<16xf32>
        %parallel_loop3A_349 = arith.mulf %parallel_loop3A_348, %parallel_loop3A_345 : vector<16xf32>
        %parallel_loop3A_350 = arith.mulf %parallel_loop3A_349, %parallel_loop3A_345 : vector<16xf32>
        %parallel_loop3A_351 = arith.constant 1.500000e+00 : f32
        %parallel_loop3A_352 = vector.broadcast %parallel_loop3A_351 : f32 to vector<16xf32>
        %parallel_loop3A_353 = arith.subf %parallel_loop3A_352, %parallel_loop3A_350 : vector<16xf32>
        %parallel_loop3A_354 = arith.mulf %parallel_loop3A_345, %parallel_loop3A_353 : vector<16xf32>
        %parallel_loop3A_355 = arith.mulf %parallel_loop3A_337, %parallel_loop3A_354 : vector<16xf32>
        %parallel_loop3A_356 = arith.index_cast %parallel_loop3A_324 : i32 to index
        %parallel_loop3A_357 = tpu.vector_load %arg14[%parallel_loop3A_356] {strides = array<i32>} : memref<16384xf32, #tpu.memory_space<vmem>>, vector<16xf32>,
        tpu.vector_store %arg14[%parallel_loop3A_356], %parallel_loop3A_355 {strides = array<i32>} : memref<16384xf32, #tpu.memory_space<vmem>>, vector<16xf32>,
        %parallel_loop3A_358 = arith.constant 1024 : i32
        %parallel_loop3A_359 = arith.muli %parallel_loop3A_183, %parallel_loop3A_358 : i32
        %parallel_loop3A_360 = arith.constant 512 : i32
        %parallel_loop3A_361 = arith.addi %parallel_loop3A_359, %parallel_loop3A_360 : i32
        %parallel_loop3A_362 = arith.constant 16 : i32
        %parallel_loop3A_363 = arith.muli %parallel_loop3A_185, %parallel_loop3A_362 : i32
        %parallel_loop3A_364 = arith.addi %parallel_loop3A_361, %parallel_loop3A_363 : i32
        %parallel_loop3A_365 = arith.index_cast %parallel_loop3A_364 : i32 to index
        %parallel_loop3A_366 = tpu.vector_load %arg12[%parallel_loop3A_365] {strides = array<i32>} : memref<16384xi32, #tpu.memory_space<vmem>>, vector<16xi32>,
        %parallel_loop3A_367 = tpu.vector_load_idx %arg8[%parallel_loop3A_366] : memref<8192xf32, #tpu.memory_space<vmem>>[vector<16xi32>], vector<16xf32>,
        %parallel_loop3A_368 = arith.subf %parallel_loop3A_367, %parallel_loop3A_193 : vector<16xf32>
        %parallel_loop3A_369 = tpu.vector_load_idx %arg9[%parallel_loop3A_366] : memref<8192xf32, #tpu.memory_space<vmem>>[vector<16xi32>], vector<16xf32>,
        %parallel_loop3A_370 = arith.subf %parallel_loop3A_369, %parallel_loop3A_195 : vector<16xf32>
        %parallel_loop3A_371 = tpu.vector_load_idx %arg10[%parallel_loop3A_366] : memref<8192xf32, #tpu.memory_space<vmem>>[vector<16xi32>], vector<16xf32>,
        %parallel_loop3A_372 = arith.subf %parallel_loop3A_371, %parallel_loop3A_197 : vector<16xf32>
        %parallel_loop3A_373 = arith.mulf %parallel_loop3A_368, %parallel_loop3A_368 : vector<16xf32>
        %parallel_loop3A_374 = arith.mulf %parallel_loop3A_370, %parallel_loop3A_370 : vector<16xf32>
        %parallel_loop3A_375 = arith.addf %parallel_loop3A_373, %parallel_loop3A_374 : vector<16xf32>
        %parallel_loop3A_376 = arith.mulf %parallel_loop3A_372, %parallel_loop3A_372 : vector<16xf32>
        %parallel_loop3A_377 = arith.addf %parallel_loop3A_375, %parallel_loop3A_376 : vector<16xf32>
        %parallel_loop3A_378 = vector.bitcast %parallel_loop3A_377 : vector<16xf32> to vector<16xi32>
        %parallel_loop3A_379 = arith.constant 1 : i32
        %parallel_loop3A_380 = vector.broadcast %parallel_loop3A_379 : i32 to vector<16xi32>
        %parallel_loop3A_381 = arith.shrsi %parallel_loop3A_378, %parallel_loop3A_380 : vector<16xi32>
        %parallel_loop3A_382 = arith.constant 1597463007 : i32
        %parallel_loop3A_383 = vector.broadcast %parallel_loop3A_382 : i32 to vector<16xi32>
        %parallel_loop3A_384 = arith.subi %parallel_loop3A_383, %parallel_loop3A_381 : vector<16xi32>
        %parallel_loop3A_385 = vector.bitcast %parallel_loop3A_384 : vector<16xi32> to vector<16xf32>
        %parallel_loop3A_386 = arith.constant 5.000000e-01 : f32
        %parallel_loop3A_387 = vector.broadcast %parallel_loop3A_386 : f32 to vector<16xf32>
        %parallel_loop3A_388 = arith.mulf %parallel_loop3A_387, %parallel_loop3A_377 : vector<16xf32>
        %parallel_loop3A_389 = arith.mulf %parallel_loop3A_388, %parallel_loop3A_385 : vector<16xf32>
        %parallel_loop3A_390 = arith.mulf %parallel_loop3A_389, %parallel_loop3A_385 : vector<16xf32>
        %parallel_loop3A_391 = arith.constant 1.500000e+00 : f32
        %parallel_loop3A_392 = vector.broadcast %parallel_loop3A_391 : f32 to vector<16xf32>
        %parallel_loop3A_393 = arith.subf %parallel_loop3A_392, %parallel_loop3A_390 : vector<16xf32>
        %parallel_loop3A_394 = arith.mulf %parallel_loop3A_385, %parallel_loop3A_393 : vector<16xf32>
        %parallel_loop3A_395 = arith.mulf %parallel_loop3A_377, %parallel_loop3A_394 : vector<16xf32>
        %parallel_loop3A_396 = arith.index_cast %parallel_loop3A_364 : i32 to index
        %parallel_loop3A_397 = tpu.vector_load %arg14[%parallel_loop3A_396] {strides = array<i32>} : memref<16384xf32, #tpu.memory_space<vmem>>, vector<16xf32>,
        tpu.vector_store %arg14[%parallel_loop3A_396], %parallel_loop3A_395 {strides = array<i32>} : memref<16384xf32, #tpu.memory_space<vmem>>, vector<16xf32>,
        %parallel_loop3A_398 = arith.constant 1024 : i32
        %parallel_loop3A_399 = arith.muli %parallel_loop3A_183, %parallel_loop3A_398 : i32
        %parallel_loop3A_400 = arith.constant 640 : i32
        %parallel_loop3A_401 = arith.addi %parallel_loop3A_399, %parallel_loop3A_400 : i32
        %parallel_loop3A_402 = arith.constant 16 : i32
        %parallel_loop3A_403 = arith.muli %parallel_loop3A_185, %parallel_loop3A_402 : i32
        %parallel_loop3A_404 = arith.addi %parallel_loop3A_401, %parallel_loop3A_403 : i32
        %parallel_loop3A_405 = arith.index_cast %parallel_loop3A_404 : i32 to index
        %parallel_loop3A_406 = tpu.vector_load %arg12[%parallel_loop3A_405] {strides = array<i32>} : memref<16384xi32, #tpu.memory_space<vmem>>, vector<16xi32>,
        %parallel_loop3A_407 = tpu.vector_load_idx %arg8[%parallel_loop3A_406] : memref<8192xf32, #tpu.memory_space<vmem>>[vector<16xi32>], vector<16xf32>,
        %parallel_loop3A_408 = arith.subf %parallel_loop3A_407, %parallel_loop3A_193 : vector<16xf32>
        %parallel_loop3A_409 = tpu.vector_load_idx %arg9[%parallel_loop3A_406] : memref<8192xf32, #tpu.memory_space<vmem>>[vector<16xi32>], vector<16xf32>,
        %parallel_loop3A_410 = arith.subf %parallel_loop3A_409, %parallel_loop3A_195 : vector<16xf32>
        %parallel_loop3A_411 = tpu.vector_load_idx %arg10[%parallel_loop3A_406] : memref<8192xf32, #tpu.memory_space<vmem>>[vector<16xi32>], vector<16xf32>,
        %parallel_loop3A_412 = arith.subf %parallel_loop3A_411, %parallel_loop3A_197 : vector<16xf32>
        %parallel_loop3A_413 = arith.mulf %parallel_loop3A_408, %parallel_loop3A_408 : vector<16xf32>
        %parallel_loop3A_414 = arith.mulf %parallel_loop3A_410, %parallel_loop3A_410 : vector<16xf32>
        %parallel_loop3A_415 = arith.addf %parallel_loop3A_413, %parallel_loop3A_414 : vector<16xf32>
        %parallel_loop3A_416 = arith.mulf %parallel_loop3A_412, %parallel_loop3A_412 : vector<16xf32>
        %parallel_loop3A_417 = arith.addf %parallel_loop3A_415, %parallel_loop3A_416 : vector<16xf32>
        %parallel_loop3A_418 = vector.bitcast %parallel_loop3A_417 : vector<16xf32> to vector<16xi32>
        %parallel_loop3A_419 = arith.constant 1 : i32
        %parallel_loop3A_420 = vector.broadcast %parallel_loop3A_419 : i32 to vector<16xi32>
        %parallel_loop3A_421 = arith.shrsi %parallel_loop3A_418, %parallel_loop3A_420 : vector<16xi32>
        %parallel_loop3A_422 = arith.constant 1597463007 : i32
        %parallel_loop3A_423 = vector.broadcast %parallel_loop3A_422 : i32 to vector<16xi32>
        %parallel_loop3A_424 = arith.subi %parallel_loop3A_423, %parallel_loop3A_421 : vector<16xi32>
        %parallel_loop3A_425 = vector.bitcast %parallel_loop3A_424 : vector<16xi32> to vector<16xf32>
        %parallel_loop3A_426 = arith.constant 5.000000e-01 : f32
        %parallel_loop3A_427 = vector.broadcast %parallel_loop3A_426 : f32 to vector<16xf32>
        %parallel_loop3A_428 = arith.mulf %parallel_loop3A_427, %parallel_loop3A_417 : vector<16xf32>
        %parallel_loop3A_429 = arith.mulf %parallel_loop3A_428, %parallel_loop3A_425 : vector<16xf32>
        %parallel_loop3A_430 = arith.mulf %parallel_loop3A_429, %parallel_loop3A_425 : vector<16xf32>
        %parallel_loop3A_431 = arith.constant 1.500000e+00 : f32
        %parallel_loop3A_432 = vector.broadcast %parallel_loop3A_431 : f32 to vector<16xf32>
        %parallel_loop3A_433 = arith.subf %parallel_loop3A_432, %parallel_loop3A_430 : vector<16xf32>
        %parallel_loop3A_434 = arith.mulf %parallel_loop3A_425, %parallel_loop3A_433 : vector<16xf32>
        %parallel_loop3A_435 = arith.mulf %parallel_loop3A_417, %parallel_loop3A_434 : vector<16xf32>
        %parallel_loop3A_436 = arith.index_cast %parallel_loop3A_404 : i32 to index
        %parallel_loop3A_437 = tpu.vector_load %arg14[%parallel_loop3A_436] {strides = array<i32>} : memref<16384xf32, #tpu.memory_space<vmem>>, vector<16xf32>,
        tpu.vector_store %arg14[%parallel_loop3A_436], %parallel_loop3A_435 {strides = array<i32>} : memref<16384xf32, #tpu.memory_space<vmem>>, vector<16xf32>,
        %parallel_loop3A_438 = arith.constant 1024 : i32
        %parallel_loop3A_439 = arith.muli %parallel_loop3A_183, %parallel_loop3A_438 : i32
        %parallel_loop3A_440 = arith.constant 768 : i32
        %parallel_loop3A_441 = arith.addi %parallel_loop3A_439, %parallel_loop3A_440 : i32
        %parallel_loop3A_442 = arith.constant 16 : i32
        %parallel_loop3A_443 = arith.muli %parallel_loop3A_185, %parallel_loop3A_442 : i32
        %parallel_loop3A_444 = arith.addi %parallel_loop3A_441, %parallel_loop3A_443 : i32
        %parallel_loop3A_445 = arith.index_cast %parallel_loop3A_444 : i32 to index
        %parallel_loop3A_446 = tpu.vector_load %arg12[%parallel_loop3A_445] {strides = array<i32>} : memref<16384xi32, #tpu.memory_space<vmem>>, vector<16xi32>,
        %parallel_loop3A_447 = tpu.vector_load_idx %arg8[%parallel_loop3A_446] : memref<8192xf32, #tpu.memory_space<vmem>>[vector<16xi32>], vector<16xf32>,
        %parallel_loop3A_448 = arith.subf %parallel_loop3A_447, %parallel_loop3A_193 : vector<16xf32>
        %parallel_loop3A_449 = tpu.vector_load_idx %arg9[%parallel_loop3A_446] : memref<8192xf32, #tpu.memory_space<vmem>>[vector<16xi32>], vector<16xf32>,
        %parallel_loop3A_450 = arith.subf %parallel_loop3A_449, %parallel_loop3A_195 : vector<16xf32>
        %parallel_loop3A_451 = tpu.vector_load_idx %arg10[%parallel_loop3A_446] : memref<8192xf32, #tpu.memory_space<vmem>>[vector<16xi32>], vector<16xf32>,
        %parallel_loop3A_452 = arith.subf %parallel_loop3A_451, %parallel_loop3A_197 : vector<16xf32>
        %parallel_loop3A_453 = arith.mulf %parallel_loop3A_448, %parallel_loop3A_448 : vector<16xf32>
        %parallel_loop3A_454 = arith.mulf %parallel_loop3A_450, %parallel_loop3A_450 : vector<16xf32>
        %parallel_loop3A_455 = arith.addf %parallel_loop3A_453, %parallel_loop3A_454 : vector<16xf32>
        %parallel_loop3A_456 = arith.mulf %parallel_loop3A_452, %parallel_loop3A_452 : vector<16xf32>
        %parallel_loop3A_457 = arith.addf %parallel_loop3A_455, %parallel_loop3A_456 : vector<16xf32>
        %parallel_loop3A_458 = vector.bitcast %parallel_loop3A_457 : vector<16xf32> to vector<16xi32>
        %parallel_loop3A_459 = arith.constant 1 : i32
        %parallel_loop3A_460 = vector.broadcast %parallel_loop3A_459 : i32 to vector<16xi32>
        %parallel_loop3A_461 = arith.shrsi %parallel_loop3A_458, %parallel_loop3A_460 : vector<16xi32>
        %parallel_loop3A_462 = arith.constant 1597463007 : i32
        %parallel_loop3A_463 = vector.broadcast %parallel_loop3A_462 : i32 to vector<16xi32>
        %parallel_loop3A_464 = arith.subi %parallel_loop3A_463, %parallel_loop3A_461 : vector<16xi32>
        %parallel_loop3A_465 = vector.bitcast %parallel_loop3A_464 : vector<16xi32> to vector<16xf32>
        %parallel_loop3A_466 = arith.constant 5.000000e-01 : f32
        %parallel_loop3A_467 = vector.broadcast %parallel_loop3A_466 : f32 to vector<16xf32>
        %parallel_loop3A_468 = arith.mulf %parallel_loop3A_467, %parallel_loop3A_457 : vector<16xf32>
        %parallel_loop3A_469 = arith.mulf %parallel_loop3A_468, %parallel_loop3A_465 : vector<16xf32>
        %parallel_loop3A_470 = arith.mulf %parallel_loop3A_469, %parallel_loop3A_465 : vector<16xf32>
        %parallel_loop3A_471 = arith.constant 1.500000e+00 : f32
        %parallel_loop3A_472 = vector.broadcast %parallel_loop3A_471 : f32 to vector<16xf32>
        %parallel_loop3A_473 = arith.subf %parallel_loop3A_472, %parallel_loop3A_470 : vector<16xf32>
        %parallel_loop3A_474 = arith.mulf %parallel_loop3A_465, %parallel_loop3A_473 : vector<16xf32>
        %parallel_loop3A_475 = arith.mulf %parallel_loop3A_457, %parallel_loop3A_474 : vector<16xf32>
        %parallel_loop3A_476 = arith.index_cast %parallel_loop3A_444 : i32 to index
        %parallel_loop3A_477 = tpu.vector_load %arg14[%parallel_loop3A_476] {strides = array<i32>} : memref<16384xf32, #tpu.memory_space<vmem>>, vector<16xf32>,
        tpu.vector_store %arg14[%parallel_loop3A_476], %parallel_loop3A_475 {strides = array<i32>} : memref<16384xf32, #tpu.memory_space<vmem>>, vector<16xf32>,
        %parallel_loop3A_478 = arith.constant 1024 : i32
        %parallel_loop3A_479 = arith.muli %parallel_loop3A_183, %parallel_loop3A_478 : i32
        %parallel_loop3A_480 = arith.constant 896 : i32
        %parallel_loop3A_481 = arith.addi %parallel_loop3A_479, %parallel_loop3A_480 : i32
        %parallel_loop3A_482 = arith.constant 16 : i32
        %parallel_loop3A_483 = arith.muli %parallel_loop3A_185, %parallel_loop3A_482 : i32
        %parallel_loop3A_484 = arith.addi %parallel_loop3A_481, %parallel_loop3A_483 : i32
        %parallel_loop3A_485 = arith.index_cast %parallel_loop3A_484 : i32 to index
        %parallel_loop3A_486 = tpu.vector_load %arg12[%parallel_loop3A_485] {strides = array<i32>} : memref<16384xi32, #tpu.memory_space<vmem>>, vector<16xi32>,
        %parallel_loop3A_487 = tpu.vector_load_idx %arg8[%parallel_loop3A_486] : memref<8192xf32, #tpu.memory_space<vmem>>[vector<16xi32>], vector<16xf32>,
        %parallel_loop3A_488 = arith.subf %parallel_loop3A_487, %parallel_loop3A_193 : vector<16xf32>
        %parallel_loop3A_489 = tpu.vector_load_idx %arg9[%parallel_loop3A_486] : memref<8192xf32, #tpu.memory_space<vmem>>[vector<16xi32>], vector<16xf32>,
        %parallel_loop3A_490 = arith.subf %parallel_loop3A_489, %parallel_loop3A_195 : vector<16xf32>
        %parallel_loop3A_491 = tpu.vector_load_idx %arg10[%parallel_loop3A_486] : memref<8192xf32, #tpu.memory_space<vmem>>[vector<16xi32>], vector<16xf32>,
        %parallel_loop3A_492 = arith.subf %parallel_loop3A_491, %parallel_loop3A_197 : vector<16xf32>
        %parallel_loop3A_493 = arith.mulf %parallel_loop3A_488, %parallel_loop3A_488 : vector<16xf32>
        %parallel_loop3A_494 = arith.mulf %parallel_loop3A_490, %parallel_loop3A_490 : vector<16xf32>
        %parallel_loop3A_495 = arith.addf %parallel_loop3A_493, %parallel_loop3A_494 : vector<16xf32>
        %parallel_loop3A_496 = arith.mulf %parallel_loop3A_492, %parallel_loop3A_492 : vector<16xf32>
        %parallel_loop3A_497 = arith.addf %parallel_loop3A_495, %parallel_loop3A_496 : vector<16xf32>
        %parallel_loop3A_498 = vector.bitcast %parallel_loop3A_497 : vector<16xf32> to vector<16xi32>
        %parallel_loop3A_499 = arith.constant 1 : i32
        %parallel_loop3A_500 = vector.broadcast %parallel_loop3A_499 : i32 to vector<16xi32>
        %parallel_loop3A_501 = arith.shrsi %parallel_loop3A_498, %parallel_loop3A_500 : vector<16xi32>
        %parallel_loop3A_502 = arith.constant 1597463007 : i32
        %parallel_loop3A_503 = vector.broadcast %parallel_loop3A_502 : i32 to vector<16xi32>
        %parallel_loop3A_504 = arith.subi %parallel_loop3A_503, %parallel_loop3A_501 : vector<16xi32>
        %parallel_loop3A_505 = vector.bitcast %parallel_loop3A_504 : vector<16xi32> to vector<16xf32>
        %parallel_loop3A_506 = arith.constant 5.000000e-01 : f32
        %parallel_loop3A_507 = vector.broadcast %parallel_loop3A_506 : f32 to vector<16xf32>
        %parallel_loop3A_508 = arith.mulf %parallel_loop3A_507, %parallel_loop3A_497 : vector<16xf32>
        %parallel_loop3A_509 = arith.mulf %parallel_loop3A_508, %parallel_loop3A_505 : vector<16xf32>
        %parallel_loop3A_510 = arith.mulf %parallel_loop3A_509, %parallel_loop3A_505 : vector<16xf32>
        %parallel_loop3A_511 = arith.constant 1.500000e+00 : f32
        %parallel_loop3A_512 = vector.broadcast %parallel_loop3A_511 : f32 to vector<16xf32>
        %parallel_loop3A_513 = arith.subf %parallel_loop3A_512, %parallel_loop3A_510 : vector<16xf32>
        %parallel_loop3A_514 = arith.mulf %parallel_loop3A_505, %parallel_loop3A_513 : vector<16xf32>
        %parallel_loop3A_515 = arith.mulf %parallel_loop3A_497, %parallel_loop3A_514 : vector<16xf32>
        %parallel_loop3A_516 = arith.index_cast %parallel_loop3A_484 : i32 to index
        %parallel_loop3A_517 = tpu.vector_load %arg14[%parallel_loop3A_516] {strides = array<i32>} : memref<16384xf32, #tpu.memory_space<vmem>>, vector<16xf32>,
        tpu.vector_store %arg14[%parallel_loop3A_516], %parallel_loop3A_515 {strides = array<i32>} : memref<16384xf32, #tpu.memory_space<vmem>>, vector<16xf32>,
      } {sc.loop_unroll_factor = 2 : i64, sc.parallel_access}
      %dma_start3A_172 = tpu.memref_slice %arg4[%add3A_143] : memref<8388608xf32, #tpu.memory_space<hbm>> -> memref<16384xf32, #tpu.memory_space<hbm>>
      %dma_start3A_173 = tpu.memref_slice %arg4[%add3A_143] : memref<8388608xf32, #tpu.memory_space<hbm>> -> memref<16384xf32, #tpu.memory_space<hbm>>
      tpu.enqueue_dma source(%arg14 : memref<16384xf32, #tpu.memory_space<vmem>>) target(%dma_start3A_173 : memref<16384xf32, #tpu.memory_space<hbm>>) target_semaphore(%arg18 : memref<!tpu.dma_semaphore, #tpu.memory_space<semaphore_mem>>)
      %add3A_174 = arith.constant 2 : i32
      %add3A_175 = arith.addi %add3A_140, %add3A_174 : i32
      %lt3A_176 = arith.constant 16 : i32
      %lt3A_177 = arith.cmpi slt, %add3A_175, %lt3A_176 : i32
      %convert_element_type3A_178 = arith.extui %lt3A_177 : i1 to i32
      %cond3A_179 = arith.constant 0 : i32
      %cond3A_180 = arith.cmpi ne, %convert_element_type3A_178, %cond3A_179 : i32
      scf.if %cond3A_180 {
        %add3A_181 = arith.constant 32768 : i32
        %add3A_182 = arith.addi %add3A_143, %add3A_181 : i32
        %dma_start3A_183 = tpu.memref_slice %arg3[%add3A_182] : memref<8388608xi32, #tpu.memory_space<hbm>> -> memref<16384xi32, #tpu.memory_space<hbm>>
        %dma_start3A_184 = tpu.memref_slice %arg3[%add3A_182] : memref<8388608xi32, #tpu.memory_space<hbm>> -> memref<16384xi32, #tpu.memory_space<hbm>>
        tpu.enqueue_dma source(%dma_start3A_184 : memref<16384xi32, #tpu.memory_space<hbm>>) target(%arg12 : memref<16384xi32, #tpu.memory_space<vmem>>) target_semaphore(%arg16 : memref<!tpu.dma_semaphore, #tpu.memory_space<semaphore_mem>>)
      } else {
      }
    }
    %scan3A_91 = arith.constant 8 : i32
    %dma_wait3A = tpu.memref_slice %arg4[%add3A_35] : memref<8388608xf32, #tpu.memory_space<hbm>> -> memref<16384xf32, #tpu.memory_space<hbm>>
    %dma_wait3A_92 = tpu.memref_slice %arg4[%add3A_35] : memref<8388608xf32, #tpu.memory_space<hbm>> -> memref<16384xf32, #tpu.memory_space<hbm>>
    tpu.wait_dma2 semaphore(%arg17 : memref<!tpu.dma_semaphore, #tpu.memory_space<semaphore_mem>>) src(%arg13 : memref<16384xf32, #tpu.memory_space<vmem>>) dst(%dma_wait3A_92 : memref<16384xf32, #tpu.memory_space<hbm>>)
    %dma_wait3A_93 = tpu.memref_slice %arg4[%add3A_35] : memref<8388608xf32, #tpu.memory_space<hbm>> -> memref<16384xf32, #tpu.memory_space<hbm>>
    %dma_wait3A_94 = tpu.memref_slice %arg4[%add3A_35] : memref<8388608xf32, #tpu.memory_space<hbm>> -> memref<16384xf32, #tpu.memory_space<hbm>>
    tpu.wait_dma2 semaphore(%arg18 : memref<!tpu.dma_semaphore, #tpu.memory_space<semaphore_mem>>) src(%arg14 : memref<16384xf32, #tpu.memory_space<vmem>>) dst(%dma_wait3A_94 : memref<16384xf32, #tpu.memory_space<hbm>>)
    return
  }
}

</mosaic_0001>

<sc_bundles>
// kernel: kernel.3.cloned.1.call-start
scs
__scs_entry_jumppad:
0x0: {  	(pc) =	sbr.rel $0x88, $3  }
0x1: {  	(tag) =	ssettag $0x0;
	lr =	simm.s32 $0x1  }
0x2: {  	[smem:$0x3F9F] =	sst lr;
	_ =	strace $0xD0000000  }
0x3: {  	_ = 	snop  }
0x4: {  	_ = 	snop  }
0x5: {  	_ = 	snop  }
0x6: {  	_ = 	snop  }
0x7: {  	_ = 	snop  }
__scs_overlays_trampoline_lowered:
0x8: {  	[smem:$0x3FAE] =	sst s0  }
0x9: {  	[smem:$0x3FAF] =	sst s1  }
0xa: {  	[smem:$0x3FB0] =	sst s2  }
0xb: {  	[smem:$0x3FB1] =	sst s3  }
0xc: {  	[smem:$0x3FB2] =	sst s4  }
0xd: {  	[smem:$0x3FB3] =	sst s5  }
0xe: {  	[smem:$0x3FB4] =	sst s6  }
0xf: {  	[smem:$0x3FB5] =	sst s7  }
0x10: {  	[smem:$0x3FB6] =	sst s8  }
0x11: {  	[smem:$0x3FB7] =	sst s9;
	s0 =	simm.s32 @!p0 $0x0  }
0x12: {  	s1 =	sld [smem:$0x3F9D];
	s0 =	simm.s32 @p0 $0x1  }
0x13: {  	[smem:$0x3FB8] =	sst s0;
	s0 =	simm.s32 @!p1 $0x0  }
0x14: {  	s2 =	sld [smem:$0x3F9C];
	s0 =	simm.s32 @p1 $0x1  }
0x15: {  	[smem:$0x3FB9] =	sst s0;
	s0 =	simm.s32 @!p2 $0x0  }
0x16: {  	s3 =	sld [smem:$0x3FDB];
	s0 =	simm.s32 @p2 $0x1  }
0x17: {  	s4 =	simm.s32 $0x1BF5;
	[smem:$0x3FBB] =	sst s0  }
0x18: {  	s0 =	sld [smem:$0x3F9E];
	_ =	swait.ge [sflag:s4], $0x0  }
0x19: {  	s7 =	sld [smem:$0x3F9F]  }
0x1a: {  	s8 =	sadd.s32 $0xFFFFE003, lr  }
0x1b: {  	s9 =	sadd.s32 $0xFFFFFEF7, lr;
	s5 =	simm.s32 $0xFFFFFFFF;
	p2 =	slt.u32 s8, $0xFFFFF086  }
0x1c: {  	p1 =	slt.u32 s9, $0xF7A;
	s5 =	simm.s32 @!p2 $0x0  }
0x1d: {  	s5 =	simm.s32 @p1 $0x1;
	p0 =	seq.s32 s7, s2  }
0x1e: {  	s7 =	smul.u32 @!p0 $0xF7A, s2;
	p2 =	seq.s32 @!p0 s5, $0x0  }
0x1f: {  	s9 =	smul.u32 $0xF7A, s1;
	s8 =	simm.s32 @!p0 $0x1BF5;
	p2 =	por !p2, p0  }
0x20: {  	[sflag:s8] =	ssyncset.s32 @!p0 $0xFFFFF086;
	s6 =	sadd.s32 @!p0 s3, s7;
	s7 =	simm.s32 @!p0 $0x108  }
0x21: {  	s3 =	sadd.s32 s3, s9;
	s6 =	sadd.s32 @!p0 $0x88, s6;
	s7 =	simm.s32 @p2 $0x1082  }
0x22: {  	[simem:s7], [sflag:s8] =	dma.local @!p0 [hbm:s6], $0xF7A  }
0x23: {  	s9 =	sor.u32 $0xD0000000, s2;
	s6 =	simm.s32 $0x108;
	_ =	swait.ge @!p0 [sflag:s8], $0x0  }
0x24: {  	s3 =	sadd.s32 $0x88, s3;
	s6 =	simm.s32 @!p1 $0x1082;
	[sflag:s4] =	ssyncset.s32 $0xFFFFF086  }
0x25: {  	[simem:s6], [sflag:s4] =	dma.local [hbm:s3], $0xF7A  }
0x26: {  	[smem:$0x3F9F] =	sst s1;
	(tag) =	ssettag s2;
	_ =	strace s9  }
0x27: {  	s1 =	sld [smem:$0x3FAF]  }
0x28: {  	s2 =	sld [smem:$0x3FB0]  }
0x29: {  	s4 =	sld [smem:$0x3FB2]  }
0x2a: {  	p0 =	seq.s32 s5, $0x0;
	s5 =	sld [smem:$0x3FB3]  }
0x2b: {  	s6 =	sld [smem:$0x3FB4]  }
0x2c: {  	s7 =	sld [smem:$0x3FB5]  }
0x2d: {  	s3 =	simm.s32 $0x108;
	s8 =	sld [smem:$0x3FB6]  }
0x2e: {  	s3 =	simm.s32 @!p0 $0x1082;
	s9 =	sld [smem:$0x3FB7]  }
0x2f: {  	lr =	sadd.s32 s0, s3;
	s0 =	sld [smem:$0x3FAE]  }
0x30: {  	s3 =	sld [smem:$0x3FB1]  }
0x31: {  	[smem:$0x3FBA] =	sst s10  }
0x32: {  	s10 =	sld [smem:$0x3FB8];
	_ =	sdelay $0x3  }
0x33: {  	p0 =	seq.s32 s10, $0x1;
	s10 =	sld [smem:$0x3FBA];
	_ =	sdelay $0x3  }
0x34: {  	[smem:$0x3FBA] =	sst s10  }
0x35: {  	s10 =	sld [smem:$0x3FB9];
	_ =	sdelay $0x3  }
0x36: {  	p1 =	seq.s32 s10, $0x1;
	s10 =	sld [smem:$0x3FBA];
	_ =	sdelay $0x3  }
0x37: {  	[smem:$0x3FBA] =	sst s10  }
0x38: {  	s10 =	sld [smem:$0x3FBB]  }
0x39: {  	_ = 	snop;
	(pc) =	sbr.ind lr, $3  }
0x3a: {  	_ = 	snop  }
0x3b: {  	_ = 	snop  }
0x3c: {  	p2 =	seq.s32 s10, $0x1;
	s10 =	sld [smem:$0x3FBA]  }
0x3d: {  	_ =	shalt  }
0x3e: {  	_ =	shalt  }
0x3f: {  	_ =	shalt  }
0x40: {  	_ =	shalt  }
0x41: {  	_ =	shalt  }
0x42: {  	_ =	shalt  }
0x43: {  	_ =	shalt  }
0x44: {  	_ =	shalt  }
0x45: {  	_ =	shalt  }
0x46: {  	_ =	shalt  }
0x47: {  	_ =	shalt  }
0x48: {  	_ =	shalt  }
0x49: {  	_ =	shalt  }
0x4a: {  	_ =	shalt  }
0x4b: {  	_ =	shalt  }
0x4c: {  	_ =	shalt  }
0x4d: {  	_ =	shalt  }
0x4e: {  	_ =	shalt  }
0x4f: {  	_ =	shalt  }
0x50: {  	_ =	shalt  }
0x51: {  	_ =	shalt  }
0x52: {  	_ =	shalt  }
0x53: {  	_ =	shalt  }
0x54: {  	_ =	shalt  }
0x55: {  	_ =	shalt  }
0x56: {  	_ =	shalt  }
0x57: {  	_ =	shalt  }
0x58: {  	_ =	shalt  }
0x59: {  	_ =	shalt  }
0x5a: {  	_ =	shalt  }
0x5b: {  	_ =	shalt  }
0x5c: {  	_ =	shalt  }
0x5d: {  	_ =	shalt  }
0x5e: {  	_ =	shalt  }
0x5f: {  	_ =	shalt  }
0x60: {  	_ =	shalt  }
0x61: {  	_ =	shalt  }
0x62: {  	_ =	shalt  }
0x63: {  	_ =	shalt  }
0x64: {  	_ =	shalt  }
0x65: {  	_ =	shalt  }
0x66: {  	_ =	shalt  }
0x67: {  	_ =	shalt  }
0x68: {  	_ =	shalt  }
0x69: {  	_ =	shalt  }
0x6a: {  	_ =	shalt  }
0x6b: {  	_ =	shalt  }
0x6c: {  	_ =	shalt  }
0x6d: {  	_ =	shalt  }
0x6e: {  	_ =	shalt  }
0x6f: {  	_ =	shalt  }
0x70: {  	_ =	shalt  }
0x71: {  	_ =	shalt  }
0x72: {  	_ =	shalt  }
0x73: {  	_ =	shalt  }
0x74: {  	_ =	shalt  }
0x75: {  	_ =	shalt  }
0x76: {  	_ =	shalt  }
0x77: {  	_ =	shalt  }
0x78: {  	_ =	shalt  }
0x79: {  	_ =	shalt  }
0x7a: {  	_ =	shalt  }
0x7b: {  	_ =	shalt  }
0x7c: {  	_ =	shalt  }
0x7d: {  	_ =	shalt  }
0x7e: {  	_ =	shalt  }
0x7f: {  	_ =	shalt  }
0x80: {  	_ =	shalt  }
0x81: {  	_ =	shalt  }
0x82: {  	_ =	shalt  }
0x83: {  	_ =	shalt  }
0x84: {  	_ =	shalt  }
0x85: {  	_ =	shalt  }
0x86: {  	_ =	shalt  }
0x87: {  	_ =	shalt  }
.Lfunc_end0:
.L_simem_size_0:
called_computation_lowered:
.L_overlay_start_0:
0x88: {  	s2 =	sld [smem:$0x3FD9]  }
0x89: {  	s3 =	sld [smem:$0x3FFE];
	_ =	sdelay $0x1  }
0x8a: {  	s1 =	srdreg.scid  }
0x8b: {  	s0 =	sand.u32 $0x1, s1  }
0x8c: {  	s18 =	sshll.u32 s0, $0xA;
	s2 =	sadd.s32 s3, s2  }
0x8d: {  	s2 =	sadd.s32 s2, s18  }
0x8e: {  	[smem:$0x3FC6] =	sst s2  }
0x8f: {  	_ = 	snop  }
0x90: {  	s2 =	sld [smem:$0x3FC9]  }
0x91: {  	s19 =	sld [smem:$0x3FC8]  }
0x92: {  	s4 =	sld [smem:$0x3FD0];
	(tm) =	ssettm $0x1  }
0x93: {  	s5 =	sld [smem:$0x3FFB];
	_ =	sdelay $0x3  }
0x94: {  	_ =	strace s5  }
0x95: {  	s5 =	sld [smem:$0x3FFC];
	_ =	sdelay $0x3  }
0x96: {  	_ =	strace s5  }
0x97: {  	s5 =	sld [smem:$0x3FFD];
	_ =	sdelay $0x3  }
0x98: {  	_ =	strace s5  }
0x99: {  	_ =	strace $0x8FFFFFFF  }
0x9a: {  	s20 =	sld [smem:$0x3FDB];
	_ =	sdelay $0x1  }
0x9b: {  	s6 =	simm.s32 $_scs_section_size  }
0x9c: {  	s7 =	simm.s32 $_size__tile_overlayer_lowered;
	s8 =	simm.s32 $_tile_overlayer_lowered  }
0x9d: {  	s23 =	simm.s32 $0x1BFF;
	s22 =	sshll.u32 s8, $0x1;
	s5 =	sadd.s32 s6, s20  }
0x9e: {  	s9 =	simm.s32 $0x0;
	s21 =	sshll.u32 s7, $0x1;
	s7 =	sadd.s32 s22, s5  }
0x9f: {  	[timem:s9], [sflag:s23] =	dma.local [hbm:s7], s21  }
0xa0: {  	_ =	swait.ge [sflag:s23], s21  }
0xa1: {  	s6 =	ssub.s32 $0x0, s21;
	[sflag:s23] =	ssyncset.done $0x0  }
0xa2: {  	[sflag:s23] =	ssyncadd.s32 s6;
	_ =	sdelay $0x1  }
0xa3: {  	s24 =	simm.s32 $0x1B8B  }
0xa4: {  	_ =	swait.ge [sflag:s24], $0x1  }
0xa5: {  	[sflag:s24] =	ssyncset.done $0x0  }
0xa6: {  	s25 =	simm.s32 $0x1B8E;
	[sflag:s24] =	ssyncadd.s32 $0xFFFFFFFF  }
0xa7: {  	s26 =	simm.s32 $execute0_lowered;
	[smem:$0x3FD2] =	sst s25  }
0xa8: {  	s6 =	sshll.u32 s26, $0x1;
	_ =	strace $0x80000046;
	[dreg:$0x1] =	wrdreg $0xFFFFFFFF  }
0xa9: {  	s28 =	simm.s32 $_size_execute0_lowered;
	s5 =	sadd.s32 s5, s6;
	[dreg:$0x0] =	wrdreg $0x0  }
0xaa: {  	s6 =	sshll.u32 s28, $0x1;
	[dreg:$0x2] =	wrdreg s5  }
0xab: {  	[dreg:$0x3] =	wrdreg s6  }
0xac: {  	[dreg:$0x4] =	wrdreg $0xC0  }
0xad: {  	_ =	task [dreg:s9], $0x5FFFF  }
0xae: {  	[dreg:$0x1] =	wrdreg $0xFFFFFFFF  }
0xaf: {  	[dreg:$0x0] =	wrdreg $0x60  }
0xb0: {  	[dreg:$0x2] =	wrdreg s2  }
0xb1: {  	[dreg:$0x3] =	wrdreg s19  }
0xb2: {  	[dreg:$0x4] =	wrdreg s4  }
0xb3: {  	[dreg:$0x5] =	wrdreg $0x9  }
0xb4: {  	_ =	task.clear_ibuf [dreg:s9], $0x6FFFF;
	_ =	strace $0x90000046  }
0xb5: {  	s29 =	simm.s32 $0x9;
	_ =	strace $0x80000048  }
0xb6: {  	_ =	swait.ge [sflag:s29], $0x1  }
0xb7: {  	[sflag:s29] =	ssyncadd.s32 $0xFFFFFFFF  }
0xb8: {  	_ =	strace $0x90000048  }
0xb9: {  	_ =	sfence  }
0xba: {  	s30 =	sld [smem:$0x0];
	_ =	sdelay $0x2  }
0xbb: {  	s31 =	sshll.u32 s1, $0xD;
	s1 =	sshrl.u32 s1, $0x2  }
0xbc: {  	s3 =	sand.u32 $0x4000, s31;
	s1 =	sadd.s32 s1, s30  }
0xbd: {  	s0 =	sor.u32 s3, s0;
	s1 =	sshll.u32 s1, $0x11  }
0xbe: {  	s0 =	sor.u32 s1, s0  }
0xbf: {  	s0 =	sadd.s32 $0x8F2B, s0  }
0xc0: {  	[sflag:s0] =	ssyncadd.remote.s32 $0x1  }
0xc1: {  	_ =	sfence.sel $0xFFFF  }
0xc2: {  	[dreg:$0x0] =	wrdreg $0xFFFFFFFF;
	(pc) =	sbr.abs _section_cstart, $3  }
0xc3: {  	[dreg:$0x1] =	wrdreg $0xFFFFFFFF  }
0xc4: {  	_ =	task.clear_ibuf [dreg:s9], $0x2FFFF;
	_ =	strace $0x9FFFFFFF  }
0xc5: {  	(tm) =	ssettm $0x7FFFFFFF  }
tec
execute0_lowered:
.L_overlay_start_1:
0x0: {  	(tag) =	ssettag $0x1  }
0x1: {  	s0 =	srdreg.scid  }
0x2: {  	s0 =	sand.u32 $0x1, s0  }
0x3: {  	s9 =	stileid.u32;
	s1 =	sshll.u32 s0, $0x4  }
0x4: {  	s2 =	sand.u32 $0x1, s9;
	s1 =	sor.u32 s9, s1  }
0x5: {  	p1 =	seq.s32 s2, $0x1;
	p0 =	seq.s32 s1, $0x0  }
0x6: {  	p0 =	por !p0, !p1  }
0x7: {  	s6 =	rddreg [dreg:$0x0];
	s2 =	simm.s32 $0x1;
	p0 =	por !p0, !p0  }
0x8: {  	s10 =	simm.s32 $0x1;
	s1 =	sshrl.u32 s1, $0x1;
	s2 =	simm.s32 @!p0 $0x0  }
0x9: {  	s20 =	simm.s32 $0x6000;
	s21 =	simm.s32 $0x8000;
	s1 =	ssub.s32 s1, s2  }
0xa: {  	s22 =	simm.s32 $0xA000;
	s0 =	ssub.s32 $0x2, s0;
	s3 =	sshrl.u32 s1, $0xC  }
0xb: {  	s24 =	simm.s32 $0x2;
	s25 =	sshrl.u32 s0, $0x1;
	s4 =	sand.u32 $0x7, s3  }
0xc: {  	s9 =	sshll.u32 s9, $0x12;
	s0 =	ssub.s32 s0, s25;
	s5 =	sadd.s32 s4, s1  }
0xd: {  	s9 =	sand.u32 $0x40000, s9;
	s0 =	smax.u32 s0, $0x1;
	s7 =	sand.u32 $0xFFFFFFF8, s5  }
0xe: {  	s2 =	rddreg [dreg:$0x1];
	p5 =	slt.s32 s1, $0x1;
	s7 =	ssub.s32 s1, s7  }
0xf: {  	s3 =	rddreg [dreg:$0x2];
	s4 =	simm.s32 $0x0;
	s8 =	sand.u32 $0xFF, s7  }
0x10: {  	[smem:$0x7FF] =	sst s4;
	s11 =	sshrl.u32 s5, $0x3;
	p6 =	sne.s32 s8, $0x0  }
0x11: {  	_ =	strace $0x80000047;
	s1 =	sshll.u32 s1, $0x13;
	p0 =	por !p5, !p6  }
0x12: {  	[dreg:$0x9] =	wrdreg s0;
	s5 =	sor.u32 s9, s1;
	p0 =	por !p0, !p0  }
0x13: {  	s7 =	sshll.u32 s7, $0x7;
	s9 =	sshrl.u32 s5, $0x3;
	s10 =	simm.s32 @!p0 $0x0  }
0x14: {  	s7 =	sand.u32 $0x380, s7;
	s28 =	sadd.s32 s2, s9;
	s26 =	ssub.s32 s11, s10  }
0x15: {  	[dreg:$0x4] =	wrdreg s28;
	s8 =	sadd.s32 $0x800, s28;
	s1 =	sshll.u32 s26, $0x10  }
0x16: {  	s30 =	simm.s32 $0x0;
	[dreg:$0x5] =	wrdreg s8;
	s1 =	sor.u32 s7, s1  }
.Ltmp0:
0x17: {  	s29 =	sadd.s32 $0x20000, s1;
	s31 =	sshrl.u32 s1, $0x3;
	(pc) =	sbr.rel .LBB2_1-.Ltmp0, $4  }
0x18: {  	s1 =	sadd.s32 $0x40000, s1;
	s8 =	sshrl.u32 s29, $0x3;
	s9 =	sadd.s32 s6, s31  }
0x19: {  	s1 =	sshrl.u32 s1, $0x3;
	[dreg:$0x6] =	wrdreg s9;
	s8 =	sadd.s32 s6, s8  }
0x1a: {  	s25 =	simm.s32 $0x18000;
	s1 =	sadd.s32 s6, s1;
	[dreg:$0x7] =	wrdreg s8  }
0x1b: {  	s7 =	simm.s32 $0x1;
	s6 =	simm.s32 $0x0;
	[dreg:$0x8] =	wrdreg s1  }
.LBB2_10:
0x1c: {  	s0 =	simm.s32 $0x3  }
0x1d: {  	_ =	swait.ge [sflag:s0], $0x4000  }
0x1e: {  	[sflag:s0] =	ssyncset.done $0x0  }
0x1f: {  	s1 =	simm.s32 $0x4;
	[sflag:s0] =	ssyncadd.s32 $0xFFFFC000  }
0x20: {  	_ =	swait.ge [sflag:s1], $0x4000  }
0x21: {  	s6 =	rddreg [dreg:$0xa]  }
0x22: {  	s31 =	rddreg [dreg:$0x9];
	s6 =	sadd.s32 $0x1, s6  }
0x23: {  	p0 =	sne.s32 s6, s31  }
.Ltmp1:
0x24: {  	_ = 	snop;
	(pc) =	sbr.rel @!p0 .LBB2_11-.Ltmp1, $3  }
0x25: {  	_ =	sdelay $0x1  }
0x26: {  	[sflag:s1] =	ssyncset.done $0x0  }
0x27: {  	[sflag:s1] =	ssyncadd.s32 $0xFFFFC000  }
.LBB2_1:
0x28: {  	[dreg:$0xa] =	wrdreg s6  }
0x29: {  	s0 =	rddreg [dreg:$0x4]  }
0x2a: {  	s1 =	simm.s32 $0xC000;
	s12 =	rddreg [dreg:$0x5]  }
0x2b: {  	[tilespmem:s1], [sflag:$0x1] =	stream.linear.gather [hbm4b:s0+s4], $0x4000, $0x38;
	[tilespmem:$0x1C000] =	vst v63  }
0x2c: {  	s13 =	simm.s32 $0x10000;
	s14 =	rddreg [dreg:$0x6]  }
0x2d: {  	[tilespmem:s13], [sflag:$0x2] =	stream.linear.gather [hbm4b:s12+s4], $0x4000, $0x38;
	[tilespmem:$0x1C000] =	vst v63  }
0x2e: {  	s15 =	simm.s32 $0x80;
	s16 =	simm.s32 $0x400;
	s8 =	simm.s32 $0x5  }
0x2f: {  	[tilespmem:s4], [sflag:$0x5] =	stream.strided.gather [hbm4b:s14+s15], $0x2000, s16, s15, $0x38;
	[tilespmem:$0x1C000] =	vst v63  }
0x30: {  	_ =	swait.ge [sflag:s8], $0x2000  }
0x31: {  	[sflag:s8] =	ssyncset.done $0x0  }
0x32: {  	s9 =	simm.s32 $0x2000;
	s17 =	rddreg [dreg:$0x7];
	[sflag:s8] =	ssyncadd.s32 $0xFFFFE000  }
0x33: {  	[tilespmem:s9], [sflag:$0x5] =	stream.strided.gather [hbm4b:s17+s15], $0x2000, s16, s15, $0x38;
	[tilespmem:$0x1C000] =	vst v63  }
0x34: {  	_ =	swait.ge [sflag:s8], $0x2000  }
0x35: {  	[sflag:s8] =	ssyncset.done $0x0  }
0x36: {  	s19 =	simm.s32 $0x4000;
	s18 =	rddreg [dreg:$0x8];
	[sflag:s8] =	ssyncadd.s32 $0xFFFFE000  }
0x37: {  	[tilespmem:s19], [sflag:$0x5] =	stream.strided.gather [hbm4b:s18+s15], $0x2000, s16, s15, $0x38;
	[tilespmem:$0x1C000] =	vst v63  }
0x38: {  	_ =	swait.ge [sflag:s8], $0x2000  }
0x39: {  	[sflag:s8] =	ssyncset.done $0x0  }
0x3a: {  	s23 =	simm.s32 $0x20;
	[sflag:s8] =	ssyncadd.s32 $0xFFFFE000  }
0x3b: {  	v0 =	vld [tilespmem:s23+$0x10]  }
0x3c: {  	v1 =	vld [tilespmem:s23+$0xFFFFFFF0]  }
0x3d: {  	v2 =	vld [tilespmem:s23+$0x0];
	_ =	sdelay $0x1  }
0x3e: {  	s26 =	simm.s32 $0x6020;
	v3 =	vld [tilespmem:s23+$0xFFFFFFE0]  }
0x3f: {  	s28 =	simm.s32 $0x2020;
	[tilespmem:s26+$0x10] =	vst v0  }
0x40: {  	[tilespmem:s26+$0xFFFFFFF0] =	vst v1;
	v0 =	vld [tilespmem:s28+$0x10]  }
0x41: {  	[tilespmem:s26+$0x0] =	vst v2;
	v1 =	vld [tilespmem:s28+$0xFFFFFFF0]  }
0x42: {  	v2 =	vld [tilespmem:s28+$0x0]  }
0x43: {  	[tilespmem:s26+$0xFFFFFFE0] =	vst v3  }
0x44: {  	s29 =	simm.s32 $0x8020;
	s31 =	simm.s32 $0x60;
	v3 =	vld [tilespmem:s28+$0xFFFFFFE0]  }
0x45: {  	v4 =	vld [tilespmem:s31+$0x10];
	[tilespmem:s29+$0x10] =	vst v0  }
0x46: {  	[tilespmem:s29+$0xFFFFFFF0] =	vst v1;
	v1 =	vld [tilespmem:s31+$0xFFFFFFF0]  }
0x47: {  	s0 =	simm.s32 $0x4020;
	[tilespmem:s29+$0x0] =	vst v2;
	v2 =	vld [tilespmem:s31+$0x0]  }
0x48: {  	v0 =	vld [tilespmem:s0+$0x10]  }
0x49: {  	s6 =	simm.s32 $0x6060;
	[tilespmem:s29+$0xFFFFFFE0] =	vst v3;
	v3 =	vld [tilespmem:s31+$0xFFFFFFE0]  }
0x4a: {  	[tilespmem:s6+$0x10] =	vst v4;
	v5 =	vld [tilespmem:s0+$0xFFFFFFE0]  }
0x4b: {  	s8 =	simm.s32 $0x2060;
	v6 =	vld [tilespmem:s0+$0xFFFFFFF0];
	[tilespmem:s6+$0xFFFFFFF0] =	vst v1  }
0x4c: {  	s1 =	simm.s32 $0xA020;
	v4 =	vld [tilespmem:s8+$0x10];
	[tilespmem:s6+$0x0] =	vst v2  }
0x4d: {  	[tilespmem:s1+$0x10] =	vst v0;
	v0 =	vld [tilespmem:s8+$0xFFFFFFF0]  }
0x4e: {  	[tilespmem:s6+$0xFFFFFFE0] =	vst v3;
	v1 =	vld [tilespmem:s8+$0x0]  }
0x4f: {  	v2 =	vld [tilespmem:s8+$0xFFFFFFE0];
	[tilespmem:s1+$0xFFFFFFE0] =	vst v5  }
0x50: {  	s10 =	simm.s32 $0x4;
	s11 =	simm.s32 $0xA0;
	s9 =	simm.s32 $0x8060;
	v3 =	vld [tilespmem:s0+$0x0];
	[tilespmem:s1+$0xFFFFFFF0] =	vst v6  }
.LBB2_2:
0x51: {  	v5 =	vld [tilespmem:s11+$0x10];
	[tilespmem:s9+$0x10] =	vst v4;
	s0 =	sadd.s32 $0x40, s0  }
0x52: {  	s10 =	sadd.s32 $0x4, s10;
	[tilespmem:s9+$0xFFFFFFF0] =	vst v0;
	v0 =	vld [tilespmem:s0+$0x10]  }
0x53: {  	p0 =	slt.u32 s10, $0x1FC;
	v4 =	vld [tilespmem:s11+$0xFFFFFFF0];
	[tilespmem:s9+$0x0] =	vst v1  }
0x54: {  	v1 =	vld [tilespmem:s11+$0x0];
	[tilespmem:s9+$0xFFFFFFE0] =	vst v2  }
0x55: {  	s6 =	sadd.s32 $0x40, s6;
	v2 =	vld [tilespmem:s11+$0xFFFFFFE0];
	[tilespmem:s1+$0x0] =	vst v3  }
0x56: {  	s1 =	sadd.s32 $0x40, s1;
	[tilespmem:s6+$0x10] =	vst v5;
	v3 =	vld [tilespmem:s0+$0xFFFFFFE0]  }
0x57: {  	s8 =	sadd.s32 $0x40, s8;
	v5 =	vld [tilespmem:s0+$0xFFFFFFF0];
	[tilespmem:s1+$0x10] =	vst v0  }
.Ltmp2:
0x58: {  	[tilespmem:s6+$0xFFFFFFF0] =	vst v4;
	v4 =	vld [tilespmem:s8+$0x10];
	(pc) =	sbr.rel @p0 .LBB2_2-.Ltmp2, $4  }
0x59: {  	v0 =	vld [tilespmem:s8+$0xFFFFFFF0];
	[tilespmem:s6+$0x0] =	vst v1  }
0x5a: {  	[tilespmem:s6+$0xFFFFFFE0] =	vst v2;
	v1 =	vld [tilespmem:s8+$0x0]  }
0x5b: {  	v2 =	vld [tilespmem:s8+$0xFFFFFFE0];
	[tilespmem:s1+$0xFFFFFFE0] =	vst v3  }
0x5c: {  	s9 =	sadd.s32 $0x40, s9;
	s11 =	sadd.s32 $0x40, s11;
	[tilespmem:s1+$0xFFFFFFF0] =	vst v5;
	v3 =	vld [tilespmem:s0+$0x0]  }
0x5d: {  	[tilespmem:s9+$0x10] =	vst v4;
	s0 =	sadd.s32 $0x40, s0  }
0x5e: {  	v4 =	vld [tilespmem:s0+$0x10];
	[tilespmem:s9+$0xFFFFFFF0] =	vst v0  }
0x5f: {  	[tilespmem:s9+$0x0] =	vst v1;
	v62 =	vld [tilespmem:s0+$0xFFFFFFF0]  }
0x60: {  	[tilespmem:s9+$0xFFFFFFE0] =	vst v2;
	v63 =	vld [tilespmem:s0+$0x0]  }
0x61: {  	v61 =	vld [tilespmem:s0+$0xFFFFFFE0]  }
0x62: {  	s29 =	sadd.s32 $0x40, s1;
	[tilespmem:s1+$0x0] =	vst v3  }
0x63: {  	[tilespmem:s29+$0x10] =	vst v4  }
0x64: {  	[tilespmem:s29+$0xFFFFFFF0] =	vst v62  }
0x65: {  	[tilespmem:s29+$0x0] =	vst v63  }
0x66: {  	s31 =	simm.s32 $0x0;
	[tilespmem:s29+$0xFFFFFFE0] =	vst v61  }
.LBB2_4:
0x67: {  	_ =	swait.ge [sflag:s7], $0x4000  }
0x68: {  	p0 =	seq.s32 s31, $0x0;
	[sflag:s7] =	ssyncset.done $0x0  }
0x69: {  	s0 =	simm.s32 @!p0 $0x3;
	[sflag:s7] =	ssyncadd.s32 $0xFFFFC000  }
0x6a: {  	s6 =	sand.u32 $0x60, s30;
	_ =	swait.ge @!p0 [sflag:s0], $0x4000  }
0x6b: {  	s1 =	simm.s32 $0x0;
	s8 =	sor.u32 $0x10, s6;
	[sflag:s0] =	ssyncset.done @!p0 $0x0  }
0x6c: {  	s10 =	sor.u32 s1, s8;
	[sflag:s0] =	ssyncadd.s32 @!p0 $0xFFFFC000  }
0x6d: {  	v0 =	vld [tilespmem:s10+$0xC000];
	_ =	sdelay $0x1  }
0x6e: {  	s9 =	sshll.u32 s31, $0xC  }
0x6f: {  	s11 =	simm.s32 $0x0;
	s18 =	sand.u32 $0x1000, s9  }
0x70: {  	s0 =	sor.u32 s18, s11  }
0x71: {  	s8 =	sor.u32 s8, s0  }
0x72: {  	v6 =	vld [tilespmem:s8+$0x6000]  }
0x73: {  	v5 =	vld [tilespmem:s8+$0x8000]  }
0x74: {  	v1 =	vld.idx.msk [tilespmem:v0+s20+$0x0], $0xffff  }
0x75: {  	v2 =	vld.idx.msk [tilespmem:v0+s21+$0x0], $0xffff  }
0x76: {  	v4 =	vld [tilespmem:s8+$0xA000]  }
0x77: {  	v0 =	vld.idx.msk [tilespmem:v0+s22+$0x0], $0xffff;
	_ =	sdelay $0x2  }
0x78: {  	v1 =	vsub.f32 v1, v6;
	v2 =	vsub.f32 v2, v5;
	_ =	sdelay $0x1  }
0x79: {  	v0 =	vsub.f32 v0, v4;
	v1 =	vmul.f32 v1, v1;
	v2 =	vmul.f32 v2, v2;
	_ =	sdelay $0x1  }
0x7a: {  	v0 =	vmul.f32 v0, v0;
	v1 =	vadd.f32 v2, v1;
	_ =	sdelay $0x1  }
0x7b: {  	v0 =	vadd.f32 v0, v1;
	_ =	sdelay $0x1  }
0x7c: {  	v1 =	vshra.s32 v0, $0x1;
	v2 =	vmul.f32 $5.000000000e-01, v0  }
0x7d: {  	v1 =	vsub.s32 $0x5F3759DF, v1  }
0x7e: {  	v2 =	vmul.f32 v1, v2;
	_ =	sdelay $0x1  }
0x7f: {  	v2 =	vmul.f32 v1, v2  }
0x80: {  	v3 =	vld [tilespmem:s10+$0xC080]  }
0x81: {  	v2 =	vsub.f32 $1.500000000e+00, v2;
	_ =	sdelay $0x1  }
0x82: {  	v1 =	vmul.f32 v1, v2;
	_ =	sdelay $0x1  }
0x83: {  	v0 =	vmul.f32 v1, v0;
	_ =	sdelay $0x1  }
0x84: {  	[tilespmem:s10+$0x14000] =	vst v0  }
0x85: {  	v0 =	vld.idx.msk [tilespmem:v3+s20+$0x0], $0xffff  }
0x86: {  	v1 =	vld.idx.msk [tilespmem:v3+s21+$0x0], $0xffff;
	_ =	sdelay $0x1  }
0x87: {  	s1 =	sor.u32 s6, s1;
	v2 =	vld.idx.msk [tilespmem:v3+s22+$0x0], $0xffff  }
0x88: {  	v3 =	vld [tilespmem:s1+$0xC000];
	_ =	sdelay $0x1  }
0x89: {  	v0 =	vsub.f32 v0, v6;
	v1 =	vsub.f32 v1, v5;
	_ =	sdelay $0x1  }
0x8a: {  	v2 =	vsub.f32 v2, v4;
	v0 =	vmul.f32 v0, v0;
	v1 =	vmul.f32 v1, v1  }
0x8b: {  	s0 =	sor.u32 s6, s0  }
0x8c: {  	v26 =	vld [tilespmem:s0+$0x6000];
	v0 =	vadd.f32 v1, v0;
	v1 =	vmul.f32 v2, v2  }
0x8d: {  	v23 =	vld [tilespmem:s0+$0x8000]  }
0x8e: {  	v2 =	vld.idx.msk [tilespmem:v3+s20+$0x0], $0xffff;
	v0 =	vadd.f32 v1, v0  }
0x8f: {  	v1 =	vld.idx.msk [tilespmem:v3+s21+$0x0], $0xffff  }
0x90: {  	v20 =	vld [tilespmem:s0+$0xA000];
	v7 =	vshra.s32 v0, $0x1;
	v8 =	vmul.f32 $5.000000000e-01, v0  }
0x91: {  	v3 =	vld.idx.msk [tilespmem:v3+s22+$0x0], $0xffff;
	v7 =	vsub.s32 $0x5F3759DF, v7  }
0x92: {  	v8 =	vmul.f32 v7, v8  }
0x93: {  	v2 =	vsub.f32 v2, v26  }
0x94: {  	v1 =	vsub.f32 v1, v23;
	v8 =	vmul.f32 v7, v8  }
0x95: {  	v9 =	vld [tilespmem:s10+$0xC100];
	v2 =	vmul.f32 v2, v2  }
0x96: {  	v3 =	vsub.f32 v3, v20;
	v1 =	vmul.f32 v1, v1;
	v8 =	vsub.f32 $1.500000000e+00, v8;
	_ =	sdelay $0x1  }
0x97: {  	v3 =	vmul.f32 v3, v3;
	v1 =	vadd.f32 v1, v2;
	v7 =	vmul.f32 v7, v8;
	_ =	sdelay $0x1  }
0x98: {  	v1 =	vadd.f32 v3, v1;
	v0 =	vmul.f32 v7, v0;
	_ =	sdelay $0x1  }
0x99: {  	v2 =	vshra.s32 v1, $0x1;
	v3 =	vmul.f32 $5.000000000e-01, v1;
	[tilespmem:s10+$0x14080] =	vst v0  }
0x9a: {  	v2 =	vsub.s32 $0x5F3759DF, v2;
	v0 =	vld.idx.msk [tilespmem:v9+s20+$0x0], $0xffff  }
0x9b: {  	v7 =	vld.idx.msk [tilespmem:v9+s21+$0x0], $0xffff;
	v3 =	vmul.f32 v2, v3;
	_ =	sdelay $0x1  }
0x9c: {  	v8 =	vld.idx.msk [tilespmem:v9+s22+$0x0], $0xffff;
	v3 =	vmul.f32 v2, v3;
	_ =	sdelay $0x1  }
0x9d: {  	v11 =	vsub.f32 $1.500000000e+00, v3  }
0x9e: {  	s12 =	simm.s32 $0x20;
	v10 =	vsub.f32 v0, v6;
	v7 =	vsub.f32 v7, v5  }
0x9f: {  	s13 =	sand.u32 $0x60, s12;
	v9 =	vld [tilespmem:s1+$0xC080];
	v2 =	vmul.f32 v2, v11  }
0xa0: {  	s14 =	simm.s32 $0x0;
	s15 =	sor.u32 $0x10, s13;
	v8 =	vsub.f32 v8, v4;
	v10 =	vmul.f32 v10, v10;
	v7 =	vmul.f32 v7, v7  }
0xa1: {  	s11 =	sor.u32 s14, s15  }
0xa2: {  	v8 =	vmul.f32 v8, v8;
	v1 =	vmul.f32 v2, v1;
	v2 =	vld [tilespmem:s11+$0xC000];
	v7 =	vadd.f32 v7, v10;
	_ =	sdelay $0x1  }
0xa3: {  	v11 =	vadd.f32 v8, v7;
	_ =	sdelay $0x1  }
0xa4: {  	v16 =	vld [tilespmem:s10+$0xC180];
	[tilespmem:s1+$0x14000] =	vst v1;
	v7 =	vshra.s32 v11, $0x1;
	v8 =	vmul.f32 $5.000000000e-01, v11  }
0xa5: {  	v1 =	vld.idx.msk [tilespmem:v9+s20+$0x0], $0xffff;
	v12 =	vsub.s32 $0x5F3759DF, v7  }
0xa6: {  	v10 =	vld.idx.msk [tilespmem:v9+s21+$0x0], $0xffff;
	v7 =	vmul.f32 v12, v8  }
0xa7: {  	s9 =	simm.s32 $0x0;
	v9 =	vld.idx.msk [tilespmem:v9+s22+$0x0], $0xffff  }
0xa8: {  	s9 =	sor.u32 s18, s9;
	v17 =	vld.idx.msk [tilespmem:v2+s20+$0x0], $0xffff;
	v8 =	vmul.f32 v12, v7  }
0xa9: {  	s8 =	sor.u32 s15, s9;
	v19 =	vld.idx.msk [tilespmem:v2+s21+$0x0], $0xffff  }
0xaa: {  	v7 =	vld [tilespmem:s8+$0x6000];
	v18 =	vsub.f32 $1.500000000e+00, v8  }
0xab: {  	v1 =	vsub.f32 v1, v26;
	v10 =	vsub.f32 v10, v23;
	v8 =	vld [tilespmem:s8+$0x8000]  }
0xac: {  	v2 =	vld.idx.msk [tilespmem:v2+s22+$0x0], $0xffff;
	v12 =	vmul.f32 v12, v18  }
0xad: {  	v9 =	vsub.f32 v9, v20;
	v1 =	vmul.f32 v1, v1;
	v18 =	vmul.f32 v10, v10;
	v10 =	vld [tilespmem:s8+$0xA000]  }
0xae: {  	v11 =	vmul.f32 v12, v11  }
0xaf: {  	s0 =	sor.u32 s13, s14;
	v9 =	vmul.f32 v9, v9;
	v1 =	vadd.f32 v18, v1  }
0xb0: {  	v18 =	vld [tilespmem:s0+$0xC000];
	v12 =	vsub.f32 v19, v8;
	[tilespmem:s10+$0x14100] =	vst v11;
	v11 =	vsub.f32 v17, v7  }
0xb1: {  	v1 =	vadd.f32 v9, v1;
	v9 =	vld.idx.msk [tilespmem:v16+s20+$0x0], $0xffff  }
0xb2: {  	v17 =	vld.idx.msk [tilespmem:v16+s21+$0x0], $0xffff;
	v2 =	vsub.f32 v2, v10;
	v12 =	vmul.f32 v12, v12;
	v11 =	vmul.f32 v11, v11  }
0xb3: {  	v16 =	vld.idx.msk [tilespmem:v16+s22+$0x0], $0xffff;
	v19 =	vshra.s32 v1, $0x1;
	v21 =	vmul.f32 $5.000000000e-01, v1  }
0xb4: {  	v22 =	vsub.s32 $0x5F3759DF, v19;
	v2 =	vmul.f32 v2, v2;
	v11 =	vadd.f32 v12, v11  }
0xb5: {  	v12 =	vmul.f32 v22, v21  }
0xb6: {  	v15 =	vld [tilespmem:s1+$0xC100];
	s6 =	sor.u32 s13, s9;
	v2 =	vadd.f32 v2, v11  }
0xb7: {  	v19 =	vld [tilespmem:s6+$0x6000];
	v11 =	vmul.f32 v22, v12;
	v9 =	vsub.f32 v9, v6;
	v12 =	vsub.f32 v17, v5  }
0xb8: {  	v21 =	vld.idx.msk [tilespmem:v18+s20+$0x0], $0xffff;
	v16 =	vsub.f32 v16, v4;
	v24 =	vshra.s32 v2, $0x1;
	v27 =	vmul.f32 $5.000000000e-01, v2  }
0xb9: {  	v17 =	vld.idx.msk [tilespmem:v18+s21+$0x0], $0xffff;
	v9 =	vmul.f32 v9, v9;
	v28 =	vmul.f32 v12, v12;
	v24 =	vsub.s32 $0x5F3759DF, v24  }
0xba: {  	v18 =	vld.idx.msk [tilespmem:v18+s22+$0x0], $0xffff;
	v11 =	vsub.f32 $1.500000000e+00, v11;
	v27 =	vmul.f32 v24, v27  }
0xbb: {  	v12 =	vld [tilespmem:s6+$0x8000];
	v16 =	vmul.f32 v16, v16;
	v9 =	vadd.f32 v28, v9  }
0xbc: {  	v22 =	vmul.f32 v22, v11;
	v11 =	vld [tilespmem:s6+$0xA000];
	v27 =	vmul.f32 v24, v27  }
0xbd: {  	v9 =	vadd.f32 v16, v9;
	v16 =	vld [tilespmem:s11+$0xC080]  }
0xbe: {  	v1 =	vmul.f32 v22, v1;
	v22 =	vsub.f32 $1.500000000e+00, v27  }
0xbf: {  	v21 =	vsub.f32 v21, v19;
	v27 =	vshra.s32 v9, $0x1;
	v28 =	vmul.f32 $5.000000000e-01, v9  }
0xc0: {  	v17 =	vsub.f32 v17, v12;
	v27 =	vsub.s32 $0x5F3759DF, v27;
	v22 =	vmul.f32 v24, v22  }
0xc1: {  	v21 =	vmul.f32 v21, v21;
	[tilespmem:s1+$0x14080] =	vst v1;
	v1 =	vmul.f32 v27, v28  }
0xc2: {  	v18 =	vsub.f32 v18, v11;
	v17 =	vmul.f32 v17, v17;
	v24 =	vld.idx.msk [tilespmem:v15+s20+$0x0], $0xffff;
	v2 =	vmul.f32 v22, v2  }
0xc3: {  	v28 =	vld [tilespmem:s10+$0xC200];
	v1 =	vmul.f32 v27, v1  }
0xc4: {  	v18 =	vmul.f32 v18, v18;
	v17 =	vadd.f32 v17, v21;
	v22 =	vld.idx.msk [tilespmem:v15+s21+$0x0], $0xffff;
	[tilespmem:s11+$0x14000] =	vst v2  }
0xc5: {  	v1 =	vsub.f32 $1.500000000e+00, v1;
	v2 =	vld.idx.msk [tilespmem:v16+s20+$0x0], $0xffff  }
0xc6: {  	v18 =	vadd.f32 v18, v17;
	v17 =	vld.idx.msk [tilespmem:v16+s21+$0x0], $0xffff  }
0xc7: {  	v15 =	vld.idx.msk [tilespmem:v15+s22+$0x0], $0xffff;
	v1 =	vmul.f32 v27, v1  }
0xc8: {  	v21 =	vshra.s32 v18, $0x1;
	v16 =	vld.idx.msk [tilespmem:v16+s22+$0x0], $0xffff;
	v27 =	vmul.f32 $5.000000000e-01, v18  }
0xc9: {  	v24 =	vsub.f32 v24, v26;
	v29 =	vsub.s32 $0x5F3759DF, v21;
	v9 =	vmul.f32 v1, v9  }
0xca: {  	v21 =	vsub.f32 v22, v23;
	v22 =	vmul.f32 v29, v27  }
0xcb: {  	v30 =	vld [tilespmem:s0+$0xC080];
	v24 =	vmul.f32 v24, v24;
	[tilespmem:s10+$0x14180] =	vst v9;
	v2 =	vsub.f32 v2, v7;
	v9 =	vsub.f32 v17, v8  }
0xcc: {  	v15 =	vsub.f32 v15, v20;
	v17 =	vmul.f32 v21, v21;
	v21 =	vmul.f32 v29, v22;
	v27 =	vld.idx.msk [tilespmem:v28+s20+$0x0], $0xffff  }
0xcd: {  	v16 =	vsub.f32 v16, v10;
	v22 =	vld.idx.msk [tilespmem:v28+s21+$0x0], $0xffff;
	v2 =	vmul.f32 v2, v2;
	v9 =	vmul.f32 v9, v9  }
0xce: {  	v28 =	vld.idx.msk [tilespmem:v28+s22+$0x0], $0xffff;
	v17 =	vadd.f32 v17, v24;
	v24 =	vsub.f32 $1.500000000e+00, v21  }
0xcf: {  	v31 =	vmul.f32 v15, v15;
	v16 =	vmul.f32 v16, v16;
	v2 =	vadd.f32 v9, v2  }
0xd0: {  	v24 =	vmul.f32 v29, v24  }
0xd1: {  	v29 =	vadd.f32 v31, v17;
	v2 =	vadd.f32 v16, v2  }
0xd2: {  	v16 =	vmul.f32 v24, v18;
	v24 =	vsub.f32 v27, v6;
	v22 =	vsub.f32 v22, v5  }
0xd3: {  	v27 =	vsub.f32 v28, v4;
	v28 =	vshra.s32 v2, $0x1;
	v31 =	vmul.f32 $5.000000000e-01, v2  }
0xd4: {  	[tilespmem:s0+$0x14000] =	vst v16;
	v16 =	vmul.f32 v24, v24;
	v22 =	vmul.f32 v22, v22;
	v24 =	vsub.s32 $0x5F3759DF, v28  }
0xd5: {  	v32 =	vmul.f32 $5.000000000e-01, v29;
	v28 =	vshra.s32 v29, $0x1;
	v33 =	vld.idx.msk [tilespmem:v30+s20+$0x0], $0xffff;
	v31 =	vmul.f32 v24, v31  }
0xd6: {  	v34 =	vld.idx.msk [tilespmem:v30+s21+$0x0], $0xffff;
	v28 =	vsub.s32 $0x5F3759DF, v28;
	v16 =	vadd.f32 v22, v16;
	v22 =	vmul.f32 v27, v27  }
0xd7: {  	v27 =	vmul.f32 v28, v32  }
0xd8: {  	v30 =	vld.idx.msk [tilespmem:v30+s22+$0x0], $0xffff;
	v31 =	vmul.f32 v24, v31;
	v16 =	vadd.f32 v22, v16  }
0xd9: {  	v22 =	vld [tilespmem:s11+$0xC100];
	v27 =	vmul.f32 v28, v27  }
0xda: {  	v31 =	vsub.f32 $1.500000000e+00, v31;
	v44 =	vshra.s32 v16, $0x1;
	v35 =	vmul.f32 $5.000000000e-01, v16  }
0xdb: {  	v43 =	vsub.f32 v33, v19;
	v34 =	vsub.f32 v34, v12;
	v33 =	vsub.s32 $0x5F3759DF, v44  }
0xdc: {  	v24 =	vmul.f32 v24, v31;
	v31 =	vmul.f32 v33, v35  }
0xdd: {  	v30 =	vsub.f32 v30, v11;
	v32 =	vmul.f32 v43, v43;
	v34 =	vmul.f32 v34, v34  }
0xde: {  	v0 =	vld [tilespmem:s1+$0xC180];
	v27 =	vsub.f32 $1.500000000e+00, v27;
	v2 =	vmul.f32 v24, v2  }
0xdf: {  	v30 =	vmul.f32 v30, v30;
	v24 =	vmul.f32 v33, v31;
	v31 =	vadd.f32 v34, v32  }
0xe0: {  	v45 =	vld [tilespmem:s10+$0xC280];
	v27 =	vmul.f32 v28, v27;
	[tilespmem:s11+$0x14080] =	vst v2  }
0xe1: {  	v2 =	vsub.f32 $1.500000000e+00, v24;
	v28 =	vadd.f32 v30, v31;
	v24 =	vld.idx.msk [tilespmem:v22+s20+$0x0], $0xffff  }
0xe2: {  	v27 =	vmul.f32 v27, v29;
	v30 =	vld.idx.msk [tilespmem:v22+s21+$0x0], $0xffff  }
0xe3: {  	v22 =	vld.idx.msk [tilespmem:v22+s22+$0x0], $0xffff;
	v2 =	vmul.f32 v33, v2;
	v29 =	vshra.s32 v28, $0x1;
	v31 =	vmul.f32 $5.000000000e-01, v28  }
0xe4: {  	v29 =	vsub.s32 $0x5F3759DF, v29  }
0xe5: {  	[tilespmem:s1+$0x14100] =	vst v27;
	v2 =	vmul.f32 v2, v16;
	v16 =	vmul.f32 v29, v31  }
0xe6: {  	v27 =	vld.idx.msk [tilespmem:v0+s20+$0x0], $0xffff  }
0xe7: {  	v1 =	vld [tilespmem:s0+$0xC100];
	[tilespmem:s10+$0x14200] =	vst v2;
	v2 =	vsub.f32 v24, v7;
	v24 =	vsub.f32 v30, v8;
	v16 =	vmul.f32 v29, v16  }
0xe8: {  	v22 =	vsub.f32 v22, v10;
	v30 =	vld.idx.msk [tilespmem:v45+s20+$0x0], $0xffff  }
0xe9: {  	v31 =	vld.idx.msk [tilespmem:v45+s21+$0x0], $0xffff;
	v2 =	vmul.f32 v2, v2;
	v24 =	vmul.f32 v24, v24;
	v16 =	vsub.f32 $1.500000000e+00, v16  }
0xea: {  	s16 =	simm.s32 $0x40;
	v32 =	vld.idx.msk [tilespmem:v45+s22+$0x0], $0xffff  }
0xeb: {  	v49 =	vld [tilespmem:s10+$0xC300];
	s6 =	sand.u32 $0x60, s16;
	v22 =	vmul.f32 v22, v22;
	v2 =	vadd.f32 v24, v2;
	v16 =	vmul.f32 v29, v16  }
0xec: {  	s17 =	simm.s32 $0x0;
	s23 =	simm.s32 $0x0;
	s19 =	sor.u32 $0x10, s6;
	v24 =	vld.idx.msk [tilespmem:v0+s21+$0x0], $0xffff  }
0xed: {  	s8 =	sor.u32 s18, s23;
	s15 =	sor.u32 s17, s19;
	v27 =	vsub.f32 v27, v26;
	v0 =	vld.idx.msk [tilespmem:v0+s22+$0x0], $0xffff;
	v2 =	vadd.f32 v22, v2;
	v16 =	vmul.f32 v16, v28  }
0xee: {  	s9 =	sor.u32 s19, s8;
	v22 =	vsub.f32 v30, v6;
	v28 =	vsub.f32 v31, v5;
	v31 =	vld [tilespmem:s15+$0xC000]  }
0xef: {  	v29 =	vsub.f32 v32, v4;
	v32 =	vld [tilespmem:s9+$0xA000];
	v30 =	vshra.s32 v2, $0x1;
	v46 =	vmul.f32 $5.000000000e-01, v2;
	[tilespmem:s0+$0x14080] =	vst v16  }
0xf0: {  	v16 =	vmul.f32 v22, v22;
	v22 =	vmul.f32 v28, v28;
	v28 =	vsub.s32 $0x5F3759DF, v30;
	v47 =	vld.idx.msk [tilespmem:v1+s20+$0x0], $0xffff  }
0xf1: {  	v24 =	vsub.f32 v24, v23;
	v48 =	vld.idx.msk [tilespmem:v1+s21+$0x0], $0xffff;
	v30 =	vmul.f32 v28, v46  }
0xf2: {  	s13 =	sor.u32 s6, s17;
	v27 =	vmul.f32 v27, v27;
	v1 =	vld.idx.msk [tilespmem:v1+s22+$0x0], $0xffff;
	v16 =	vadd.f32 v22, v16;
	v22 =	vmul.f32 v29, v29  }
0xf3: {  	v29 =	vld [tilespmem:s13+$0xC000];
	v24 =	vmul.f32 v24, v24;
	v30 =	vmul.f32 v28, v30  }
0xf4: {  	v0 =	vsub.f32 v0, v20;
	v16 =	vadd.f32 v22, v16;
	v22 =	vld [tilespmem:s11+$0xC180]  }
0xf5: {  	v24 =	vadd.f32 v24, v27;
	v27 =	vld [tilespmem:s9+$0x6000];
	v30 =	vsub.f32 $1.500000000e+00, v30  }
0xf6: {  	v0 =	vmul.f32 v0, v0;
	v50 =	vshra.s32 v16, $0x1;
	v36 =	vmul.f32 $5.000000000e-01, v16;
	v38 =	vld.idx.msk [tilespmem:v31+s20+$0x0], $0xffff  }
0xf7: {  	v51 =	vld.idx.msk [tilespmem:v31+s21+$0x0], $0xffff;
	v37 =	vsub.s32 $0x5F3759DF, v50;
	v28 =	vmul.f32 v28, v30  }
0xf8: {  	v31 =	vld.idx.msk [tilespmem:v31+s22+$0x0], $0xffff;
	v1 =	vsub.f32 v1, v11;
	v0 =	vadd.f32 v0, v24;
	v24 =	vmul.f32 v37, v36  }
0xf9: {  	s6 =	sor.u32 s6, s8;
	v30 =	vld [tilespmem:s9+$0x8000];
	v2 =	vmul.f32 v28, v2  }
0xfa: {  	v58 =	vmul.f32 v1, v1;
	v1 =	vld [tilespmem:s6+$0x6000];
	v24 =	vmul.f32 v37, v24  }
0xfb: {  	v39 =	vmul.f32 $5.000000000e-01, v0;
	v28 =	vshra.s32 v0, $0x1;
	v54 =	vld.idx.msk [tilespmem:v29+s20+$0x0], $0xffff;
	[tilespmem:s11+$0x14100] =	vst v2  }
0xfc: {  	v28 =	vsub.s32 $0x5F3759DF, v28;
	v24 =	vsub.f32 $1.500000000e+00, v24;
	v52 =	vld.idx.msk [tilespmem:v22+s20+$0x0], $0xffff  }
0xfd: {  	v33 =	vsub.f32 v47, v19;
	v2 =	vmul.f32 v28, v39;
	v40 =	vld.idx.msk [tilespmem:v22+s21+$0x0], $0xffff  }
0xfe: {  	v36 =	vsub.f32 v51, v30;
	v24 =	vmul.f32 v37, v24  }
0xff: {  	v33 =	vmul.f32 v33, v33;
	v53 =	vsub.f32 v38, v27;
	v22 =	vld.idx.msk [tilespmem:v22+s22+$0x0], $0xffff;
	v2 =	vmul.f32 v28, v2  }
0x100: {  	v34 =	vsub.f32 v48, v12;
	v36 =	vmul.f32 v36, v36;
	v16 =	vmul.f32 v24, v16  }
0x101: {  	v37 =	vsub.f32 v54, v1;
	v24 =	vsub.f32 v31, v32;
	v31 =	vmul.f32 v53, v53  }
0x102: {  	v3 =	vld [tilespmem:s1+$0xC200];
	v34 =	vmul.f32 v34, v34;
	[tilespmem:s10+$0x14280] =	vst v16;
	v16 =	vsub.f32 v52, v7;
	v55 =	vsub.f32 v40, v8  }
0x103: {  	v59 =	vld.idx.msk [tilespmem:v29+s21+$0x0], $0xffff;
	v2 =	vsub.f32 $1.500000000e+00, v2;
	v31 =	vadd.f32 v36, v31;
	v24 =	vmul.f32 v24, v24  }
0x104: {  	v29 =	vld.idx.msk [tilespmem:v29+s22+$0x0], $0xffff;
	v22 =	vsub.f32 v22, v10;
	v16 =	vmul.f32 v16, v16;
	v38 =	vmul.f32 v55, v55  }
0x105: {  	v33 =	vadd.f32 v34, v33;
	v37 =	vmul.f32 v37, v37;
	v56 =	vld.idx.msk [tilespmem:v49+s20+$0x0], $0xffff;
	v31 =	vadd.f32 v24, v31  }
0x106: {  	v57 =	vld.idx.msk [tilespmem:v49+s21+$0x0], $0xffff;
	v24 =	vmul.f32 v28, v2;
	v22 =	vmul.f32 v22, v22;
	v16 =	vadd.f32 v38, v16  }
0x107: {  	v28 =	vadd.f32 v58, v33;
	v2 =	vld [tilespmem:s6+$0x8000];
	v60 =	vshra.s32 v31, $0x1;
	v61 =	vmul.f32 $5.000000000e-01, v31  }
0x108: {  	v35 =	vld.idx.msk [tilespmem:v49+s22+$0x0], $0xffff;
	v24 =	vmul.f32 v24, v0;
	v33 =	vsub.s32 $0x5F3759DF, v60;
	v16 =	vadd.f32 v22, v16  }
0x109: {  	v62 =	vmul.f32 $5.000000000e-01, v28;
	v0 =	vld [tilespmem:s6+$0xA000];
	v34 =	vmul.f32 v33, v61  }
0x10a: {  	v39 =	vsub.f32 v56, v6;
	v41 =	vshra.s32 v16, $0x1;
	v42 =	vmul.f32 $5.000000000e-01, v16  }
0x10b: {  	v36 =	vsub.f32 v57, v5;
	v34 =	vmul.f32 v33, v34;
	v41 =	vsub.s32 $0x5F3759DF, v41  }
0x10c: {  	v43 =	vld [tilespmem:s15+$0xC080];
	v22 =	vshra.s32 v28, $0x1;
	v40 =	vsub.f32 v59, v2;
	v42 =	vmul.f32 v41, v42  }
0x10d: {  	v14 =	vld [tilespmem:s1+$0xC280];
	v39 =	vmul.f32 v39, v39;
	v36 =	vmul.f32 v36, v36;
	v34 =	vsub.f32 $1.500000000e+00, v34  }
0x10e: {  	v13 =	vld [tilespmem:s1+$0xC300];
	v35 =	vsub.f32 v35, v4;
	v29 =	vsub.f32 v29, v0;
	v42 =	vmul.f32 v41, v42  }
0x10f: {  	v63 =	vld [tilespmem:s11+$0xC200];
	v40 =	vmul.f32 v40, v40;
	v36 =	vadd.f32 v36, v39;
	v33 =	vmul.f32 v33, v34  }
0x110: {  	v25 =	vld [tilespmem:s1+$0xC380];
	[tilespmem:s1+$0x14180] =	vst v24;
	v39 =	vsub.s32 $0x5F3759DF, v22;
	v29 =	vmul.f32 v29, v29;
	v42 =	vsub.f32 $1.500000000e+00, v42  }
0x111: {  	v49 =	vld.idx.msk [tilespmem:v3+s21+$0x0], $0xffff;
	v37 =	vadd.f32 v40, v37;
	v48 =	vmul.f32 v39, v62;
	v31 =	vmul.f32 v33, v31  }
0x112: {  	v35 =	vmul.f32 v35, v35;
	v22 =	vld.idx.msk [tilespmem:v3+s20+$0x0], $0xffff;
	v47 =	vmul.f32 v41, v42  }
0x113: {  	v29 =	vadd.f32 v29, v37;
	v37 =	vmul.f32 v39, v48;
	v48 =	vld.idx.msk [tilespmem:v3+s22+$0x0], $0xffff;
	[tilespmem:s15+$0x14000] =	vst v31  }
0x114: {  	v31 =	vld.idx.msk [tilespmem:v43+s20+$0x0], $0xffff;
	v16 =	vmul.f32 v47, v16  }
0x115: {  	v35 =	vadd.f32 v35, v36;
	v54 =	vld.idx.msk [tilespmem:v43+s21+$0x0], $0xffff  }
0x116: {  	v38 =	vsub.f32 v49, v23;
	v50 =	vshra.s32 v29, $0x1;
	v51 =	vmul.f32 $5.000000000e-01, v29;
	v43 =	vld.idx.msk [tilespmem:v43+s22+$0x0], $0xffff;
	[tilespmem:s11+$0x14180] =	vst v16  }
0x117: {  	v52 =	vshra.s32 v35, $0x1;
	v53 =	vmul.f32 $5.000000000e-01, v35;
	v33 =	vsub.s32 $0x5F3759DF, v50;
	v56 =	vld.idx.msk [tilespmem:v63+s20+$0x0], $0xffff  }
0x118: {  	v38 =	vmul.f32 v38, v38;
	v40 =	vsub.s32 $0x5F3759DF, v52;
	v16 =	vmul.f32 v33, v51;
	v46 =	vld.idx.msk [tilespmem:v63+s21+$0x0], $0xffff  }
0x119: {  	v37 =	vsub.f32 $1.500000000e+00, v37;
	v55 =	vmul.f32 v40, v53;
	v47 =	vsub.f32 v22, v26  }
0x11a: {  	v34 =	vld.idx.msk [tilespmem:v63+s22+$0x0], $0xffff;
	v45 =	vmul.f32 v33, v16;
	v31 =	vsub.f32 v31, v27;
	v42 =	vsub.f32 v54, v30  }
0x11b: {  	v44 =	vld [tilespmem:s13+$0xC080];
	v37 =	vmul.f32 v39, v37;
	v60 =	vsub.f32 v48, v20;
	v43 =	vsub.f32 v43, v32  }
0x11c: {  	v45 =	vsub.f32 $1.500000000e+00, v45;
	v31 =	vmul.f32 v31, v31;
	v3 =	vmul.f32 v42, v42  }
0x11d: {  	v36 =	vmul.f32 v40, v55;
	v41 =	vsub.f32 v56, v7;
	v58 =	vsub.f32 v46, v8  }
0x11e: {  	v15 =	vld [tilespmem:s0+$0xC200];
	v43 =	vmul.f32 v43, v43;
	v57 =	vmul.f32 v33, v45;
	v31 =	vadd.f32 v3, v31  }
0x11f: {  	v21 =	vld [tilespmem:s0+$0xC180];
	v34 =	vsub.f32 v34, v10;
	v41 =	vmul.f32 v41, v41;
	v45 =	vmul.f32 v58, v58  }
0x120: {  	v59 =	vld [tilespmem:s10+$0xC380];
	v28 =	vmul.f32 v37, v28;
	v42 =	vmul.f32 v57, v29;
	v31 =	vadd.f32 v43, v31  }
0x121: {  	v9 =	vld [tilespmem:s0+$0xC280];
	v36 =	vsub.f32 $1.500000000e+00, v36;
	v34 =	vmul.f32 v34, v34;
	v41 =	vadd.f32 v45, v41  }
0x122: {  	v17 =	vld [tilespmem:s0+$0xC300];
	v47 =	vmul.f32 v47, v47;
	[tilespmem:s13+$0x14000] =	vst v42;
	v43 =	vshra.s32 v31, $0x1;
	v61 =	vmul.f32 $5.000000000e-01, v31  }
0x123: {  	v36 =	vmul.f32 v40, v36;
	v42 =	vld.idx.msk [tilespmem:v44+s20+$0x0], $0xffff;
	v43 =	vsub.s32 $0x5F3759DF, v43;
	v34 =	vadd.f32 v34, v41  }
0x124: {  	v38 =	vadd.f32 v38, v47;
	v40 =	vmul.f32 v60, v60;
	v62 =	vld.idx.msk [tilespmem:v44+s21+$0x0], $0xffff;
	v63 =	vmul.f32 v43, v61  }
0x125: {  	v35 =	vmul.f32 v36, v35;
	v48 =	vld.idx.msk [tilespmem:v44+s22+$0x0], $0xffff;
	v49 =	vshra.s32 v34, $0x1;
	v50 =	vmul.f32 $5.000000000e-01, v34  }
0x126: {  	v18 =	vld [tilespmem:s0+$0xC380];
	v38 =	vadd.f32 v40, v38;
	v41 =	vmul.f32 v43, v63;
	v39 =	vsub.s32 $0x5F3759DF, v49  }
0x127: {  	v53 =	vld [tilespmem:s15+$0xC100];
	[tilespmem:s10+$0x14300] =	vst v35;
	v44 =	vmul.f32 v39, v50  }
0x128: {  	[tilespmem:s0+$0x14100] =	vst v28;
	v55 =	vshra.s32 v38, $0x1;
	v28 =	vmul.f32 $5.000000000e-01, v38;
	v51 =	vld.idx.msk [tilespmem:v59+s20+$0x0], $0xffff;
	v41 =	vsub.f32 $1.500000000e+00, v41  }
0x129: {  	v54 =	vld.idx.msk [tilespmem:v59+s21+$0x0], $0xffff;
	v52 =	vsub.f32 v42, v1;
	v36 =	vsub.f32 v62, v2;
	v44 =	vmul.f32 v39, v44  }
0x12a: {  	v56 =	vld [tilespmem:s11+$0xC280];
	v47 =	vsub.s32 $0x5F3759DF, v55;
	v35 =	vsub.f32 v48, v0;
	v41 =	vmul.f32 v43, v41  }
0x12b: {  	v46 =	vld.idx.msk [tilespmem:v59+s22+$0x0], $0xffff;
	v37 =	vmul.f32 v52, v52;
	v36 =	vmul.f32 v36, v36;
	v57 =	vsub.f32 $1.500000000e+00, v44  }
0x12c: {  	v60 =	vld.idx.msk [tilespmem:v21+s22+$0x0], $0xffff;
	v28 =	vmul.f32 v47, v28;
	v31 =	vmul.f32 v41, v31  }
0x12d: {  	v59 =	vld.idx.msk [tilespmem:v21+s21+$0x0], $0xffff;
	v35 =	vmul.f32 v35, v35;
	v36 =	vadd.f32 v36, v37;
	v39 =	vmul.f32 v39, v57  }
0x12e: {  	v58 =	vld.idx.msk [tilespmem:v21+s20+$0x0], $0xffff;
	v6 =	vsub.f32 v51, v6;
	v5 =	vsub.f32 v54, v5;
	[tilespmem:s15+$0x14080] =	vst v31  }
0x12f: {  	v28 =	vmul.f32 v47, v28;
	v35 =	vadd.f32 v35, v36;
	v31 =	vld.idx.msk [tilespmem:v53+s20+$0x0], $0xffff;
	v21 =	vmul.f32 v39, v34  }
0x130: {  	v4 =	vsub.f32 v46, v4;
	v6 =	vmul.f32 v6, v6;
	v5 =	vmul.f32 v5, v5;
	v62 =	vld.idx.msk [tilespmem:v53+s21+$0x0], $0xffff  }
0x131: {  	v28 =	vsub.f32 $1.500000000e+00, v28;
	v63 =	vld.idx.msk [tilespmem:v53+s22+$0x0], $0xffff;
	v61 =	vshra.s32 v35, $0x1;
	v36 =	vmul.f32 $5.000000000e-01, v35;
	[tilespmem:s11+$0x14200] =	vst v21  }
0x132: {  	v4 =	vmul.f32 v4, v4;
	v5 =	vadd.f32 v5, v6;
	v6 =	vsub.s32 $0x5F3759DF, v61;
	v48 =	vld.idx.msk [tilespmem:v56+s20+$0x0], $0xffff  }
0x133: {  	v36 =	vmul.f32 v6, v36;
	v50 =	vld.idx.msk [tilespmem:v56+s21+$0x0], $0xffff  }
0x134: {  	v49 =	vsub.f32 v58, v19;
	v21 =	vadd.f32 v4, v5;
	v5 =	vmul.f32 v47, v28  }
0x135: {  	s26 =	simm.s32 $0x60;
	v51 =	vld.idx.msk [tilespmem:v56+s22+$0x0], $0xffff;
	v4 =	vmul.f32 v6, v36;
	v31 =	vsub.f32 v31, v27;
	v39 =	vsub.f32 v62, v30  }
0x136: {  	s6 =	sand.u32 $0x60, s26;
	v37 =	vsub.f32 v59, v12;
	v5 =	vmul.f32 v5, v38;
	v34 =	vsub.f32 v63, v32  }
0x137: {  	s28 =	simm.s32 $0x0;
	s12 =	sor.u32 $0x10, s6;
	v4 =	vsub.f32 $1.500000000e+00, v4;
	v31 =	vmul.f32 v31, v31;
	v52 =	vmul.f32 v39, v39  }
0x138: {  	s16 =	sor.u32 s28, s12;
	v53 =	vsub.f32 v48, v7;
	v54 =	vsub.f32 v50, v8  }
0x139: {  	v36 =	vld [tilespmem:s16+$0xC000];
	[tilespmem:s1+$0x14200] =	vst v5;
	v4 =	vmul.f32 v6, v4;
	v5 =	vadd.f32 v52, v31;
	v6 =	vmul.f32 v34, v34  }
0x13a: {  	v24 =	vld [tilespmem:s13+$0xC100];
	v55 =	vsub.f32 v51, v10;
	v56 =	vmul.f32 v53, v53;
	v57 =	vmul.f32 v54, v54  }
0x13b: {  	v40 =	vsub.f32 v60, v11;
	v37 =	vmul.f32 v37, v37;
	v5 =	vadd.f32 v6, v5  }
0x13c: {  	v28 =	vmul.f32 v49, v49;
	v59 =	vld.idx.msk [tilespmem:v14+s21+$0x0], $0xffff;
	v34 =	vmul.f32 v55, v55;
	v6 =	vadd.f32 v57, v56  }
0x13d: {  	v45 =	vld [tilespmem:s11+$0xC300];
	v58 =	vmul.f32 v40, v40;
	v60 =	vshra.s32 v5, $0x1;
	v61 =	vmul.f32 $5.000000000e-01, v5  }
0x13e: {  	v28 =	vadd.f32 v37, v28;
	v31 =	vld.idx.msk [tilespmem:v14+s20+$0x0], $0xffff;
	v37 =	vsub.s32 $0x5F3759DF, v60;
	v6 =	vadd.f32 v34, v6  }
0x13f: {  	v14 =	vld.idx.msk [tilespmem:v14+s22+$0x0], $0xffff;
	v4 =	vmul.f32 v4, v35;
	v40 =	vmul.f32 v37, v61  }
0x140: {  	v28 =	vadd.f32 v58, v28;
	v57 =	vld [tilespmem:s15+$0xC180];
	v53 =	vshra.s32 v6, $0x1;
	v54 =	vmul.f32 $5.000000000e-01, v6  }
0x141: {  	[tilespmem:s13+$0x14080] =	vst v4;
	v35 =	vsub.f32 v59, v23;
	v59 =	vld.idx.msk [tilespmem:v36+s20+$0x0], $0xffff;
	v55 =	vmul.f32 v37, v40;
	v43 =	vsub.s32 $0x5F3759DF, v53  }
0x142: {  	v4 =	vld.idx.msk [tilespmem:v24+s20+$0x0], $0xffff;
	v56 =	vmul.f32 v43, v54  }
0x143: {  	s29 =	simm.s32 $0x0;
	v63 =	vmul.f32 $5.000000000e-01, v28;
	v52 =	vld.idx.msk [tilespmem:v24+s21+$0x0], $0xffff;
	v31 =	vsub.f32 v31, v26;
	v34 =	vsub.f32 $1.500000000e+00, v55  }
0x144: {  	s8 =	sor.u32 s18, s29;
	v24 =	vld.idx.msk [tilespmem:v24+s22+$0x0], $0xffff;
	v14 =	vsub.f32 v14, v20;
	v35 =	vmul.f32 v35, v35;
	v40 =	vmul.f32 v43, v56  }
0x145: {  	s12 =	sor.u32 s12, s8;
	v62 =	vshra.s32 v28, $0x1;
	v60 =	vld.idx.msk [tilespmem:v36+s21+$0x0], $0xffff;
	v58 =	vmul.f32 v31, v31;
	v37 =	vmul.f32 v37, v34  }
0x146: {  	v46 =	vsub.s32 $0x5F3759DF, v62;
	v31 =	vld [tilespmem:s12+$0x6000];
	v14 =	vmul.f32 v14, v14;
	v40 =	vsub.f32 $1.500000000e+00, v40  }
0x147: {  	v35 =	vadd.f32 v35, v58;
	v4 =	vsub.f32 v4, v1;
	v34 =	vld [tilespmem:s12+$0x8000];
	v5 =	vmul.f32 v37, v5  }
0x148: {  	v41 =	vmul.f32 v46, v63;
	v36 =	vld.idx.msk [tilespmem:v36+s22+$0x0], $0xffff;
	v42 =	vsub.f32 v52, v2;
	v61 =	vmul.f32 v43, v40  }
0x149: {  	v24 =	vsub.f32 v24, v0;
	v14 =	vadd.f32 v14, v35;
	v35 =	vld [tilespmem:s12+$0xA000];
	v4 =	vmul.f32 v4, v4;
	[tilespmem:s15+$0x14100] =	vst v5  }
0x14a: {  	v42 =	vmul.f32 v42, v42;
	v53 =	vld.idx.msk [tilespmem:v57+s20+$0x0], $0xffff;
	v5 =	vmul.f32 v61, v6  }
0x14b: {  	v54 =	vsub.f32 v59, v31;
	v24 =	vmul.f32 v24, v24;
	v51 =	vshra.s32 v14, $0x1;
	v55 =	vld.idx.msk [tilespmem:v57+s21+$0x0], $0xffff  }
0x14c: {  	v52 =	vmul.f32 $5.000000000e-01, v14;
	v4 =	vadd.f32 v42, v4;
	v47 =	vsub.f32 v60, v34;
	v44 =	vld.idx.msk [tilespmem:v57+s22+$0x0], $0xffff;
	[tilespmem:s11+$0x14280] =	vst v5  }
0x14d: {  	v62 =	vmul.f32 v46, v41;
	v42 =	vmul.f32 v54, v54;
	v6 =	vsub.s32 $0x5F3759DF, v51;
	v5 =	vld.idx.msk [tilespmem:v45+s20+$0x0], $0xffff  }
0x14e: {  	s19 =	sor.u32 s6, s28;
	v24 =	vadd.f32 v24, v4;
	v43 =	vmul.f32 v6, v52;
	v47 =	vmul.f32 v47, v47;
	v4 =	vld.idx.msk [tilespmem:v45+s21+$0x0], $0xffff  }
0x14f: {  	v63 =	vld [tilespmem:s19+$0xC000];
	v40 =	vsub.f32 $1.500000000e+00, v62  }
0x150: {  	v36 =	vsub.f32 v36, v35;
	v43 =	vmul.f32 v6, v43;
	v42 =	vadd.f32 v47, v42;
	v45 =	vld.idx.msk [tilespmem:v45+s22+$0x0], $0xffff  }
0x151: {  	v37 =	vsub.f32 v53, v27;
	v58 =	vsub.f32 v55, v30  }
0x152: {  	v22 =	vld [tilespmem:s13+$0xC200];
	v36 =	vmul.f32 v36, v36;
	v44 =	vsub.f32 v44, v32;
	v43 =	vsub.f32 $1.500000000e+00, v43  }
0x153: {  	v16 =	vld [tilespmem:s13+$0xC180];
	v40 =	vmul.f32 v46, v40;
	v5 =	vsub.f32 v5, v7;
	v49 =	vsub.f32 v4, v8  }
0x154: {  	v33 =	vld [tilespmem:s13+$0xC280];
	v36 =	vadd.f32 v36, v42;
	v37 =	vmul.f32 v37, v37;
	v42 =	vmul.f32 v58, v58  }
0x155: {  	v3 =	vld [tilespmem:s13+$0xC380];
	v45 =	vsub.f32 v45, v10;
	v51 =	vmul.f32 v5, v5;
	v49 =	vmul.f32 v49, v49  }
0x156: {  	v29 =	vld [tilespmem:s13+$0xC300];
	v60 =	vshra.s32 v36, $0x1;
	v52 =	vmul.f32 $5.000000000e-01, v36;
	v6 =	vmul.f32 v6, v43  }
0x157: {  	v50 =	vld.idx.msk [tilespmem:v63+s21+$0x0], $0xffff;
	v43 =	vsub.s32 $0x5F3759DF, v60;
	v45 =	vmul.f32 v45, v45;
	v62 =	vadd.f32 v49, v51  }
0x158: {  	s6 =	sor.u32 s6, s8;
	v59 =	vld.idx.msk [tilespmem:v63+s20+$0x0], $0xffff;
	v56 =	vshra.s32 v24, $0x1;
	v57 =	vmul.f32 $5.000000000e-01, v24;
	v48 =	vmul.f32 v43, v52  }
0x159: {  	v61 =	vmul.f32 v44, v44;
	v4 =	vld [tilespmem:s6+$0x6000];
	v37 =	vadd.f32 v42, v37;
	v44 =	vadd.f32 v45, v62  }
0x15a: {  	v28 =	vmul.f32 v40, v28;
	v40 =	vsub.s32 $0x5F3759DF, v56;
	v5 =	vld [tilespmem:s6+$0x8000];
	v56 =	vmul.f32 v43, v48  }
0x15b: {  	v41 =	vld.idx.msk [tilespmem:v63+s22+$0x0], $0xffff;
	v37 =	vadd.f32 v61, v37;
	v60 =	vshra.s32 v44, $0x1;
	v61 =	vmul.f32 $5.000000000e-01, v44  }
0x15c: {  	[tilespmem:s0+$0x14180] =	vst v28;
	v28 =	vld [tilespmem:s16+$0xC080];
	v42 =	vmul.f32 v40, v57;
	v45 =	vsub.f32 $1.500000000e+00, v56;
	v51 =	vsub.s32 $0x5F3759DF, v60  }
0x15d: {  	v53 =	vld.idx.msk [tilespmem:v15+s20+$0x0], $0xffff;
	v14 =	vmul.f32 v6, v14;
	v57 =	vshra.s32 v37, $0x1;
	v52 =	vmul.f32 v51, v61  }
0x15e: {  	v54 =	vld.idx.msk [tilespmem:v15+s21+$0x0], $0xffff;
	v63 =	vsub.f32 v59, v4;
	v59 =	vmul.f32 $5.000000000e-01, v37;
	v43 =	vmul.f32 v43, v45  }
0x15f: {  	v6 =	vld [tilespmem:s6+$0xA000];
	v47 =	vsub.s32 $0x5F3759DF, v57;
	v58 =	vsub.f32 v50, v5;
	v52 =	vmul.f32 v51, v52  }
0x160: {  	v38 =	vshra.s32 v21, $0x1;
	[tilespmem:s1+$0x14280] =	vst v14;
	v50 =	vmul.f32 v47, v59;
	v14 =	vmul.f32 v43, v36;
	v43 =	vld [tilespmem:s11+$0xC380]  }
0x161: {  	v15 =	vld.idx.msk [tilespmem:v15+s22+$0x0], $0xffff;
	v46 =	vmul.f32 v63, v63;
	v49 =	vmul.f32 v58, v58;
	v57 =	vsub.f32 $1.500000000e+00, v52  }
0x162: {  	v38 =	vsub.s32 $0x5F3759DF, v38;
	v39 =	vmul.f32 $5.000000000e-01, v21;
	v48 =	vld [tilespmem:s19+$0xC080];
	v56 =	vmul.f32 v40, v42  }
0x163: {  	v42 =	vld.idx.msk [tilespmem:v13+s20+$0x0], $0xffff;
	v62 =	vmul.f32 v47, v50;
	v55 =	vadd.f32 v49, v46;
	v46 =	vmul.f32 v51, v57  }
0x164: {  	v39 =	vmul.f32 v38, v39;
	v41 =	vsub.f32 v41, v6;
	v50 =	vld [tilespmem:s15+$0xC200]  }
0x165: {  	v63 =	vsub.f32 $1.500000000e+00, v62;
	v49 =	vld.idx.msk [tilespmem:v13+s21+$0x0], $0xffff;
	v44 =	vmul.f32 v46, v44  }
0x166: {  	v39 =	vmul.f32 v38, v39;
	v41 =	vmul.f32 v41, v41;
	v13 =	vld.idx.msk [tilespmem:v13+s22+$0x0], $0xffff;
	[tilespmem:s16+$0x14000] =	vst v14  }
0x167: {  	v14 =	vmul.f32 v47, v63;
	v60 =	vld.idx.msk [tilespmem:v28+s20+$0x0], $0xffff;
	[tilespmem:s11+$0x14300] =	vst v44  }
0x168: {  	v39 =	vsub.f32 $1.500000000e+00, v39;
	v41 =	vadd.f32 v41, v55;
	v44 =	vld.idx.msk [tilespmem:v43+s20+$0x0], $0xffff  }
0x169: {  	v61 =	vld.idx.msk [tilespmem:v28+s21+$0x0], $0xffff;
	v14 =	vmul.f32 v14, v37  }
0x16a: {  	v38 =	vmul.f32 v38, v39;
	v59 =	vsub.f32 v54, v12;
	v28 =	vld.idx.msk [tilespmem:v28+s22+$0x0], $0xffff;
	v62 =	vshra.s32 v41, $0x1  }
0x16b: {  	v63 =	vmul.f32 $5.000000000e-01, v41;
	v47 =	vsub.f32 v49, v23;
	v49 =	vsub.f32 v13, v20;
	v13 =	vld [tilespmem:s19+$0xC100];
	[tilespmem:s15+$0x14180] =	vst v14  }
0x16c: {  	v36 =	vmul.f32 v38, v21;
	v37 =	vsub.s32 $0x5F3759DF, v62;
	v21 =	vld.idx.msk [tilespmem:v50+s20+$0x0], $0xffff  }
0x16d: {  	v45 =	vmul.f32 v59, v59;
	v14 =	vmul.f32 v37, v63;
	v59 =	vld.idx.msk [tilespmem:v50+s21+$0x0], $0xffff;
	v7 =	vsub.f32 v44, v7  }
0x16e: {  	v52 =	vsub.f32 $1.500000000e+00, v56;
	v55 =	vld.idx.msk [tilespmem:v43+s21+$0x0], $0xffff  }
0x16f: {  	v14 =	vmul.f32 v37, v14;
	v51 =	vmul.f32 v7, v7;
	v7 =	vld [tilespmem:s19+$0xC300]  }
0x170: {  	v38 =	vmul.f32 v40, v52;
	v56 =	vsub.f32 v60, v31;
	v50 =	vld.idx.msk [tilespmem:v50+s22+$0x0], $0xffff  }
0x171: {  	v57 =	vsub.f32 v61, v34;
	v14 =	vsub.f32 $1.500000000e+00, v14;
	v60 =	vld.idx.msk [tilespmem:v43+s22+$0x0], $0xffff  }
0x172: {  	v58 =	vsub.f32 v53, v19;
	v24 =	vmul.f32 v38, v24;
	v38 =	vld [tilespmem:s19+$0xC180];
	v61 =	vmul.f32 v56, v56  }
0x173: {  	v28 =	vsub.f32 v28, v35;
	v62 =	vmul.f32 v57, v57;
	v14 =	vmul.f32 v37, v14;
	v37 =	vld [tilespmem:s19+$0xC200]  }
0x174: {  	v63 =	vsub.f32 v21, v27;
	v21 =	vld [tilespmem:s19+$0xC280];
	v8 =	vsub.f32 v55, v8;
	[tilespmem:$0x1FFB0] =	vst v7  }
0x175: {  	v53 =	vmul.f32 v58, v58;
	v28 =	vmul.f32 v28, v28;
	v43 =	vadd.f32 v62, v61;
	v7 =	vld [tilespmem:s19+$0xC380]  }
0x176: {  	v58 =	vsub.f32 v42, v26;
	v10 =	vsub.f32 v60, v10;
	v52 =	vmul.f32 v8, v8  }
0x177: {  	v15 =	vsub.f32 v15, v11;
	v28 =	vadd.f32 v28, v43  }
0x178: {  	v40 =	vmul.f32 v58, v58;
	v10 =	vmul.f32 v10, v10;
	v39 =	vadd.f32 v52, v51  }
0x179: {  	v14 =	vmul.f32 v14, v41;
	v57 =	vshra.s32 v28, $0x1;
	v58 =	vmul.f32 $5.000000000e-01, v28  }
0x17a: {  	v42 =	vsub.f32 v59, v30;
	v10 =	vadd.f32 v10, v39;
	v39 =	vsub.s32 $0x5F3759DF, v57;
	[tilespmem:$0x1FFC0] =	vst v7  }
0x17b: {  	v15 =	vmul.f32 v15, v15;
	v54 =	vadd.f32 v45, v53;
	v45 =	vmul.f32 v39, v58;
	[tilespmem:s19+$0x14000] =	vst v14  }
0x17c: {  	v53 =	vsub.f32 v50, v32;
	v41 =	vmul.f32 v63, v63;
	v42 =	vmul.f32 v42, v42;
	v56 =	vld.idx.msk [tilespmem:v48+s20+$0x0], $0xffff  }
0x17d: {  	v45 =	vmul.f32 v39, v45;
	[tilespmem:s13+$0x14100] =	vst v24;
	v24 =	vld.idx.msk [tilespmem:v48+s21+$0x0], $0xffff  }
0x17e: {  	v15 =	vadd.f32 v15, v54;
	v54 =	vmul.f32 v53, v53;
	v14 =	vadd.f32 v42, v41;
	v59 =	vld.idx.msk [tilespmem:v16+s20+$0x0], $0xffff  }
0x17f: {  	v61 =	vshra.s32 v10, $0x1;
	v58 =	vmul.f32 $5.000000000e-01, v10;
	v45 =	vsub.f32 $1.500000000e+00, v45;
	v60 =	vld.idx.msk [tilespmem:v48+s22+$0x0], $0xffff  }
0x180: {  	v55 =	vshra.s32 v15, $0x1;
	v57 =	vld.idx.msk [tilespmem:v16+s21+$0x0], $0xffff;
	v48 =	vsub.s32 $0x5F3759DF, v61;
	v14 =	vadd.f32 v54, v14  }
0x181: {  	v39 =	vmul.f32 v39, v45;
	v42 =	vsub.s32 $0x5F3759DF, v55;
	v16 =	vld.idx.msk [tilespmem:v16+s22+$0x0], $0xffff;
	v53 =	vmul.f32 v48, v58  }
0x182: {  	v41 =	vmul.f32 $5.000000000e-01, v15;
	v54 =	vld [tilespmem:s16+$0xC100];
	v62 =	vshra.s32 v14, $0x1;
	v63 =	vmul.f32 $5.000000000e-01, v14  }
0x183: {  	v53 =	vmul.f32 v48, v53;
	v50 =	vsub.s32 $0x5F3759DF, v62;
	v43 =	vsub.f32 v56, v4  }
0x184: {  	v51 =	vmul.f32 v50, v63;
	v24 =	vsub.f32 v24, v5;
	v44 =	vsub.f32 v59, v1  }
0x185: {  	v28 =	vmul.f32 v39, v28;
	v46 =	vsub.f32 v60, v6;
	v52 =	vsub.f32 v57, v2  }
0x186: {  	v59 =	vmul.f32 v42, v41;
	v60 =	vsub.f32 $1.500000000e+00, v53;
	v51 =	vmul.f32 v50, v51  }
0x187: {  	v45 =	vld [tilespmem:s15+$0xC280];
	v16 =	vsub.f32 v16, v0;
	v43 =	vmul.f32 v43, v43;
	v24 =	vmul.f32 v24, v24  }
0x188: {  	v46 =	vmul.f32 v46, v46;
	v44 =	vmul.f32 v44, v44;
	v51 =	vsub.f32 $1.500000000e+00, v51  }
0x189: {  	[tilespmem:s16+$0x14080] =	vst v28;
	v62 =	vmul.f32 v52, v52;
	v28 =	vmul.f32 v48, v60;
	v24 =	vadd.f32 v24, v43  }
0x18a: {  	v39 =	vmul.f32 v42, v59;
	v63 =	vld.idx.msk [tilespmem:v54+s20+$0x0], $0xffff;
	v61 =	vmul.f32 v50, v51  }
0x18b: {  	v16 =	vmul.f32 v16, v16;
	v57 =	vld.idx.msk [tilespmem:v54+s21+$0x0], $0xffff;
	v44 =	vadd.f32 v62, v44;
	v24 =	vadd.f32 v46, v24  }
0x18c: {  	v59 =	vld.idx.msk [tilespmem:v54+s22+$0x0], $0xffff;
	v39 =	vsub.f32 $1.500000000e+00, v39;
	v41 =	vmul.f32 v28, v10;
	v14 =	vmul.f32 v61, v14  }
0x18d: {  	v10 =	vadd.f32 v16, v44;
	v55 =	vshra.s32 v24, $0x1;
	v56 =	vmul.f32 $5.000000000e-01, v24  }
0x18e: {  	v16 =	vmul.f32 v49, v49;
	v58 =	vsub.s32 $0x5F3759DF, v55;
	[tilespmem:s15+$0x14200] =	vst v14  }
0x18f: {  	v39 =	vmul.f32 v42, v39;
	v62 =	vshra.s32 v10, $0x1;
	v43 =	vmul.f32 v58, v56;
	v60 =	vld.idx.msk [tilespmem:v45+s20+$0x0], $0xffff  }
0x190: {  	v63 =	vsub.f32 v63, v31;
	v49 =	vsub.f32 v57, v34;
	v14 =	vmul.f32 v47, v47;
	v28 =	vld.idx.msk [tilespmem:v45+s21+$0x0], $0xffff  }
0x191: {  	v15 =	vmul.f32 v39, v15;
	v53 =	vsub.f32 v59, v35;
	v45 =	vld.idx.msk [tilespmem:v45+s22+$0x0], $0xffff;
	v61 =	vmul.f32 v58, v43  }
0x192: {  	v44 =	vmul.f32 v49, v49;
	v14 =	vadd.f32 v14, v40;
	v43 =	vmul.f32 v63, v63  }
0x193: {  	v52 =	vmul.f32 $5.000000000e-01, v10;
	v42 =	vsub.s32 $0x5F3759DF, v62;
	v40 =	vsub.f32 $1.500000000e+00, v61  }
0x194: {  	[tilespmem:s0+$0x14200] =	vst v15;
	v39 =	vmul.f32 v53, v53;
	v15 =	vadd.f32 v44, v43;
	v43 =	vadd.f32 v16, v14  }
0x195: {  	v14 =	vld.idx.msk [tilespmem:v9+s20+$0x0], $0xffff;
	v47 =	vsub.f32 v60, v27;
	v28 =	vsub.f32 v28, v30;
	v40 =	vmul.f32 v58, v40  }
0x196: {  	s9 =	simm.s32 $0x80;
	v54 =	vsub.f32 v45, v32;
	v39 =	vadd.f32 v39, v15;
	v15 =	vmul.f32 v42, v52  }
0x197: {  	s6 =	sand.u32 $0x60, s9;
	v55 =	vshra.s32 v43, $0x1;
	v58 =	vmul.f32 $5.000000000e-01, v43;
	v16 =	vmul.f32 v47, v47  }
0x198: {  	s12 =	simm.s32 $0x400;
	s17 =	sor.u32 $0x10, s6;
	v45 =	vsub.s32 $0x5F3759DF, v55;
	v28 =	vmul.f32 v28, v28;
	v24 =	vmul.f32 v40, v24;
	v40 =	vld.idx.msk [tilespmem:v9+s21+$0x0], $0xffff  }
0x199: {  	s9 =	sor.u32 s12, s17;
	v9 =	vld.idx.msk [tilespmem:v9+s22+$0x0], $0xffff;
	v56 =	vshra.s32 v39, $0x1;
	v57 =	vmul.f32 $5.000000000e-01, v39;
	v15 =	vmul.f32 v42, v15  }
0x19a: {  	s14 =	simm.s32 $0x80;
	v14 =	vsub.f32 v14, v19;
	v16 =	vadd.f32 v28, v16;
	[tilespmem:s19+$0x14080] =	vst v24;
	v24 =	vmul.f32 v54, v54;
	v28 =	vld [tilespmem:s9+$0xC000]  }
0x19b: {  	s8 =	sor.u32 s6, s12;
	s12 =	sor.u32 s18, s14;
	v44 =	vsub.s32 $0x5F3759DF, v56;
	v46 =	vsub.f32 $1.500000000e+00, v15;
	v15 =	vmul.f32 v45, v58;
	v59 =	vld.idx.msk [tilespmem:v13+s20+$0x0], $0xffff  }
0x19c: {  	s17 =	sor.u32 s17, s12;
	v60 =	vld.idx.msk [tilespmem:v13+s21+$0x0], $0xffff;
	v58 =	vmul.f32 v14, v14;
	v24 =	vadd.f32 v24, v16;
	v16 =	vmul.f32 v44, v57  }
0x19d: {  	v8 =	vld [tilespmem:s17+$0x6000];
	v63 =	vmul.f32 v45, v15;
	v42 =	vmul.f32 v42, v46;
	v15 =	vsub.f32 v40, v12  }
0x19e: {  	v13 =	vld.idx.msk [tilespmem:v13+s22+$0x0], $0xffff;
	v61 =	vshra.s32 v24, $0x1;
	v62 =	vmul.f32 $5.000000000e-01, v24;
	v16 =	vmul.f32 v44, v16  }
0x19f: {  	v50 =	vld [tilespmem:s16+$0xC180];
	v9 =	vsub.f32 v9, v11;
	v57 =	vsub.s32 $0x5F3759DF, v61;
	v15 =	vmul.f32 v15, v15  }
0x1a0: {  	v54 =	vld [tilespmem:s15+$0xC300];
	v51 =	vmul.f32 v57, v62;
	v16 =	vsub.f32 $1.500000000e+00, v16;
	v48 =	vsub.f32 v59, v4  }
0x1a1: {  	v9 =	vmul.f32 v9, v9;
	v49 =	vsub.f32 v60, v5;
	v60 =	vadd.f32 v15, v58;
	v15 =	vld [tilespmem:s17+$0x8000]  }
0x1a2: {  	v51 =	vmul.f32 v57, v51;
	v55 =	vld.idx.msk [tilespmem:v28+s20+$0x0], $0xffff;
	v16 =	vmul.f32 v44, v16  }
0x1a3: {  	v13 =	vsub.f32 v13, v6;
	v59 =	vmul.f32 v48, v48;
	v61 =	vld.idx.msk [tilespmem:v28+s21+$0x0], $0xffff;
	v49 =	vmul.f32 v49, v49  }
0x1a4: {  	v46 =	vadd.f32 v9, v60;
	v51 =	vsub.f32 $1.500000000e+00, v51;
	v39 =	vmul.f32 v16, v39  }
0x1a5: {  	v13 =	vmul.f32 v13, v13;
	v9 =	vld.idx.msk [tilespmem:v28+s22+$0x0], $0xffff;
	v28 =	vsub.f32 $1.500000000e+00, v63  }
0x1a6: {  	v44 =	vadd.f32 v49, v59;
	v16 =	vld [tilespmem:s17+$0xA000];
	v62 =	vshra.s32 v46, $0x1;
	v40 =	vmul.f32 v57, v51;
	[tilespmem:s16+$0x14100] =	vst v39  }
0x1a7: {  	v48 =	vmul.f32 $5.000000000e-01, v46;
	v51 =	vmul.f32 v42, v10;
	v63 =	vld.idx.msk [tilespmem:v50+s20+$0x0], $0xffff;
	v57 =	vsub.f32 v55, v8  }
0x1a8: {  	v56 =	vld.idx.msk [tilespmem:v50+s21+$0x0], $0xffff;
	v58 =	vsub.f32 v61, v15;
	v10 =	vmul.f32 v40, v24;
	v24 =	vsub.s32 $0x5F3759DF, v62  }
0x1a9: {  	v47 =	vld [tilespmem:s8+$0xC000];
	v28 =	vmul.f32 v45, v28;
	v44 =	vadd.f32 v13, v44;
	v13 =	vmul.f32 v24, v48  }
0x1aa: {  	v59 =	vmul.f32 v57, v57;
	v42 =	vmul.f32 v58, v58;
	[tilespmem:s15+$0x14280] =	vst v10;
	v10 =	vld.idx.msk [tilespmem:v50+s22+$0x0], $0xffff  }
0x1ab: {  	v43 =	vmul.f32 v28, v43;
	v9 =	vsub.f32 v9, v16;
	v45 =	vld.idx.msk [tilespmem:v54+s20+$0x0], $0xffff  }
0x1ac: {  	v28 =	vshra.s32 v44, $0x1;
	v13 =	vmul.f32 v24, v13;
	v60 =	vld.idx.msk [tilespmem:v54+s21+$0x0], $0xffff;
	v42 =	vadd.f32 v42, v59  }
0x1ad: {  	v7 =	vld [tilespmem:s8+$0xC280];
	v9 =	vmul.f32 v9, v9;
	v49 =	vsub.f32 v63, v31;
	v62 =	vsub.f32 v56, v34  }
0x1ae: {  	v61 =	vmul.f32 $5.000000000e-01, v44;
	v55 =	vsub.s32 $0x5F3759DF, v28;
	v63 =	vld.idx.msk [tilespmem:v54+s22+$0x0], $0xffff;
	v13 =	vsub.f32 $1.500000000e+00, v13  }
0x1af: {  	v39 =	vld [tilespmem:s8+$0xC100];
	v56 =	vadd.f32 v9, v42;
	v49 =	vmul.f32 v49, v49;
	v53 =	vmul.f32 v62, v62  }
0x1b0: {  	v40 =	vld [tilespmem:s8+$0xC080];
	v10 =	vsub.f32 v10, v35;
	v24 =	vmul.f32 v24, v13;
	v28 =	vsub.f32 v45, v27  }
0x1b1: {  	s6 =	sor.u32 s6, s12;
	v54 =	vld.idx.msk [tilespmem:v47+s20+$0x0], $0xffff;
	v62 =	vmul.f32 $5.000000000e-01, v56;
	v59 =	vsub.f32 v60, v30;
	v49 =	vadd.f32 v53, v49  }
0x1b2: {  	v9 =	vld [tilespmem:s6+$0x8000];
	v60 =	vmul.f32 v55, v61;
	v61 =	vshra.s32 v56, $0x1;
	v10 =	vmul.f32 v10, v10  }
0x1b3: {  	v13 =	vld [tilespmem:s6+$0x6000];
	v48 =	vsub.f32 v63, v32;
	v52 =	vsub.s32 $0x5F3759DF, v61;
	v24 =	vmul.f32 v24, v46  }
0x1b4: {  	v45 =	vld.idx.msk [tilespmem:v47+s21+$0x0], $0xffff;
	v28 =	vmul.f32 v28, v28;
	v42 =	vmul.f32 v59, v59;
	v49 =	vadd.f32 v10, v49  }
0x1b5: {  	[tilespmem:s13+$0x14180] =	vst v51;
	v47 =	vld.idx.msk [tilespmem:v47+s22+$0x0], $0xffff;
	v53 =	vmul.f32 v52, v62;
	v48 =	vmul.f32 v48, v48  }
0x1b6: {  	v46 =	vld.idx.msk [tilespmem:v22+s20+$0x0], $0xffff;
	v57 =	vadd.f32 v42, v28;
	v28 =	vshra.s32 v49, $0x1;
	v58 =	vmul.f32 $5.000000000e-01, v49  }
0x1b7: {  	v61 =	vld [tilespmem:s16+$0xC200];
	v53 =	vmul.f32 v52, v53;
	v59 =	vsub.s32 $0x5F3759DF, v28  }
0x1b8: {  	v10 =	vld [tilespmem:s6+$0xA000];
	v48 =	vadd.f32 v48, v57;
	v63 =	vmul.f32 v59, v58  }
0x1b9: {  	v50 =	vmul.f32 v55, v60;
	v54 =	vsub.f32 v54, v13;
	v57 =	vld [tilespmem:s9+$0xC080];
	v53 =	vsub.f32 $1.500000000e+00, v53  }
0x1ba: {  	v62 =	vld.idx.msk [tilespmem:v22+s21+$0x0], $0xffff;
	v58 =	vshra.s32 v48, $0x1;
	v60 =	vmul.f32 $5.000000000e-01, v48;
	v51 =	vmul.f32 v59, v63  }
0x1bb: {  	v22 =	vld.idx.msk [tilespmem:v22+s22+$0x0], $0xffff;
	v45 =	vsub.f32 v45, v9;
	v52 =	vmul.f32 v52, v53;
	v58 =	vsub.s32 $0x5F3759DF, v58  }
0x1bc: {  	[tilespmem:s0+$0x14280] =	vst v24;
	v42 =	vld [tilespmem:s8+$0xC180];
	v54 =	vmul.f32 v54, v54;
	v24 =	vmul.f32 v58, v60;
	v51 =	vsub.f32 $1.500000000e+00, v51  }
0x1bd: {  	v45 =	vmul.f32 v45, v45;
	v47 =	vsub.f32 v47, v10;
	v53 =	vld.idx.msk [tilespmem:v17+s20+$0x0], $0xffff;
	v52 =	vmul.f32 v52, v56  }
0x1be: {  	v56 =	vld [tilespmem:s15+$0xC380];
	v24 =	vmul.f32 v58, v24;
	v51 =	vmul.f32 v59, v51  }
0x1bf: {  	v45 =	vadd.f32 v45, v54;
	v47 =	vmul.f32 v47, v47;
	v59 =	vld.idx.msk [tilespmem:v17+s21+$0x0], $0xffff  }
0x1c0: {  	v50 =	vsub.f32 $1.500000000e+00, v50;
	[tilespmem:s9+$0x14000] =	vst v52;
	v17 =	vld.idx.msk [tilespmem:v17+s22+$0x0], $0xffff;
	v24 =	vsub.f32 $1.500000000e+00, v24;
	v49 =	vmul.f32 v51, v49  }
0x1c1: {  	v46 =	vsub.f32 v46, v1;
	v45 =	vadd.f32 v47, v45;
	v47 =	vld.idx.msk [tilespmem:v57+s20+$0x0], $0xffff  }
0x1c2: {  	v50 =	vmul.f32 v55, v50;
	v52 =	vmul.f32 v58, v24;
	v58 =	vld.idx.msk [tilespmem:v57+s21+$0x0], $0xffff;
	[tilespmem:s16+$0x14180] =	vst v49  }
0x1c3: {  	v22 =	vsub.f32 v22, v0;
	v46 =	vmul.f32 v46, v46;
	v60 =	vsub.f32 v62, v2;
	v51 =	vld.idx.msk [tilespmem:v61+s20+$0x0], $0xffff  }
0x1c4: {  	v44 =	vmul.f32 v50, v44;
	v54 =	vmul.f32 $5.000000000e-01, v45;
	v24 =	vshra.s32 v45, $0x1;
	v55 =	vld.idx.msk [tilespmem:v61+s21+$0x0], $0xffff  }
0x1c5: {  	v28 =	vld [tilespmem:s8+$0xC200];
	v49 =	vmul.f32 v60, v60;
	v60 =	vsub.s32 $0x5F3759DF, v24;
	v48 =	vmul.f32 v52, v48  }
0x1c6: {  	v50 =	vsub.f32 v53, v19;
	v62 =	vmul.f32 v60, v54;
	v63 =	vld.idx.msk [tilespmem:v61+s22+$0x0], $0xffff;
	[tilespmem:$0x1FFD0] =	vst v7  }
0x1c7: {  	v54 =	vsub.f32 v17, v11;
	v17 =	vsub.f32 v47, v8;
	v47 =	vld.idx.msk [tilespmem:v57+s22+$0x0], $0xffff;
	[tilespmem:s15+$0x14300] =	vst v48  }
0x1c8: {  	v46 =	vadd.f32 v49, v46;
	v49 =	vmul.f32 v60, v62;
	v57 =	vsub.f32 v58, v15;
	v58 =	vld.idx.msk [tilespmem:v56+s21+$0x0], $0xffff  }
0x1c9: {  	v61 =	vsub.f32 v51, v31;
	v62 =	vsub.f32 v55, v34;
	v55 =	vld.idx.msk [tilespmem:v56+s20+$0x0], $0xffff  }
0x1ca: {  	v22 =	vmul.f32 v22, v22;
	v52 =	vsub.f32 v59, v12;
	v49 =	vsub.f32 $1.500000000e+00, v49;
	v56 =	vld.idx.msk [tilespmem:v56+s22+$0x0], $0xffff  }
0x1cb: {  	v53 =	vsub.f32 v63, v35;
	v48 =	vmul.f32 v61, v61;
	v61 =	vmul.f32 v17, v17;
	v17 =	vmovc v2;
	v2 =	vld [tilespmem:s8+$0xC380]  }
0x1cc: {  	v46 =	vadd.f32 v22, v46;
	v63 =	vmul.f32 v57, v57;
	v51 =	vmul.f32 v62, v62  }
0x1cd: {  	v49 =	vmul.f32 v60, v49;
	v47 =	vsub.f32 v47, v16;
	v60 =	vmul.f32 v53, v53  }
0x1ce: {  	v62 =	vmul.f32 $5.000000000e-01, v46;
	v30 =	vsub.f32 v58, v30;
	v48 =	vadd.f32 v51, v48  }
0x1cf: {  	[tilespmem:s1+$0x14300] =	vst v43;
	v45 =	vmul.f32 v49, v45;
	v43 =	vadd.f32 v63, v61;
	v27 =	vsub.f32 v55, v27  }
0x1d0: {  	v22 =	vld [tilespmem:s8+$0xC300];
	v47 =	vmul.f32 v47, v47;
	v32 =	vsub.f32 v56, v32;
	v48 =	vadd.f32 v60, v48;
	[tilespmem:$0x1FFE0] =	vst v2  }
0x1d1: {  	v59 =	vshra.s32 v46, $0x1;
	v30 =	vmul.f32 v30, v30;
	v27 =	vmul.f32 v27, v27;
	[tilespmem:s19+$0x14100] =	vst v44;
	v44 =	vld.idx.msk [tilespmem:v25+s20+$0x0], $0xffff  }
0x1d2: {  	v43 =	vadd.f32 v47, v43;
	[tilespmem:s8+$0x14000] =	vst v45;
	v51 =	vshra.s32 v48, $0x1;
	v63 =	vmul.f32 $5.000000000e-01, v48;
	v57 =	vld.idx.msk [tilespmem:v38+s20+$0x0], $0xffff  }
0x1d3: {  	v45 =	vld.idx.msk [tilespmem:v40+s20+$0x0], $0xffff;
	v51 =	vsub.s32 $0x5F3759DF, v51;
	v27 =	vadd.f32 v30, v27;
	v30 =	vmul.f32 v32, v32  }
0x1d4: {  	v53 =	vsub.s32 $0x5F3759DF, v59;
	v60 =	vld.idx.msk [tilespmem:v40+s21+$0x0], $0xffff;
	v61 =	vmul.f32 v51, v63  }
0x1d5: {  	v47 =	vmul.f32 v53, v62;
	v62 =	vshra.s32 v43, $0x1;
	v27 =	vadd.f32 v30, v27  }
0x1d6: {  	v32 =	vld.idx.msk [tilespmem:v40+s22+$0x0], $0xffff;
	v30 =	vmul.f32 $5.000000000e-01, v43;
	v26 =	vsub.f32 v44, v26;
	v44 =	vmul.f32 v51, v61  }
0x1d7: {  	v50 =	vmul.f32 v50, v50;
	v55 =	vld [tilespmem:s16+$0xC280];
	v40 =	vsub.s32 $0x5F3759DF, v62  }
0x1d8: {  	v30 =	vmul.f32 v40, v30;
	v63 =	vsub.f32 v57, v4;
	v44 =	vsub.f32 $1.500000000e+00, v44  }
0x1d9: {  	v61 =	vld.idx.msk [tilespmem:v38+s21+$0x0], $0xffff;
	v62 =	vmul.f32 $5.000000000e-01, v27;
	v45 =	vsub.f32 v45, v13;
	v56 =	vsub.f32 v60, v9  }
0x1da: {  	v60 =	vshra.s32 v27, $0x1;
	v30 =	vmul.f32 v40, v30;
	v44 =	vmul.f32 v51, v44  }
0x1db: {  	v59 =	vld [tilespmem:s9+$0xC100];
	v32 =	vsub.f32 v32, v10;
	v45 =	vmul.f32 v45, v45;
	v56 =	vmul.f32 v56, v56  }
0x1dc: {  	v57 =	vsub.s32 $0x5F3759DF, v60;
	v30 =	vsub.f32 $1.500000000e+00, v30;
	v44 =	vmul.f32 v44, v48  }
0x1dd: {  	v38 =	vld.idx.msk [tilespmem:v38+s22+$0x0], $0xffff;
	v32 =	vmul.f32 v32, v32;
	v51 =	vmul.f32 v57, v62;
	v45 =	vadd.f32 v56, v45  }
0x1de: {  	v49 =	vmul.f32 v63, v63;
	v63 =	vsub.f32 v61, v5;
	v30 =	vmul.f32 v40, v30;
	[tilespmem:s16+$0x14200] =	vst v44  }
0x1df: {  	v47 =	vmul.f32 v53, v47;
	v60 =	vmul.f32 v57, v51;
	v32 =	vadd.f32 v32, v45;
	v40 =	vld.idx.msk [tilespmem:v55+s20+$0x0], $0xffff  }
0x1e0: {  	v44 =	vmul.f32 v63, v63;
	v30 =	vmul.f32 v30, v43;
	v56 =	vld.idx.msk [tilespmem:v55+s21+$0x0], $0xffff  }
0x1e1: {  	v63 =	vsub.f32 $1.500000000e+00, v60;
	v61 =	vshra.s32 v32, $0x1;
	v62 =	vmul.f32 $5.000000000e-01, v32;
	v60 =	vld.idx.msk [tilespmem:v55+s22+$0x0], $0xffff  }
0x1e2: {  	v38 =	vsub.f32 v38, v6;
	v48 =	vmul.f32 v52, v52;
	v51 =	vsub.s32 $0x5F3759DF, v61;
	v61 =	vld.idx.msk [tilespmem:v25+s21+$0x0], $0xffff;
	[tilespmem:s9+$0x14080] =	vst v30  }
0x1e3: {  	v47 =	vsub.f32 $1.500000000e+00, v47;
	v43 =	vmul.f32 v57, v63;
	v58 =	vmul.f32 v51, v62;
	v62 =	vld.idx.msk [tilespmem:v59+s20+$0x0], $0xffff  }
0x1e4: {  	v38 =	vmul.f32 v38, v38;
	v44 =	vadd.f32 v44, v49;
	v63 =	vld.idx.msk [tilespmem:v59+s21+$0x0], $0xffff  }
0x1e5: {  	v47 =	vmul.f32 v53, v47;
	v30 =	vadd.f32 v48, v50;
	v57 =	vld.idx.msk [tilespmem:v59+s22+$0x0], $0xffff;
	v43 =	vmul.f32 v43, v27  }
0x1e6: {  	v27 =	vadd.f32 v38, v44;
	v45 =	vmul.f32 v51, v58;
	v40 =	vsub.f32 v40, v31  }
0x1e7: {  	v46 =	vmul.f32 v47, v46;
	v56 =	vsub.f32 v56, v34;
	v52 =	vsub.f32 v60, v35  }
0x1e8: {  	v53 =	vld.idx.msk [tilespmem:v25+s22+$0x0], $0xffff;
	v60 =	vmul.f32 v54, v54;
	v45 =	vsub.f32 $1.500000000e+00, v45;
	v25 =	vsub.f32 v61, v23  }
0x1e9: {  	s26 =	simm.s32 $0xA0;
	v40 =	vmul.f32 v40, v40;
	v50 =	vmul.f32 v56, v56;
	v61 =	vsub.f32 v62, v8  }
0x1ea: {  	s23 =	sand.u32 $0x60, s26;
	[tilespmem:s13+$0x14200] =	vst v46;
	v59 =	vmul.f32 v52, v52;
	v62 =	vsub.f32 v63, v15;
	v54 =	vsub.f32 v57, v16  }
0x1eb: {  	s28 =	simm.s32 $0x400;
	s29 =	sor.u32 $0x10, s23;
	v46 =	vld.idx.msk [tilespmem:v33+s22+$0x0], $0xffff;
	v57 =	vmul.f32 $5.000000000e-01, v27;
	v23 =	vmul.f32 v51, v45;
	v58 =	vadd.f32 v50, v40  }
0x1ec: {  	s12 =	sor.u32 s28, s29;
	v48 =	vld.idx.msk [tilespmem:v33+s20+$0x0], $0xffff;
	v63 =	vshra.s32 v27, $0x1;
	v55 =	vmul.f32 v61, v61;
	v56 =	vmul.f32 v62, v62  }
0x1ed: {  	v51 =	vld [tilespmem:s12+$0xC000];
	v49 =	vsub.s32 $0x5F3759DF, v63;
	v23 =	vmul.f32 v23, v32;
	v38 =	vadd.f32 v59, v58  }
0x1ee: {  	s6 =	sor.u32 s23, s28;
	v50 =	vld.idx.msk [tilespmem:v33+s21+$0x0], $0xffff;
	v33 =	vmul.f32 v26, v26;
	v40 =	vadd.f32 v56, v55;
	v59 =	vmul.f32 v54, v54  }
0x1ef: {  	v45 =	vld [tilespmem:s6+$0xC000];
	v26 =	vmul.f32 v49, v57;
	[tilespmem:s8+$0x14080] =	vst v23;
	v23 =	vshra.s32 v38, $0x1;
	v58 =	vmul.f32 $5.000000000e-01, v38  }
0x1f0: {  	v57 =	vld [tilespmem:s16+$0xC300];
	v32 =	vadd.f32 v60, v30;
	v40 =	vadd.f32 v59, v40;
	v54 =	vsub.s32 $0x5F3759DF, v23  }
0x1f1: {  	v46 =	vsub.f32 v46, v0;
	v48 =	vsub.f32 v48, v1;
	v55 =	vld [tilespmem:s9+$0xC180];
	v23 =	vmul.f32 v54, v58  }
0x1f2: {  	s28 =	simm.s32 $0x80;
	v44 =	vshra.s32 v32, $0x1;
	v60 =	vmul.f32 $5.000000000e-01, v32;
	v52 =	vld.idx.msk [tilespmem:v39+s20+$0x0], $0xffff;
	v61 =	vshra.s32 v40, $0x1  }
0x1f3: {  	s28 =	sor.u32 s18, s28;
	v30 =	vld.idx.msk [tilespmem:v39+s21+$0x0], $0xffff;
	v62 =	vmul.f32 $5.000000000e-01, v40;
	v58 =	vsub.s32 $0x5F3759DF, v44;
	v23 =	vmul.f32 v54, v23  }
0x1f4: {  	s29 =	sor.u32 s29, s28;
	v26 =	vmul.f32 v49, v26;
	v39 =	vld.idx.msk [tilespmem:v39+s22+$0x0], $0xffff;
	v44 =	vsub.s32 $0x5F3759DF, v61;
	v47 =	vmul.f32 v58, v60  }
0x1f5: {  	v60 =	vmul.f32 v25, v25;
	v25 =	vld [tilespmem:s29+$0x8000];
	v56 =	vmul.f32 v44, v62;
	v59 =	vsub.f32 $1.500000000e+00, v23  }
0x1f6: {  	v46 =	vmul.f32 v46, v46;
	v48 =	vmul.f32 v48, v48;
	v50 =	vsub.f32 v50, v17;
	v62 =	vld.idx.msk [tilespmem:v51+s20+$0x0], $0xffff  }
0x1f7: {  	v61 =	vsub.f32 $1.500000000e+00, v26;
	v23 =	vld [tilespmem:s29+$0x6000];
	v63 =	vmul.f32 v44, v56;
	v26 =	vmul.f32 v54, v59  }
0x1f8: {  	v50 =	vmul.f32 v50, v50;
	v52 =	vsub.f32 v52, v13;
	v30 =	vsub.f32 v30, v9;
	v56 =	vld.idx.msk [tilespmem:v51+s21+$0x0], $0xffff  }
0x1f9: {  	v61 =	vmul.f32 v49, v61;
	v54 =	vsub.f32 $1.500000000e+00, v63;
	v38 =	vmul.f32 v26, v38  }
0x1fa: {  	v53 =	vsub.f32 v53, v20;
	v51 =	vld.idx.msk [tilespmem:v51+s22+$0x0], $0xffff;
	v52 =	vmul.f32 v52, v52;
	v20 =	vmul.f32 v30, v30  }
0x1fb: {  	v47 =	vmul.f32 v58, v47;
	v48 =	vadd.f32 v50, v48;
	v26 =	vld [tilespmem:s29+$0xA000];
	v30 =	vmul.f32 v44, v54;
	[tilespmem:s16+$0x14280] =	vst v38  }
0x1fc: {  	v39 =	vsub.f32 v39, v10;
	v50 =	vadd.f32 v20, v52;
	v52 =	vmul.f32 v61, v27;
	v38 =	vld.idx.msk [tilespmem:v57+s20+$0x0], $0xffff  }
0x1fd: {  	v27 =	vsub.f32 v62, v23;
	v20 =	vmul.f32 v30, v40;
	v30 =	vsub.f32 v56, v25;
	v63 =	vld.idx.msk [tilespmem:v57+s21+$0x0], $0xffff  }
0x1fe: {  	v47 =	vsub.f32 $1.500000000e+00, v47;
	v39 =	vmul.f32 v39, v39;
	v44 =	vadd.f32 v46, v48;
	v59 =	vld.idx.msk [tilespmem:v57+s22+$0x0], $0xffff  }
0x1ff: {  	v54 =	vld.idx.msk [tilespmem:v45+s20+$0x0], $0xffff;
	v27 =	vmul.f32 v27, v27;
	[tilespmem:s9+$0x14100] =	vst v20;
	v30 =	vmul.f32 v30, v30  }
0x200: {  	v33 =	vadd.f32 v60, v33;
	v46 =	vmul.f32 v58, v47;
	v47 =	vld.idx.msk [tilespmem:v55+s20+$0x0], $0xffff;
	v20 =	vsub.f32 v51, v26  }
0x201: {  	v50 =	vadd.f32 v39, v50;
	v61 =	vshra.s32 v44, $0x1;
	v48 =	vld.idx.msk [tilespmem:v55+s21+$0x0], $0xffff;
	v27 =	vadd.f32 v30, v27  }
0x202: {  	v56 =	vld.idx.msk [tilespmem:v45+s21+$0x0], $0xffff;
	v20 =	vmul.f32 v20, v20;
	v38 =	vsub.f32 v38, v31;
	v49 =	vsub.f32 v63, v34  }
0x203: {  	s17 =	sor.u32 s23, s28;
	v46 =	vmul.f32 v46, v32;
	v55 =	vld.idx.msk [tilespmem:v55+s22+$0x0], $0xffff;
	v30 =	vsub.f32 v59, v35;
	v63 =	vmul.f32 $5.000000000e-01, v44  }
0x204: {  	v57 =	vadd.f32 v20, v27;
	v20 =	vld [tilespmem:s17+$0x6000];
	v38 =	vmul.f32 v38, v38;
	v62 =	vmul.f32 v49, v49  }
0x205: {  	v51 =	vsub.s32 $0x5F3759DF, v61;
	v27 =	vld [tilespmem:s17+$0x8000];
	v47 =	vsub.f32 v47, v8;
	v30 =	vmul.f32 v30, v30  }
0x206: {  	v39 =	vmul.f32 v51, v63;
	v58 =	vsub.f32 v48, v15;
	v38 =	vadd.f32 v62, v38  }
0x207: {  	v45 =	vld.idx.msk [tilespmem:v45+s22+$0x0], $0xffff;
	v59 =	vshra.s32 v57, $0x1;
	v61 =	vmul.f32 $5.000000000e-01, v57;
	v47 =	vmul.f32 v47, v47  }
0x208: {  	v40 =	vmul.f32 v58, v58;
	v48 =	vsub.s32 $0x5F3759DF, v59;
	v49 =	vadd.f32 v30, v38;
	v30 =	vld [tilespmem:s17+$0xA000]  }
0x209: {  	v38 =	vsub.f32 v55, v16;
	v54 =	vsub.f32 v54, v20;
	v55 =	vmul.f32 v48, v61  }
0x20a: {  	v56 =	vsub.f32 v56, v27;
	v62 =	vshra.s32 v49, $0x1;
	v63 =	vmul.f32 $5.000000000e-01, v49  }
0x20b: {  	v38 =	vmul.f32 v38, v38;
	v55 =	vmul.f32 v48, v55;
	v58 =	vsub.s32 $0x5F3759DF, v62  }
0x20c: {  	v24 =	vmovc v12;
	v12 =	vld [tilespmem:s9+$0xC200];
	v47 =	vadd.f32 v40, v47;
	v54 =	vmul.f32 v54, v54;
	v59 =	vmul.f32 v58, v63  }
0x20d: {  	v56 =	vmul.f32 v56, v56;
	v62 =	vld [tilespmem:s12+$0xC080];
	v55 =	vsub.f32 $1.500000000e+00, v55;
	v45 =	vsub.f32 v45, v30  }
0x20e: {  	v2 =	vld [tilespmem:s6+$0xC200];
	v39 =	vmul.f32 v51, v39;
	v47 =	vadd.f32 v38, v47;
	v59 =	vmul.f32 v58, v59  }
0x20f: {  	v61 =	vld [tilespmem:s6+$0xC080];
	v54 =	vadd.f32 v56, v54;
	v48 =	vmul.f32 v48, v55;
	v45 =	vmul.f32 v45, v45  }
0x210: {  	[tilespmem:s19+$0x14180] =	vst v52;
	v52 =	vshra.s32 v47, $0x1;
	v55 =	vld [tilespmem:s16+$0xC380];
	v56 =	vsub.f32 $1.500000000e+00, v59;
	v59 =	vmul.f32 $5.000000000e-01, v47  }
0x211: {  	v63 =	vld.idx.msk [tilespmem:v37+s20+$0x0], $0xffff;
	v52 =	vsub.s32 $0x5F3759DF, v52;
	v48 =	vmul.f32 v48, v57;
	v45 =	vadd.f32 v45, v54  }
0x212: {  	v57 =	vld.idx.msk [tilespmem:v37+s22+$0x0], $0xffff;
	v54 =	vmul.f32 v58, v56;
	v56 =	vshra.s32 v50, $0x1;
	v59 =	vmul.f32 v52, v59  }
0x213: {  	v58 =	vld.idx.msk [tilespmem:v37+s21+$0x0], $0xffff;
	[tilespmem:s12+$0x14000] =	vst v48;
	v48 =	vmul.f32 $5.000000000e-01, v50;
	v37 =	vshra.s32 v45, $0x1;
	v56 =	vsub.s32 $0x5F3759DF, v56  }
0x214: {  	v7 =	vmovc v11;
	v40 =	vld [tilespmem:s6+$0xC100];
	v49 =	vmul.f32 v54, v49;
	v54 =	vmul.f32 $5.000000000e-01, v45;
	v11 =	vsub.s32 $0x5F3759DF, v37  }
0x215: {  	v60 =	vld.idx.msk [tilespmem:v62+s22+$0x0], $0xffff;
	v37 =	vsub.f32 $1.500000000e+00, v39;
	v39 =	vmul.f32 v52, v59;
	v32 =	vmul.f32 v56, v48  }
0x216: {  	v48 =	vld.idx.msk [tilespmem:v62+s21+$0x0], $0xffff;
	v54 =	vmul.f32 v11, v54  }
0x217: {  	v59 =	vld.idx.msk [tilespmem:v62+s20+$0x0], $0xffff;
	v51 =	vmul.f32 v51, v37;
	v37 =	vsub.f32 $1.500000000e+00, v39;
	[tilespmem:s16+$0x14300] =	vst v49;
	v32 =	vmul.f32 v56, v32  }
0x218: {  	v53 =	vmul.f32 v53, v53;
	v49 =	vsub.f32 v63, v4;
	v62 =	vld.idx.msk [tilespmem:v55+s21+$0x0], $0xffff;
	v39 =	vmul.f32 v11, v54  }
0x219: {  	v54 =	vsub.f32 v58, v5;
	v58 =	vld.idx.msk [tilespmem:v55+s20+$0x0], $0xffff;
	v52 =	vmul.f32 v52, v37;
	v37 =	vsub.f32 $1.500000000e+00, v32  }
0x21a: {  	v38 =	vld [tilespmem:s6+$0xC180];
	v49 =	vmul.f32 v49, v49;
	[tilespmem:$0x1FFF0] =	vst v2;
	v32 =	vadd.f32 v53, v33;
	v44 =	vmul.f32 v51, v44  }
0x21b: {  	v48 =	vsub.f32 v48, v25;
	v39 =	vsub.f32 $1.500000000e+00, v39;
	v33 =	vmul.f32 v52, v47;
	v47 =	vld.idx.msk [tilespmem:v55+s22+$0x0], $0xffff  }
0x21c: {  	[tilespmem:s0+$0x14300] =	vst v46;
	v54 =	vmul.f32 v54, v54;
	v46 =	vmul.f32 v56, v37;
	v52 =	vsub.f32 v57, v6  }
0x21d: {  	v37 =	vsub.f32 v59, v23;
	v53 =	vld.idx.msk [tilespmem:v18+s20+$0x0], $0xffff;
	v55 =	vsub.f32 v60, v26;
	v48 =	vmul.f32 v48, v48  }
0x21e: {  	v11 =	vmul.f32 v11, v39;
	v49 =	vadd.f32 v54, v49;
	[tilespmem:s9+$0x14180] =	vst v33;
	v52 =	vmul.f32 v52, v52  }
0x21f: {  	v34 =	vsub.f32 v62, v34;
	v46 =	vmul.f32 v46, v50;
	v31 =	vsub.f32 v58, v31;
	v54 =	vld.idx.msk [tilespmem:v12+s20+$0x0], $0xffff  }
0x220: {  	v11 =	vmul.f32 v11, v45;
	v45 =	vmul.f32 v37, v37;
	v35 =	vsub.f32 v47, v35;
	v47 =	vld.idx.msk [tilespmem:v12+s21+$0x0], $0xffff  }
0x221: {  	v34 =	vmul.f32 v34, v34;
	[tilespmem:s8+$0x14100] =	vst v46;
	v37 =	vmul.f32 v31, v31;
	v12 =	vld.idx.msk [tilespmem:v12+s22+$0x0], $0xffff  }
0x222: {  	[tilespmem:s13+$0x14280] =	vst v44;
	v55 =	vmul.f32 v55, v55;
	v44 =	vld.idx.msk [tilespmem:v42+s21+$0x0], $0xffff;
	v45 =	vadd.f32 v48, v45  }
0x223: {  	v49 =	vadd.f32 v52, v49;
	[tilespmem:s6+$0x14000] =	vst v11;
	v34 =	vadd.f32 v34, v37;
	v35 =	vmul.f32 v35, v35  }
0x224: {  	v51 =	vsub.f32 v53, v19;
	v19 =	vld.idx.msk [tilespmem:v61+s20+$0x0], $0xffff;
	v45 =	vadd.f32 v55, v45  }
0x225: {  	v11 =	vshra.s32 v32, $0x1;
	v50 =	vld.idx.msk [tilespmem:v61+s21+$0x0], $0xffff;
	v48 =	vsub.f32 v54, v8;
	v34 =	vadd.f32 v35, v34  }
0x226: {  	v54 =	vld.idx.msk [tilespmem:v42+s20+$0x0], $0xffff;
	v35 =	vsub.f32 v47, v15;
	v56 =	vshra.s32 v45, $0x1;
	v52 =	vmul.f32 $5.000000000e-01, v45  }
0x227: {  	v42 =	vld.idx.msk [tilespmem:v42+s22+$0x0], $0xffff;
	v48 =	vmul.f32 v48, v48;
	v12 =	vsub.f32 v12, v16;
	v44 =	vsub.f32 v44, v9  }
0x228: {  	v47 =	vsub.s32 $0x5F3759DF, v56;
	v57 =	vshra.s32 v34, $0x1;
	v37 =	vmul.f32 $5.000000000e-01, v34  }
0x229: {  	v52 =	vmul.f32 v47, v52;
	v53 =	vsub.s32 $0x5F3759DF, v57;
	v35 =	vmul.f32 v35, v35  }
0x22a: {  	v19 =	vsub.f32 v19, v20;
	v50 =	vsub.f32 v50, v27;
	v12 =	vmul.f32 v12, v12  }
0x22b: {  	v57 =	vmul.f32 v53, v37;
	v52 =	vmul.f32 v47, v52;
	v35 =	vadd.f32 v35, v48  }
0x22c: {  	v42 =	vsub.f32 v42, v10;
	v37 =	vmul.f32 v19, v19;
	v50 =	vmul.f32 v50, v50  }
0x22d: {  	v55 =	vld.idx.msk [tilespmem:v61+s22+$0x0], $0xffff;
	v56 =	vmul.f32 $5.000000000e-01, v32;
	v52 =	vsub.f32 $1.500000000e+00, v52;
	v12 =	vadd.f32 v12, v35  }
0x22e: {  	v19 =	vsub.s32 $0x5F3759DF, v11;
	v46 =	vmul.f32 v53, v57;
	v11 =	vadd.f32 v50, v37  }
0x22f: {  	v48 =	vld.idx.msk [tilespmem:v29+s21+$0x0], $0xffff;
	v47 =	vmul.f32 v47, v52;
	v37 =	vshra.s32 v12, $0x1;
	v52 =	vmul.f32 $5.000000000e-01, v12  }
0x230: {  	v44 =	vmul.f32 v44, v44;
	v35 =	vld.idx.msk [tilespmem:v29+s20+$0x0], $0xffff;
	v46 =	vsub.f32 $1.500000000e+00, v46;
	v50 =	vsub.s32 $0x5F3759DF, v37  }
0x231: {  	v57 =	vsub.f32 v54, v13;
	v42 =	vmul.f32 v42, v42;
	v52 =	vmul.f32 v50, v52  }
0x232: {  	v46 =	vmul.f32 v53, v46;
	v37 =	vsub.f32 v55, v30;
	v55 =	vmul.f32 v19, v56  }
0x233: {  	v45 =	vmul.f32 v47, v45;
	v47 =	vld [tilespmem:s12+$0xC100];
	v52 =	vmul.f32 v50, v52  }
0x234: {  	v29 =	vld.idx.msk [tilespmem:v29+s22+$0x0], $0xffff;
	v53 =	vmul.f32 v57, v57;
	v48 =	vsub.f32 v48, v17;
	v54 =	vmul.f32 v37, v37  }
0x235: {  	v56 =	vmul.f32 $5.000000000e-01, v49;
	v35 =	vsub.f32 v35, v1;
	v52 =	vsub.f32 $1.500000000e+00, v52  }
0x236: {  	v48 =	vmul.f32 v48, v48;
	v54 =	vadd.f32 v54, v11;
	v11 =	vshra.s32 v49, $0x1  }
0x237: {  	v35 =	vmul.f32 v35, v35;
	v11 =	vsub.s32 $0x5F3759DF, v11;
	v50 =	vmul.f32 v50, v52;
	v52 =	vld [tilespmem:s9+$0xC280]  }
0x238: {  	v44 =	vadd.f32 v44, v53;
	v53 =	vmul.f32 v11, v56;
	v56 =	vmul.f32 v46, v34;
	v34 =	vld.idx.msk [tilespmem:v18+s21+$0x0], $0xffff  }
0x239: {  	v29 =	vsub.f32 v29, v0;
	v46 =	vadd.f32 v48, v35;
	v57 =	vshra.s32 v54, $0x1;
	v18 =	vld.idx.msk [tilespmem:v18+s22+$0x0], $0xffff  }
0x23a: {  	[tilespmem:s12+$0x14080] =	vst v45;
	v37 =	vmul.f32 $5.000000000e-01, v54;
	v35 =	vadd.f32 v42, v44;
	v53 =	vmul.f32 v11, v53  }
0x23b: {  	v12 =	vmul.f32 v50, v12;
	v50 =	vsub.s32 $0x5F3759DF, v57;
	v57 =	vmul.f32 v19, v55;
	v44 =	vld.idx.msk [tilespmem:v47+s20+$0x0], $0xffff  }
0x23c: {  	v55 =	vld.idx.msk [tilespmem:v47+s21+$0x0], $0xffff;
	v48 =	vmul.f32 v50, v37;
	v37 =	vmul.f32 v29, v29;
	v53 =	vsub.f32 $1.500000000e+00, v53  }
0x23d: {  	[tilespmem:s10+$0x14380] =	vst v36;
	v29 =	vmul.f32 v51, v51;
	v51 =	vld.idx.msk [tilespmem:v47+s22+$0x0], $0xffff;
	v47 =	vmul.f32 $5.000000000e-01, v35;
	v34 =	vsub.f32 v34, v24  }
0x23e: {  	v63 =	vmovc v6;
	v59 =	vld [tilespmem:s6+$0xC380];
	[tilespmem:s9+$0x14200] =	vst v12;
	v12 =	vshra.s32 v35, $0x1;
	v18 =	vsub.f32 v18, v7;
	v48 =	vmul.f32 v50, v48  }
0x23f: {  	[tilespmem:s11+$0x14380] =	vst v41;
	v11 =	vmul.f32 v11, v53;
	v42 =	vadd.f32 v37, v46;
	v46 =	vsub.s32 $0x5F3759DF, v12;
	v53 =	vld.idx.msk [tilespmem:v52+s20+$0x0], $0xffff  }
0x240: {  	v60 =	vmovc v1;
	v12 =	vsub.f32 $1.500000000e+00, v57;
	v45 =	vmul.f32 v46, v47;
	v34 =	vmul.f32 v34, v34;
	v57 =	vld.idx.msk [tilespmem:v52+s21+$0x0], $0xffff  }
0x241: {  	[tilespmem:s15+$0x14380] =	vst v43;
	v39 =	vld [tilespmem:s6+$0xC280];
	v62 =	vmovc v8;
	v58 =	vmovc v0;
	v48 =	vsub.f32 $1.500000000e+00, v48;
	v11 =	vmul.f32 v11, v49;
	v36 =	vshra.s32 v42, $0x1  }
0x242: {  	v33 =	vld [tilespmem:s6+$0xC300];
	v61 =	vmovc v4;
	[tilespmem:s16+$0x14380] =	vst v56;
	v41 =	vmul.f32 $5.000000000e-01, v42;
	v44 =	vsub.f32 v44, v23;
	v56 =	vsub.f32 v55, v25  }
0x243: {  	v47 =	vld.idx.msk [tilespmem:v52+s22+$0x0], $0xffff;
	v43 =	vmul.f32 v46, v45;
	v36 =	vsub.s32 $0x5F3759DF, v36;
	v48 =	vmul.f32 v50, v48;
	[tilespmem:s19+$0x14200] =	vst v11  }
0x244: {  	s29 =	sshll.u32 s31, $0xF;
	v11 =	vsub.f32 v51, v26;
	v51 =	vmul.f32 v44, v44;
	v52 =	vmul.f32 v56, v56;
	v45 =	vld.idx.msk [tilespmem:v21+s20+$0x0], $0xffff  }
0x245: {  	s11 =	sshll.u32 s31, $0x1;
	s10 =	sadd.s32 s5, s29;
	s15 =	simm.s32 $0xA;
	v44 =	vld.idx.msk [tilespmem:v21+s21+$0x0], $0xffff;
	v48 =	vmul.f32 v48, v54;
	v49 =	vsub.f32 v53, v8;
	v50 =	vsub.f32 v57, v15  }
.LBB2_5:
0x246: {  	v53 =	vld.idx.msk [tilespmem:v21+s22+$0x0], $0xffff;
	v37 =	vmul.f32 v11, v11  }
0x247: {  	s15 =	sadd.s32 $0x2, s15;
	s26 =	sadd.s32 $0x20, s26;
	v0 =	vld [tilespmem:$0x1FFD0];
	v43 =	vsub.f32 $1.500000000e+00, v43;
	[tilespmem:s6+$0x14080] =	vst v48;
	v21 =	vmul.f32 v49, v49;
	v55 =	vmul.f32 v50, v50  }
0x248: {  	v51 =	vadd.f32 v52, v51;
	s17 =	sshrl.u32 s15, $0x3;
	s29 =	sand.u32 $0x60, s26;
	v41 =	vmul.f32 v36, v41;
	v18 =	vmul.f32 v18, v18;
	v48 =	vld.idx.msk [tilespmem:v40+s20+$0x0], $0xffff  }
0x249: {  	v6 =	vsub.f32 v47, v16;
	s16 =	sshll.u32 s17, $0xA;
	s14 =	sor.u32 $0x10, s29;
	v43 =	vmul.f32 v46, v43;
	v46 =	vadd.f32 v34, v29;
	v34 =	vld.idx.msk [tilespmem:v40+s21+$0x0], $0xffff  }
0x24a: {  	s28 =	sor.u32 s29, s16;
	s16 =	sor.u32 s16, s14;
	v49 =	vadd.f32 v37, v51;
	v21 =	vadd.f32 v55, v21;
	v41 =	vmul.f32 v36, v41;
	v55 =	vld [tilespmem:s9+$0xC300]  }
0x24b: {  	v29 =	vmul.f32 v6, v6;
	v47 =	vld [tilespmem:s16+$0xC000];
	v56 =	vsub.f32 v45, v61;
	v35 =	vmul.f32 v43, v35  }
0x24c: {  	v45 =	vld [tilespmem:s28+$0xC000];
	v57 =	vshra.s32 v49, $0x1;
	v51 =	vmul.f32 $5.000000000e-01, v49;
	v41 =	vsub.f32 $1.500000000e+00, v41  }
0x24d: {  	v14 =	vmovc v30;
	v11 =	vmovc v63;
	v52 =	vadd.f32 v29, v21;
	v29 =	vld [tilespmem:s28+$0xC080];
	v30 =	vsub.s32 $0x5F3759DF, v57;
	v43 =	vmul.f32 v56, v56  }
0x24e: {  	s17 =	sshll.u32 s17, $0x7;
	v56 =	vld [tilespmem:s12+$0xC180];
	[tilespmem:s8+$0x14180] =	vst v35;
	v35 =	vsub.f32 v44, v5;
	v44 =	vmul.f32 v30, v51;
	v48 =	vsub.f32 v48, v20  }
0x24f: {  	s23 =	sor.u32 s18, s17;
	v37 =	vmovc v0;
	v0 =	vmovc v39;
	v41 =	vmul.f32 v36, v41;
	v39 =	vld [tilespmem:s28+$0xC100];
	v63 =	vshra.s32 v52, $0x1;
	v57 =	vmul.f32 $5.000000000e-01, v52  }
0x250: {  	s14 =	sor.u32 s14, s23;
	[tilespmem:$0x1FFD0] =	vst v0;
	v54 =	vld.idx.msk [tilespmem:v40+s22+$0x0], $0xffff;
	v0 =	vsub.f32 v34, v27;
	v50 =	vsub.s32 $0x5F3759DF, v63;
	v35 =	vmul.f32 v35, v35  }
0x251: {  	v36 =	vld [tilespmem:s14+$0xA000];
	v44 =	vmul.f32 v30, v44;
	v51 =	vmul.f32 v50, v57  }
0x252: {  	v53 =	vsub.f32 v53, v11;
	v34 =	vld [tilespmem:s14+$0x6000];
	v48 =	vmul.f32 v48, v48;
	v63 =	vmul.f32 v0, v0  }
0x253: {  	v4 =	vmovc v17;
	v17 =	vmovc v60;
	v43 =	vadd.f32 v35, v43;
	v44 =	vsub.f32 $1.500000000e+00, v44;
	v35 =	vld [tilespmem:s14+$0x8000];
	v51 =	vmul.f32 v50, v51  }
0x254: {  	v53 =	vmul.f32 v53, v53;
	v41 =	vmul.f32 v41, v42;
	v57 =	vld.idx.msk [tilespmem:v47+s20+$0x0], $0xffff;
	v48 =	vadd.f32 v63, v48  }
0x255: {  	v40 =	vmovc v39;
	v39 =	vld.idx.msk [tilespmem:v47+s21+$0x0], $0xffff;
	v30 =	vmul.f32 v30, v44;
	v63 =	vsub.f32 v54, v14;
	v44 =	vsub.f32 $1.500000000e+00, v51  }
0x256: {  	v60 =	vmul.f32 v19, v12;
	v53 =	vadd.f32 v53, v43;
	v47 =	vld.idx.msk [tilespmem:v47+s22+$0x0], $0xffff;
	v43 =	vadd.f32 v18, v46  }
0x257: {  	v30 =	vmul.f32 v30, v49;
	v44 =	vmul.f32 v50, v44;
	v50 =	vld.idx.msk [tilespmem:v45+s20+$0x0], $0xffff;
	[tilespmem:s13+$0x14300] =	vst v41  }
0x258: {  	v6 =	vmovc v58;
	v18 =	vmul.f32 v63, v63;
	v63 =	vshra.s32 v53, $0x1;
	v54 =	vmul.f32 $5.000000000e-01, v53;
	v58 =	vld.idx.msk [tilespmem:v45+s21+$0x0], $0xffff  }
0x259: {  	v46 =	vsub.s32 $0x5F3759DF, v63;
	[tilespmem:s12+$0x14100] =	vst v30;
	v63 =	vsub.f32 v57, v34;
	v45 =	vld.idx.msk [tilespmem:v45+s22+$0x0], $0xffff;
	v30 =	vmul.f32 v44, v52  }
0x25a: {  	v44 =	vadd.f32 v18, v48;
	v42 =	vld.idx.msk [tilespmem:v56+s20+$0x0], $0xffff;
	v18 =	vmul.f32 v46, v54;
	v39 =	vsub.f32 v39, v35  }
0x25b: {  	v48 =	vshra.s32 v43, $0x1;
	v51 =	vld.idx.msk [tilespmem:v56+s21+$0x0], $0xffff;
	v41 =	vsub.f32 v47, v36;
	v63 =	vmul.f32 v63, v63;
	[tilespmem:s9+$0x14280] =	vst v30  }
0x25c: {  	v52 =	vshra.s32 v44, $0x1;
	v18 =	vmul.f32 v46, v18;
	v39 =	vmul.f32 v39, v39;
	v57 =	vld.idx.msk [tilespmem:v55+s20+$0x0], $0xffff  }
0x25d: {  	v30 =	vmul.f32 $5.000000000e-01, v43;
	v54 =	vmul.f32 $5.000000000e-01, v44;
	v49 =	vld.idx.msk [tilespmem:v55+s21+$0x0], $0xffff;
	v52 =	vsub.s32 $0x5F3759DF, v52  }
0x25e: {  	v56 =	vld.idx.msk [tilespmem:v56+s22+$0x0], $0xffff;
	v18 =	vsub.f32 $1.500000000e+00, v18;
	v39 =	vadd.f32 v39, v63;
	v63 =	vmul.f32 v41, v41  }
0x25f: {  	v31 =	vmovc v9;
	s17 =	sor.u32 s29, s23;
	v48 =	vsub.s32 $0x5F3759DF, v48;
	v55 =	vld.idx.msk [tilespmem:v55+s22+$0x0], $0xffff;
	v54 =	vmul.f32 v52, v54;
	v12 =	vsub.f32 v42, v23  }
0x260: {  	v8 =	vmovc v59;
	v59 =	vmul.f32 v48, v30;
	v41 =	vld [tilespmem:s17+$0x6000];
	v46 =	vmul.f32 v46, v18;
	v47 =	vadd.f32 v63, v39  }
0x261: {  	v9 =	vmovc v10;
	v30 =	vld [tilespmem:s17+$0xA000];
	v54 =	vmul.f32 v52, v54;
	v39 =	vsub.f32 v51, v25;
	v12 =	vmul.f32 v12, v12  }
0x262: {  	v10 =	vmovc v13;
	v13 =	vmovc v22;
	v22 =	vld [tilespmem:$0x1FFB0];
	v63 =	vmul.f32 v46, v53;
	v46 =	vshra.s32 v47, $0x1;
	v57 =	vsub.f32 v57, v62  }
0x263: {  	v18 =	vld [tilespmem:s17+$0x8000];
	v49 =	vsub.f32 v49, v15;
	v51 =	vsub.f32 v56, v26;
	v39 =	vmul.f32 v39, v39  }
0x264: {  	v0 =	vld [tilespmem:$0x1FFF0];
	v19 =	vmovc v48;
	v53 =	vsub.f32 v55, v16;
	v46 =	vsub.s32 $0x5F3759DF, v46;
	v48 =	vmul.f32 v57, v57  }
0x265: {  	v21 =	vmovc v16;
	v7 =	vld [tilespmem:s9+$0xC380];
	v50 =	vsub.f32 v50, v41;
	[tilespmem:s19+$0x14280] =	vst v63;
	v49 =	vmul.f32 v49, v49;
	v63 =	vmul.f32 $5.000000000e-01, v47  }
0x266: {  	v2 =	vld [tilespmem:s12+$0xC200];
	v16 =	vmovc v15;
	v45 =	vsub.f32 v45, v30;
	v12 =	vadd.f32 v39, v12;
	v57 =	vmul.f32 v51, v51  }
0x267: {  	v15 =	vmovc v62;
	v62 =	vld [tilespmem:s16+$0xC080];
	v48 =	vadd.f32 v49, v48;
	v49 =	vmul.f32 v53, v53;
	v63 =	vmul.f32 v46, v63  }
0x268: {  	v55 =	vld [tilespmem:s28+$0xC200];
	v50 =	vmul.f32 v50, v50;
	v12 =	vadd.f32 v57, v12;
	v57 =	vsub.f32 v58, v18  }
0x269: {  	v51 =	vld.idx.msk [tilespmem:v28+s20+$0x0], $0xffff;
	v48 =	vadd.f32 v49, v48;
	v49 =	vmul.f32 v19, v59;
	v53 =	vmul.f32 v46, v63  }
0x26a: {  	v24 =	vmovc v5;
	v5 =	vmovc v61;
	v56 =	vld.idx.msk [tilespmem:v28+s21+$0x0], $0xffff;
	v59 =	vshra.s32 v12, $0x1;
	v61 =	vmul.f32 $5.000000000e-01, v12;
	v57 =	vmul.f32 v57, v57  }
0x26b: {  	v58 =	vld.idx.msk [tilespmem:v28+s22+$0x0], $0xffff;
	v28 =	vmovc v0;
	v59 =	vsub.s32 $0x5F3759DF, v59;
	v63 =	vshra.s32 v48, $0x1;
	v0 =	vmul.f32 $5.000000000e-01, v48  }
0x26c: {  	v42 =	vld [tilespmem:s28+$0xC180];
	v53 =	vsub.f32 $1.500000000e+00, v53;
	v61 =	vmul.f32 v59, v61;
	v63 =	vsub.s32 $0x5F3759DF, v63  }
0x26d: {  	v39 =	vld [tilespmem:s28+$0xC280];
	v45 =	vmul.f32 v45, v45;
	v50 =	vadd.f32 v57, v50;
	v0 =	vmul.f32 v63, v0  }
0x26e: {  	v1 =	vmovc v55;
	v55 =	vld [tilespmem:s28+$0xC300];
	v46 =	vmul.f32 v46, v53;
	v53 =	vsub.f32 $1.500000000e+00, v54;
	v54 =	vmul.f32 v59, v61  }
0x26f: {  	v51 =	vsub.f32 v51, v10;
	[tilespmem:$0x1FFF0] =	vst v1;
	v1 =	vld.idx.msk [tilespmem:v22+s20+$0x0], $0xffff;
	v0 =	vmul.f32 v63, v0  }
0x270: {  	v61 =	vld.idx.msk [tilespmem:v22+s21+$0x0], $0xffff;
	v57 =	vmovc v13;
	v50 =	vadd.f32 v45, v50;
	v47 =	vmul.f32 v46, v47;
	v54 =	vsub.f32 $1.500000000e+00, v54  }
0x271: {  	v51 =	vmul.f32 v51, v51;
	[tilespmem:$0x1FFB0] =	vst v57;
	v52 =	vmul.f32 v52, v53;
	v53 =	vld.idx.msk [tilespmem:v22+s22+$0x0], $0xffff;
	v0 =	vsub.f32 $1.500000000e+00, v0  }
0x272: {  	v46 =	vld [tilespmem:s28+$0xC380];
	v57 =	vmul.f32 $5.000000000e-01, v50;
	[tilespmem:s16+$0x14000] =	vst v47;
	v13 =	vmul.f32 v59, v54;
	v59 =	vsub.f32 v56, v31  }
0x273: {  	v44 =	vmul.f32 v52, v44;
	v54 =	vsub.f32 v58, v9;
	v45 =	vld.idx.msk [tilespmem:v62+s20+$0x0], $0xffff;
	v0 =	vmul.f32 v63, v0  }
0x274: {  	v56 =	vshra.s32 v50, $0x1;
	v52 =	vld.idx.msk [tilespmem:v62+s21+$0x0], $0xffff;
	v12 =	vmul.f32 v13, v12;
	v47 =	vmul.f32 v59, v59  }
0x275: {  	v63 =	vmov v9;
	[tilespmem:s6+$0x14100] =	vst v44;
	v59 =	vld.idx.msk [tilespmem:v62+s22+$0x0], $0xffff;
	v54 =	vmul.f32 v54, v54;
	v9 =	vmul.f32 v60, v32  }
0x276: {  	v56 =	vsub.s32 $0x5F3759DF, v56;
	v58 =	vld.idx.msk [tilespmem:v3+s20+$0x0], $0xffff;
	v0 =	vmul.f32 v0, v48;
	[tilespmem:s12+$0x14180] =	vst v12;
	v62 =	vadd.f32 v47, v51  }
0x277: {  	v57 =	vmul.f32 v56, v57;
	[tilespmem:s1+$0x14380] =	vst v9;
	v51 =	vld.idx.msk [tilespmem:v2+s20+$0x0], $0xffff  }
0x278: {  	v12 =	vsub.f32 $1.500000000e+00, v49;
	[tilespmem:s9+$0x14300] =	vst v0;
	v44 =	vadd.f32 v54, v62;
	v62 =	vld.idx.msk [tilespmem:v38+s21+$0x0], $0xffff  }
0x279: {  	v49 =	vsub.f32 v61, v24;
	v13 =	vmul.f32 v56, v57;
	v0 =	vsub.f32 v1, v5;
	v1 =	vld.idx.msk [tilespmem:v7+s20+$0x0], $0xffff  }
0x27a: {  	v47 =	vsub.f32 v53, v11;
	v52 =	vsub.f32 v52, v35;
	v54 =	vld.idx.msk [tilespmem:v7+s21+$0x0], $0xffff  }
0x27b: {  	v61 =	vsub.f32 $1.500000000e+00, v13;
	v53 =	vld.idx.msk [tilespmem:v2+s21+$0x0], $0xffff;
	v48 =	vmul.f32 v0, v0;
	v0 =	vsub.f32 v45, v34  }
0x27c: {  	v22 =	vmovc v33;
	v49 =	vmul.f32 v49, v49;
	v7 =	vld.idx.msk [tilespmem:v7+s22+$0x0], $0xffff;
	v13 =	vsub.f32 v59, v36;
	v9 =	vmul.f32 $5.000000000e-01, v44  }
0x27d: {  	v33 =	vmovc v55;
	v2 =	vld.idx.msk [tilespmem:v2+s22+$0x0], $0xffff;
	v60 =	vshra.s32 v44, $0x1;
	v52 =	vmul.f32 v52, v52;
	v0 =	vmul.f32 v0, v0  }
0x27e: {  	v32 =	vmovc v43;
	v43 =	vsub.f32 v58, v17;
	v55 =	vmul.f32 v56, v61;
	v56 =	vld.idx.msk [tilespmem:v38+s20+$0x0], $0xffff;
	v45 =	vsub.s32 $0x5F3759DF, v60  }
0x27f: {  	v13 =	vmul.f32 v13, v13;
	v57 =	vmul.f32 v45, v9;
	v61 =	vmovc v10;
	v0 =	vadd.f32 v52, v0  }
0x280: {  	v10 =	vmovc v14;
	v50 =	vmul.f32 v55, v50;
	v1 =	vsub.f32 v1, v15;
	v14 =	vsub.f32 v54, v16  }
0x281: {  	s1 =	smov.u32 s0;
	s0 =	smov.u32 s13;
	s13 =	smov.u32 s19;
	v55 =	vld.idx.msk [tilespmem:v38+s22+$0x0], $0xffff;
	v60 =	vmov v5;
	v15 =	vsub.f32 v51, v23;
	v58 =	vsub.f32 v53, v25  }
0x282: {  	s19 =	smov.u32 s8;
	s8 =	smov.u32 s6;
	s6 =	smov.u32 s28;
	v51 =	vld.idx.msk [tilespmem:v3+s21+$0x0], $0xffff;
	v7 =	vsub.f32 v7, v21;
	v1 =	vmul.f32 v1, v1;
	v14 =	vmul.f32 v14, v14  }
0x283: {  	[tilespmem:s6+$0x14000] =	vst v50;
	v2 =	vsub.f32 v2, v26;
	v0 =	vadd.f32 v13, v0;
	v13 =	vmul.f32 v15, v15  }
0x284: {  	v50 =	vld.idx.msk [tilespmem:v29+s20+$0x0], $0xffff;
	v5 =	vmul.f32 v58, v58;
	v7 =	vmul.f32 v7, v7;
	v1 =	vadd.f32 v14, v1  }
0x285: {  	v52 =	vsub.f32 v62, v27;
	v53 =	vld.idx.msk [tilespmem:v29+s21+$0x0], $0xffff;
	v59 =	vsub.f32 v56, v20;
	v2 =	vmul.f32 v2, v2  }
0x286: {  	v29 =	vld.idx.msk [tilespmem:v29+s22+$0x0], $0xffff;
	v16 =	vshra.s32 v0, $0x1;
	v14 =	vadd.f32 v5, v13;
	v1 =	vadd.f32 v7, v1  }
0x287: {  	v38 =	vmovc v42;
	v56 =	vmul.f32 v59, v59;
	v54 =	vsub.s32 $0x5F3759DF, v16;
	v7 =	vld.idx.msk [tilespmem:v3+s22+$0x0], $0xffff;
	v3 =	vmul.f32 $5.000000000e-01, v0  }
0x288: {  	v62 =	vmovc v23;
	v23 =	vmovc v34;
	v2 =	vadd.f32 v2, v14;
	v5 =	vshra.s32 v1, $0x1;
	v34 =	vmul.f32 $5.000000000e-01, v1  }
0x289: {  	v15 =	vmovc v25;
	v25 =	vmovc v35;
	v35 =	vsub.f32 v50, v41;
	v9 =	vmul.f32 v54, v3;
	v50 =	vsub.s32 $0x5F3759DF, v5  }
0x28a: {  	v16 =	vmovc v26;
	v26 =	vmovc v36;
	v36 =	vshra.s32 v2, $0x1;
	v58 =	vmul.f32 $5.000000000e-01, v2;
	v34 =	vmul.f32 v50, v34  }
0x28b: {  	v13 =	vmovc v20;
	v20 =	vmovc v41;
	v41 =	vsub.f32 v53, v18;
	v36 =	vsub.s32 $0x5F3759DF, v36;
	v42 =	vmul.f32 v54, v9  }
0x28c: {  	v29 =	vsub.f32 v29, v30;
	v53 =	vld [tilespmem:s16+$0xC100];
	v58 =	vmul.f32 v36, v58;
	v34 =	vmul.f32 v50, v34  }
0x28d: {  	v35 =	vmul.f32 v35, v35;
	v41 =	vmul.f32 v41, v41;
	v5 =	vld [tilespmem:$0x1FFC0];
	v42 =	vsub.f32 $1.500000000e+00, v42  }
0x28e: {  	v59 =	vmovc v46;
	v29 =	vmul.f32 v29, v29;
	v9 =	vld [tilespmem:$0x1FFE0];
	v46 =	vmul.f32 v36, v58;
	v34 =	vsub.f32 $1.500000000e+00, v34  }
0x28f: {  	v35 =	vadd.f32 v41, v35;
	v41 =	vmul.f32 v54, v42;
	v42 =	vmul.f32 v52, v52  }
0x290: {  	v58 =	vsub.f32 v55, v10;
	v52 =	vld [tilespmem:s12+$0xC280];
	v46 =	vsub.f32 $1.500000000e+00, v46;
	v34 =	vmul.f32 v50, v34  }
0x291: {  	v50 =	vadd.f32 v29, v35;
	v0 =	vmul.f32 v41, v0;
	v29 =	vadd.f32 v42, v56  }
0x292: {  	v46 =	vmul.f32 v36, v46;
	v1 =	vmul.f32 v34, v1;
	v34 =	vadd.f32 v49, v48  }
0x293: {  	v3 =	vmovc v5;
	v5 =	vmovc v9;
	v49 =	vshra.s32 v50, $0x1;
	v55 =	vmul.f32 $5.000000000e-01, v50;
	[tilespmem:s16+$0x14080] =	vst v0;
	v0 =	vmul.f32 v58, v58  }
0x294: {  	v56 =	vmul.f32 v45, v57;
	v2 =	vmul.f32 v46, v2;
	v36 =	vsub.s32 $0x5F3759DF, v49;
	v48 =	vld.idx.msk [tilespmem:v53+s20+$0x0], $0xffff;
	[tilespmem:s9+$0x14380] =	vst v1  }
0x295: {  	v58 =	vsub.f32 v51, v4;
	s9 =	smov.u32 s12;
	v1 =	vmul.f32 v36, v55;
	v35 =	vadd.f32 v0, v29;
	v57 =	vld.idx.msk [tilespmem:v53+s21+$0x0], $0xffff  }
0x296: {  	v0 =	vmul.f32 v47, v47;
	v29 =	vmul.f32 v43, v43;
	v53 =	vld.idx.msk [tilespmem:v53+s22+$0x0], $0xffff;
	[tilespmem:s9+$0x14200] =	vst v2;
	v2 =	vsub.f32 $1.500000000e+00, v56  }
0x297: {  	v17 =	vmovc v24;
	[tilespmem:$0x1FFC0] =	vst v5;
	v5 =	vmovc v8;
	v1 =	vmul.f32 v36, v1;
	v47 =	vshra.s32 v35, $0x1;
	v51 =	vmul.f32 $5.000000000e-01, v35  }
0x298: {  	v21 =	vmovc v37;
	v54 =	vld.idx.msk [tilespmem:v52+s20+$0x0], $0xffff;
	v42 =	vadd.f32 v0, v34;
	v46 =	vsub.s32 $0x5F3759DF, v47;
	v2 =	vmul.f32 v45, v2  }
0x299: {  	p1 =	slt.u32 s15, $0x7E;
	v9 =	vmovc v27;
	v55 =	vld.idx.msk [tilespmem:v52+s21+$0x0], $0xffff;
	v34 =	vmul.f32 v58, v58;
	v0 =	vsub.f32 $1.500000000e+00, v1;
	v1 =	vmul.f32 v46, v51  }
.Ltmp3:
0x29a: {  	v27 =	vmovc v18;
	[tilespmem:$0x1FFE0] =	vst v5;
	v5 =	vmovc v31;
	v18 =	vshra.s32 v42, $0x1;
	v41 =	vmul.f32 $5.000000000e-01, v42;
	v2 =	vmul.f32 v2, v44;
	(pc) =	sbr.rel @p1 .LBB2_5-.Ltmp3, $4  }
0x29b: {  	v47 =	vld.idx.msk [tilespmem:v52+s22+$0x0], $0xffff;
	v52 =	vsub.f32 v48, v23;
	v0 =	vmul.f32 v36, v0;
	v45 =	vsub.f32 v57, v25  }
0x29c: {  	v58 =	vmovc v11;
	v43 =	vmul.f32 v46, v1;
	v36 =	vsub.s32 $0x5F3759DF, v18;
	v18 =	vsub.f32 v7, v6;
	[tilespmem:s19+$0x14200] =	vst v2  }
0x29d: {  	v11 =	vsub.f32 v53, v26;
	v51 =	vmul.f32 v52, v52;
	v52 =	vmul.f32 v45, v45;
	v45 =	vld.idx.msk [tilespmem:v37+s20+$0x0], $0xffff  }
0x29e: {  	s12 =	smov.u32 s16;
	v49 =	vsub.f32 v54, v62;
	v48 =	vmul.f32 v0, v50;
	v50 =	vsub.f32 v55, v15;
	v44 =	vld.idx.msk [tilespmem:v37+s21+$0x0], $0xffff  }
0x29f: {  	_ =	sdelay $0x2  }
0x2a0: {  	v0 =	vadd.f32 v52, v51;
	v1 =	vmul.f32 v11, v11;
	[tilespmem:s6+$0x14080] =	vst v48  }
0x2a1: {  	v2 =	vsub.f32 v47, v16;
	v7 =	vmul.f32 v49, v49;
	v11 =	vmul.f32 v50, v50;
	v54 =	vld.idx.msk [tilespmem:v40+s20+$0x0], $0xffff  }
0x2a2: {  	v0 =	vadd.f32 v1, v0;
	v37 =	vld.idx.msk [tilespmem:v40+s22+$0x0], $0xffff  }
0x2a3: {  	v1 =	vadd.f32 v11, v7;
	v2 =	vmul.f32 v2, v2;
	v7 =	vld.idx.msk [tilespmem:v21+s22+$0x0], $0xffff  }
0x2a4: {  	v11 =	vsub.f32 v45, v61;
	v21 =	vld.idx.msk [tilespmem:v40+s21+$0x0], $0xffff;
	v55 =	vshra.s32 v0, $0x1;
	v56 =	vmul.f32 $5.000000000e-01, v0  }
0x2a5: {  	v44 =	vsub.f32 v44, v5;
	v1 =	vadd.f32 v2, v1;
	v2 =	vsub.s32 $0x5F3759DF, v55  }
0x2a6: {  	v11 =	vmul.f32 v11, v11;
	v45 =	vmul.f32 v2, v56  }
0x2a7: {  	v44 =	vmul.f32 v44, v44;
	v57 =	vshra.s32 v1, $0x1;
	v52 =	vmul.f32 $5.000000000e-01, v1  }
0x2a8: {  	v47 =	vsub.f32 v54, v20;
	v40 =	vsub.f32 v37, v30;
	v45 =	vmul.f32 v2, v45  }
0x2a9: {  	v48 =	vsub.s32 $0x5F3759DF, v57;
	v7 =	vsub.f32 v7, v63;
	v21 =	vsub.f32 v21, v27  }
0x2aa: {  	v50 =	vld [tilespmem:s12+$0xC180];
	v49 =	vmul.f32 v48, v52;
	v47 =	vmul.f32 v47, v47;
	v53 =	vsub.f32 $1.500000000e+00, v45  }
0x2ab: {  	v11 =	vadd.f32 v44, v11;
	v7 =	vmul.f32 v7, v7;
	v21 =	vmul.f32 v21, v21  }
0x2ac: {  	v54 =	vmul.f32 v48, v49;
	v2 =	vmul.f32 v2, v53  }
0x2ad: {  	v40 =	vmul.f32 v40, v40;
	v7 =	vadd.f32 v7, v11;
	v21 =	vadd.f32 v21, v47  }
0x2ae: {  	v41 =	vmul.f32 v36, v41;
	v55 =	vsub.f32 $1.500000000e+00, v54;
	v0 =	vmul.f32 v2, v0  }
0x2af: {  	v2 =	vshra.s32 v7, $0x1;
	v56 =	vmul.f32 $5.000000000e-01, v7;
	v21 =	vadd.f32 v40, v21  }
0x2b0: {  	v41 =	vmul.f32 v36, v41;
	v2 =	vsub.s32 $0x5F3759DF, v2;
	v37 =	vmul.f32 v48, v55  }
0x2b1: {  	[tilespmem:s12+$0x14100] =	vst v0;
	v0 =	vmul.f32 v2, v56;
	v49 =	vshra.s32 v21, $0x1;
	v51 =	vmul.f32 $5.000000000e-01, v21  }
0x2b2: {  	v48 =	vld.idx.msk [tilespmem:v50+s20+$0x0], $0xffff;
	v1 =	vmul.f32 v37, v1;
	v45 =	vsub.s32 $0x5F3759DF, v49  }
0x2b3: {  	v41 =	vsub.f32 $1.500000000e+00, v41;
	v52 =	vld.idx.msk [tilespmem:v50+s21+$0x0], $0xffff;
	v0 =	vmul.f32 v2, v0;
	v53 =	vmul.f32 v45, v51  }
0x2b4: {  	v57 =	vsub.f32 $1.500000000e+00, v43  }
0x2b5: {  	v54 =	vmul.f32 v36, v41;
	[tilespmem:s9+$0x14280] =	vst v1;
	v1 =	vld.idx.msk [tilespmem:v50+s22+$0x0], $0xffff;
	v0 =	vsub.f32 $1.500000000e+00, v0;
	v55 =	vmul.f32 v45, v53  }
0x2b6: {  	v40 =	vmul.f32 v46, v57  }
0x2b7: {  	v36 =	vmul.f32 v54, v42;
	v0 =	vmul.f32 v2, v0;
	v41 =	vsub.f32 $1.500000000e+00, v55  }
0x2b8: {  	v35 =	vmul.f32 v40, v35;
	v2 =	vsub.f32 v48, v23;
	v56 =	vsub.f32 v52, v25  }
0x2b9: {  	v0 =	vmul.f32 v0, v7;
	v41 =	vmul.f32 v45, v41  }
0x2ba: {  	[tilespmem:s8+$0x14180] =	vst v35;
	v2 =	vmul.f32 v2, v2;
	v1 =	vsub.f32 v1, v26;
	v35 =	vmul.f32 v56, v56  }
0x2bb: {  	[tilespmem:s13+$0x14300] =	vst v36;
	v45 =	vmul.f32 v41, v21  }
0x2bc: {  	v11 =	vld [tilespmem:s9+$0xC300];
	[tilespmem:s19+$0x14280] =	vst v0;
	v2 =	vadd.f32 v35, v2;
	v1 =	vmul.f32 v1, v1  }
0x2bd: {  	v6 =	vld [tilespmem:$0x1FFB0];
	[tilespmem:s6+$0x14100] =	vst v45  }
0x2be: {  	v1 =	vadd.f32 v1, v2;
	v2 =	vld.idx.msk [tilespmem:v38+s20+$0x0], $0xffff  }
0x2bf: {  	v48 =	vld.idx.msk [tilespmem:v38+s21+$0x0], $0xffff  }
0x2c0: {  	v49 =	vld.idx.msk [tilespmem:v38+s22+$0x0], $0xffff;
	v46 =	vshra.s32 v1, $0x1;
	v47 =	vmul.f32 $5.000000000e-01, v1  }
0x2c1: {  	v35 =	vsub.s32 $0x5F3759DF, v46  }
0x2c2: {  	v41 =	vmul.f32 v35, v47;
	_ =	sdelay $0x1  }
0x2c3: {  	v57 =	vld.idx.msk [tilespmem:v28+s21+$0x0], $0xffff;
	v41 =	vmul.f32 v35, v41;
	v2 =	vsub.f32 v2, v20;
	v43 =	vsub.f32 v48, v27  }
0x2c4: {  	v50 =	vld [tilespmem:s12+$0xC200];
	v38 =	vsub.f32 v49, v30  }
0x2c5: {  	v40 =	vld.idx.msk [tilespmem:v11+s20+$0x0], $0xffff;
	v41 =	vsub.f32 $1.500000000e+00, v41;
	v2 =	vmul.f32 v2, v2;
	v43 =	vmul.f32 v43, v43  }
0x2c6: {  	v42 =	vld.idx.msk [tilespmem:v11+s21+$0x0], $0xffff  }
0x2c7: {  	v11 =	vld.idx.msk [tilespmem:v11+s22+$0x0], $0xffff;
	v38 =	vmul.f32 v38, v38;
	v35 =	vmul.f32 v35, v41;
	v2 =	vadd.f32 v43, v2  }
0x2c8: {  	v7 =	vld.idx.msk [tilespmem:v28+s20+$0x0], $0xffff  }
0x2c9: {  	v0 =	vld.idx.msk [tilespmem:v28+s22+$0x0], $0xffff;
	v1 =	vmul.f32 v35, v1;
	v2 =	vadd.f32 v38, v2  }
0x2ca: {  	v28 =	vld.idx.msk [tilespmem:v6+s20+$0x0], $0xffff  }
0x2cb: {  	v21 =	vld.idx.msk [tilespmem:v6+s21+$0x0], $0xffff;
	[tilespmem:s12+$0x14180] =	vst v1;
	v51 =	vshra.s32 v2, $0x1;
	v38 =	vmul.f32 $5.000000000e-01, v2  }
0x2cc: {  	v1 =	vld.idx.msk [tilespmem:v50+s20+$0x0], $0xffff;
	v35 =	vsub.s32 $0x5F3759DF, v51  }
0x2cd: {  	v52 =	vld.idx.msk [tilespmem:v50+s21+$0x0], $0xffff;
	v38 =	vmul.f32 v35, v38;
	_ =	sdelay $0x1  }
0x2ce: {  	v53 =	vld.idx.msk [tilespmem:v50+s22+$0x0], $0xffff;
	v38 =	vmul.f32 v35, v38;
	_ =	sdelay $0x1  }
0x2cf: {  	v38 =	vsub.f32 $1.500000000e+00, v38  }
0x2d0: {  	v1 =	vsub.f32 v1, v23;
	v41 =	vsub.f32 v52, v25  }
0x2d1: {  	v35 =	vmul.f32 v35, v38  }
0x2d2: {  	v43 =	vsub.f32 v53, v26;
	v1 =	vmul.f32 v1, v1;
	v41 =	vmul.f32 v41, v41  }
0x2d3: {  	v2 =	vmul.f32 v35, v2  }
0x2d4: {  	v54 =	vmul.f32 v43, v43;
	v1 =	vadd.f32 v41, v1  }
0x2d5: {  	[tilespmem:s6+$0x14180] =	vst v2  }
0x2d6: {  	v1 =	vadd.f32 v54, v1;
	v4 =	vld [tilespmem:$0x1FFF0];
	_ =	sdelay $0x1  }
0x2d7: {  	v55 =	vshra.s32 v1, $0x1;
	v38 =	vmul.f32 $5.000000000e-01, v1  }
0x2d8: {  	v36 =	vsub.f32 v57, v9;
	v7 =	vsub.f32 v7, v13;
	v35 =	vsub.s32 $0x5F3759DF, v55  }
0x2d9: {  	v38 =	vmul.f32 v35, v38  }
0x2da: {  	v36 =	vmul.f32 v36, v36;
	v7 =	vmul.f32 v7, v7;
	v0 =	vsub.f32 v0, v10  }
0x2db: {  	v38 =	vmul.f32 v35, v38  }
0x2dc: {  	v7 =	vadd.f32 v36, v7;
	v0 =	vmul.f32 v0, v0  }
0x2dd: {  	v44 =	vsub.f32 $1.500000000e+00, v38;
	v2 =	vld.idx.msk [tilespmem:v4+s20+$0x0], $0xffff  }
0x2de: {  	v0 =	vadd.f32 v0, v7;
	v56 =	vld.idx.msk [tilespmem:v4+s21+$0x0], $0xffff  }
0x2df: {  	v7 =	vmul.f32 v35, v44  }
0x2e0: {  	v47 =	vshra.s32 v0, $0x1;
	v48 =	vmul.f32 $5.000000000e-01, v0;
	v37 =	vld.idx.msk [tilespmem:v4+s22+$0x0], $0xffff  }
0x2e1: {  	v1 =	vmul.f32 v7, v1;
	v7 =	vsub.s32 $0x5F3759DF, v47  }
0x2e2: {  	v57 =	vld [tilespmem:s12+$0xC280];
	v49 =	vmul.f32 v7, v48  }
0x2e3: {  	v2 =	vsub.f32 v2, v20;
	v41 =	vsub.f32 v56, v27  }
0x2e4: {  	v35 =	vmul.f32 v7, v49  }
0x2e5: {  	v37 =	vsub.f32 v37, v30;
	v2 =	vmul.f32 v2, v2;
	v45 =	vmul.f32 v41, v41  }
0x2e6: {  	v35 =	vsub.f32 $1.500000000e+00, v35  }
0x2e7: {  	v46 =	vmul.f32 v37, v37;
	v2 =	vadd.f32 v45, v2  }
0x2e8: {  	v7 =	vmul.f32 v7, v35  }
0x2e9: {  	[tilespmem:s12+$0x14200] =	vst v1;
	v2 =	vadd.f32 v46, v2  }
0x2ea: {  	v1 =	vld.idx.msk [tilespmem:v57+s20+$0x0], $0xffff;
	v0 =	vmul.f32 v7, v0  }
0x2eb: {  	v52 =	vld.idx.msk [tilespmem:v57+s21+$0x0], $0xffff;
	v50 =	vshra.s32 v2, $0x1;
	v51 =	vmul.f32 $5.000000000e-01, v2  }
0x2ec: {  	v40 =	vsub.f32 v40, v62;
	v53 =	vld.idx.msk [tilespmem:v57+s22+$0x0], $0xffff;
	v36 =	vsub.s32 $0x5F3759DF, v50;
	[tilespmem:s8+$0x14200] =	vst v0  }
0x2ed: {  	v42 =	vsub.f32 v42, v15;
	v37 =	vmul.f32 v36, v51;
	v4 =	vld [tilespmem:$0x1FFD0]  }
0x2ee: {  	v40 =	vmul.f32 v40, v40  }
0x2ef: {  	v11 =	vsub.f32 v11, v16;
	v54 =	vmul.f32 v42, v42;
	v37 =	vmul.f32 v36, v37  }
0x2f0: {  	v1 =	vsub.f32 v1, v23;
	v38 =	vsub.f32 v52, v25  }
0x2f1: {  	v11 =	vmul.f32 v11, v11;
	v35 =	vadd.f32 v54, v40;
	v37 =	vsub.f32 $1.500000000e+00, v37  }
0x2f2: {  	v7 =	vsub.f32 v53, v26;
	v1 =	vmul.f32 v1, v1;
	v38 =	vmul.f32 v38, v38  }
0x2f3: {  	v36 =	vmul.f32 v36, v37  }
0x2f4: {  	v35 =	vadd.f32 v11, v35;
	v7 =	vmul.f32 v7, v7;
	v1 =	vadd.f32 v38, v1  }
0x2f5: {  	v0 =	vld.idx.msk [tilespmem:v4+s20+$0x0], $0xffff;
	v2 =	vmul.f32 v36, v2  }
0x2f6: {  	v44 =	vmul.f32 $5.000000000e-01, v35;
	v1 =	vadd.f32 v7, v1;
	v7 =	vshra.s32 v35, $0x1;
	v55 =	vld.idx.msk [tilespmem:v4+s21+$0x0], $0xffff  }
0x2f7: {  	v7 =	vsub.s32 $0x5F3759DF, v7;
	v11 =	vld.idx.msk [tilespmem:v4+s22+$0x0], $0xffff;
	[tilespmem:s6+$0x14200] =	vst v2  }
0x2f8: {  	v24 =	vshra.s32 v1, $0x1;
	v56 =	vmul.f32 $5.000000000e-01, v1;
	v46 =	vmul.f32 v7, v44;
	v2 =	vld.idx.msk [tilespmem:v39+s20+$0x0], $0xffff  }
0x2f9: {  	v24 =	vsub.s32 $0x5F3759DF, v24;
	v57 =	vld.idx.msk [tilespmem:v39+s21+$0x0], $0xffff  }
0x2fa: {  	v29 =	vadd.f32 v34, v29;
	v37 =	vmul.f32 v24, v56;
	v34 =	vmul.f32 v7, v46  }
0x2fb: {  	v45 =	vld.idx.msk [tilespmem:v39+s22+$0x0], $0xffff;
	v0 =	vsub.f32 v0, v13;
	v36 =	vsub.f32 v55, v9  }
0x2fc: {  	v37 =	vmul.f32 v24, v37;
	v34 =	vsub.f32 $1.500000000e+00, v34  }
0x2fd: {  	v11 =	vsub.f32 v11, v10;
	v0 =	vmul.f32 v0, v0;
	v36 =	vmul.f32 v36, v36  }
0x2fe: {  	v51 =	vld [tilespmem:s9+$0xC380];
	v2 =	vsub.f32 v2, v20;
	v38 =	vsub.f32 v57, v27  }
0x2ff: {  	v47 =	vld [tilespmem:s12+$0xC300];
	v48 =	vsub.f32 $1.500000000e+00, v37;
	v11 =	vmul.f32 v11, v11;
	v0 =	vadd.f32 v36, v0  }
0x300: {  	v50 =	vsub.f32 v45, v30;
	v2 =	vmul.f32 v2, v2;
	v49 =	vmul.f32 v38, v38  }
0x301: {  	v18 =	vmul.f32 v18, v18;
	v7 =	vmul.f32 v7, v34;
	v0 =	vadd.f32 v11, v0  }
0x302: {  	v11 =	vmul.f32 v24, v48;
	v24 =	vmul.f32 v50, v50;
	v2 =	vadd.f32 v49, v2  }
0x303: {  	v7 =	vmul.f32 v7, v35;
	v52 =	vshra.s32 v0, $0x1;
	v53 =	vmul.f32 $5.000000000e-01, v0  }
0x304: {  	v1 =	vmul.f32 v11, v1;
	v34 =	vsub.s32 $0x5F3759DF, v52;
	v2 =	vadd.f32 v24, v2  }
0x305: {  	[tilespmem:s9+$0x14300] =	vst v7;
	v11 =	vadd.f32 v18, v29;
	v18 =	vmul.f32 v34, v53  }
0x306: {  	v12 =	vmul.f32 v19, v12;
	v19 =	vld.idx.msk [tilespmem:v51+s21+$0x0], $0xffff;
	[tilespmem:s12+$0x14280] =	vst v1;
	v1 =	vshra.s32 v2, $0x1;
	v8 =	vmul.f32 $5.000000000e-01, v2  }
0x307: {  	v29 =	vld.idx.msk [tilespmem:v47+s20+$0x0], $0xffff;
	v18 =	vmul.f32 v34, v18;
	v1 =	vsub.s32 $0x5F3759DF, v1  }
0x308: {  	v7 =	vld.idx.msk [tilespmem:v47+s21+$0x0], $0xffff;
	v56 =	vmul.f32 v1, v8  }
0x309: {  	v28 =	vsub.f32 v28, v61;
	v57 =	vld.idx.msk [tilespmem:v51+s20+$0x0], $0xffff;
	v18 =	vsub.f32 $1.500000000e+00, v18  }
0x30a: {  	v21 =	vsub.f32 v21, v5;
	v40 =	vld.idx.msk [tilespmem:v47+s22+$0x0], $0xffff;
	v37 =	vmul.f32 v1, v56  }
0x30b: {  	v28 =	vmul.f32 v28, v28;
	v24 =	vld.idx.msk [tilespmem:v6+s22+$0x0], $0xffff;
	v18 =	vmul.f32 v34, v18  }
0x30c: {  	v21 =	vmul.f32 v21, v21;
	v41 =	vld.idx.msk [tilespmem:v51+s22+$0x0], $0xffff;
	v15 =	vsub.f32 v19, v15;
	v37 =	vsub.f32 $1.500000000e+00, v37  }
0x30d: {  	v7 =	vsub.f32 v7, v25;
	v0 =	vmul.f32 v18, v0;
	v18 =	vsub.f32 v29, v23  }
0x30e: {  	v14 =	vsub.f32 v57, v62;
	v15 =	vmul.f32 v15, v15;
	v1 =	vmul.f32 v1, v37  }
0x30f: {  	v7 =	vmul.f32 v7, v7;
	[tilespmem:s8+$0x14280] =	vst v0;
	v0 =	vsub.f32 v40, v26;
	v18 =	vmul.f32 v18, v18  }
0x310: {  	v14 =	vmul.f32 v14, v14;
	v24 =	vsub.f32 v24, v63;
	v19 =	vld.idx.msk [tilespmem:v22+s20+$0x0], $0xffff;
	v1 =	vmul.f32 v1, v2  }
0x311: {  	v2 =	vsub.f32 v41, v16;
	v16 =	vld.idx.msk [tilespmem:v22+s21+$0x0], $0xffff;
	v7 =	vadd.f32 v7, v18;
	v0 =	vmul.f32 v0, v0  }
0x312: {  	v14 =	vadd.f32 v15, v14;
	[tilespmem:s6+$0x14280] =	vst v1;
	v1 =	vadd.f32 v21, v28  }
0x313: {  	v18 =	vld.idx.msk [tilespmem:v22+s22+$0x0], $0xffff;
	v21 =	vmul.f32 v24, v24;
	v2 =	vmul.f32 v2, v2;
	v0 =	vadd.f32 v0, v7  }
0x314: {  	v7 =	vld.idx.msk [tilespmem:v33+s20+$0x0], $0xffff  }
0x315: {  	v15 =	vld.idx.msk [tilespmem:v33+s21+$0x0], $0xffff;
	v1 =	vadd.f32 v21, v1;
	v2 =	vadd.f32 v2, v14;
	v21 =	vshra.s32 v0, $0x1  }
0x316: {  	v28 =	vld.idx.msk [tilespmem:v33+s22+$0x0], $0xffff;
	v24 =	vmul.f32 $5.000000000e-01, v0;
	v19 =	vsub.f32 v19, v13;
	v16 =	vsub.f32 v16, v9  }
0x317: {  	v21 =	vsub.s32 $0x5F3759DF, v21;
	v29 =	vshra.s32 v1, $0x1;
	v42 =	vmul.f32 $5.000000000e-01, v1  }
0x318: {  	v18 =	vsub.f32 v18, v10;
	v24 =	vmul.f32 v21, v24;
	v19 =	vmul.f32 v19, v19  }
0x319: {  	v16 =	vmul.f32 v16, v16;
	v29 =	vsub.s32 $0x5F3759DF, v29;
	v7 =	vsub.f32 v7, v20  }
0x31a: {  	v15 =	vsub.f32 v15, v27;
	v18 =	vmul.f32 v18, v18;
	v24 =	vmul.f32 v21, v24  }
0x31b: {  	v28 =	vsub.f32 v28, v30;
	v14 =	vmul.f32 v29, v42;
	v16 =	vadd.f32 v16, v19;
	v19 =	vld [tilespmem:s12+$0xC380]  }
0x31c: {  	v7 =	vmul.f32 v7, v7;
	v15 =	vmul.f32 v15, v15;
	v24 =	vsub.f32 $1.500000000e+00, v24  }
0x31d: {  	v14 =	vmul.f32 v29, v14;
	v16 =	vadd.f32 v18, v16  }
0x31e: {  	v7 =	vadd.f32 v15, v7;
	v15 =	vmul.f32 v28, v28;
	v21 =	vmul.f32 v21, v24  }
0x31f: {  	v14 =	vsub.f32 $1.500000000e+00, v14;
	v43 =	vshra.s32 v16, $0x1;
	v44 =	vmul.f32 $5.000000000e-01, v16  }
0x320: {  	v7 =	vadd.f32 v15, v7;
	v15 =	vsub.s32 $0x5F3759DF, v43;
	v0 =	vmul.f32 v21, v0  }
0x321: {  	v21 =	vmul.f32 v15, v44  }
0x322: {  	v18 =	vld.idx.msk [tilespmem:v3+s20+$0x0], $0xffff;
	v14 =	vmul.f32 v29, v14;
	[tilespmem:s12+$0x14300] =	vst v0  }
0x323: {  	v21 =	vmul.f32 v15, v21;
	v29 =	vld.idx.msk [tilespmem:v19+s20+$0x0], $0xffff  }
0x324: {  	v1 =	vmul.f32 v14, v1;
	v49 =	vld.idx.msk [tilespmem:v19+s21+$0x0], $0xffff  }
0x325: {  	v14 =	vld.idx.msk [tilespmem:v19+s22+$0x0], $0xffff;
	v19 =	vsub.f32 $1.500000000e+00, v21  }
0x326: {  	v24 =	vld.idx.msk [tilespmem:v3+s21+$0x0], $0xffff;
	v45 =	vshra.s32 v7, $0x1;
	v46 =	vmul.f32 $5.000000000e-01, v7;
	[tilespmem:s19+$0x14300] =	vst v1  }
0x327: {  	v0 =	vsub.s32 $0x5F3759DF, v45;
	v4 =	vld [tilespmem:$0x1FFC0];
	v1 =	vmul.f32 v15, v19  }
0x328: {  	v54 =	vshra.s32 v11, $0x1;
	v33 =	vmul.f32 v0, v46  }
0x329: {  	v55 =	vmul.f32 $5.000000000e-01, v11;
	v8 =	vsub.s32 $0x5F3759DF, v54;
	v1 =	vmul.f32 v1, v16  }
0x32a: {  	v47 =	vmul.f32 $5.000000000e-01, v2;
	v28 =	vshra.s32 v2, $0x1;
	v3 =	vld.idx.msk [tilespmem:v3+s22+$0x0], $0xffff;
	v21 =	vmul.f32 v0, v33  }
0x32b: {  	v28 =	vsub.s32 $0x5F3759DF, v28;
	v18 =	vsub.f32 v18, v60;
	v24 =	vsub.f32 v24, v17;
	[tilespmem:s8+$0x14300] =	vst v1  }
0x32c: {  	v36 =	vmul.f32 v8, v55;
	v48 =	vmul.f32 v28, v47;
	v15 =	vsub.f32 $1.500000000e+00, v21;
	v6 =	vld [tilespmem:$0x1FFE0]  }
0x32d: {  	v18 =	vmul.f32 v18, v18;
	v24 =	vmul.f32 v24, v24  }
0x32e: {  	v22 =	vmul.f32 v8, v36;
	v0 =	vmul.f32 v0, v15  }
0x32f: {  	v3 =	vsub.f32 v3, v58;
	v19 =	vmul.f32 v28, v48;
	v18 =	vadd.f32 v24, v18;
	v21 =	vld.idx.msk [tilespmem:v4+s20+$0x0], $0xffff  }
0x330: {  	v23 =	vsub.f32 v29, v23;
	v24 =	vsub.f32 v49, v25;
	v0 =	vmul.f32 v0, v7;
	v25 =	vld.idx.msk [tilespmem:v4+s21+$0x0], $0xffff  }
0x331: {  	v3 =	vmul.f32 v3, v3;
	v14 =	vsub.f32 v14, v26;
	v7 =	vsub.f32 $1.500000000e+00, v19  }
0x332: {  	v15 =	vmul.f32 v23, v23;
	v16 =	vmul.f32 v24, v24;
	v23 =	vld.idx.msk [tilespmem:v4+s22+$0x0], $0xffff;
	[tilespmem:s6+$0x14300] =	vst v0  }
0x333: {  	v3 =	vadd.f32 v3, v18;
	v18 =	vsub.f32 $1.500000000e+00, v22;
	v0 =	vmul.f32 v28, v7;
	v7 =	vld.idx.msk [tilespmem:v59+s20+$0x0], $0xffff  }
0x334: {  	v1 =	vmul.f32 v12, v32;
	v14 =	vmul.f32 v14, v14;
	v15 =	vadd.f32 v16, v15;
	v12 =	vld.idx.msk [tilespmem:v6+s20+$0x0], $0xffff  }
0x335: {  	v4 =	vsub.f32 v21, v61;
	v5 =	vsub.f32 v25, v5;
	v16 =	vld.idx.msk [tilespmem:v6+s21+$0x0], $0xffff  }
0x336: {  	v19 =	vshra.s32 v3, $0x1;
	v14 =	vadd.f32 v14, v15;
	v15 =	vld.idx.msk [tilespmem:v59+s21+$0x0], $0xffff;
	v21 =	vmul.f32 $5.000000000e-01, v3  }
0x337: {  	v19 =	vsub.s32 $0x5F3759DF, v19;
	v4 =	vmul.f32 v4, v4;
	v5 =	vmul.f32 v5, v5;
	v17 =	vld.idx.msk [tilespmem:v6+s22+$0x0], $0xffff  }
0x338: {  	v22 =	vld.idx.msk [tilespmem:v59+s22+$0x0], $0xffff;
	v0 =	vmul.f32 v0, v2;
	v24 =	vmul.f32 $5.000000000e-01, v14;
	v6 =	vsub.f32 v23, v63  }
0x339: {  	v2 =	vmul.f32 v19, v21;
	v7 =	vsub.f32 v7, v20;
	v4 =	vadd.f32 v5, v4  }
0x33a: {  	v21 =	vshra.s32 v14, $0x1;
	v12 =	vsub.f32 v12, v13;
	v9 =	vsub.f32 v16, v9  }
0x33b: {  	v5 =	vsub.s32 $0x5F3759DF, v21;
	v6 =	vmul.f32 v6, v6;
	v13 =	vsub.f32 v15, v27  }
0x33c: {  	v10 =	vsub.f32 v17, v10;
	v12 =	vmul.f32 v12, v12;
	v9 =	vmul.f32 v9, v9  }
0x33d: {  	v7 =	vmul.f32 v7, v7;
	v15 =	vsub.f32 v22, v30;
	v13 =	vmul.f32 v13, v13  }
0x33e: {  	v4 =	vadd.f32 v6, v4;
	v6 =	vadd.f32 v9, v12;
	v9 =	vmul.f32 v10, v10  }
0x33f: {  	v10 =	vmul.f32 v5, v24;
	v7 =	vadd.f32 v13, v7;
	v12 =	vmul.f32 v15, v15  }
0x340: {  	v13 =	vshra.s32 v4, $0x1;
	v15 =	vmul.f32 $5.000000000e-01, v4;
	v6 =	vadd.f32 v9, v6  }
0x341: {  	v9 =	vmul.f32 v5, v10;
	v10 =	vsub.s32 $0x5F3759DF, v13;
	v7 =	vadd.f32 v12, v7  }
0x342: {  	v12 =	vmul.f32 v10, v15;
	v13 =	vshra.s32 v6, $0x1;
	v15 =	vmul.f32 $5.000000000e-01, v6  }
0x343: {  	v16 =	vshra.s32 v7, $0x1;
	v17 =	vmul.f32 $5.000000000e-01, v7;
	v13 =	vsub.s32 $0x5F3759DF, v13  }
0x344: {  	v2 =	vmul.f32 v19, v2;
	v16 =	vsub.s32 $0x5F3759DF, v16;
	v15 =	vmul.f32 v13, v15  }
0x345: {  	v9 =	vsub.f32 $1.500000000e+00, v9;
	v12 =	vmul.f32 v10, v12;
	v17 =	vmul.f32 v16, v17  }
0x346: {  	v8 =	vmul.f32 v8, v18;
	v2 =	vsub.f32 $1.500000000e+00, v2;
	v15 =	vmul.f32 v13, v15  }
0x347: {  	v5 =	vmul.f32 v5, v9;
	v9 =	vsub.f32 $1.500000000e+00, v12;
	v12 =	vmul.f32 v16, v17  }
0x348: {  	[tilespmem:s1+$0x14380] =	vst v1;
	v1 =	vmul.f32 v8, v11;
	v2 =	vmul.f32 v19, v2;
	v8 =	vsub.f32 $1.500000000e+00, v15  }
0x349: {  	[tilespmem:s9+$0x14380] =	vst v0;
	v0 =	vmul.f32 v5, v14;
	v5 =	vmul.f32 v10, v9;
	v9 =	vsub.f32 $1.500000000e+00, v12  }
0x34a: {  	[tilespmem:s0+$0x14380] =	vst v1;
	v1 =	vmul.f32 v2, v3;
	v2 =	vmul.f32 v13, v8  }
0x34b: {  	[tilespmem:s12+$0x14380] =	vst v0;
	v0 =	vmul.f32 v5, v4;
	v3 =	vmul.f32 v16, v9  }
0x34c: {  	[tilespmem:s13+$0x14380] =	vst v1;
	v1 =	vmul.f32 v2, v6  }
0x34d: {  	[tilespmem:s19+$0x14380] =	vst v0;
	v0 =	vmul.f32 v3, v7  }
0x34e: {  	s12 =	sshrl.u32 s10, $0x3;
	[tilespmem:s8+$0x14380] =	vst v1  }
0x34f: {  	p1 =	seq.s32 s31, $0x7;
	s13 =	simm.s32 $0x14000;
	s0 =	sadd.s32 s3, s12;
	[tilespmem:s6+$0x14380] =	vst v0  }
0x350: {  	[hbm4b:s0+s4] =	stream.linear.scatter [tilespmem:s13], [sflag:$0x3], $0x4000, $0x38;
	[tilespmem:$0x1C000] =	vst v63  }
0x351: {  	s0 =	sadd.s32 @!p1 $0x8000, s10  }
0x352: {  	s0 =	sshrl.u32 @!p1 s0, $0x3  }
0x353: {  	s1 =	simm.s32 @!p1 $0x0;
	s6 =	simm.s32 @!p1 $0xC000;
	s0 =	sadd.s32 @!p1 s2, s0  }
0x354: {  	[tilespmem:s6], [sflag:$0x1] =	stream.linear.gather @!p1 [hbm4b:s0+s1], $0x4000, $0x38;
	[tilespmem:$0x1C000] =	vst v63  }
0x355: {  	_ =	swait.ge [sflag:s24], $0x4000  }
0x356: {  	[sflag:s24] =	ssyncset.done $0x0  }
0x357: {  	s14 =	simm.s32 $0x0;
	s0 =	simm.s32 @!p0 $0x4;
	[sflag:s24] =	ssyncadd.s32 $0xFFFFC000  }
0x358: {  	s15 =	sand.u32 $0x60, s14;
	_ =	swait.ge @!p0 [sflag:s0], $0x4000  }
0x359: {  	s16 =	simm.s32 $0x0;
	s17 =	sor.u32 $0x10, s15;
	[sflag:s0] =	ssyncset.done @!p0 $0x0  }
0x35a: {  	s10 =	sor.u32 s16, s17;
	[sflag:s0] =	ssyncadd.s32 @!p0 $0xFFFFC000  }
0x35b: {  	v0 =	vld [tilespmem:s10+$0x10000]  }
0x35c: {  	s9 =	sor.u32 $0x1, s11  }
0x35d: {  	s19 =	sshll.u32 s9, $0xB  }
0x35e: {  	s23 =	simm.s32 $0x0;
	s18 =	sand.u32 $0x1800, s19  }
0x35f: {  	s0 =	sor.u32 s18, s23  }
0x360: {  	s8 =	sor.u32 s17, s0  }
0x361: {  	v6 =	vld [tilespmem:s8+$0x6000]  }
0x362: {  	v5 =	vld [tilespmem:s8+$0x8000]  }
0x363: {  	v1 =	vld.idx.msk [tilespmem:v0+s20+$0x0], $0xffff  }
0x364: {  	v2 =	vld.idx.msk [tilespmem:v0+s21+$0x0], $0xffff  }
0x365: {  	v4 =	vld [tilespmem:s8+$0xA000]  }
0x366: {  	v0 =	vld.idx.msk [tilespmem:v0+s22+$0x0], $0xffff;
	_ =	sdelay $0x2  }
0x367: {  	v1 =	vsub.f32 v1, v6;
	v2 =	vsub.f32 v2, v5;
	_ =	sdelay $0x1  }
0x368: {  	v0 =	vsub.f32 v0, v4;
	v1 =	vmul.f32 v1, v1;
	v2 =	vmul.f32 v2, v2;
	_ =	sdelay $0x1  }
0x369: {  	v0 =	vmul.f32 v0, v0;
	v1 =	vadd.f32 v2, v1;
	_ =	sdelay $0x1  }
0x36a: {  	v0 =	vadd.f32 v0, v1;
	_ =	sdelay $0x1  }
0x36b: {  	v1 =	vshra.s32 v0, $0x1;
	v2 =	vmul.f32 $5.000000000e-01, v0  }
0x36c: {  	v1 =	vsub.s32 $0x5F3759DF, v1  }
0x36d: {  	v2 =	vmul.f32 v1, v2;
	_ =	sdelay $0x1  }
0x36e: {  	v2 =	vmul.f32 v1, v2  }
0x36f: {  	v3 =	vld [tilespmem:s10+$0x10080]  }
0x370: {  	v2 =	vsub.f32 $1.500000000e+00, v2;
	_ =	sdelay $0x1  }
0x371: {  	v1 =	vmul.f32 v1, v2;
	_ =	sdelay $0x1  }
0x372: {  	v0 =	vmul.f32 v1, v0;
	_ =	sdelay $0x1  }
0x373: {  	[tilespmem:s10+$0x18000] =	vst v0  }
0x374: {  	v0 =	vld.idx.msk [tilespmem:v3+s20+$0x0], $0xffff  }
0x375: {  	v1 =	vld.idx.msk [tilespmem:v3+s21+$0x0], $0xffff;
	_ =	sdelay $0x1  }
0x376: {  	s1 =	sor.u32 s15, s16;
	v2 =	vld.idx.msk [tilespmem:v3+s22+$0x0], $0xffff  }
0x377: {  	v3 =	vld [tilespmem:s1+$0x10000];
	_ =	sdelay $0x1  }
0x378: {  	v0 =	vsub.f32 v0, v6;
	v1 =	vsub.f32 v1, v5;
	_ =	sdelay $0x1  }
0x379: {  	v2 =	vsub.f32 v2, v4;
	v0 =	vmul.f32 v0, v0;
	v1 =	vmul.f32 v1, v1  }
0x37a: {  	s0 =	sor.u32 s15, s0  }
0x37b: {  	v25 =	vld [tilespmem:s0+$0x6000];
	v0 =	vadd.f32 v1, v0;
	v1 =	vmul.f32 v2, v2  }
0x37c: {  	v23 =	vld [tilespmem:s0+$0x8000]  }
0x37d: {  	v2 =	vld.idx.msk [tilespmem:v3+s20+$0x0], $0xffff;
	v0 =	vadd.f32 v1, v0  }
0x37e: {  	v1 =	vld.idx.msk [tilespmem:v3+s21+$0x0], $0xffff  }
0x37f: {  	v21 =	vld [tilespmem:s0+$0xA000];
	v7 =	vshra.s32 v0, $0x1;
	v8 =	vmul.f32 $5.000000000e-01, v0  }
0x380: {  	v3 =	vld.idx.msk [tilespmem:v3+s22+$0x0], $0xffff;
	v7 =	vsub.s32 $0x5F3759DF, v7  }
0x381: {  	v8 =	vmul.f32 v7, v8  }
0x382: {  	v2 =	vsub.f32 v2, v25  }
0x383: {  	v1 =	vsub.f32 v1, v23;
	v8 =	vmul.f32 v7, v8  }
0x384: {  	v9 =	vld [tilespmem:s10+$0x10100];
	v2 =	vmul.f32 v2, v2  }
0x385: {  	v3 =	vsub.f32 v3, v21;
	v1 =	vmul.f32 v1, v1;
	v8 =	vsub.f32 $1.500000000e+00, v8;
	_ =	sdelay $0x1  }
0x386: {  	v3 =	vmul.f32 v3, v3;
	v1 =	vadd.f32 v1, v2;
	v7 =	vmul.f32 v7, v8;
	_ =	sdelay $0x1  }
0x387: {  	v1 =	vadd.f32 v3, v1;
	v0 =	vmul.f32 v7, v0;
	_ =	sdelay $0x1  }
0x388: {  	v2 =	vshra.s32 v1, $0x1;
	v3 =	vmul.f32 $5.000000000e-01, v1;
	[tilespmem:s10+$0x18080] =	vst v0  }
0x389: {  	v2 =	vsub.s32 $0x5F3759DF, v2;
	v0 =	vld.idx.msk [tilespmem:v9+s20+$0x0], $0xffff  }
0x38a: {  	v7 =	vld.idx.msk [tilespmem:v9+s21+$0x0], $0xffff;
	v3 =	vmul.f32 v2, v3;
	_ =	sdelay $0x1  }
0x38b: {  	v8 =	vld.idx.msk [tilespmem:v9+s22+$0x0], $0xffff;
	v3 =	vmul.f32 v2, v3;
	_ =	sdelay $0x1  }
0x38c: {  	v11 =	vsub.f32 $1.500000000e+00, v3  }
0x38d: {  	s26 =	simm.s32 $0x20;
	v9 =	vsub.f32 v0, v6;
	v7 =	vsub.f32 v7, v5  }
0x38e: {  	s29 =	sand.u32 $0x60, s26;
	v10 =	vld [tilespmem:s1+$0x10080];
	v2 =	vmul.f32 v2, v11  }
0x38f: {  	s14 =	sor.u32 $0x10, s29;
	s13 =	simm.s32 $0x0;
	v8 =	vsub.f32 v8, v4;
	v12 =	vmul.f32 v9, v9;
	v7 =	vmul.f32 v7, v7  }
0x390: {  	s12 =	sor.u32 s13, s14  }
0x391: {  	v8 =	vmul.f32 v8, v8;
	v1 =	vmul.f32 v2, v1;
	v2 =	vld [tilespmem:s12+$0x10000];
	v7 =	vadd.f32 v7, v12;
	_ =	sdelay $0x1  }
0x392: {  	v11 =	vadd.f32 v8, v7;
	_ =	sdelay $0x1  }
0x393: {  	v16 =	vld [tilespmem:s10+$0x10180];
	[tilespmem:s1+$0x18000] =	vst v1;
	v7 =	vshra.s32 v11, $0x1;
	v8 =	vmul.f32 $5.000000000e-01, v11  }
0x394: {  	v1 =	vld.idx.msk [tilespmem:v10+s20+$0x0], $0xffff;
	v13 =	vsub.s32 $0x5F3759DF, v7  }
0x395: {  	v12 =	vld.idx.msk [tilespmem:v10+s21+$0x0], $0xffff;
	v7 =	vmul.f32 v13, v8  }
0x396: {  	s15 =	simm.s32 $0x0;
	v10 =	vld.idx.msk [tilespmem:v10+s22+$0x0], $0xffff  }
0x397: {  	s11 =	sor.u32 s18, s15;
	v17 =	vld.idx.msk [tilespmem:v2+s20+$0x0], $0xffff;
	v8 =	vmul.f32 v13, v7  }
0x398: {  	s8 =	sor.u32 s14, s11;
	v19 =	vld.idx.msk [tilespmem:v2+s21+$0x0], $0xffff  }
0x399: {  	v7 =	vld [tilespmem:s8+$0x6000];
	v18 =	vsub.f32 $1.500000000e+00, v8  }
0x39a: {  	v1 =	vsub.f32 v1, v25;
	v12 =	vsub.f32 v12, v23;
	v8 =	vld [tilespmem:s8+$0x8000]  }
0x39b: {  	v2 =	vld.idx.msk [tilespmem:v2+s22+$0x0], $0xffff;
	v18 =	vmul.f32 v13, v18  }
0x39c: {  	v10 =	vsub.f32 v10, v21;
	v1 =	vmul.f32 v1, v1;
	v12 =	vmul.f32 v12, v12;
	v13 =	vld [tilespmem:s8+$0xA000]  }
0x39d: {  	v11 =	vmul.f32 v18, v11  }
0x39e: {  	s0 =	sor.u32 s29, s13;
	v10 =	vmul.f32 v10, v10;
	v1 =	vadd.f32 v12, v1  }
0x39f: {  	v18 =	vld [tilespmem:s0+$0x10000];
	v12 =	vsub.f32 v19, v8;
	[tilespmem:s10+$0x18100] =	vst v11;
	v11 =	vsub.f32 v17, v7  }
0x3a0: {  	v1 =	vadd.f32 v10, v1;
	v10 =	vld.idx.msk [tilespmem:v16+s20+$0x0], $0xffff  }
0x3a1: {  	v17 =	vld.idx.msk [tilespmem:v16+s21+$0x0], $0xffff;
	v2 =	vsub.f32 v2, v13;
	v12 =	vmul.f32 v12, v12;
	v11 =	vmul.f32 v11, v11  }
0x3a2: {  	v19 =	vshra.s32 v1, $0x1;
	v20 =	vmul.f32 $5.000000000e-01, v1;
	v16 =	vld.idx.msk [tilespmem:v16+s22+$0x0], $0xffff  }
0x3a3: {  	v19 =	vsub.s32 $0x5F3759DF, v19;
	v2 =	vmul.f32 v2, v2;
	v11 =	vadd.f32 v12, v11  }
0x3a4: {  	v12 =	vmul.f32 v19, v20  }
0x3a5: {  	v14 =	vld [tilespmem:s1+$0x10100];
	s6 =	sor.u32 s29, s11;
	v2 =	vadd.f32 v2, v11  }
0x3a6: {  	v20 =	vld [tilespmem:s6+$0x6000];
	v11 =	vmul.f32 v19, v12;
	v10 =	vsub.f32 v10, v6;
	v12 =	vsub.f32 v17, v5  }
0x3a7: {  	v22 =	vld.idx.msk [tilespmem:v18+s20+$0x0], $0xffff;
	v16 =	vsub.f32 v16, v4;
	v26 =	vshra.s32 v2, $0x1;
	v27 =	vmul.f32 $5.000000000e-01, v2  }
0x3a8: {  	v17 =	vld.idx.msk [tilespmem:v18+s21+$0x0], $0xffff;
	v10 =	vmul.f32 v10, v10;
	v28 =	vmul.f32 v12, v12;
	v26 =	vsub.s32 $0x5F3759DF, v26  }
0x3a9: {  	v18 =	vld.idx.msk [tilespmem:v18+s22+$0x0], $0xffff;
	v11 =	vsub.f32 $1.500000000e+00, v11;
	v27 =	vmul.f32 v26, v27  }
0x3aa: {  	v12 =	vld [tilespmem:s6+$0x8000];
	v16 =	vmul.f32 v16, v16;
	v10 =	vadd.f32 v28, v10  }
0x3ab: {  	v19 =	vmul.f32 v19, v11;
	v11 =	vld [tilespmem:s6+$0xA000];
	v27 =	vmul.f32 v26, v27  }
0x3ac: {  	v10 =	vadd.f32 v16, v10;
	v16 =	vld [tilespmem:s12+$0x10080]  }
0x3ad: {  	v1 =	vmul.f32 v19, v1;
	v19 =	vsub.f32 $1.500000000e+00, v27  }
0x3ae: {  	v22 =	vsub.f32 v22, v20;
	v27 =	vshra.s32 v10, $0x1;
	v28 =	vmul.f32 $5.000000000e-01, v10  }
0x3af: {  	v17 =	vsub.f32 v17, v12;
	v27 =	vsub.s32 $0x5F3759DF, v27;
	v19 =	vmul.f32 v26, v19  }
0x3b0: {  	v22 =	vmul.f32 v22, v22;
	[tilespmem:s1+$0x18080] =	vst v1;
	v1 =	vmul.f32 v27, v28  }
0x3b1: {  	v18 =	vsub.f32 v18, v11;
	v17 =	vmul.f32 v17, v17;
	v26 =	vld.idx.msk [tilespmem:v14+s20+$0x0], $0xffff;
	v2 =	vmul.f32 v19, v2  }
0x3b2: {  	v28 =	vld [tilespmem:s10+$0x10200];
	v1 =	vmul.f32 v27, v1  }
0x3b3: {  	v18 =	vmul.f32 v18, v18;
	v17 =	vadd.f32 v17, v22;
	v19 =	vld.idx.msk [tilespmem:v14+s21+$0x0], $0xffff;
	[tilespmem:s12+$0x18000] =	vst v2  }
0x3b4: {  	v1 =	vsub.f32 $1.500000000e+00, v1;
	v2 =	vld.idx.msk [tilespmem:v16+s20+$0x0], $0xffff  }
0x3b5: {  	v22 =	vadd.f32 v18, v17;
	v17 =	vld.idx.msk [tilespmem:v16+s21+$0x0], $0xffff  }
0x3b6: {  	v14 =	vld.idx.msk [tilespmem:v14+s22+$0x0], $0xffff;
	v1 =	vmul.f32 v27, v1  }
0x3b7: {  	v18 =	vshra.s32 v22, $0x1;
	v16 =	vld.idx.msk [tilespmem:v16+s22+$0x0], $0xffff;
	v27 =	vmul.f32 $5.000000000e-01, v22  }
0x3b8: {  	v26 =	vsub.f32 v26, v25;
	v29 =	vsub.s32 $0x5F3759DF, v18;
	v10 =	vmul.f32 v1, v10  }
0x3b9: {  	v18 =	vsub.f32 v19, v23;
	v19 =	vmul.f32 v29, v27  }
0x3ba: {  	v30 =	vld [tilespmem:s0+$0x10080];
	v26 =	vmul.f32 v26, v26;
	[tilespmem:s10+$0x18180] =	vst v10;
	v2 =	vsub.f32 v2, v7;
	v10 =	vsub.f32 v17, v8  }
0x3bb: {  	v14 =	vsub.f32 v14, v21;
	v17 =	vmul.f32 v18, v18;
	v18 =	vmul.f32 v29, v19;
	v27 =	vld.idx.msk [tilespmem:v28+s20+$0x0], $0xffff  }
0x3bc: {  	v16 =	vsub.f32 v16, v13;
	v19 =	vld.idx.msk [tilespmem:v28+s21+$0x0], $0xffff;
	v2 =	vmul.f32 v2, v2;
	v10 =	vmul.f32 v10, v10  }
0x3bd: {  	v28 =	vld.idx.msk [tilespmem:v28+s22+$0x0], $0xffff;
	v17 =	vadd.f32 v17, v26;
	v26 =	vsub.f32 $1.500000000e+00, v18  }
0x3be: {  	v31 =	vmul.f32 v14, v14;
	v16 =	vmul.f32 v16, v16;
	v2 =	vadd.f32 v10, v2  }
0x3bf: {  	v26 =	vmul.f32 v29, v26  }
0x3c0: {  	v29 =	vadd.f32 v31, v17;
	v2 =	vadd.f32 v16, v2  }
0x3c1: {  	v16 =	vmul.f32 v26, v22;
	v22 =	vsub.f32 v27, v6;
	v26 =	vsub.f32 v19, v5  }
0x3c2: {  	v27 =	vsub.f32 v28, v4;
	v28 =	vshra.s32 v2, $0x1;
	v31 =	vmul.f32 $5.000000000e-01, v2  }
0x3c3: {  	[tilespmem:s0+$0x18000] =	vst v16;
	v16 =	vmul.f32 v22, v22;
	v22 =	vmul.f32 v26, v26;
	v26 =	vsub.s32 $0x5F3759DF, v28  }
0x3c4: {  	v50 =	vmul.f32 $5.000000000e-01, v29;
	v28 =	vshra.s32 v29, $0x1;
	v51 =	vld.idx.msk [tilespmem:v30+s20+$0x0], $0xffff;
	v31 =	vmul.f32 v26, v31  }
0x3c5: {  	v52 =	vld.idx.msk [tilespmem:v30+s21+$0x0], $0xffff;
	v28 =	vsub.s32 $0x5F3759DF, v28;
	v16 =	vadd.f32 v22, v16;
	v22 =	vmul.f32 v27, v27  }
0x3c6: {  	v30 =	vld.idx.msk [tilespmem:v30+s22+$0x0], $0xffff;
	v27 =	vmul.f32 v28, v50;
	v31 =	vmul.f32 v26, v31  }
0x3c7: {  	v16 =	vadd.f32 v22, v16;
	v22 =	vld [tilespmem:s12+$0x10100]  }
0x3c8: {  	v27 =	vmul.f32 v28, v27;
	v31 =	vsub.f32 $1.500000000e+00, v31  }
0x3c9: {  	v53 =	vsub.f32 v51, v20;
	v54 =	vshra.s32 v16, $0x1;
	v55 =	vmul.f32 $5.000000000e-01, v16  }
0x3ca: {  	v34 =	vsub.f32 v52, v12;
	v33 =	vsub.s32 $0x5F3759DF, v54;
	v26 =	vmul.f32 v26, v31  }
0x3cb: {  	v31 =	vmul.f32 v33, v55;
	v32 =	vmul.f32 v53, v53  }
0x3cc: {  	v30 =	vsub.f32 v30, v11;
	v34 =	vmul.f32 v34, v34;
	v2 =	vmul.f32 v26, v2  }
0x3cd: {  	v26 =	vmul.f32 v33, v31  }
0x3ce: {  	v56 =	vld [tilespmem:s10+$0x10280];
	v27 =	vsub.f32 $1.500000000e+00, v27;
	v30 =	vmul.f32 v30, v30;
	v31 =	vadd.f32 v34, v32;
	[tilespmem:s12+$0x18080] =	vst v2  }
0x3cf: {  	v2 =	vsub.f32 $1.500000000e+00, v26;
	v26 =	vld.idx.msk [tilespmem:v22+s20+$0x0], $0xffff  }
0x3d0: {  	v27 =	vmul.f32 v28, v27;
	v28 =	vadd.f32 v30, v31;
	v30 =	vld.idx.msk [tilespmem:v22+s21+$0x0], $0xffff  }
0x3d1: {  	v0 =	vld [tilespmem:s1+$0x10180];
	v2 =	vmul.f32 v33, v2  }
0x3d2: {  	v27 =	vmul.f32 v27, v29;
	v22 =	vld.idx.msk [tilespmem:v22+s22+$0x0], $0xffff;
	v29 =	vshra.s32 v28, $0x1;
	v31 =	vmul.f32 $5.000000000e-01, v28  }
0x3d3: {  	v29 =	vsub.s32 $0x5F3759DF, v29;
	v2 =	vmul.f32 v2, v16  }
0x3d4: {  	v16 =	vmul.f32 v29, v31  }
0x3d5: {  	[tilespmem:s10+$0x18200] =	vst v2;
	v2 =	vsub.f32 v26, v7;
	v26 =	vsub.f32 v30, v8  }
0x3d6: {  	v16 =	vmul.f32 v29, v16;
	v30 =	vld.idx.msk [tilespmem:v56+s20+$0x0], $0xffff  }
0x3d7: {  	v22 =	vsub.f32 v22, v13;
	v31 =	vld.idx.msk [tilespmem:v56+s21+$0x0], $0xffff;
	v2 =	vmul.f32 v2, v2;
	v26 =	vmul.f32 v26, v26  }
0x3d8: {  	v32 =	vld.idx.msk [tilespmem:v56+s22+$0x0], $0xffff;
	v16 =	vsub.f32 $1.500000000e+00, v16  }
0x3d9: {  	v1 =	vld [tilespmem:s0+$0x10100];
	[tilespmem:s1+$0x18100] =	vst v27;
	v22 =	vmul.f32 v22, v22;
	v2 =	vadd.f32 v26, v2  }
0x3da: {  	s16 =	simm.s32 $0x40;
	v27 =	vld.idx.msk [tilespmem:v0+s20+$0x0], $0xffff;
	v16 =	vmul.f32 v29, v16  }
0x3db: {  	s6 =	sand.u32 $0x60, s16;
	v26 =	vld.idx.msk [tilespmem:v0+s21+$0x0], $0xffff;
	v2 =	vadd.f32 v22, v2  }
0x3dc: {  	s17 =	simm.s32 $0x0;
	s19 =	sor.u32 $0x10, s6;
	v0 =	vld.idx.msk [tilespmem:v0+s22+$0x0], $0xffff;
	v16 =	vmul.f32 v16, v28;
	v22 =	vsub.f32 v30, v6;
	v28 =	vsub.f32 v31, v5  }
0x3dd: {  	s23 =	simm.s32 $0x0;
	s15 =	sor.u32 s17, s19;
	v29 =	vsub.f32 v32, v4;
	v30 =	vshra.s32 v2, $0x1;
	v57 =	vmul.f32 $5.000000000e-01, v2  }
0x3de: {  	s8 =	sor.u32 s18, s23;
	v31 =	vld [tilespmem:s15+$0x10000];
	[tilespmem:s0+$0x18080] =	vst v16;
	v16 =	vmul.f32 v22, v22;
	v22 =	vmul.f32 v28, v28;
	v28 =	vsub.s32 $0x5F3759DF, v30  }
0x3df: {  	v60 =	vld [tilespmem:s12+$0x10180];
	s11 =	sor.u32 s19, s8;
	v27 =	vsub.f32 v27, v25;
	v30 =	vmul.f32 v28, v57  }
0x3e0: {  	v32 =	vld [tilespmem:s11+$0xA000];
	v26 =	vsub.f32 v26, v23;
	v16 =	vadd.f32 v22, v16;
	v22 =	vmul.f32 v29, v29  }
0x3e1: {  	v58 =	vld.idx.msk [tilespmem:v1+s20+$0x0], $0xffff;
	v0 =	vsub.f32 v0, v21;
	v30 =	vmul.f32 v28, v30  }
0x3e2: {  	v27 =	vmul.f32 v27, v27;
	v59 =	vld.idx.msk [tilespmem:v1+s21+$0x0], $0xffff;
	v26 =	vmul.f32 v26, v26;
	v16 =	vadd.f32 v22, v16  }
0x3e3: {  	s13 =	sor.u32 s6, s17;
	v1 =	vld.idx.msk [tilespmem:v1+s22+$0x0], $0xffff;
	v0 =	vmul.f32 v0, v0;
	v30 =	vsub.f32 $1.500000000e+00, v30  }
0x3e4: {  	v29 =	vld [tilespmem:s13+$0x10000];
	v26 =	vadd.f32 v26, v27;
	v61 =	vshra.s32 v16, $0x1;
	v62 =	vmul.f32 $5.000000000e-01, v16  }
0x3e5: {  	v22 =	vld [tilespmem:s11+$0x6000];
	v63 =	vsub.s32 $0x5F3759DF, v61;
	v28 =	vmul.f32 v28, v30  }
0x3e6: {  	v44 =	vld.idx.msk [tilespmem:v31+s20+$0x0], $0xffff;
	v0 =	vadd.f32 v0, v26;
	v26 =	vmul.f32 v63, v62  }
0x3e7: {  	v45 =	vld.idx.msk [tilespmem:v31+s21+$0x0], $0xffff;
	v2 =	vmul.f32 v28, v2  }
0x3e8: {  	v30 =	vld [tilespmem:s11+$0x8000];
	v26 =	vmul.f32 v63, v26  }
0x3e9: {  	v31 =	vld.idx.msk [tilespmem:v31+s22+$0x0], $0xffff;
	[tilespmem:s12+$0x18100] =	vst v2  }
0x3ea: {  	v26 =	vsub.f32 $1.500000000e+00, v26;
	v47 =	vld.idx.msk [tilespmem:v60+s20+$0x0], $0xffff  }
0x3eb: {  	v1 =	vsub.f32 v1, v11;
	v48 =	vld.idx.msk [tilespmem:v60+s21+$0x0], $0xffff  }
0x3ec: {  	v27 =	vld [tilespmem:s10+$0x10300];
	v33 =	vsub.f32 v58, v20;
	v34 =	vsub.f32 v59, v12;
	v26 =	vmul.f32 v63, v26  }
0x3ed: {  	v54 =	vmul.f32 v1, v1;
	v49 =	vsub.f32 v44, v22;
	v36 =	vsub.f32 v45, v30;
	v35 =	vld.idx.msk [tilespmem:v60+s22+$0x0], $0xffff  }
0x3ee: {  	v46 =	vmul.f32 $5.000000000e-01, v0;
	v28 =	vshra.s32 v0, $0x1;
	v16 =	vmul.f32 v26, v16  }
0x3ef: {  	v36 =	vmul.f32 v36, v36;
	v26 =	vsub.f32 v31, v32;
	v31 =	vmul.f32 v49, v49  }
0x3f0: {  	v3 =	vld [tilespmem:s1+$0x10200];
	s6 =	sor.u32 s6, s8;
	v28 =	vsub.s32 $0x5F3759DF, v28;
	[tilespmem:s10+$0x18280] =	vst v16;
	v16 =	vsub.f32 v47, v7;
	v51 =	vsub.f32 v48, v8  }
0x3f1: {  	v1 =	vld [tilespmem:s6+$0x6000];
	v2 =	vmul.f32 v28, v46;
	v31 =	vadd.f32 v36, v31;
	v26 =	vmul.f32 v26, v26  }
0x3f2: {  	v50 =	vld.idx.msk [tilespmem:v29+s20+$0x0], $0xffff;
	v35 =	vsub.f32 v35, v13;
	v16 =	vmul.f32 v16, v16;
	v38 =	vmul.f32 v51, v51  }
0x3f3: {  	v33 =	vmul.f32 v33, v33;
	v55 =	vld.idx.msk [tilespmem:v29+s21+$0x0], $0xffff;
	v2 =	vmul.f32 v28, v2;
	v26 =	vadd.f32 v26, v31  }
0x3f4: {  	v34 =	vmul.f32 v34, v34;
	v29 =	vld.idx.msk [tilespmem:v29+s22+$0x0], $0xffff;
	v31 =	vmul.f32 v35, v35;
	v16 =	vadd.f32 v38, v16  }
0x3f5: {  	v2 =	vsub.f32 $1.500000000e+00, v2;
	v52 =	vld.idx.msk [tilespmem:v27+s20+$0x0], $0xffff;
	v56 =	vshra.s32 v26, $0x1;
	v57 =	vmul.f32 $5.000000000e-01, v26  }
0x3f6: {  	v33 =	vadd.f32 v34, v33;
	v53 =	vld.idx.msk [tilespmem:v27+s21+$0x0], $0xffff;
	v34 =	vsub.s32 $0x5F3759DF, v56;
	v16 =	vadd.f32 v31, v16  }
0x3f7: {  	v28 =	vmul.f32 v28, v2;
	v2 =	vld [tilespmem:s6+$0x8000];
	v35 =	vmul.f32 v34, v57  }
0x3f8: {  	v37 =	vsub.f32 v50, v1;
	v27 =	vld.idx.msk [tilespmem:v27+s22+$0x0], $0xffff;
	v59 =	vshra.s32 v16, $0x1;
	v60 =	vmul.f32 $5.000000000e-01, v16  }
0x3f9: {  	v28 =	vmul.f32 v28, v0;
	v0 =	vld [tilespmem:s6+$0xA000];
	v35 =	vmul.f32 v34, v35;
	v41 =	vsub.s32 $0x5F3759DF, v59  }
0x3fa: {  	v61 =	vld [tilespmem:s15+$0x10080];
	v33 =	vadd.f32 v54, v33;
	v39 =	vsub.f32 v52, v6;
	v42 =	vmul.f32 v41, v60  }
0x3fb: {  	v37 =	vmul.f32 v37, v37;
	v36 =	vsub.f32 v53, v5;
	v35 =	vsub.f32 $1.500000000e+00, v35  }
0x3fc: {  	v15 =	vld [tilespmem:s1+$0x10280];
	v40 =	vsub.f32 v55, v2;
	v39 =	vmul.f32 v39, v39;
	v42 =	vmul.f32 v41, v42  }
0x3fd: {  	v62 =	vld [tilespmem:s12+$0x10200];
	v27 =	vsub.f32 v27, v4;
	v36 =	vmul.f32 v36, v36;
	v34 =	vmul.f32 v34, v35  }
0x3fe: {  	v24 =	vld [tilespmem:s1+$0x10380];
	v29 =	vsub.f32 v29, v0;
	v40 =	vmul.f32 v40, v40;
	v42 =	vsub.f32 $1.500000000e+00, v42  }
0x3ff: {  	v9 =	vld [tilespmem:s1+$0x10300];
	[tilespmem:s1+$0x18180] =	vst v28;
	v27 =	vmul.f32 v27, v27;
	v36 =	vadd.f32 v36, v39;
	v26 =	vmul.f32 v34, v26  }
0x400: {  	v63 =	vld.idx.msk [tilespmem:v3+s20+$0x0], $0xffff;
	v29 =	vmul.f32 v29, v29;
	v37 =	vadd.f32 v40, v37;
	v47 =	vmul.f32 v41, v42  }
0x401: {  	v58 =	vmul.f32 $5.000000000e-01, v33;
	v49 =	vld.idx.msk [tilespmem:v3+s21+$0x0], $0xffff;
	v31 =	vshra.s32 v33, $0x1;
	v36 =	vadd.f32 v27, v36;
	[tilespmem:s15+$0x18000] =	vst v26  }
0x402: {  	v31 =	vsub.s32 $0x5F3759DF, v31;
	v29 =	vadd.f32 v29, v37;
	v26 =	vld.idx.msk [tilespmem:v61+s20+$0x0], $0xffff;
	v16 =	vmul.f32 v47, v16  }
0x403: {  	v48 =	vmul.f32 v31, v58;
	v51 =	vshra.s32 v36, $0x1;
	v52 =	vmul.f32 $5.000000000e-01, v36;
	v53 =	vld.idx.msk [tilespmem:v61+s21+$0x0], $0xffff  }
0x404: {  	v27 =	vshra.s32 v29, $0x1;
	v50 =	vmul.f32 $5.000000000e-01, v29;
	v55 =	vsub.s32 $0x5F3759DF, v51;
	v56 =	vld.idx.msk [tilespmem:v61+s22+$0x0], $0xffff;
	[tilespmem:s12+$0x18180] =	vst v16  }
0x405: {  	v54 =	vsub.s32 $0x5F3759DF, v27;
	v27 =	vmul.f32 v31, v48;
	v57 =	vmul.f32 v55, v52;
	v58 =	vld.idx.msk [tilespmem:v62+s20+$0x0], $0xffff  }
0x406: {  	v38 =	vsub.f32 v49, v23;
	v16 =	vmul.f32 v54, v50;
	v59 =	vld.idx.msk [tilespmem:v62+s21+$0x0], $0xffff  }
0x407: {  	v34 =	vsub.f32 v63, v25;
	v43 =	vsub.f32 $1.500000000e+00, v27;
	v39 =	vmul.f32 v55, v57  }
0x408: {  	v35 =	vld.idx.msk [tilespmem:v62+s22+$0x0], $0xffff;
	v27 =	vmul.f32 v54, v16;
	v26 =	vsub.f32 v26, v22;
	v42 =	vsub.f32 v53, v30  }
0x409: {  	v44 =	vld [tilespmem:s13+$0x10080];
	v39 =	vsub.f32 $1.500000000e+00, v39;
	v40 =	vsub.f32 v56, v32  }
0x40a: {  	v62 =	vld.idx.msk [tilespmem:v3+s22+$0x0], $0xffff;
	v60 =	vsub.f32 $1.500000000e+00, v27;
	v61 =	vmul.f32 v26, v26;
	v3 =	vmul.f32 v42, v42  }
0x40b: {  	v14 =	vld [tilespmem:s0+$0x10200];
	v38 =	vmul.f32 v38, v38;
	v41 =	vsub.f32 v58, v7;
	v50 =	vsub.f32 v59, v8  }
0x40c: {  	v51 =	vld [tilespmem:s10+$0x10380];
	v40 =	vmul.f32 v40, v40;
	v63 =	vmul.f32 v54, v60;
	v52 =	vadd.f32 v3, v61  }
0x40d: {  	v18 =	vld [tilespmem:s0+$0x10180];
	v35 =	vsub.f32 v35, v13;
	v41 =	vmul.f32 v41, v41;
	v45 =	vmul.f32 v50, v50  }
0x40e: {  	v10 =	vld [tilespmem:s0+$0x10280];
	v34 =	vmul.f32 v34, v34;
	v42 =	vmul.f32 v63, v29;
	v53 =	vadd.f32 v40, v52  }
0x40f: {  	v17 =	vld [tilespmem:s0+$0x10300];
	v37 =	vmul.f32 v55, v39;
	v35 =	vmul.f32 v35, v35;
	v41 =	vadd.f32 v45, v41  }
0x410: {  	v19 =	vld [tilespmem:s0+$0x10380];
	v54 =	vsub.f32 v62, v21;
	[tilespmem:s13+$0x18000] =	vst v42;
	v55 =	vshra.s32 v53, $0x1;
	v47 =	vmul.f32 $5.000000000e-01, v53  }
0x411: {  	v36 =	vmul.f32 v37, v36;
	v42 =	vld.idx.msk [tilespmem:v44+s20+$0x0], $0xffff;
	v45 =	vsub.s32 $0x5F3759DF, v55;
	v35 =	vadd.f32 v35, v41  }
0x412: {  	v34 =	vadd.f32 v38, v34;
	v57 =	vmul.f32 v54, v54;
	v56 =	vld.idx.msk [tilespmem:v44+s21+$0x0], $0xffff;
	v58 =	vmul.f32 v45, v47  }
0x413: {  	v31 =	vmul.f32 v31, v43;
	[tilespmem:s10+$0x18300] =	vst v36;
	v59 =	vld.idx.msk [tilespmem:v44+s22+$0x0], $0xffff;
	v41 =	vshra.s32 v35, $0x1;
	v60 =	vmul.f32 $5.000000000e-01, v35  }
0x414: {  	v61 =	vld.idx.msk [tilespmem:v51+s20+$0x0], $0xffff;
	v34 =	vadd.f32 v57, v34;
	v40 =	vmul.f32 v45, v58;
	v41 =	vsub.s32 $0x5F3759DF, v41  }
0x415: {  	v63 =	vld [tilespmem:s15+$0x10100];
	v43 =	vmul.f32 v41, v60  }
0x416: {  	v31 =	vmul.f32 v31, v33;
	v48 =	vld.idx.msk [tilespmem:v51+s21+$0x0], $0xffff;
	v49 =	vshra.s32 v34, $0x1;
	v40 =	vsub.f32 $1.500000000e+00, v40  }
0x417: {  	v46 =	vld.idx.msk [tilespmem:v51+s22+$0x0], $0xffff;
	v62 =	vsub.f32 v42, v1;
	v37 =	vsub.f32 v56, v2;
	v43 =	vmul.f32 v41, v43  }
0x418: {  	[tilespmem:s0+$0x18100] =	vst v31;
	v50 =	vld [tilespmem:s12+$0x10280];
	v31 =	vmul.f32 $5.000000000e-01, v34;
	v36 =	vsub.f32 v59, v0;
	v40 =	vmul.f32 v45, v40  }
0x419: {  	v54 =	vld.idx.msk [tilespmem:v18+s21+$0x0], $0xffff;
	v33 =	vmul.f32 v62, v62;
	v37 =	vmul.f32 v37, v37;
	v51 =	vsub.f32 $1.500000000e+00, v43  }
0x41a: {  	v52 =	vld.idx.msk [tilespmem:v18+s20+$0x0], $0xffff;
	v6 =	vsub.f32 v61, v6;
	v47 =	vsub.s32 $0x5F3759DF, v49;
	v53 =	vmul.f32 v40, v53  }
0x41b: {  	v55 =	vld.idx.msk [tilespmem:v18+s22+$0x0], $0xffff;
	v36 =	vmul.f32 v36, v36;
	v33 =	vadd.f32 v37, v33;
	v38 =	vmul.f32 v41, v51  }
0x41c: {  	v5 =	vsub.f32 v48, v5;
	v4 =	vsub.f32 v46, v4;
	v31 =	vmul.f32 v47, v31;
	[tilespmem:s15+$0x18080] =	vst v53  }
0x41d: {  	v6 =	vmul.f32 v6, v6;
	v33 =	vadd.f32 v36, v33;
	v56 =	vld.idx.msk [tilespmem:v63+s20+$0x0], $0xffff;
	v18 =	vmul.f32 v38, v35  }
0x41e: {  	v39 =	vsub.f32 v54, v12;
	v5 =	vmul.f32 v5, v5;
	v31 =	vmul.f32 v47, v31;
	v59 =	vld.idx.msk [tilespmem:v63+s21+$0x0], $0xffff  }
0x41f: {  	v4 =	vmul.f32 v4, v4;
	v60 =	vld.idx.msk [tilespmem:v63+s22+$0x0], $0xffff;
	v57 =	vshra.s32 v33, $0x1;
	v58 =	vmul.f32 $5.000000000e-01, v33;
	[tilespmem:s12+$0x18200] =	vst v18  }
0x420: {  	v5 =	vadd.f32 v5, v6;
	v31 =	vsub.f32 $1.500000000e+00, v31;
	v6 =	vsub.s32 $0x5F3759DF, v57;
	v61 =	vld.idx.msk [tilespmem:v50+s20+$0x0], $0xffff  }
0x421: {  	v48 =	vmul.f32 v39, v39;
	v37 =	vmul.f32 v6, v58;
	v63 =	vld.idx.msk [tilespmem:v50+s21+$0x0], $0xffff  }
0x422: {  	v62 =	vsub.f32 v52, v20;
	v18 =	vadd.f32 v4, v5;
	v5 =	vmul.f32 v47, v31  }
0x423: {  	v44 =	vld.idx.msk [tilespmem:v50+s22+$0x0], $0xffff;
	v4 =	vmul.f32 v6, v37;
	v36 =	vsub.f32 v56, v22;
	v38 =	vsub.f32 v59, v30  }
0x424: {  	s26 =	simm.s32 $0x60;
	v40 =	vsub.f32 v55, v11;
	v5 =	vmul.f32 v5, v34;
	v45 =	vsub.f32 v60, v32  }
0x425: {  	s6 =	sand.u32 $0x60, s26;
	v4 =	vsub.f32 $1.500000000e+00, v4;
	v46 =	vmul.f32 v36, v36;
	v47 =	vmul.f32 v38, v38  }
0x426: {  	s29 =	simm.s32 $0x0;
	s14 =	sor.u32 $0x10, s6;
	v28 =	vld [tilespmem:s13+$0x10100];
	v31 =	vmul.f32 v62, v62;
	v49 =	vsub.f32 v61, v7;
	v50 =	vsub.f32 v63, v8  }
0x427: {  	s26 =	sor.u32 s29, s14;
	[tilespmem:s1+$0x18200] =	vst v5;
	v4 =	vmul.f32 v6, v4;
	v5 =	vadd.f32 v47, v46;
	v6 =	vmul.f32 v45, v45  }
0x428: {  	v36 =	vld [tilespmem:s26+$0x10000];
	v56 =	vsub.f32 v44, v13;
	v57 =	vmul.f32 v49, v49;
	v58 =	vmul.f32 v50, v50  }
0x429: {  	v31 =	vadd.f32 v48, v31;
	v59 =	vmul.f32 v40, v40;
	v51 =	vld.idx.msk [tilespmem:v15+s20+$0x0], $0xffff  }
0x42a: {  	v60 =	vld.idx.msk [tilespmem:v15+s21+$0x0], $0xffff;
	v5 =	vadd.f32 v6, v5;
	v35 =	vmul.f32 v56, v56;
	v6 =	vadd.f32 v58, v57  }
0x42b: {  	v38 =	vadd.f32 v59, v31;
	v15 =	vld.idx.msk [tilespmem:v15+s22+$0x0], $0xffff;
	v4 =	vmul.f32 v4, v33  }
0x42c: {  	v45 =	vld [tilespmem:s12+$0x10300];
	v31 =	vshra.s32 v5, $0x1;
	v61 =	vmul.f32 $5.000000000e-01, v5;
	v6 =	vadd.f32 v35, v6  }
0x42d: {  	v37 =	vshra.s32 v18, $0x1;
	[tilespmem:s13+$0x18080] =	vst v4;
	v58 =	vld [tilespmem:s15+$0x10180];
	v53 =	vsub.s32 $0x5F3759DF, v31  }
0x42e: {  	v4 =	vld.idx.msk [tilespmem:v28+s20+$0x0], $0xffff;
	v31 =	vmul.f32 v53, v61;
	v54 =	vshra.s32 v6, $0x1;
	v55 =	vmul.f32 $5.000000000e-01, v6  }
0x42f: {  	v62 =	vshra.s32 v38, $0x1;
	v34 =	vsub.f32 v51, v25;
	v52 =	vld.idx.msk [tilespmem:v28+s21+$0x0], $0xffff;
	v40 =	vsub.s32 $0x5F3759DF, v54  }
0x430: {  	s16 =	simm.s32 $0x0;
	v33 =	vsub.f32 v60, v23;
	v28 =	vld.idx.msk [tilespmem:v28+s22+$0x0], $0xffff;
	v57 =	vmul.f32 v53, v31;
	v44 =	vmul.f32 v40, v55  }
0x431: {  	s8 =	sor.u32 s18, s16;
	v63 =	vmul.f32 $5.000000000e-01, v38;
	v56 =	vsub.s32 $0x5F3759DF, v62;
	v34 =	vmul.f32 v34, v34;
	v59 =	vld.idx.msk [tilespmem:v36+s20+$0x0], $0xffff  }
0x432: {  	s14 =	sor.u32 s14, s8;
	v33 =	vmul.f32 v33, v33;
	v60 =	vld.idx.msk [tilespmem:v36+s21+$0x0], $0xffff;
	v35 =	vsub.f32 $1.500000000e+00, v57;
	v44 =	vmul.f32 v40, v44  }
0x433: {  	v39 =	vmul.f32 $5.000000000e-01, v18;
	v41 =	vmul.f32 v56, v63;
	v15 =	vsub.f32 v15, v21;
	v31 =	vld [tilespmem:s14+$0x6000]  }
0x434: {  	v33 =	vadd.f32 v33, v34;
	v34 =	vld [tilespmem:s14+$0x8000];
	v35 =	vmul.f32 v53, v35;
	v61 =	vsub.f32 $1.500000000e+00, v44  }
0x435: {  	v63 =	vmul.f32 v56, v41;
	v15 =	vmul.f32 v15, v15;
	v4 =	vsub.f32 v4, v1  }
0x436: {  	v36 =	vld.idx.msk [tilespmem:v36+s22+$0x0], $0xffff;
	v42 =	vsub.f32 v52, v2;
	v5 =	vmul.f32 v35, v5;
	v62 =	vmul.f32 v40, v61  }
0x437: {  	s19 =	sor.u32 s6, s29;
	v15 =	vadd.f32 v15, v33;
	v28 =	vsub.f32 v28, v0;
	v4 =	vmul.f32 v4, v4;
	v35 =	vld [tilespmem:s14+$0xA000]  }
0x438: {  	v41 =	vld [tilespmem:s19+$0x10000];
	v42 =	vmul.f32 v42, v42;
	v53 =	vsub.f32 v59, v31;
	[tilespmem:s15+$0x18100] =	vst v5;
	v5 =	vmul.f32 v62, v6  }
0x439: {  	v50 =	vshra.s32 v15, $0x1;
	v28 =	vmul.f32 v28, v28;
	v54 =	vsub.f32 v60, v34;
	v52 =	vld.idx.msk [tilespmem:v58+s20+$0x0], $0xffff  }
0x43a: {  	v51 =	vmul.f32 $5.000000000e-01, v15;
	v4 =	vadd.f32 v42, v4;
	v42 =	vmul.f32 v53, v53;
	v55 =	vld.idx.msk [tilespmem:v58+s21+$0x0], $0xffff;
	[tilespmem:s12+$0x18280] =	vst v5  }
0x43b: {  	v44 =	vmul.f32 v54, v54;
	v40 =	vsub.f32 $1.500000000e+00, v63;
	v6 =	vsub.s32 $0x5F3759DF, v50;
	v5 =	vld.idx.msk [tilespmem:v45+s20+$0x0], $0xffff  }
0x43c: {  	v28 =	vadd.f32 v28, v4;
	v43 =	vmul.f32 v6, v51;
	v36 =	vsub.f32 v36, v35;
	v4 =	vld.idx.msk [tilespmem:v45+s21+$0x0], $0xffff  }
0x43d: {  	v37 =	vsub.s32 $0x5F3759DF, v37;
	v42 =	vadd.f32 v44, v42;
	v40 =	vmul.f32 v56, v40;
	v56 =	vld.idx.msk [tilespmem:v58+s22+$0x0], $0xffff  }
0x43e: {  	v57 =	vshra.s32 v28, $0x1;
	v43 =	vmul.f32 v6, v43;
	v36 =	vmul.f32 v36, v36;
	v58 =	vld.idx.msk [tilespmem:v45+s22+$0x0], $0xffff  }
0x43f: {  	v16 =	vld [tilespmem:s13+$0x10180];
	v38 =	vmul.f32 v40, v38;
	v33 =	vsub.f32 v52, v22;
	v59 =	vsub.f32 v55, v30  }
0x440: {  	v27 =	vld [tilespmem:s13+$0x10200];
	v40 =	vsub.s32 $0x5F3759DF, v57;
	v43 =	vsub.f32 $1.500000000e+00, v43;
	v36 =	vadd.f32 v36, v42  }
0x441: {  	v26 =	vld [tilespmem:s13+$0x10280];
	v45 =	vmul.f32 $5.000000000e-01, v28;
	v5 =	vsub.f32 v5, v7;
	v62 =	vsub.f32 v4, v8  }
0x442: {  	v3 =	vld [tilespmem:s13+$0x10380];
	v46 =	vsub.f32 v56, v32;
	v33 =	vmul.f32 v33, v33;
	v42 =	vmul.f32 v59, v59  }
0x443: {  	s6 =	sor.u32 s6, s8;
	v63 =	vld.idx.msk [tilespmem:v41+s21+$0x0], $0xffff;
	v44 =	vsub.f32 v58, v13;
	v56 =	vmul.f32 v5, v5;
	v49 =	vmul.f32 v62, v62  }
0x444: {  	v61 =	vshra.s32 v36, $0x1;
	v57 =	vmul.f32 $5.000000000e-01, v36;
	v6 =	vmul.f32 v6, v43;
	v5 =	vld [tilespmem:s6+$0x8000]  }
0x445: {  	v29 =	vld [tilespmem:s13+$0x10300];
	v43 =	vsub.s32 $0x5F3759DF, v61;
	v44 =	vmul.f32 v44, v44;
	v59 =	vadd.f32 v49, v56  }
0x446: {  	v60 =	vld.idx.msk [tilespmem:v41+s20+$0x0], $0xffff;
	v33 =	vadd.f32 v42, v33;
	v58 =	vmul.f32 v46, v46;
	v48 =	vmul.f32 v43, v57  }
0x447: {  	v39 =	vmul.f32 v37, v39;
	v4 =	vld [tilespmem:s6+$0x6000];
	v42 =	vmul.f32 v40, v45;
	v44 =	vadd.f32 v44, v59  }
0x448: {  	v41 =	vld.idx.msk [tilespmem:v41+s22+$0x0], $0xffff;
	v45 =	vmul.f32 v6, v15;
	v33 =	vadd.f32 v58, v33;
	v15 =	vmul.f32 v43, v48  }
0x449: {  	v51 =	vld [tilespmem:s26+$0x10080];
	v61 =	vsub.f32 v63, v5;
	v63 =	vshra.s32 v44, $0x1;
	v53 =	vmul.f32 $5.000000000e-01, v44  }
0x44a: {  	v39 =	vmul.f32 v37, v39;
	v55 =	vld [tilespmem:s15+$0x10200];
	v54 =	vsub.f32 $1.500000000e+00, v15;
	v58 =	vsub.s32 $0x5F3759DF, v63  }
0x44b: {  	v6 =	vld [tilespmem:s6+$0xA000];
	v62 =	vmul.f32 $5.000000000e-01, v33;
	v53 =	vmul.f32 v58, v53  }
0x44c: {  	[tilespmem:s0+$0x18180] =	vst v38;
	v48 =	vld [tilespmem:s19+$0x10080];
	v47 =	vsub.f32 v60, v4;
	v60 =	vshra.s32 v33, $0x1;
	v43 =	vmul.f32 v43, v54  }
0x44d: {  	v39 =	vsub.f32 $1.500000000e+00, v39;
	v46 =	vsub.s32 $0x5F3759DF, v60;
	v59 =	vld.idx.msk [tilespmem:v14+s20+$0x0], $0xffff;
	v53 =	vmul.f32 v58, v53  }
0x44e: {  	v57 =	vmul.f32 v46, v62;
	v36 =	vmul.f32 v43, v36;
	v43 =	vld [tilespmem:s12+$0x10380]  }
0x44f: {  	v37 =	vmul.f32 v37, v39;
	[tilespmem:s1+$0x18280] =	vst v45;
	v60 =	vld.idx.msk [tilespmem:v14+s21+$0x0], $0xffff;
	v49 =	vmul.f32 v61, v61;
	v61 =	vsub.f32 $1.500000000e+00, v53  }
0x450: {  	v45 =	vld.idx.msk [tilespmem:v9+s20+$0x0], $0xffff;
	v41 =	vsub.f32 v41, v6;
	v47 =	vmul.f32 v47, v47;
	v38 =	vmul.f32 v46, v57  }
0x451: {  	v39 =	vmul.f32 v40, v42;
	v52 =	vld.idx.msk [tilespmem:v9+s21+$0x0], $0xffff;
	v42 =	vmul.f32 v58, v61  }
0x452: {  	v15 =	vld [tilespmem:s19+$0x10100];
	v41 =	vmul.f32 v41, v41;
	v38 =	vsub.f32 $1.500000000e+00, v38;
	v47 =	vadd.f32 v49, v47  }
0x453: {  	v39 =	vsub.f32 $1.500000000e+00, v39;
	v14 =	vld.idx.msk [tilespmem:v14+s22+$0x0], $0xffff;
	[tilespmem:s26+$0x18000] =	vst v36;
	v63 =	vsub.f32 v59, v20;
	v42 =	vmul.f32 v42, v44  }
0x454: {  	v56 =	vsub.f32 v60, v12;
	v57 =	vld.idx.msk [tilespmem:v51+s20+$0x0], $0xffff;
	v62 =	vmul.f32 v46, v38;
	v38 =	vadd.f32 v41, v47  }
0x455: {  	v41 =	vmul.f32 v63, v63;
	v63 =	vmul.f32 v40, v39;
	v58 =	vld.idx.msk [tilespmem:v51+s21+$0x0], $0xffff;
	[tilespmem:s12+$0x18300] =	vst v42  }
0x456: {  	v33 =	vmul.f32 v62, v33;
	v59 =	vshra.s32 v38, $0x1;
	v60 =	vmul.f32 $5.000000000e-01, v38;
	v40 =	vld.idx.msk [tilespmem:v43+s20+$0x0], $0xffff  }
0x457: {  	v36 =	vmul.f32 v37, v18;
	v37 =	vld [tilespmem:s19+$0x10180];
	v61 =	vsub.s32 $0x5F3759DF, v59  }
0x458: {  	v51 =	vld.idx.msk [tilespmem:v51+s22+$0x0], $0xffff;
	[tilespmem:s15+$0x18180] =	vst v33;
	v62 =	vmul.f32 v61, v60  }
0x459: {  	v18 =	vld.idx.msk [tilespmem:v55+s20+$0x0], $0xffff  }
0x45a: {  	v46 =	vmul.f32 v56, v56;
	v53 =	vsub.f32 v57, v31;
	v56 =	vld.idx.msk [tilespmem:v55+s21+$0x0], $0xffff;
	v33 =	vmul.f32 v61, v62  }
0x45b: {  	v54 =	vsub.f32 v58, v34;
	v40 =	vsub.f32 v40, v7;
	v7 =	vld [tilespmem:s19+$0x10300]  }
0x45c: {  	v14 =	vsub.f32 v14, v11;
	v60 =	vld.idx.msk [tilespmem:v55+s22+$0x0], $0xffff;
	v33 =	vsub.f32 $1.500000000e+00, v33  }
0x45d: {  	v57 =	vld.idx.msk [tilespmem:v43+s21+$0x0], $0xffff;
	v58 =	vmul.f32 v53, v53;
	v51 =	vsub.f32 v51, v35;
	v59 =	vmul.f32 v54, v54  }
0x45e: {  	v49 =	vsub.f32 v52, v23;
	v14 =	vmul.f32 v14, v14;
	v50 =	vadd.f32 v46, v41;
	v43 =	vld.idx.msk [tilespmem:v43+s22+$0x0], $0xffff  }
0x45f: {  	v44 =	vmul.f32 v61, v33;
	v33 =	vld [tilespmem:s19+$0x10200];
	v53 =	vmul.f32 v51, v51;
	v39 =	vadd.f32 v59, v58  }
0x460: {  	v14 =	vadd.f32 v14, v50;
	v62 =	vsub.f32 v18, v22;
	v18 =	vld [tilespmem:s19+$0x10280];
	[tilespmem:$0x1FF70] =	vst v7  }
0x461: {  	v28 =	vmul.f32 v63, v28;
	v63 =	vsub.f32 v56, v30;
	v39 =	vadd.f32 v53, v39;
	v7 =	vld [tilespmem:s19+$0x10380]  }
0x462: {  	v42 =	vsub.f32 v60, v32;
	v38 =	vmul.f32 v44, v38;
	v41 =	vmul.f32 v62, v62  }
0x463: {  	v44 =	vmul.f32 v63, v63;
	v58 =	vshra.s32 v39, $0x1;
	v59 =	vmul.f32 $5.000000000e-01, v39  }
0x464: {  	v52 =	vsub.f32 v57, v8;
	v13 =	vsub.f32 v43, v13;
	v43 =	vsub.s32 $0x5F3759DF, v58  }
0x465: {  	v55 =	vmul.f32 v42, v42;
	v54 =	vadd.f32 v44, v41;
	v44 =	vmul.f32 v43, v59  }
0x466: {  	v40 =	vmul.f32 v40, v40;
	v46 =	vmul.f32 v52, v52;
	[tilespmem:$0x1FF80] =	vst v7  }
0x467: {  	v45 =	vsub.f32 v45, v25;
	v61 =	vshra.s32 v14, $0x1;
	v44 =	vmul.f32 v43, v44;
	[tilespmem:s19+$0x18000] =	vst v38;
	v52 =	vld [tilespmem:s26+$0x10100]  }
0x468: {  	v13 =	vmul.f32 v13, v13;
	v40 =	vadd.f32 v46, v40;
	v38 =	vadd.f32 v55, v54;
	v56 =	vld.idx.msk [tilespmem:v48+s20+$0x0], $0xffff  }
0x469: {  	v41 =	vsub.s32 $0x5F3759DF, v61;
	v61 =	vmul.f32 $5.000000000e-01, v14;
	v44 =	vsub.f32 $1.500000000e+00, v44;
	v60 =	vld.idx.msk [tilespmem:v48+s21+$0x0], $0xffff  }
0x46a: {  	[tilespmem:s13+$0x18100] =	vst v28;
	v28 =	vadd.f32 v13, v40;
	v48 =	vld.idx.msk [tilespmem:v48+s22+$0x0], $0xffff;
	v13 =	vshra.s32 v38, $0x1;
	v62 =	vmul.f32 $5.000000000e-01, v38  }
0x46b: {  	v45 =	vmul.f32 v45, v45;
	v43 =	vmul.f32 v43, v44;
	v63 =	vld.idx.msk [tilespmem:v16+s20+$0x0], $0xffff;
	v13 =	vsub.s32 $0x5F3759DF, v13  }
0x46c: {  	v47 =	vmul.f32 v41, v61;
	v58 =	vld.idx.msk [tilespmem:v16+s21+$0x0], $0xffff;
	v40 =	vmul.f32 v13, v62  }
0x46d: {  	v39 =	vmul.f32 v43, v39;
	v43 =	vmul.f32 v49, v49;
	v57 =	vshra.s32 v28, $0x1  }
0x46e: {  	v16 =	vld.idx.msk [tilespmem:v16+s22+$0x0], $0xffff;
	v42 =	vsub.f32 v56, v4;
	v46 =	vsub.f32 v60, v5;
	v40 =	vmul.f32 v13, v40  }
0x46f: {  	v44 =	vld [tilespmem:s15+$0x10280];
	v59 =	vmul.f32 $5.000000000e-01, v28;
	v43 =	vadd.f32 v43, v45;
	v48 =	vsub.f32 v48, v6  }
0x470: {  	v9 =	vld.idx.msk [tilespmem:v9+s22+$0x0], $0xffff;
	v42 =	vmul.f32 v42, v42;
	v46 =	vmul.f32 v46, v46;
	v40 =	vsub.f32 $1.500000000e+00, v40  }
0x471: {  	v51 =	vsub.s32 $0x5F3759DF, v57;
	v50 =	vsub.f32 v63, v1;
	v60 =	vsub.f32 v58, v2  }
0x472: {  	[tilespmem:s26+$0x18080] =	vst v39;
	v48 =	vmul.f32 v48, v48;
	v42 =	vadd.f32 v46, v42;
	v13 =	vmul.f32 v13, v40  }
0x473: {  	v54 =	vmul.f32 v51, v59;
	v16 =	vsub.f32 v16, v0;
	v61 =	vmul.f32 v50, v50;
	v53 =	vld.idx.msk [tilespmem:v52+s20+$0x0], $0xffff  }
0x474: {  	v63 =	vmul.f32 v60, v60;
	v56 =	vld.idx.msk [tilespmem:v52+s21+$0x0], $0xffff;
	v42 =	vadd.f32 v48, v42;
	v13 =	vmul.f32 v13, v38  }
0x475: {  	v9 =	vsub.f32 v9, v21;
	v62 =	vmul.f32 v51, v54;
	v16 =	vmul.f32 v16, v16;
	v58 =	vld.idx.msk [tilespmem:v52+s22+$0x0], $0xffff  }
0x476: {  	v39 =	vadd.f32 v63, v61;
	v48 =	vshra.s32 v42, $0x1;
	v55 =	vmul.f32 $5.000000000e-01, v42;
	[tilespmem:s15+$0x18200] =	vst v13  }
0x477: {  	v54 =	vsub.f32 $1.500000000e+00, v62;
	v13 =	vmul.f32 v41, v47;
	v57 =	vsub.s32 $0x5F3759DF, v48;
	v60 =	vld.idx.msk [tilespmem:v44+s20+$0x0], $0xffff  }
0x478: {  	v9 =	vmul.f32 v9, v9;
	v45 =	vadd.f32 v16, v39;
	v16 =	vld.idx.msk [tilespmem:v44+s21+$0x0], $0xffff;
	v59 =	vmul.f32 v57, v55  }
0x479: {  	v38 =	vmul.f32 v51, v54;
	v46 =	vsub.f32 v53, v31;
	v13 =	vsub.f32 $1.500000000e+00, v13  }
0x47a: {  	v50 =	vsub.f32 v56, v34;
	v53 =	vsub.f32 v58, v35;
	v61 =	vmul.f32 v57, v59  }
0x47b: {  	v62 =	vshra.s32 v45, $0x1;
	v63 =	vmul.f32 $5.000000000e-01, v45;
	v52 =	vld.idx.msk [tilespmem:v44+s22+$0x0], $0xffff;
	v13 =	vmul.f32 v41, v13  }
0x47c: {  	v46 =	vmul.f32 v46, v46;
	v54 =	vmul.f32 v50, v50;
	v39 =	vsub.f32 $1.500000000e+00, v61  }
0x47d: {  	v13 =	vmul.f32 v13, v14;
	v14 =	vsub.f32 v60, v22;
	v16 =	vsub.f32 v16, v30  }
0x47e: {  	s17 =	simm.s32 $0x80;
	v44 =	vmul.f32 v53, v53;
	v46 =	vadd.f32 v54, v46;
	v40 =	vmul.f32 v57, v39  }
0x47f: {  	s6 =	sand.u32 $0x60, s17;
	v39 =	vadd.f32 v9, v43;
	[tilespmem:s0+$0x18200] =	vst v13;
	v9 =	vmul.f32 v14, v14;
	v13 =	vmul.f32 v16, v16  }
0x480: {  	s23 =	simm.s32 $0x400;
	s29 =	sor.u32 $0x10, s6;
	v41 =	vsub.f32 v52, v32;
	v16 =	vsub.s32 $0x5F3759DF, v62;
	v43 =	vadd.f32 v44, v46;
	v14 =	vld.idx.msk [tilespmem:v10+s20+$0x0], $0xffff  }
0x481: {  	s16 =	simm.s32 $0x80;
	s8 =	sor.u32 s23, s29;
	v55 =	vmul.f32 v16, v63;
	v56 =	vld.idx.msk [tilespmem:v10+s21+$0x0], $0xffff;
	v40 =	vmul.f32 v40, v42;
	v9 =	vadd.f32 v13, v9  }
0x482: {  	s16 =	sor.u32 s18, s16;
	v13 =	vmul.f32 v41, v41;
	v41 =	vld [tilespmem:s8+$0x10000];
	v46 =	vshra.s32 v43, $0x1;
	v59 =	vmul.f32 $5.000000000e-01, v43  }
0x483: {  	s14 =	sor.u32 s29, s16;
	v10 =	vld.idx.msk [tilespmem:v10+s22+$0x0], $0xffff;
	v60 =	vshra.s32 v39, $0x1;
	v61 =	vmul.f32 $5.000000000e-01, v39;
	v44 =	vmul.f32 v16, v55  }
0x484: {  	v8 =	vld [tilespmem:s14+$0x6000];
	v47 =	vsub.s32 $0x5F3759DF, v60;
	[tilespmem:s19+$0x18080] =	vst v40;
	v40 =	vsub.s32 $0x5F3759DF, v46;
	v9 =	vadd.f32 v13, v9  }
0x485: {  	v46 =	vmul.f32 v47, v61;
	v62 =	vld.idx.msk [tilespmem:v15+s20+$0x0], $0xffff;
	v13 =	vmul.f32 v40, v59  }
0x486: {  	v63 =	vld.idx.msk [tilespmem:v15+s21+$0x0], $0xffff;
	v14 =	vsub.f32 v14, v20;
	v57 =	vshra.s32 v9, $0x1;
	v58 =	vmul.f32 $5.000000000e-01, v9  }
0x487: {  	v59 =	vld.idx.msk [tilespmem:v15+s22+$0x0], $0xffff;
	v15 =	vsub.f32 v56, v12;
	v13 =	vmul.f32 v40, v13;
	v60 =	vsub.s32 $0x5F3759DF, v57  }
0x488: {  	v50 =	vld [tilespmem:s26+$0x10180];
	v44 =	vsub.f32 $1.500000000e+00, v44;
	v10 =	vsub.f32 v10, v11;
	v51 =	vmul.f32 v60, v58  }
0x489: {  	v54 =	vld [tilespmem:s15+$0x10300];
	v61 =	vmul.f32 v14, v14;
	v15 =	vmul.f32 v15, v15;
	v13 =	vsub.f32 $1.500000000e+00, v13  }
0x48a: {  	v10 =	vmul.f32 v10, v10;
	v49 =	vsub.f32 v62, v4;
	v51 =	vmul.f32 v60, v51;
	v55 =	vld.idx.msk [tilespmem:v41+s20+$0x0], $0xffff  }
0x48b: {  	v48 =	vsub.f32 v63, v5;
	v63 =	vadd.f32 v15, v61;
	v53 =	vld.idx.msk [tilespmem:v41+s21+$0x0], $0xffff;
	v13 =	vmul.f32 v40, v13  }
0x48c: {  	v56 =	vmul.f32 v16, v44;
	v15 =	vld [tilespmem:s14+$0x8000];
	v62 =	vmul.f32 v49, v49;
	v51 =	vsub.f32 $1.500000000e+00, v51  }
0x48d: {  	v16 =	vld [tilespmem:s14+$0xA000];
	v48 =	vmul.f32 v48, v48;
	v49 =	vadd.f32 v10, v63;
	v13 =	vmul.f32 v13, v43  }
0x48e: {  	s11 =	sor.u32 s6, s23;
	v58 =	vmul.f32 v47, v46;
	v57 =	vsub.f32 v59, v6;
	v10 =	vld.idx.msk [tilespmem:v41+s22+$0x0], $0xffff;
	v42 =	vmul.f32 v60, v51  }
0x48f: {  	v43 =	vmul.f32 v56, v45;
	v45 =	vld [tilespmem:s11+$0x10000];
	v40 =	vadd.f32 v48, v62;
	v60 =	vmul.f32 $5.000000000e-01, v49;
	[tilespmem:s26+$0x18100] =	vst v13  }
0x490: {  	v59 =	vshra.s32 v49, $0x1;
	v13 =	vmul.f32 v57, v57;
	v61 =	vld.idx.msk [tilespmem:v50+s20+$0x0], $0xffff;
	v9 =	vmul.f32 v42, v9  }
0x491: {  	v63 =	vsub.f32 v55, v8;
	v55 =	vsub.f32 v53, v15;
	v42 =	vsub.s32 $0x5F3759DF, v59;
	v62 =	vld.idx.msk [tilespmem:v50+s21+$0x0], $0xffff  }
0x492: {  	v41 =	vsub.f32 $1.500000000e+00, v58;
	v40 =	vadd.f32 v13, v40;
	v13 =	vmul.f32 v42, v60;
	[tilespmem:s15+$0x18280] =	vst v9;
	v9 =	vld.idx.msk [tilespmem:v50+s22+$0x0], $0xffff  }
0x493: {  	v10 =	vsub.f32 v10, v16;
	v46 =	vmul.f32 v63, v63;
	v51 =	vmul.f32 v55, v55;
	v57 =	vld.idx.msk [tilespmem:v54+s20+$0x0], $0xffff  }
0x494: {  	v47 =	vmul.f32 v47, v41;
	v56 =	vshra.s32 v40, $0x1;
	v58 =	vld.idx.msk [tilespmem:v54+s21+$0x0], $0xffff  }
0x495: {  	v13 =	vmul.f32 v42, v13;
	v46 =	vadd.f32 v51, v46;
	v10 =	vmul.f32 v10, v10;
	v60 =	vld.idx.msk [tilespmem:v54+s22+$0x0], $0xffff  }
0x496: {  	v59 =	vmul.f32 $5.000000000e-01, v40;
	v48 =	vsub.f32 v61, v31;
	v44 =	vsub.f32 v62, v34  }
0x497: {  	v54 =	vsub.s32 $0x5F3759DF, v56;
	v13 =	vsub.f32 $1.500000000e+00, v13;
	v41 =	vadd.f32 v10, v46  }
0x498: {  	v62 =	vmul.f32 v54, v59;
	v9 =	vsub.f32 v9, v35;
	v48 =	vmul.f32 v48, v48  }
0x499: {  	v46 =	vld.idx.msk [tilespmem:v45+s20+$0x0], $0xffff;
	v44 =	vmul.f32 v44, v44;
	v42 =	vmul.f32 v42, v13;
	v10 =	vsub.f32 v57, v22  }
0x49a: {  	s6 =	sor.u32 s6, s16;
	v63 =	vld.idx.msk [tilespmem:v45+s21+$0x0], $0xffff;
	v59 =	vshra.s32 v41, $0x1;
	v61 =	vsub.f32 v58, v30;
	v51 =	vsub.f32 v60, v32  }
0x49b: {  	v13 =	vld [tilespmem:s6+$0x6000];
	v60 =	vmul.f32 $5.000000000e-01, v41;
	v44 =	vadd.f32 v44, v48;
	v9 =	vmul.f32 v9, v9  }
0x49c: {  	[tilespmem:s13+$0x18180] =	vst v43;
	v45 =	vld.idx.msk [tilespmem:v45+s22+$0x0], $0xffff;
	v53 =	vsub.s32 $0x5F3759DF, v59;
	v10 =	vmul.f32 v10, v10;
	v50 =	vmul.f32 v61, v61  }
0x49d: {  	v42 =	vmul.f32 v42, v49;
	v49 =	vld.idx.msk [tilespmem:v27+s20+$0x0], $0xffff;
	v55 =	vmul.f32 v53, v60;
	v44 =	vadd.f32 v9, v44  }
0x49e: {  	v43 =	vmul.f32 v54, v62;
	v51 =	vmul.f32 v51, v51;
	v60 =	vld.idx.msk [tilespmem:v27+s21+$0x0], $0xffff;
	v50 =	vadd.f32 v50, v10  }
0x49f: {  	v9 =	vld [tilespmem:s6+$0x8000];
	v62 =	vmul.f32 v53, v55;
	v10 =	vshra.s32 v44, $0x1;
	v56 =	vmul.f32 $5.000000000e-01, v44  }
0x4a0: {  	v43 =	vsub.f32 $1.500000000e+00, v43;
	v46 =	vsub.f32 v46, v13;
	v55 =	vld [tilespmem:s8+$0x10080];
	v57 =	vsub.s32 $0x5F3759DF, v10  }
0x4a1: {  	v27 =	vld.idx.msk [tilespmem:v27+s22+$0x0], $0xffff;
	v50 =	vadd.f32 v51, v50;
	v51 =	vsub.f32 $1.500000000e+00, v62;
	v61 =	vmul.f32 v57, v56  }
0x4a2: {  	v43 =	vmul.f32 v54, v43;
	v10 =	vld [tilespmem:s6+$0xA000];
	v46 =	vmul.f32 v46, v46  }
0x4a3: {  	v51 =	vmul.f32 v53, v51;
	v48 =	vmul.f32 v57, v61  }
0x4a4: {  	v59 =	vld [tilespmem:s26+$0x10200];
	[tilespmem:s0+$0x18280] =	vst v42;
	v52 =	vsub.f32 v63, v9;
	v56 =	vshra.s32 v50, $0x1;
	v58 =	vmul.f32 $5.000000000e-01, v50  }
0x4a5: {  	v53 =	vld.idx.msk [tilespmem:v17+s20+$0x0], $0xffff;
	v56 =	vsub.s32 $0x5F3759DF, v56;
	v51 =	vmul.f32 v51, v41;
	v48 =	vsub.f32 $1.500000000e+00, v48  }
0x4a6: {  	v27 =	vsub.f32 v27, v0;
	v61 =	vld [tilespmem:s11+$0x10080];
	v63 =	vmul.f32 v56, v58;
	v52 =	vmul.f32 v52, v52  }
0x4a7: {  	v45 =	vsub.f32 v45, v10;
	[tilespmem:s8+$0x18000] =	vst v51;
	v48 =	vmul.f32 v57, v48;
	v57 =	vld.idx.msk [tilespmem:v17+s21+$0x0], $0xffff  }
0x4a8: {  	v41 =	vmul.f32 v38, v28;
	v28 =	vsub.f32 v49, v1;
	v42 =	vmul.f32 v56, v63;
	v63 =	vld.idx.msk [tilespmem:v55+s21+$0x0], $0xffff  }
0x4a9: {  	v46 =	vadd.f32 v52, v46;
	v45 =	vmul.f32 v45, v45;
	v54 =	vld.idx.msk [tilespmem:v55+s22+$0x0], $0xffff;
	v44 =	vmul.f32 v48, v44  }
0x4aa: {  	v39 =	vmul.f32 v47, v39;
	v52 =	vsub.f32 v60, v2;
	v42 =	vsub.f32 $1.500000000e+00, v42;
	v48 =	vld [tilespmem:s15+$0x10380]  }
0x4ab: {  	v28 =	vmul.f32 v28, v28;
	v45 =	vadd.f32 v45, v46;
	v46 =	vld.idx.msk [tilespmem:v55+s20+$0x0], $0xffff;
	[tilespmem:s26+$0x18180] =	vst v44  }
0x4ac: {  	v38 =	vmul.f32 v52, v52;
	v42 =	vmul.f32 v56, v42;
	v44 =	vld.idx.msk [tilespmem:v59+s20+$0x0], $0xffff  }
0x4ad: {  	v27 =	vmul.f32 v27, v27;
	v58 =	vshra.s32 v45, $0x1;
	v60 =	vmul.f32 $5.000000000e-01, v45;
	v62 =	vld.idx.msk [tilespmem:v59+s21+$0x0], $0xffff  }
0x4ae: {  	v28 =	vadd.f32 v38, v28;
	v47 =	vsub.s32 $0x5F3759DF, v58;
	v42 =	vmul.f32 v42, v50;
	v50 =	vld.idx.msk [tilespmem:v59+s22+$0x0], $0xffff  }
0x4af: {  	v7 =	vmov v12;
	v56 =	vsub.f32 v57, v12;
	v12 =	vld [tilespmem:s11+$0x10200];
	v49 =	vmul.f32 v47, v60  }
0x4b0: {  	v38 =	vld [tilespmem:s11+$0x10100];
	v55 =	vadd.f32 v27, v28;
	v28 =	vsub.f32 v46, v8  }
0x4b1: {  	[tilespmem:s15+$0x18300] =	vst v42;
	v42 =	vld [tilespmem:s11+$0x10180];
	v27 =	vmul.f32 v47, v49;
	v49 =	vsub.f32 v63, v15  }
0x4b2: {  	v40 =	vmul.f32 v43, v40;
	v63 =	vmul.f32 v28, v28;
	v43 =	vld.idx.msk [tilespmem:v48+s20+$0x0], $0xffff  }
0x4b3: {  	v60 =	vsub.f32 v44, v31;
	v62 =	vsub.f32 v62, v34;
	v46 =	vld.idx.msk [tilespmem:v48+s21+$0x0], $0xffff;
	v49 =	vmul.f32 v49, v49  }
0x4b4: {  	v54 =	vsub.f32 v54, v16;
	v48 =	vld.idx.msk [tilespmem:v48+s22+$0x0], $0xffff;
	v50 =	vsub.f32 v50, v35;
	[tilespmem:$0x1FF90] =	vst v12  }
0x4b5: {  	v60 =	vmul.f32 v60, v60;
	v44 =	vmul.f32 v62, v62;
	v49 =	vadd.f32 v49, v63;
	v63 =	vld.idx.msk [tilespmem:v17+s22+$0x0], $0xffff  }
0x4b6: {  	v53 =	vsub.f32 v53, v20;
	v27 =	vsub.f32 $1.500000000e+00, v27;
	v17 =	vmov v2;
	v2 =	vld [tilespmem:s11+$0x10380]  }
0x4b7: {  	v54 =	vmul.f32 v54, v54;
	v50 =	vmul.f32 v50, v50;
	v44 =	vadd.f32 v44, v60  }
0x4b8: {  	v59 =	vmul.f32 $5.000000000e-01, v55;
	v62 =	vshra.s32 v55, $0x1;
	v47 =	vmul.f32 v47, v27  }
0x4b9: {  	v52 =	vsub.s32 $0x5F3759DF, v62;
	v43 =	vsub.f32 v43, v22;
	v44 =	vadd.f32 v50, v44  }
0x4ba: {  	[tilespmem:s1+$0x18300] =	vst v39;
	v27 =	vld [tilespmem:s11+$0x10280];
	v45 =	vmul.f32 v47, v45;
	v30 =	vsub.f32 v46, v30;
	v32 =	vsub.f32 v48, v32  }
0x4bb: {  	v22 =	vld [tilespmem:s11+$0x10300];
	v50 =	vmul.f32 v52, v59;
	[tilespmem:$0x1FFA0] =	vst v2;
	v57 =	vshra.s32 v44, $0x1;
	v58 =	vmul.f32 $5.000000000e-01, v44  }
0x4bc: {  	v43 =	vmul.f32 v43, v43;
	v30 =	vmul.f32 v30, v30;
	v48 =	vld.idx.msk [tilespmem:v24+s20+$0x0], $0xffff;
	[tilespmem:s11+$0x18000] =	vst v45;
	v39 =	vsub.s32 $0x5F3759DF, v57  }
0x4bd: {  	v32 =	vmul.f32 v32, v32;
	v45 =	vadd.f32 v54, v49;
	v46 =	vld.idx.msk [tilespmem:v61+s20+$0x0], $0xffff;
	v60 =	vmul.f32 v39, v58  }
0x4be: {  	v47 =	vsub.f32 v63, v11;
	v49 =	vmul.f32 v53, v53;
	v30 =	vadd.f32 v30, v43;
	v51 =	vld.idx.msk [tilespmem:v61+s21+$0x0], $0xffff  }
0x4bf: {  	v53 =	vld.idx.msk [tilespmem:v61+s22+$0x0], $0xffff;
	v61 =	vshra.s32 v45, $0x1;
	v54 =	vmul.f32 $5.000000000e-01, v45;
	v62 =	vmul.f32 v39, v60  }
0x4c0: {  	[tilespmem:s19+$0x18100] =	vst v40;
	v40 =	vmul.f32 v56, v56;
	v56 =	vld [tilespmem:s26+$0x10280];
	v30 =	vadd.f32 v32, v30;
	v43 =	vsub.s32 $0x5F3759DF, v61  }
0x4c1: {  	v47 =	vmul.f32 v47, v47;
	v54 =	vmul.f32 v43, v54;
	v32 =	vsub.f32 $1.500000000e+00, v62  }
0x4c2: {  	v57 =	vld.idx.msk [tilespmem:v37+s20+$0x0], $0xffff;
	v58 =	vshra.s32 v30, $0x1;
	v59 =	vmul.f32 $5.000000000e-01, v30;
	v46 =	vsub.f32 v46, v13  }
0x4c3: {  	v60 =	vld.idx.msk [tilespmem:v37+s21+$0x0], $0xffff;
	v25 =	vsub.f32 v48, v25;
	v51 =	vsub.f32 v51, v9;
	v32 =	vmul.f32 v39, v32  }
0x4c4: {  	v37 =	vld.idx.msk [tilespmem:v37+s22+$0x0], $0xffff;
	v58 =	vsub.s32 $0x5F3759DF, v58;
	v63 =	vmul.f32 v43, v54;
	v46 =	vmul.f32 v46, v46  }
0x4c5: {  	v48 =	vsub.f32 v53, v10;
	v53 =	vld [tilespmem:s8+$0x10100];
	v51 =	vmul.f32 v51, v51;
	v32 =	vmul.f32 v32, v44  }
0x4c6: {  	v40 =	vadd.f32 v40, v49;
	v59 =	vmul.f32 v58, v59;
	v39 =	vsub.f32 $1.500000000e+00, v63  }
0x4c7: {  	v61 =	vsub.f32 v57, v4;
	v48 =	vmul.f32 v48, v48;
	v46 =	vadd.f32 v51, v46;
	[tilespmem:s26+$0x18200] =	vst v32  }
0x4c8: {  	v62 =	vmul.f32 v58, v59;
	v63 =	vsub.f32 v60, v5;
	v39 =	vmul.f32 v43, v39;
	v51 =	vld.idx.msk [tilespmem:v56+s20+$0x0], $0xffff  }
0x4c9: {  	v32 =	vmul.f32 v61, v61;
	v46 =	vadd.f32 v48, v46;
	v61 =	vmul.f32 v52, v50;
	v50 =	vld.idx.msk [tilespmem:v56+s21+$0x0], $0xffff  }
0x4ca: {  	v54 =	vld.idx.msk [tilespmem:v24+s22+$0x0], $0xffff;
	v37 =	vsub.f32 v37, v6;
	v60 =	vsub.f32 $1.500000000e+00, v62;
	v39 =	vmul.f32 v39, v45  }
0x4cb: {  	v43 =	vmul.f32 v63, v63;
	v56 =	vld.idx.msk [tilespmem:v56+s22+$0x0], $0xffff;
	v62 =	vshra.s32 v46, $0x1;
	v63 =	vmul.f32 $5.000000000e-01, v46  }
0x4cc: {  	v37 =	vmul.f32 v37, v37;
	v44 =	vmul.f32 v58, v60;
	v60 =	vld.idx.msk [tilespmem:v24+s21+$0x0], $0xffff;
	[tilespmem:s8+$0x18080] =	vst v39;
	v39 =	vsub.s32 $0x5F3759DF, v62  }
0x4cd: {  	v48 =	vsub.f32 $1.500000000e+00, v61;
	v32 =	vadd.f32 v43, v32;
	v45 =	vld.idx.msk [tilespmem:v53+s20+$0x0], $0xffff;
	v61 =	vmul.f32 v39, v63  }
0x4ce: {  	v43 =	vmul.f32 v44, v30;
	v30 =	vld.idx.msk [tilespmem:v53+s21+$0x0], $0xffff;
	v62 =	vsub.f32 v51, v31;
	v50 =	vsub.f32 v50, v34  }
0x4cf: {  	v54 =	vsub.f32 v54, v21;
	v48 =	vmul.f32 v52, v48;
	v63 =	vmul.f32 v39, v61  }
0x4d0: {  	s28 =	simm.s32 $0xA0;
	v58 =	vld.idx.msk [tilespmem:v53+s22+$0x0], $0xffff;
	v59 =	vsub.f32 v56, v35;
	v44 =	vmul.f32 v62, v62;
	v50 =	vmul.f32 v50, v50  }
0x4d1: {  	s17 =	sand.u32 $0x60, s28;
	s14 =	simm.s32 $0x80;
	v51 =	vadd.f32 v37, v32;
	v53 =	vsub.f32 v60, v23;
	v32 =	vmul.f32 v25, v25  }
0x4d2: {  	s16 =	sor.u32 $0x10, s17;
	s29 =	sor.u32 s18, s14;
	v23 =	vsub.f32 $1.500000000e+00, v63;
	v25 =	vmul.f32 v59, v59;
	v24 =	vadd.f32 v50, v44  }
0x4d3: {  	s6 =	sor.u32 s16, s29;
	v48 =	vmul.f32 v48, v55;
	v61 =	vsub.f32 v45, v8;
	v30 =	vsub.f32 v30, v15  }
0x4d4: {  	v37 =	vadd.f32 v47, v40;
	v23 =	vmul.f32 v39, v23;
	v39 =	vadd.f32 v25, v24;
	v25 =	vld [tilespmem:s6+$0x6000]  }
0x4d5: {  	s23 =	simm.s32 $0x400;
	v49 =	vsub.f32 v58, v16;
	v44 =	vmul.f32 v61, v61;
	v30 =	vmul.f32 v30, v30;
	v24 =	vld [tilespmem:s6+$0x8000]  }
0x4d6: {  	v46 =	vmul.f32 v23, v46;
	v23 =	vld [tilespmem:s6+$0xA000];
	s6 =	sor.u32 s23, s16;
	v63 =	vshra.s32 v39, $0x1;
	v57 =	vmul.f32 $5.000000000e-01, v39  }
0x4d7: {  	[tilespmem:s13+$0x18200] =	vst v48;
	v58 =	vmul.f32 v49, v49;
	v30 =	vadd.f32 v30, v44;
	v40 =	vld [tilespmem:s6+$0x10000];
	v49 =	vsub.s32 $0x5F3759DF, v63  }
0x4d8: {  	v60 =	vshra.s32 v51, $0x1;
	v62 =	vmul.f32 $5.000000000e-01, v51;
	v48 =	vld.idx.msk [tilespmem:v26+s20+$0x0], $0xffff;
	v59 =	vmul.f32 v49, v57  }
0x4d9: {  	v45 =	vmul.f32 v53, v53;
	v55 =	vld.idx.msk [tilespmem:v26+s21+$0x0], $0xffff;
	v50 =	vsub.s32 $0x5F3759DF, v60;
	[tilespmem:s11+$0x18080] =	vst v46;
	v30 =	vadd.f32 v58, v30  }
0x4da: {  	v60 =	vshra.s32 v37, $0x1;
	v61 =	vmul.f32 $5.000000000e-01, v37;
	v46 =	vld.idx.msk [tilespmem:v38+s20+$0x0], $0xffff;
	v47 =	vmul.f32 v49, v59  }
0x4db: {  	v52 =	vmul.f32 v50, v62;
	v44 =	vld.idx.msk [tilespmem:v38+s21+$0x0], $0xffff;
	v62 =	vshra.s32 v30, $0x1;
	v57 =	vmul.f32 $5.000000000e-01, v30  }
0x4dc: {  	v58 =	vld [tilespmem:s26+$0x10300];
	v56 =	vsub.s32 $0x5F3759DF, v62;
	v59 =	vsub.s32 $0x5F3759DF, v60;
	v47 =	vsub.f32 $1.500000000e+00, v47  }
0x4dd: {  	v26 =	vld.idx.msk [tilespmem:v26+s22+$0x0], $0xffff;
	v57 =	vmul.f32 v56, v57;
	v53 =	vmul.f32 v59, v61  }
0x4de: {  	v54 =	vmul.f32 v54, v54;
	v48 =	vsub.f32 v48, v1;
	v38 =	vld.idx.msk [tilespmem:v38+s22+$0x0], $0xffff;
	v47 =	vmul.f32 v49, v47  }
0x4df: {  	v61 =	vld.idx.msk [tilespmem:v40+s20+$0x0], $0xffff;
	v49 =	vmul.f32 v59, v53;
	v53 =	vsub.f32 v55, v17;
	v55 =	vmul.f32 v56, v57  }
0x4e0: {  	v52 =	vmul.f32 v50, v52;
	v46 =	vsub.f32 v46, v13;
	v44 =	vsub.f32 v44, v9;
	v57 =	vld [tilespmem:s8+$0x10180]  }
0x4e1: {  	s16 =	sor.u32 s17, s23;
	v48 =	vmul.f32 v48, v48;
	v62 =	vld.idx.msk [tilespmem:v40+s21+$0x0], $0xffff;
	v39 =	vmul.f32 v47, v39;
	v63 =	vsub.f32 $1.500000000e+00, v55  }
0x4e2: {  	v52 =	vsub.f32 $1.500000000e+00, v52;
	v60 =	vld [tilespmem:s16+$0x10000];
	v46 =	vmul.f32 v46, v46;
	v21 =	vmul.f32 v44, v44  }
0x4e3: {  	v40 =	vld.idx.msk [tilespmem:v40+s22+$0x0], $0xffff;
	v47 =	vmul.f32 v53, v53;
	[tilespmem:s26+$0x18280] =	vst v39;
	v63 =	vmul.f32 v56, v63  }
0x4e4: {  	v32 =	vadd.f32 v45, v32;
	v26 =	vsub.f32 v26, v0;
	v52 =	vmul.f32 v50, v52;
	v53 =	vld.idx.msk [tilespmem:v58+s20+$0x0], $0xffff  }
0x4e5: {  	v46 =	vadd.f32 v21, v46;
	v47 =	vadd.f32 v47, v48;
	v56 =	vld.idx.msk [tilespmem:v58+s21+$0x0], $0xffff;
	v21 =	vmul.f32 v63, v30  }
0x4e6: {  	v26 =	vmul.f32 v26, v26;
	v30 =	vsub.f32 v61, v25;
	v61 =	vsub.f32 v62, v24  }
0x4e7: {  	v50 =	vmul.f32 v52, v51;
	v38 =	vsub.f32 v38, v10;
	v49 =	vsub.f32 $1.500000000e+00, v49;
	v62 =	vld.idx.msk [tilespmem:v58+s22+$0x0], $0xffff;
	[tilespmem:s8+$0x18100] =	vst v21  }
0x4e8: {  	v44 =	vadd.f32 v26, v47;
	v30 =	vmul.f32 v30, v30;
	v39 =	vmul.f32 v61, v61;
	v26 =	vld.idx.msk [tilespmem:v57+s20+$0x0], $0xffff  }
0x4e9: {  	v38 =	vmul.f32 v38, v38;
	v21 =	vsub.f32 v40, v23;
	v63 =	vld.idx.msk [tilespmem:v57+s21+$0x0], $0xffff;
	v58 =	vsub.f32 v53, v31  }
0x4ea: {  	s29 =	sor.u32 s17, s29;
	v47 =	vmul.f32 v59, v49;
	v48 =	vsub.f32 v56, v34;
	v30 =	vadd.f32 v39, v30;
	v39 =	vld.idx.msk [tilespmem:v57+s22+$0x0], $0xffff  }
0x4eb: {  	v14 =	vld [tilespmem:s29+$0x6000];
	v59 =	vshra.s32 v44, $0x1;
	v61 =	vmul.f32 $5.000000000e-01, v44;
	v21 =	vmul.f32 v21, v21  }
0x4ec: {  	v53 =	vld.idx.msk [tilespmem:v60+s20+$0x0], $0xffff;
	v51 =	vsub.f32 v62, v35;
	v49 =	vmul.f32 v58, v58;
	v48 =	vmul.f32 v48, v48  }
0x4ed: {  	v52 =	vsub.s32 $0x5F3759DF, v59;
	v56 =	vld.idx.msk [tilespmem:v60+s21+$0x0], $0xffff;
	v57 =	vadd.f32 v21, v30;
	v30 =	vsub.f32 v26, v8  }
0x4ee: {  	v21 =	vld [tilespmem:s29+$0x8000];
	v62 =	vmul.f32 v51, v51;
	v48 =	vadd.f32 v48, v49;
	v40 =	vsub.f32 v63, v15  }
0x4ef: {  	v63 =	vshra.s32 v57, $0x1;
	v49 =	vmul.f32 $5.000000000e-01, v57;
	v39 =	vsub.f32 v39, v16  }
0x4f0: {  	v51 =	vld.idx.msk [tilespmem:v60+s22+$0x0], $0xffff;
	v55 =	vsub.s32 $0x5F3759DF, v63;
	v58 =	vmul.f32 v30, v30;
	v48 =	vadd.f32 v62, v48  }
0x4f1: {  	v53 =	vsub.f32 v53, v14;
	v30 =	vld [tilespmem:s29+$0xA000];
	v40 =	vmul.f32 v40, v40;
	v49 =	vmul.f32 v55, v49  }
0x4f2: {  	v39 =	vmul.f32 v39, v39;
	v59 =	vshra.s32 v48, $0x1;
	v60 =	vmul.f32 $5.000000000e-01, v48  }
0x4f3: {  	v56 =	vsub.f32 v56, v21;
	v58 =	vadd.f32 v40, v58;
	v59 =	vsub.s32 $0x5F3759DF, v59  }
0x4f4: {  	v46 =	vadd.f32 v38, v46;
	v49 =	vmul.f32 v55, v49;
	v60 =	vmul.f32 v59, v60  }
0x4f5: {  	v62 =	vld [tilespmem:s6+$0x10080];
	v53 =	vmul.f32 v53, v53;
	v56 =	vmul.f32 v56, v56;
	v58 =	vadd.f32 v39, v58  }
0x4f6: {  	v49 =	vsub.f32 $1.500000000e+00, v49;
	v51 =	vsub.f32 v51, v30;
	v60 =	vmul.f32 v59, v60  }
0x4f7: {  	[tilespmem:s19+$0x18180] =	vst v50;
	v38 =	vmul.f32 v52, v61;
	v53 =	vadd.f32 v56, v53;
	v50 =	vshra.s32 v58, $0x1  }
0x4f8: {  	v49 =	vmul.f32 v55, v49;
	v55 =	vld [tilespmem:s26+$0x10380];
	v51 =	vmul.f32 v51, v51;
	v56 =	vsub.f32 $1.500000000e+00, v60  }
0x4f9: {  	v2 =	vmovc v11;
	v11 =	vld [tilespmem:s8+$0x10200];
	v38 =	vmul.f32 v52, v38;
	v50 =	vsub.s32 $0x5F3759DF, v50;
	v60 =	vmul.f32 $5.000000000e-01, v58  }
0x4fa: {  	v63 =	vld.idx.msk [tilespmem:v33+s20+$0x0], $0xffff;
	v49 =	vmul.f32 v49, v57;
	v51 =	vadd.f32 v51, v53;
	v53 =	vmul.f32 v59, v56  }
0x4fb: {  	v38 =	vsub.f32 $1.500000000e+00, v38;
	v56 =	vshra.s32 v46, $0x1;
	v59 =	vld.idx.msk [tilespmem:v33+s21+$0x0], $0xffff;
	v60 =	vmul.f32 v50, v60  }
0x4fc: {  	v33 =	vld.idx.msk [tilespmem:v33+s22+$0x0], $0xffff;
	[tilespmem:s6+$0x18000] =	vst v49;
	v49 =	vmul.f32 $5.000000000e-01, v46;
	v57 =	vshra.s32 v51, $0x1;
	v48 =	vmul.f32 v53, v48  }
0x4fd: {  	v56 =	vsub.s32 $0x5F3759DF, v56;
	v12 =	vld.idx.msk [tilespmem:v62+s20+$0x0], $0xffff;
	v53 =	vmul.f32 $5.000000000e-01, v51;
	v60 =	vmul.f32 v50, v60  }
0x4fe: {  	v45 =	vmul.f32 v47, v37;
	v47 =	vld.idx.msk [tilespmem:v62+s21+$0x0], $0xffff;
	v57 =	vsub.s32 $0x5F3759DF, v57;
	v37 =	vmul.f32 v56, v49  }
0x4ff: {  	v49 =	vmul.f32 v52, v38;
	v52 =	vld.idx.msk [tilespmem:v62+s22+$0x0], $0xffff;
	v53 =	vmul.f32 v57, v53;
	v38 =	vsub.f32 $1.500000000e+00, v60;
	[tilespmem:s26+$0x18300] =	vst v48  }
0x500: {  	v32 =	vadd.f32 v54, v32;
	v37 =	vmul.f32 v56, v37;
	v59 =	vsub.f32 v59, v5;
	v60 =	vld.idx.msk [tilespmem:v55+s20+$0x0], $0xffff  }
0x501: {  	v48 =	vmul.f32 v57, v53;
	v53 =	vsub.f32 v63, v4;
	v38 =	vmul.f32 v50, v38;
	v50 =	vld.idx.msk [tilespmem:v55+s21+$0x0], $0xffff  }
0x502: {  	v44 =	vmul.f32 v49, v44;
	v62 =	vsub.f32 $1.500000000e+00, v37;
	v55 =	vld.idx.msk [tilespmem:v55+s22+$0x0], $0xffff;
	v12 =	vsub.f32 v12, v25  }
0x503: {  	v47 =	vsub.f32 v47, v24;
	v59 =	vmul.f32 v59, v59;
	v54 =	vmul.f32 v38, v58  }
0x504: {  	[tilespmem:s0+$0x18300] =	vst v45;
	v52 =	vsub.f32 v52, v23;
	v48 =	vsub.f32 $1.500000000e+00, v48;
	v53 =	vmul.f32 v53, v53  }
0x505: {  	v61 =	vld [tilespmem:s16+$0x10080];
	v45 =	vmul.f32 v56, v62;
	v38 =	vsub.f32 v33, v6;
	v12 =	vmul.f32 v12, v12;
	[tilespmem:s8+$0x18180] =	vst v54  }
0x506: {  	v47 =	vmul.f32 v47, v47;
	v48 =	vmul.f32 v57, v48;
	v34 =	vsub.f32 v50, v34;
	v50 =	vld.idx.msk [tilespmem:v11+s20+$0x0], $0xffff  }
0x507: {  	v53 =	vadd.f32 v59, v53;
	v45 =	vmul.f32 v45, v46;
	v35 =	vsub.f32 v55, v35;
	v55 =	vld.idx.msk [tilespmem:v11+s21+$0x0], $0xffff  }
0x508: {  	v31 =	vsub.f32 v60, v31;
	v12 =	vadd.f32 v47, v12;
	v54 =	vmul.f32 v52, v52;
	v11 =	vld.idx.msk [tilespmem:v11+s22+$0x0], $0xffff  }
0x509: {  	v62 =	vmul.f32 v38, v38;
	v48 =	vmul.f32 v48, v51;
	v51 =	vld.idx.msk [tilespmem:v19+s20+$0x0], $0xffff;
	[tilespmem:s11+$0x18100] =	vst v45  }
0x50a: {  	[tilespmem:s13+$0x18280] =	vst v44;
	v56 =	vmul.f32 $5.000000000e-01, v32;
	v12 =	vadd.f32 v54, v12;
	v54 =	vld.idx.msk [tilespmem:v42+s20+$0x0], $0xffff  }
0x50b: {  	v38 =	vmul.f32 v31, v31;
	v53 =	vadd.f32 v62, v53;
	v34 =	vmul.f32 v34, v34;
	v44 =	vld.idx.msk [tilespmem:v42+s21+$0x0], $0xffff  }
0x50c: {  	v35 =	vmul.f32 v35, v35;
	v42 =	vld.idx.msk [tilespmem:v42+s22+$0x0], $0xffff;
	[tilespmem:s16+$0x18000] =	vst v48;
	v48 =	vshra.s32 v32, $0x1;
	v57 =	vshra.s32 v12, $0x1  }
0x50d: {  	v58 =	vmul.f32 $5.000000000e-01, v12;
	v34 =	vadd.f32 v34, v38;
	v47 =	vld.idx.msk [tilespmem:v61+s21+$0x0], $0xffff;
	v46 =	vsub.f32 v50, v8  }
0x50e: {  	v50 =	vsub.s32 $0x5F3759DF, v57;
	v11 =	vsub.f32 v11, v16;
	v49 =	vsub.f32 v51, v20;
	v20 =	vld.idx.msk [tilespmem:v61+s20+$0x0], $0xffff  }
0x50f: {  	v34 =	vadd.f32 v35, v34;
	v35 =	vsub.f32 v55, v15;
	v51 =	vmul.f32 v50, v58  }
0x510: {  	v46 =	vmul.f32 v46, v46;
	v11 =	vmul.f32 v11, v11;
	v44 =	vsub.f32 v44, v9  }
0x511: {  	v42 =	vsub.f32 v42, v10;
	v38 =	vshra.s32 v34, $0x1;
	v35 =	vmul.f32 v35, v35  }
0x512: {  	v57 =	vmul.f32 $5.000000000e-01, v34;
	v51 =	vmul.f32 v50, v51;
	v47 =	vsub.f32 v47, v21  }
0x513: {  	v52 =	vsub.s32 $0x5F3759DF, v38;
	v35 =	vadd.f32 v35, v46;
	v20 =	vsub.f32 v20, v14  }
0x514: {  	v44 =	vmul.f32 v44, v44;
	v58 =	vmul.f32 v52, v57;
	v51 =	vsub.f32 $1.500000000e+00, v51  }
0x515: {  	v55 =	vld.idx.msk [tilespmem:v61+s22+$0x0], $0xffff;
	v47 =	vmul.f32 v47, v47;
	v11 =	vadd.f32 v11, v35;
	v38 =	vmul.f32 v20, v20  }
0x516: {  	v45 =	vmul.f32 v52, v58;
	v20 =	vsub.s32 $0x5F3759DF, v48;
	v48 =	vmul.f32 v50, v51  }
0x517: {  	v35 =	vld.idx.msk [tilespmem:v29+s20+$0x0], $0xffff;
	v57 =	vmul.f32 $5.000000000e-01, v11;
	v46 =	vadd.f32 v47, v38;
	v38 =	vshra.s32 v11, $0x1  }
0x518: {  	v42 =	vmul.f32 v42, v42;
	v45 =	vsub.f32 $1.500000000e+00, v45;
	v50 =	vsub.s32 $0x5F3759DF, v38  }
0x519: {  	v58 =	vsub.f32 v54, v13;
	v47 =	vld.idx.msk [tilespmem:v29+s21+$0x0], $0xffff;
	v12 =	vmul.f32 v48, v12;
	v51 =	vmul.f32 v50, v57  }
0x51a: {  	v45 =	vmul.f32 v52, v45;
	v38 =	vsub.f32 v55, v30;
	v55 =	vmul.f32 v20, v56  }
0x51b: {  	v48 =	vld [tilespmem:s6+$0x10100];
	v52 =	vmul.f32 v58, v58;
	v51 =	vmul.f32 v50, v51  }
0x51c: {  	v29 =	vld.idx.msk [tilespmem:v29+s22+$0x0], $0xffff;
	v58 =	vmul.f32 $5.000000000e-01, v53;
	v35 =	vsub.f32 v35, v1;
	v57 =	vshra.s32 v53, $0x1  }
0x51d: {  	v40 =	vld [tilespmem:s16+$0x10100];
	v54 =	vmul.f32 v38, v38;
	v44 =	vadd.f32 v44, v52;
	v51 =	vsub.f32 $1.500000000e+00, v51  }
0x51e: {  	v39 =	vld [tilespmem:s16+$0x10180];
	[tilespmem:s6+$0x18080] =	vst v12;
	v56 =	vmul.f32 v45, v34;
	v12 =	vmul.f32 v20, v55;
	v47 =	vsub.f32 v47, v17  }
0x51f: {  	v54 =	vadd.f32 v54, v46;
	v46 =	vsub.s32 $0x5F3759DF, v57;
	v50 =	vmul.f32 v50, v51;
	v51 =	vld [tilespmem:s8+$0x10280]  }
0x520: {  	v34 =	vld.idx.msk [tilespmem:v19+s21+$0x0], $0xffff;
	v35 =	vmul.f32 v35, v35;
	v52 =	vmul.f32 v46, v58  }
0x521: {  	v37 =	vld [tilespmem:s16+$0x10200];
	v29 =	vsub.f32 v29, v0;
	v42 =	vadd.f32 v42, v44;
	v47 =	vmul.f32 v47, v47  }
0x522: {  	v63 =	vmovc v4;
	v4 =	vld [tilespmem:s16+$0x10280];
	v12 =	vsub.f32 $1.500000000e+00, v12;
	v38 =	vshra.s32 v54, $0x1;
	v58 =	vmul.f32 v46, v52  }
0x523: {  	v57 =	vmul.f32 $5.000000000e-01, v54;
	v29 =	vmul.f32 v29, v29;
	v44 =	vld.idx.msk [tilespmem:v48+s20+$0x0], $0xffff;
	v35 =	vadd.f32 v47, v35  }
0x524: {  	[tilespmem:s10+$0x18380] =	vst v36;
	v55 =	vld.idx.msk [tilespmem:v48+s21+$0x0], $0xffff;
	v11 =	vmul.f32 v50, v11;
	v50 =	vsub.s32 $0x5F3759DF, v38;
	v45 =	vsub.f32 $1.500000000e+00, v58  }
0x525: {  	v52 =	vld.idx.msk [tilespmem:v19+s22+$0x0], $0xffff;
	v47 =	vsub.f32 v34, v7;
	v34 =	vmul.f32 v49, v49;
	v19 =	vmul.f32 v50, v57  }
0x526: {  	v48 =	vld.idx.msk [tilespmem:v48+s22+$0x0], $0xffff;
	v38 =	vmul.f32 $5.000000000e-01, v42;
	[tilespmem:s8+$0x18200] =	vst v11;
	v11 =	vshra.s32 v42, $0x1;
	v46 =	vmul.f32 v46, v45  }
0x527: {  	[tilespmem:s12+$0x18380] =	vst v41;
	v49 =	vmul.f32 v50, v19;
	v19 =	vadd.f32 v29, v35;
	v45 =	vsub.s32 $0x5F3759DF, v11;
	v58 =	vld.idx.msk [tilespmem:v51+s20+$0x0], $0xffff  }
0x528: {  	v44 =	vsub.f32 v44, v25;
	v29 =	vmul.f32 v46, v53;
	v35 =	vmul.f32 v45, v38;
	v53 =	vld.idx.msk [tilespmem:v51+s21+$0x0], $0xffff  }
0x529: {  	[tilespmem:s15+$0x18380] =	vst v43;
	v33 =	vld [tilespmem:s16+$0x10300];
	v60 =	vmovc v1;
	v36 =	vmul.f32 v47, v47;
	v57 =	vsub.f32 v55, v24;
	v11 =	vsub.f32 $1.500000000e+00, v49  }
0x52a: {  	v59 =	vmovc v0;
	v62 =	vld [tilespmem:s16+$0x10380];
	v61 =	vmovc v8;
	v41 =	vmul.f32 $5.000000000e-01, v19;
	v47 =	vmul.f32 v45, v35;
	v35 =	vsub.f32 v52, v2  }
0x52b: {  	[tilespmem:s19+$0x18200] =	vst v29;
	v46 =	vld.idx.msk [tilespmem:v51+s22+$0x0], $0xffff;
	v51 =	vmul.f32 v44, v44;
	v38 =	vmul.f32 v50, v11;
	v11 =	vshra.s32 v19, $0x1  }
0x52c: {  	s9 =	sshll.u32 s9, $0xE;
	[tilespmem:s26+$0x18380] =	vst v56;
	v52 =	vmul.f32 v57, v57;
	v44 =	vld.idx.msk [tilespmem:v18+s20+$0x0], $0xffff;
	v29 =	vsub.s32 $0x5F3759DF, v11;
	v11 =	vsub.f32 v48, v23  }
0x52d: {  	s9 =	sadd.s32 s5, s9;
	s10 =	simm.s32 $0xA;
	v43 =	vld.idx.msk [tilespmem:v18+s21+$0x0], $0xffff;
	v50 =	vmul.f32 v38, v54;
	v49 =	vsub.f32 v58, v8;
	v48 =	vsub.f32 v53, v15  }
.LBB2_7:
0x52e: {  	s10 =	sadd.s32 $0x2, s10;
	s28 =	sadd.s32 $0x20, s28  }
0x52f: {  	v53 =	vld.idx.msk [tilespmem:v18+s22+$0x0], $0xffff;
	v58 =	vmul.f32 v11, v11;
	v47 =	vsub.f32 $1.500000000e+00, v47;
	s14 =	sshrl.u32 s10, $0x3;
	s17 =	sand.u32 $0x60, s28;
	[tilespmem:s16+$0x18080] =	vst v50  }
0x530: {  	v51 =	vadd.f32 v52, v51;
	v54 =	vmul.f32 v48, v48;
	v41 =	vmul.f32 v29, v41;
	s12 =	sshll.u32 s14, $0xA;
	s23 =	sor.u32 $0x10, s17;
	v48 =	vld.idx.msk [tilespmem:v40+s20+$0x0], $0xffff  }
0x531: {  	v18 =	vmul.f32 v49, v49;
	v45 =	vmul.f32 v45, v47;
	v47 =	vadd.f32 v36, v34;
	s15 =	sor.u32 s17, s12;
	s12 =	sor.u32 s12, s23;
	v36 =	vld.idx.msk [tilespmem:v40+s21+$0x0], $0xffff  }
0x532: {  	v49 =	vadd.f32 v58, v51;
	v41 =	vmul.f32 v29, v41;
	v0 =	vsub.f32 v46, v16;
	v46 =	vld [tilespmem:s12+$0x10000]  }
0x533: {  	s14 =	sshll.u32 s14, $0x7;
	v18 =	vadd.f32 v54, v18;
	v34 =	vld [tilespmem:s15+$0x10080];
	v42 =	vmul.f32 v45, v42  }
0x534: {  	s14 =	sor.u32 s18, s14;
	v45 =	vld [tilespmem:s15+$0x10000];
	v56 =	vshra.s32 v49, $0x1;
	v41 =	vsub.f32 $1.500000000e+00, v41;
	v55 =	vmul.f32 v0, v0  }
0x535: {  	v26 =	vmovc v14;
	v14 =	vmovc v30;
	v44 =	vsub.f32 v44, v63;
	s17 =	sor.u32 s17, s14;
	s14 =	sor.u32 s23, s14;
	v51 =	vmul.f32 $5.000000000e-01, v49;
	v30 =	vsub.s32 $0x5F3759DF, v56;
	v56 =	vld [tilespmem:s6+$0x10180]  }
0x536: {  	[tilespmem:s11+$0x18180] =	vst v42;
	v42 =	vsub.f32 v43, v5;
	v29 =	vmul.f32 v29, v41;
	v41 =	vld [tilespmem:s14+$0xA000];
	v52 =	vadd.f32 v55, v18  }
0x537: {  	v43 =	vmul.f32 v44, v44;
	v44 =	vmul.f32 v30, v51;
	v48 =	vsub.f32 v48, v26;
	v38 =	vld [tilespmem:s15+$0x10100]  }
0x538: {  	v54 =	vld.idx.msk [tilespmem:v40+s22+$0x0], $0xffff;
	v40 =	vmul.f32 v42, v42;
	v57 =	vshra.s32 v52, $0x1;
	v58 =	vmul.f32 $5.000000000e-01, v52  }
0x539: {  	v11 =	vmovc v6;
	v42 =	vsub.f32 v36, v21;
	v44 =	vmul.f32 v30, v44;
	v36 =	vld [tilespmem:s14+$0x6000];
	v50 =	vsub.s32 $0x5F3759DF, v57  }
0x53a: {  	v53 =	vsub.f32 v53, v11;
	v48 =	vmul.f32 v48, v48;
	v51 =	vmul.f32 v50, v58;
	v57 =	vld.idx.msk [tilespmem:v46+s20+$0x0], $0xffff  }
0x53b: {  	v42 =	vmul.f32 v42, v42;
	v44 =	vsub.f32 $1.500000000e+00, v44;
	v58 =	vmul.f32 v35, v35;
	v35 =	vld [tilespmem:s14+$0x8000]  }
0x53c: {  	v43 =	vadd.f32 v40, v43;
	v40 =	vmov v38;
	v38 =	vld.idx.msk [tilespmem:v46+s21+$0x0], $0xffff;
	v51 =	vmul.f32 v50, v51  }
0x53d: {  	v53 =	vmul.f32 v53, v53;
	v42 =	vadd.f32 v42, v48;
	v30 =	vmul.f32 v30, v44;
	v46 =	vld.idx.msk [tilespmem:v46+s22+$0x0], $0xffff  }
0x53e: {  	v55 =	vld [tilespmem:s8+$0x10300];
	v19 =	vmul.f32 v29, v19;
	v54 =	vsub.f32 v54, v14;
	v44 =	vsub.f32 $1.500000000e+00, v51  }
0x53f: {  	v0 =	vmovc v4;
	v30 =	vmul.f32 v30, v49;
	v51 =	vadd.f32 v53, v43;
	v43 =	vadd.f32 v58, v47  }
0x540: {  	[tilespmem:$0x1FF60] =	vst v0;
	v58 =	vmul.f32 v54, v54;
	v49 =	vsub.f32 v57, v36;
	v44 =	vmul.f32 v50, v44  }
0x541: {  	v0 =	vld [tilespmem:$0x1FF90];
	[tilespmem:s6+$0x18100] =	vst v30;
	v53 =	vshra.s32 v51, $0x1;
	v54 =	vmul.f32 $5.000000000e-01, v51;
	v38 =	vsub.f32 v38, v35  }
0x542: {  	v50 =	vld.idx.msk [tilespmem:v45+s20+$0x0], $0xffff;
	[tilespmem:s13+$0x18300] =	vst v19;
	v19 =	vsub.f32 v46, v41;
	v48 =	vsub.s32 $0x5F3759DF, v53;
	v46 =	vmul.f32 v49, v49  }
0x543: {  	v30 =	vmul.f32 v44, v52;
	v44 =	vadd.f32 v58, v42;
	v42 =	vld.idx.msk [tilespmem:v56+s20+$0x0], $0xffff;
	v38 =	vmul.f32 v38, v38  }
0x544: {  	v29 =	vmul.f32 v48, v54;
	v52 =	vld.idx.msk [tilespmem:v56+s21+$0x0], $0xffff  }
0x545: {  	v28 =	vmov v17;
	[tilespmem:s8+$0x18280] =	vst v30;
	v38 =	vadd.f32 v38, v46;
	v46 =	vmul.f32 v19, v19;
	v19 =	vld [tilespmem:s17+$0x6000]  }
0x546: {  	v17 =	vmovc v60;
	v60 =	vmul.f32 v20, v12;
	v47 =	vshra.s32 v43, $0x1;
	v29 =	vmul.f32 v48, v29;
	v57 =	vld.idx.msk [tilespmem:v55+s20+$0x0], $0xffff  }
0x547: {  	v6 =	vmovc v10;
	v10 =	vmovc v13;
	v47 =	vsub.s32 $0x5F3759DF, v47;
	v53 =	vshra.s32 v44, $0x1;
	v54 =	vmul.f32 $5.000000000e-01, v44;
	v49 =	vld.idx.msk [tilespmem:v55+s21+$0x0], $0xffff  }
0x548: {  	v13 =	vmovc v22;
	v8 =	vmovc v27;
	v30 =	vmul.f32 $5.000000000e-01, v43;
	v53 =	vsub.s32 $0x5F3759DF, v53;
	v56 =	vld.idx.msk [tilespmem:v56+s22+$0x0], $0xffff;
	v29 =	vsub.f32 $1.500000000e+00, v29  }
0x549: {  	v55 =	vld.idx.msk [tilespmem:v55+s22+$0x0], $0xffff;
	v54 =	vmul.f32 v53, v54;
	v46 =	vadd.f32 v46, v38;
	v12 =	vsub.f32 v42, v25  }
0x54a: {  	v22 =	vld [tilespmem:$0x1FF70];
	v27 =	vmovc v59;
	v59 =	vmul.f32 v47, v30;
	v38 =	vsub.f32 v52, v24;
	v48 =	vmul.f32 v48, v29  }
0x54b: {  	v58 =	vld.idx.msk [tilespmem:v45+s21+$0x0], $0xffff;
	v20 =	vmovc v47;
	v54 =	vmul.f32 v53, v54;
	v47 =	vshra.s32 v46, $0x1;
	v12 =	vmul.f32 v12, v12  }
0x54c: {  	v45 =	vld.idx.msk [tilespmem:v45+s22+$0x0], $0xffff;
	v38 =	vmul.f32 v38, v38;
	v57 =	vsub.f32 v57, v61;
	v49 =	vsub.f32 v49, v15  }
0x54d: {  	v29 =	vld [tilespmem:s17+$0x8000];
	v50 =	vsub.f32 v50, v19;
	v42 =	vmul.f32 v48, v51;
	v51 =	vsub.f32 v56, v23  }
0x54e: {  	v2 =	vld [tilespmem:s6+$0x10200];
	v52 =	vsub.f32 v55, v16;
	v48 =	vmul.f32 v57, v57;
	v49 =	vmul.f32 v49, v49  }
0x54f: {  	v31 =	vmovc v9;
	v30 =	vld [tilespmem:s17+$0xA000];
	v56 =	vmul.f32 $5.000000000e-01, v46;
	v12 =	vadd.f32 v38, v12;
	[tilespmem:s19+$0x18280] =	vst v42;
	v57 =	vmul.f32 v51, v51  }
0x550: {  	v18 =	vmovc v16;
	v47 =	vsub.s32 $0x5F3759DF, v47;
	v16 =	vmovc v15;
	v42 =	vld [tilespmem:s15+$0x10180];
	v48 =	vadd.f32 v49, v48;
	v49 =	vmul.f32 v52, v52  }
0x551: {  	v50 =	vmul.f32 v50, v50;
	v51 =	vld.idx.msk [tilespmem:v0+s20+$0x0], $0xffff;
	v52 =	vmul.f32 v47, v56;
	v12 =	vadd.f32 v57, v12  }
0x552: {  	v56 =	vld.idx.msk [tilespmem:v0+s21+$0x0], $0xffff;
	v57 =	vsub.f32 v58, v29;
	v48 =	vadd.f32 v49, v48;
	v49 =	vmul.f32 v20, v59  }
0x553: {  	v15 =	vmovc v61;
	v58 =	vld.idx.msk [tilespmem:v0+s22+$0x0], $0xffff;
	v0 =	vmovc v37;
	v52 =	vmul.f32 v47, v52;
	v59 =	vshra.s32 v12, $0x1;
	v61 =	vmul.f32 $5.000000000e-01, v12  }
0x554: {  	v9 =	vmovc v5;
	v5 =	vmovc v63;
	v55 =	vld [tilespmem:s15+$0x10200];
	[tilespmem:$0x1FF90] =	vst v0;
	v59 =	vsub.s32 $0x5F3759DF, v59;
	v63 =	vshra.s32 v48, $0x1;
	v0 =	vmul.f32 $5.000000000e-01, v48  }
0x555: {  	v38 =	vmovc v62;
	v62 =	vld [tilespmem:s12+$0x10080];
	v52 =	vsub.f32 $1.500000000e+00, v52;
	v61 =	vmul.f32 v59, v61;
	v63 =	vsub.s32 $0x5F3759DF, v63  }
0x556: {  	v45 =	vsub.f32 v45, v30;
	v4 =	vld [tilespmem:s15+$0x10280];
	v57 =	vmul.f32 v57, v57;
	v0 =	vmul.f32 v63, v0  }
0x557: {  	v1 =	vld.idx.msk [tilespmem:v22+s20+$0x0], $0xffff;
	v47 =	vmul.f32 v47, v52;
	v52 =	vsub.f32 $1.500000000e+00, v54;
	v54 =	vmul.f32 v59, v61  }
0x558: {  	v7 =	vmul.f32 v45, v45;
	v45 =	vld [tilespmem:s15+$0x10380];
	v50 =	vadd.f32 v57, v50  }
0x559: {  	v61 =	vld.idx.msk [tilespmem:v22+s21+$0x0], $0xffff;
	v0 =	vmul.f32 v63, v0;
	v46 =	vmul.f32 v47, v46;
	v47 =	vsub.f32 $1.500000000e+00, v54  }
0x55a: {  	v37 =	vmov v55;
	v51 =	vsub.f32 v51, v10;
	v54 =	vld [tilespmem:s8+$0x10380];
	v52 =	vmul.f32 v53, v52  }
0x55b: {  	v57 =	vmovc v13;
	v7 =	vadd.f32 v7, v50;
	v53 =	vld.idx.msk [tilespmem:v22+s22+$0x0], $0xffff;
	v0 =	vsub.f32 $1.500000000e+00, v0;
	v13 =	vmul.f32 v59, v47  }
0x55c: {  	v55 =	vld [tilespmem:s15+$0x10300];
	[tilespmem:s12+$0x18000] =	vst v46;
	v59 =	vsub.f32 v56, v31;
	v47 =	vmul.f32 v51, v51;
	v44 =	vmul.f32 v52, v44  }
0x55d: {  	v52 =	vsub.f32 v58, v6;
	v50 =	vld.idx.msk [tilespmem:v62+s20+$0x0], $0xffff;
	v0 =	vmul.f32 v63, v0;
	v12 =	vmul.f32 v13, v12  }
0x55e: {  	v51 =	vld.idx.msk [tilespmem:v62+s21+$0x0], $0xffff;
	v46 =	vmul.f32 v59, v59;
	v63 =	vmul.f32 $5.000000000e-01, v7  }
0x55f: {  	v56 =	vshra.s32 v7, $0x1;
	[tilespmem:s16+$0x18100] =	vst v44;
	v59 =	vld.idx.msk [tilespmem:v62+s22+$0x0], $0xffff;
	v62 =	vmul.f32 v52, v52;
	v13 =	vmul.f32 v60, v32  }
0x560: {  	v56 =	vsub.s32 $0x5F3759DF, v56;
	v58 =	vld.idx.msk [tilespmem:v3+s20+$0x0], $0xffff;
	v0 =	vmul.f32 v0, v48;
	[tilespmem:s6+$0x18180] =	vst v12;
	v48 =	vadd.f32 v46, v47  }
0x561: {  	v63 =	vmul.f32 v56, v63;
	v12 =	vsub.f32 $1.500000000e+00, v49;
	[tilespmem:s1+$0x18380] =	vst v13;
	v52 =	vld.idx.msk [tilespmem:v2+s20+$0x0], $0xffff  }
0x562: {  	v49 =	vsub.f32 v61, v9;
	[tilespmem:s8+$0x18300] =	vst v0;
	v44 =	vadd.f32 v62, v48;
	v62 =	vld.idx.msk [tilespmem:v39+s21+$0x0], $0xffff  }
0x563: {  	[tilespmem:$0x1FF70] =	vst v57;
	v22 =	vmov v33;
	v47 =	vsub.f32 v53, v11;
	v0 =	vsub.f32 v1, v5;
	v1 =	vld.idx.msk [tilespmem:v54+s20+$0x0], $0xffff  }
0x564: {  	v33 =	vmul.f32 v56, v63;
	v63 =	vsub.f32 v51, v35;
	v49 =	vmul.f32 v49, v49;
	v57 =	vld.idx.msk [tilespmem:v54+s21+$0x0], $0xffff  }
0x565: {  	v51 =	vld.idx.msk [tilespmem:v2+s21+$0x0], $0xffff;
	v48 =	vmul.f32 v0, v0;
	v0 =	vsub.f32 v50, v36;
	v60 =	vshra.s32 v44, $0x1  }
0x566: {  	v2 =	vld.idx.msk [tilespmem:v2+s22+$0x0], $0xffff;
	v61 =	vsub.f32 $1.500000000e+00, v33;
	v13 =	vmul.f32 $5.000000000e-01, v44;
	v50 =	vmul.f32 v63, v63  }
0x567: {  	v32 =	vmovc v43;
	v54 =	vld.idx.msk [tilespmem:v54+s22+$0x0], $0xffff;
	v43 =	vsub.f32 v58, v17;
	v46 =	vsub.s32 $0x5F3759DF, v60;
	v0 =	vmul.f32 v0, v0  }
0x568: {  	v33 =	vmovc v55;
	v53 =	vmul.f32 v56, v61;
	v56 =	vmul.f32 v46, v13;
	v13 =	vsub.f32 v59, v41  }
0x569: {  	v55 =	vld.idx.msk [tilespmem:v39+s20+$0x0], $0xffff;
	v63 =	vmovc v10;
	v10 =	vmov v14;
	v0 =	vadd.f32 v50, v0;
	v1 =	vsub.f32 v1, v15  }
0x56a: {  	s1 =	smov.u32 s0;
	s0 =	smov.u32 s13;
	s13 =	smov.u32 s19;
	v7 =	vmul.f32 v53, v7;
	v53 =	vld.idx.msk [tilespmem:v39+s22+$0x0], $0xffff;
	v14 =	vsub.f32 v57, v16;
	v15 =	vsub.f32 v52, v25  }
0x56b: {  	s19 =	smov.u32 s11;
	s11 =	smov.u32 s16;
	s16 =	smov.u32 s15;
	v13 =	vmul.f32 v13, v13;
	v58 =	vsub.f32 v51, v24;
	v51 =	vld.idx.msk [tilespmem:v3+s21+$0x0], $0xffff;
	v2 =	vsub.f32 v2, v23  }
0x56c: {  	[tilespmem:s16+$0x18000] =	vst v7;
	v7 =	vsub.f32 v54, v18;
	v1 =	vmul.f32 v1, v1;
	v14 =	vmul.f32 v14, v14  }
0x56d: {  	v60 =	vmovc v5;
	v0 =	vadd.f32 v13, v0;
	v13 =	vmul.f32 v15, v15;
	v5 =	vmul.f32 v58, v58  }
0x56e: {  	v50 =	vsub.f32 v62, v21;
	v52 =	vld.idx.msk [tilespmem:v34+s20+$0x0], $0xffff;
	v1 =	vadd.f32 v14, v1;
	v7 =	vmul.f32 v7, v7  }
0x56f: {  	v56 =	vmul.f32 v46, v56;
	v2 =	vmul.f32 v2, v2;
	v54 =	vld.idx.msk [tilespmem:v34+s21+$0x0], $0xffff;
	v14 =	vadd.f32 v5, v13  }
0x570: {  	v16 =	vshra.s32 v0, $0x1;
	v1 =	vadd.f32 v7, v1;
	v7 =	vld.idx.msk [tilespmem:v3+s22+$0x0], $0xffff;
	v3 =	vmul.f32 $5.000000000e-01, v0  }
0x571: {  	v34 =	vld.idx.msk [tilespmem:v34+s22+$0x0], $0xffff;
	v59 =	vsub.f32 v55, v26;
	v55 =	vsub.s32 $0x5F3759DF, v16;
	v2 =	vadd.f32 v2, v14  }
0x572: {  	v61 =	vmovc v25;
	v25 =	vmovc v36;
	v5 =	vshra.s32 v1, $0x1;
	v62 =	vmul.f32 $5.000000000e-01, v1;
	v17 =	vmul.f32 v55, v3  }
0x573: {  	v15 =	vmovc v24;
	v24 =	vmovc v35;
	v35 =	vsub.f32 v52, v19;
	v58 =	vmul.f32 $5.000000000e-01, v2;
	v52 =	vsub.s32 $0x5F3759DF, v5  }
0x574: {  	v16 =	vmovc v23;
	v23 =	vmovc v41;
	v41 =	vshra.s32 v2, $0x1;
	v36 =	vmul.f32 v52, v62;
	v62 =	vmul.f32 v55, v17  }
0x575: {  	v57 =	vmul.f32 v59, v59;
	v14 =	vmovc v19;
	v19 =	vsub.f32 v54, v29;
	v41 =	vsub.s32 $0x5F3759DF, v41  }
0x576: {  	v34 =	vsub.f32 v34, v30;
	v54 =	vld [tilespmem:s12+$0x10100];
	v58 =	vmul.f32 v41, v58;
	v36 =	vmul.f32 v52, v36  }
0x577: {  	v39 =	vmovc v42;
	v35 =	vmul.f32 v35, v35;
	v19 =	vmul.f32 v19, v19;
	v42 =	vsub.f32 $1.500000000e+00, v62  }
0x578: {  	v59 =	vmul.f32 v50, v50;
	v50 =	vld [tilespmem:s6+$0x10280];
	v62 =	vmovc v45;
	v45 =	vmul.f32 v41, v58;
	v36 =	vsub.f32 $1.500000000e+00, v36  }
0x579: {  	v5 =	vld [tilespmem:$0x1FF80];
	v34 =	vmul.f32 v34, v34;
	v19 =	vadd.f32 v19, v35;
	v58 =	vmul.f32 v55, v42  }
0x57a: {  	v53 =	vsub.f32 v53, v10;
	v17 =	vld [tilespmem:$0x1FFA0];
	v45 =	vsub.f32 $1.500000000e+00, v45;
	v36 =	vmul.f32 v52, v36  }
0x57b: {  	v35 =	vadd.f32 v49, v48;
	v55 =	vadd.f32 v34, v19;
	v0 =	vmul.f32 v58, v0  }
0x57c: {  	v19 =	vadd.f32 v59, v57;
	v45 =	vmul.f32 v41, v45;
	v1 =	vmul.f32 v36, v1  }
0x57d: {  	v18 =	vmovc v8;
	v49 =	vshra.s32 v55, $0x1;
	v52 =	vmul.f32 $5.000000000e-01, v55;
	[tilespmem:s12+$0x18080] =	vst v0;
	v0 =	vmul.f32 v53, v53  }
0x57e: {  	v34 =	vmul.f32 v43, v43;
	v48 =	vsub.s32 $0x5F3759DF, v49;
	v49 =	vld.idx.msk [tilespmem:v54+s20+$0x0], $0xffff;
	v2 =	vmul.f32 v45, v2;
	[tilespmem:s8+$0x18380] =	vst v1  }
0x57f: {  	v3 =	vmovc v5;
	v5 =	vmov v17;
	s8 =	smov.u32 s6;
	v1 =	vmul.f32 v48, v52;
	v42 =	vadd.f32 v0, v19;
	v57 =	vld.idx.msk [tilespmem:v54+s21+$0x0], $0xffff  }
0x580: {  	v58 =	vsub.f32 v51, v28;
	v0 =	vmul.f32 v47, v47;
	v53 =	vld.idx.msk [tilespmem:v54+s22+$0x0], $0xffff;
	[tilespmem:s8+$0x18200] =	vst v2;
	v2 =	vsub.f32 $1.500000000e+00, v56  }
0x581: {  	v13 =	vmovc v26;
	v17 =	vmovc v9;
	[tilespmem:$0x1FF80] =	vst v5;
	v1 =	vmul.f32 v48, v1;
	v19 =	vshra.s32 v42, $0x1;
	v59 =	vmul.f32 $5.000000000e-01, v42  }
0x582: {  	v5 =	vmovc v38;
	v43 =	vld.idx.msk [tilespmem:v50+s20+$0x0], $0xffff;
	v45 =	vsub.s32 $0x5F3759DF, v19;
	v19 =	vadd.f32 v0, v35;
	v2 =	vmul.f32 v46, v2  }
0x583: {  	p0 =	slt.u32 s10, $0x7E;
	v9 =	vmovc v21;
	v36 =	vmul.f32 v58, v58;
	v54 =	vld.idx.msk [tilespmem:v50+s21+$0x0], $0xffff;
	v35 =	vsub.f32 v7, v27;
	v0 =	vsub.f32 $1.500000000e+00, v1  }
.Ltmp4:
0x584: {  	v21 =	vmovc v29;
	[tilespmem:$0x1FFA0] =	vst v5;
	v1 =	vmul.f32 v45, v59;
	v29 =	vshra.s32 v19, $0x1;
	v2 =	vmul.f32 v2, v44;
	(pc) =	sbr.rel @p0 .LBB2_7-.Ltmp4, $4  }
0x585: {  	v5 =	vmovc v31;
	v46 =	vld.idx.msk [tilespmem:v50+s22+$0x0], $0xffff;
	v41 =	vmul.f32 $5.000000000e-01, v19;
	v44 =	vsub.f32 v49, v25;
	v38 =	vsub.f32 v57, v24  }
0x586: {  	v27 =	vld [tilespmem:$0x1FF60];
	v0 =	vmul.f32 v48, v0;
	v47 =	vmul.f32 v45, v1;
	v29 =	vsub.s32 $0x5F3759DF, v29;
	v59 =	vmovc v11;
	[tilespmem:s19+$0x18200] =	vst v2  }
0x587: {  	v11 =	vsub.f32 v53, v23;
	v51 =	vmul.f32 v44, v44;
	v52 =	vmul.f32 v38, v38;
	v44 =	vld.idx.msk [tilespmem:v8+s20+$0x0], $0xffff  }
0x588: {  	s6 =	smov.u32 s12;
	v50 =	vmul.f32 v0, v55;
	v49 =	vsub.f32 v43, v61;
	v48 =	vsub.f32 v54, v15;
	v43 =	vld.idx.msk [tilespmem:v8+s21+$0x0], $0xffff  }
0x589: {  	_ =	sdelay $0x1  }
0x58a: {  	v0 =	vadd.f32 v52, v51;
	v1 =	vmul.f32 v11, v11  }
0x58b: {  	[tilespmem:s16+$0x18080] =	vst v50  }
0x58c: {  	v0 =	vadd.f32 v1, v0;
	v55 =	vld.idx.msk [tilespmem:v40+s20+$0x0], $0xffff  }
0x58d: {  	v2 =	vld.idx.msk [tilespmem:v40+s21+$0x0], $0xffff  }
0x58e: {  	v57 =	vld.idx.msk [tilespmem:v40+s22+$0x0], $0xffff;
	v7 =	vshra.s32 v0, $0x1;
	v56 =	vmul.f32 $5.000000000e-01, v0  }
0x58f: {  	v7 =	vsub.s32 $0x5F3759DF, v7  }
0x590: {  	v11 =	vmul.f32 v7, v56;
	_ =	sdelay $0x1  }
0x591: {  	v1 =	vsub.f32 v55, v14;
	v2 =	vsub.f32 v2, v21;
	v11 =	vmul.f32 v7, v11  }
0x592: {  	v58 =	vld [tilespmem:s6+$0x10180];
	v40 =	vsub.f32 v57, v30  }
0x593: {  	v1 =	vmul.f32 v1, v1;
	v2 =	vmul.f32 v2, v2;
	v11 =	vsub.f32 $1.500000000e+00, v11;
	_ =	sdelay $0x1  }
0x594: {  	v26 =	vmul.f32 v40, v40;
	v1 =	vadd.f32 v2, v1;
	v7 =	vmul.f32 v7, v11;
	_ =	sdelay $0x1  }
0x595: {  	v1 =	vadd.f32 v26, v1;
	v0 =	vmul.f32 v7, v0;
	_ =	sdelay $0x1  }
0x596: {  	v2 =	vshra.s32 v1, $0x1;
	v28 =	vmul.f32 $5.000000000e-01, v1;
	[tilespmem:s6+$0x18100] =	vst v0  }
0x597: {  	v2 =	vsub.s32 $0x5F3759DF, v2;
	v0 =	vld.idx.msk [tilespmem:v58+s20+$0x0], $0xffff  }
0x598: {  	v31 =	vld.idx.msk [tilespmem:v58+s21+$0x0], $0xffff;
	v7 =	vmul.f32 v2, v28;
	_ =	sdelay $0x1  }
0x599: {  	v38 =	vld.idx.msk [tilespmem:v58+s22+$0x0], $0xffff;
	v7 =	vmul.f32 v2, v7;
	_ =	sdelay $0x1  }
0x59a: {  	v7 =	vsub.f32 $1.500000000e+00, v7  }
0x59b: {  	v0 =	vsub.f32 v0, v25;
	v11 =	vsub.f32 v31, v24  }
0x59c: {  	v2 =	vmul.f32 v2, v7  }
0x59d: {  	v40 =	vsub.f32 v38, v23;
	v0 =	vmul.f32 v0, v0;
	v11 =	vmul.f32 v11, v11;
	_ =	sdelay $0x1  }
0x59e: {  	v50 =	vmul.f32 v40, v40;
	v1 =	vmul.f32 v2, v1;
	v0 =	vadd.f32 v11, v0;
	_ =	sdelay $0x1  }
0x59f: {  	[tilespmem:s16+$0x18100] =	vst v1;
	v0 =	vadd.f32 v50, v0  }
0x5a0: {  	v1 =	vld.idx.msk [tilespmem:v39+s20+$0x0], $0xffff  }
0x5a1: {  	v52 =	vld.idx.msk [tilespmem:v39+s21+$0x0], $0xffff;
	v51 =	vshra.s32 v0, $0x1;
	v7 =	vmul.f32 $5.000000000e-01, v0  }
0x5a2: {  	v2 =	vsub.s32 $0x5F3759DF, v51  }
0x5a3: {  	v53 =	vld.idx.msk [tilespmem:v39+s22+$0x0], $0xffff;
	v7 =	vmul.f32 v2, v7;
	_ =	sdelay $0x1  }
0x5a4: {  	v7 =	vmul.f32 v2, v7  }
0x5a5: {  	v54 =	vld [tilespmem:s6+$0x10200];
	v1 =	vsub.f32 v1, v14;
	v11 =	vsub.f32 v52, v21  }
0x5a6: {  	v7 =	vsub.f32 $1.500000000e+00, v7  }
0x5a7: {  	v39 =	vsub.f32 v53, v30;
	v1 =	vmul.f32 v1, v1;
	v11 =	vmul.f32 v11, v11  }
0x5a8: {  	v58 =	vsub.f32 $1.500000000e+00, v47;
	v2 =	vmul.f32 v2, v7  }
0x5a9: {  	v55 =	vmul.f32 v39, v39;
	v1 =	vadd.f32 v11, v1  }
0x5aa: {  	v39 =	vmul.f32 v45, v58;
	v0 =	vmul.f32 v2, v0  }
0x5ab: {  	v1 =	vadd.f32 v55, v1  }
0x5ac: {  	v39 =	vmul.f32 v39, v42;
	[tilespmem:s6+$0x18180] =	vst v0  }
0x5ad: {  	v56 =	vshra.s32 v1, $0x1;
	v7 =	vmul.f32 $5.000000000e-01, v1;
	v0 =	vld.idx.msk [tilespmem:v54+s20+$0x0], $0xffff  }
0x5ae: {  	[tilespmem:s11+$0x18180] =	vst v39;
	v2 =	vsub.s32 $0x5F3759DF, v56;
	v57 =	vld.idx.msk [tilespmem:v54+s21+$0x0], $0xffff  }
0x5af: {  	v7 =	vmul.f32 v2, v7;
	v8 =	vld [tilespmem:$0x1FF90]  }
0x5b0: {  	v48 =	vmul.f32 v48, v48;
	v40 =	vld.idx.msk [tilespmem:v54+s22+$0x0], $0xffff  }
0x5b1: {  	v26 =	vmul.f32 v49, v49;
	v7 =	vmul.f32 v2, v7  }
0x5b2: {  	v46 =	vsub.f32 v46, v16  }
0x5b3: {  	v31 =	vadd.f32 v48, v26;
	v7 =	vsub.f32 $1.500000000e+00, v7  }
0x5b4: {  	v28 =	vmul.f32 v46, v46;
	v0 =	vsub.f32 v0, v25;
	v11 =	vsub.f32 v57, v24  }
0x5b5: {  	v40 =	vsub.f32 v40, v23;
	v2 =	vmul.f32 v2, v7  }
0x5b6: {  	v7 =	vld.idx.msk [tilespmem:v18+s22+$0x0], $0xffff;
	v18 =	vadd.f32 v28, v31;
	v0 =	vmul.f32 v0, v0;
	v11 =	vmul.f32 v11, v11  }
0x5b7: {  	v48 =	vmul.f32 v40, v40;
	v39 =	vld.idx.msk [tilespmem:v8+s20+$0x0], $0xffff;
	v1 =	vmul.f32 v2, v1  }
0x5b8: {  	v49 =	vshra.s32 v18, $0x1;
	v50 =	vmul.f32 $5.000000000e-01, v18;
	v51 =	vld.idx.msk [tilespmem:v8+s21+$0x0], $0xffff;
	v0 =	vadd.f32 v11, v0  }
0x5b9: {  	v44 =	vsub.f32 v44, v63;
	v28 =	vld.idx.msk [tilespmem:v8+s22+$0x0], $0xffff;
	v2 =	vsub.s32 $0x5F3759DF, v49  }
0x5ba: {  	v47 =	vld [tilespmem:s8+$0x10300];
	[tilespmem:s16+$0x18180] =	vst v1;
	v53 =	vmul.f32 v2, v50;
	v0 =	vadd.f32 v48, v0  }
0x5bb: {  	v55 =	vmul.f32 v44, v44;
	v54 =	vld.idx.msk [tilespmem:v37+s20+$0x0], $0xffff  }
0x5bc: {  	v58 =	vld.idx.msk [tilespmem:v37+s21+$0x0], $0xffff;
	v11 =	vmul.f32 v2, v53;
	v56 =	vshra.s32 v0, $0x1;
	v57 =	vmul.f32 $5.000000000e-01, v0  }
0x5bd: {  	v26 =	vld.idx.msk [tilespmem:v37+s22+$0x0], $0xffff;
	v39 =	vsub.f32 v39, v13;
	v42 =	vsub.f32 v51, v9;
	v44 =	vsub.s32 $0x5F3759DF, v56  }
0x5be: {  	v28 =	vsub.f32 v28, v10;
	v11 =	vsub.f32 $1.500000000e+00, v11;
	v45 =	vmul.f32 v44, v57  }
0x5bf: {  	v39 =	vmul.f32 v39, v39;
	v42 =	vmul.f32 v42, v42  }
0x5c0: {  	v52 =	vsub.f32 v43, v5;
	v28 =	vmul.f32 v28, v28;
	v2 =	vmul.f32 v2, v11  }
0x5c1: {  	v40 =	vsub.f32 v54, v14;
	v46 =	vsub.f32 v58, v21;
	v45 =	vmul.f32 v44, v45  }
0x5c2: {  	v11 =	vld [tilespmem:s6+$0x10280];
	v37 =	vsub.f32 v26, v30;
	v39 =	vadd.f32 v42, v39;
	v2 =	vmul.f32 v2, v18  }
0x5c3: {  	v40 =	vmul.f32 v40, v40;
	v49 =	vmul.f32 v46, v46;
	v48 =	vsub.f32 $1.500000000e+00, v45  }
0x5c4: {  	v1 =	vmul.f32 v52, v52;
	v7 =	vsub.f32 v7, v6;
	v18 =	vadd.f32 v28, v39;
	[tilespmem:s8+$0x18280] =	vst v2  }
0x5c5: {  	v37 =	vmul.f32 v37, v37;
	v51 =	vadd.f32 v49, v40;
	v50 =	vmul.f32 v44, v48;
	v54 =	vld.idx.msk [tilespmem:v47+s20+$0x0], $0xffff  }
0x5c6: {  	v1 =	vadd.f32 v1, v55;
	v52 =	vshra.s32 v18, $0x1;
	v53 =	vmul.f32 $5.000000000e-01, v18;
	v55 =	vld.idx.msk [tilespmem:v47+s21+$0x0], $0xffff  }
0x5c7: {  	v49 =	vld.idx.msk [tilespmem:v47+s22+$0x0], $0xffff;
	v2 =	vsub.s32 $0x5F3759DF, v52;
	v37 =	vadd.f32 v37, v51;
	v0 =	vmul.f32 v50, v0  }
0x5c8: {  	v7 =	vmul.f32 v7, v7;
	v40 =	vmul.f32 v2, v53  }
0x5c9: {  	v57 =	vshra.s32 v37, $0x1;
	v58 =	vmul.f32 $5.000000000e-01, v37;
	[tilespmem:s6+$0x18200] =	vst v0  }
0x5ca: {  	v0 =	vadd.f32 v7, v1;
	v40 =	vmul.f32 v2, v40;
	v7 =	vsub.s32 $0x5F3759DF, v57;
	v56 =	vld.idx.msk [tilespmem:v11+s20+$0x0], $0xffff  }
0x5cb: {  	v26 =	vld.idx.msk [tilespmem:v11+s21+$0x0], $0xffff;
	v42 =	vmul.f32 v7, v58;
	v28 =	vsub.f32 v54, v61;
	v39 =	vsub.f32 v55, v15  }
0x5cc: {  	v51 =	vsub.f32 v49, v16;
	v48 =	vmul.f32 $5.000000000e-01, v0;
	v40 =	vsub.f32 $1.500000000e+00, v40  }
0x5cd: {  	v11 =	vld.idx.msk [tilespmem:v11+s22+$0x0], $0xffff;
	v38 =	vshra.s32 v0, $0x1;
	v42 =	vmul.f32 v7, v42;
	v28 =	vmul.f32 v28, v28  }
0x5ce: {  	v44 =	vsub.s32 $0x5F3759DF, v38;
	v39 =	vmul.f32 v39, v39;
	v2 =	vmul.f32 v2, v40  }
0x5cf: {  	v54 =	vmul.f32 v51, v51;
	v45 =	vmul.f32 v44, v48;
	v42 =	vsub.f32 $1.500000000e+00, v42  }
0x5d0: {  	v1 =	vsub.f32 v56, v25;
	v50 =	vsub.f32 v26, v24;
	v2 =	vmul.f32 v2, v18  }
0x5d1: {  	v28 =	vadd.f32 v39, v28;
	v53 =	vmul.f32 v44, v45;
	v7 =	vmul.f32 v7, v42  }
0x5d2: {  	v11 =	vsub.f32 v11, v23;
	v1 =	vmul.f32 v1, v1;
	v52 =	vmul.f32 v50, v50;
	[tilespmem:s11+$0x18200] =	vst v2  }
0x5d3: {  	v41 =	vmul.f32 v29, v41;
	v28 =	vadd.f32 v54, v28;
	v2 =	vld.idx.msk [tilespmem:v27+s20+$0x0], $0xffff;
	v7 =	vmul.f32 v7, v37  }
0x5d4: {  	v11 =	vmul.f32 v11, v11;
	v55 =	vsub.f32 $1.500000000e+00, v53;
	v56 =	vld.idx.msk [tilespmem:v27+s21+$0x0], $0xffff;
	v1 =	vadd.f32 v52, v1  }
0x5d5: {  	v18 =	vmul.f32 v29, v41;
	v57 =	vld.idx.msk [tilespmem:v27+s22+$0x0], $0xffff;
	[tilespmem:s16+$0x18200] =	vst v7  }
0x5d6: {  	v26 =	vshra.s32 v28, $0x1;
	v58 =	vmul.f32 v44, v55;
	v1 =	vadd.f32 v11, v1;
	v8 =	vld.idx.msk [tilespmem:v4+s20+$0x0], $0xffff  }
0x5d7: {  	v47 =	vmul.f32 $5.000000000e-01, v28;
	v37 =	vsub.s32 $0x5F3759DF, v26;
	v7 =	vmul.f32 v35, v35;
	v46 =	vld.idx.msk [tilespmem:v4+s21+$0x0], $0xffff  }
0x5d8: {  	v0 =	vmul.f32 v58, v0;
	v31 =	vshra.s32 v1, $0x1;
	v45 =	vmul.f32 $5.000000000e-01, v1  }
0x5d9: {  	v38 =	vld.idx.msk [tilespmem:v4+s22+$0x0], $0xffff;
	v2 =	vsub.f32 v2, v13;
	v40 =	vsub.f32 v56, v9;
	v39 =	vsub.s32 $0x5F3759DF, v31  }
0x5da: {  	v34 =	vadd.f32 v36, v34;
	v48 =	vmul.f32 v37, v47;
	[tilespmem:s19+$0x18280] =	vst v0;
	v41 =	vmul.f32 v39, v45  }
0x5db: {  	v27 =	vsub.f32 v57, v10;
	v57 =	vld [tilespmem:$0x1FF70];
	v2 =	vmul.f32 v2, v2;
	v40 =	vmul.f32 v40, v40  }
0x5dc: {  	v36 =	vmul.f32 v37, v48;
	v35 =	vsub.f32 v8, v14;
	v42 =	vsub.f32 v46, v21  }
0x5dd: {  	v27 =	vmul.f32 v27, v27;
	v41 =	vmul.f32 v39, v41;
	v2 =	vadd.f32 v40, v2  }
0x5de: {  	v43 =	vld [tilespmem:s6+$0x10300];
	v38 =	vsub.f32 v38, v30;
	v35 =	vmul.f32 v35, v35;
	v50 =	vmul.f32 v42, v42  }
0x5df: {  	v49 =	vsub.f32 $1.500000000e+00, v41;
	v2 =	vadd.f32 v27, v2  }
0x5e0: {  	v51 =	vsub.f32 $1.500000000e+00, v36;
	v42 =	vld [tilespmem:s8+$0x10380];
	v53 =	vmul.f32 v38, v38;
	v35 =	vadd.f32 v50, v35  }
0x5e1: {  	v52 =	vmul.f32 v39, v49;
	v55 =	vshra.s32 v2, $0x1;
	v56 =	vmul.f32 $5.000000000e-01, v2  }
0x5e2: {  	v54 =	vmul.f32 v37, v51;
	v44 =	vsub.s32 $0x5F3759DF, v55  }
0x5e3: {  	v58 =	vld.idx.msk [tilespmem:v57+s20+$0x0], $0xffff;
	v35 =	vadd.f32 v53, v35;
	v1 =	vmul.f32 v52, v1;
	v46 =	vmul.f32 v44, v56  }
0x5e4: {  	v18 =	vsub.f32 $1.500000000e+00, v18;
	v11 =	vadd.f32 v7, v34;
	v0 =	vmul.f32 v54, v28;
	v45 =	vld.idx.msk [tilespmem:v57+s21+$0x0], $0xffff  }
0x5e5: {  	v47 =	vld.idx.msk [tilespmem:v57+s22+$0x0], $0xffff;
	v48 =	vshra.s32 v35, $0x1;
	v49 =	vmul.f32 $5.000000000e-01, v35;
	[tilespmem:s6+$0x18280] =	vst v1;
	v51 =	vmul.f32 v44, v46  }
0x5e6: {  	v18 =	vmul.f32 v29, v18;
	v1 =	vsub.s32 $0x5F3759DF, v48;
	v50 =	vld.idx.msk [tilespmem:v43+s20+$0x0], $0xffff  }
0x5e7: {  	[tilespmem:s8+$0x18300] =	vst v0;
	v52 =	vshra.s32 v11, $0x1;
	v54 =	vld.idx.msk [tilespmem:v43+s21+$0x0], $0xffff;
	v55 =	vmul.f32 v1, v49;
	v29 =	vsub.f32 $1.500000000e+00, v51  }
0x5e8: {  	v53 =	vmul.f32 $5.000000000e-01, v11;
	v8 =	vsub.s32 $0x5F3759DF, v52;
	v56 =	vld.idx.msk [tilespmem:v42+s20+$0x0], $0xffff  }
0x5e9: {  	v57 =	vsub.f32 v58, v63;
	v58 =	vld.idx.msk [tilespmem:v43+s22+$0x0], $0xffff;
	v39 =	vmul.f32 v1, v55;
	v27 =	vmul.f32 v44, v29  }
0x5ea: {  	v12 =	vmul.f32 v20, v12;
	v34 =	vmul.f32 v8, v53;
	v7 =	vsub.f32 v45, v5  }
0x5eb: {  	v43 =	vld.idx.msk [tilespmem:v42+s21+$0x0], $0xffff;
	v47 =	vsub.f32 v47, v6;
	v39 =	vsub.f32 $1.500000000e+00, v39;
	v2 =	vmul.f32 v27, v2  }
0x5ec: {  	v45 =	vld.idx.msk [tilespmem:v42+s22+$0x0], $0xffff;
	v44 =	vmul.f32 v57, v57;
	v46 =	vsub.f32 v50, v25;
	v0 =	vsub.f32 v54, v24  }
0x5ed: {  	v7 =	vmul.f32 v7, v7;
	v49 =	vsub.f32 v56, v61;
	v1 =	vmul.f32 v1, v39;
	[tilespmem:s11+$0x18280] =	vst v2  }
0x5ee: {  	v48 =	vsub.f32 v58, v23;
	v27 =	vmul.f32 v46, v46;
	v0 =	vmul.f32 v0, v0;
	v51 =	vld.idx.msk [tilespmem:v22+s20+$0x0], $0xffff  }
0x5ef: {  	v55 =	vadd.f32 v7, v44;
	v56 =	vmul.f32 v47, v47;
	v1 =	vmul.f32 v1, v35;
	v53 =	vld.idx.msk [tilespmem:v22+s21+$0x0], $0xffff  }
0x5f0: {  	v18 =	vmul.f32 v18, v19;
	v2 =	vmul.f32 v48, v48;
	v54 =	vld.idx.msk [tilespmem:v22+s22+$0x0], $0xffff;
	v0 =	vadd.f32 v0, v27  }
0x5f1: {  	v26 =	vmovc v21;
	v21 =	vmov v14;
	v50 =	vsub.f32 v43, v15;
	[tilespmem:s16+$0x18280] =	vst v1;
	v1 =	vadd.f32 v56, v55  }
0x5f2: {  	v52 =	vsub.f32 v45, v16;
	v14 =	vmul.f32 v49, v49;
	v0 =	vadd.f32 v2, v0;
	v57 =	vld.idx.msk [tilespmem:v33+s20+$0x0], $0xffff  }
0x5f3: {  	v15 =	vmul.f32 v50, v50;
	v61 =	vld.idx.msk [tilespmem:v33+s21+$0x0], $0xffff;
	v39 =	vshra.s32 v1, $0x1;
	v40 =	vmul.f32 $5.000000000e-01, v1  }
0x5f4: {  	v38 =	vld.idx.msk [tilespmem:v33+s22+$0x0], $0xffff;
	v36 =	vshra.s32 v0, $0x1;
	v19 =	vsub.f32 v51, v13;
	v20 =	vsub.f32 v53, v9  }
0x5f5: {  	v37 =	vmul.f32 $5.000000000e-01, v0;
	v22 =	vsub.f32 v54, v10;
	v33 =	vsub.s32 $0x5F3759DF, v39  }
0x5f6: {  	v7 =	vsub.s32 $0x5F3759DF, v36;
	v19 =	vmul.f32 v19, v19;
	v20 =	vmul.f32 v20, v20  }
0x5f7: {  	v14 =	vadd.f32 v15, v14;
	v43 =	vmul.f32 v33, v40;
	v28 =	vmul.f32 v7, v37  }
0x5f8: {  	v41 =	vmul.f32 v22, v22;
	v2 =	vsub.f32 v57, v21;
	v19 =	vadd.f32 v20, v19  }
0x5f9: {  	v16 =	vsub.f32 v61, v26;
	v29 =	vsub.f32 v38, v30;
	v15 =	vmul.f32 v33, v43  }
0x5fa: {  	[tilespmem:s13+$0x18300] =	vst v18;
	v28 =	vmul.f32 v7, v28;
	v2 =	vmul.f32 v2, v2;
	v18 =	vadd.f32 v41, v19  }
0x5fb: {  	v16 =	vmul.f32 v16, v16;
	v44 =	vmul.f32 v29, v29;
	v15 =	vsub.f32 $1.500000000e+00, v15  }
0x5fc: {  	v28 =	vsub.f32 $1.500000000e+00, v28;
	v48 =	vshra.s32 v18, $0x1;
	v49 =	vmul.f32 $5.000000000e-01, v18  }
0x5fd: {  	v42 =	vld [tilespmem:s6+$0x10380];
	v2 =	vadd.f32 v16, v2;
	v15 =	vmul.f32 v33, v15;
	v50 =	vsub.s32 $0x5F3759DF, v48  }
0x5fe: {  	v45 =	vld.idx.msk [tilespmem:v3+s20+$0x0], $0xffff;
	v7 =	vmul.f32 v7, v28;
	v51 =	vmul.f32 v50, v49  }
0x5ff: {  	v47 =	vld.idx.msk [tilespmem:v3+s21+$0x0], $0xffff;
	v2 =	vadd.f32 v44, v2;
	v1 =	vmul.f32 v15, v1  }
0x600: {  	v0 =	vmul.f32 v7, v0;
	v16 =	vmul.f32 v50, v51  }
0x601: {  	v58 =	vmul.f32 v52, v52;
	v54 =	vld.idx.msk [tilespmem:v3+s22+$0x0], $0xffff;
	v52 =	vshra.s32 v2, $0x1;
	v53 =	vmul.f32 $5.000000000e-01, v2;
	[tilespmem:s19+$0x18300] =	vst v1  }
0x602: {  	[tilespmem:s6+$0x18300] =	vst v0;
	v56 =	vsub.s32 $0x5F3759DF, v52;
	v16 =	vsub.f32 $1.500000000e+00, v16  }
0x603: {  	v14 =	vadd.f32 v58, v14;
	v19 =	vsub.f32 v45, v60;
	v58 =	vmul.f32 v56, v53;
	v41 =	vld [tilespmem:$0x1FF80]  }
0x604: {  	v28 =	vsub.f32 v47, v17;
	v38 =	vmul.f32 v50, v16  }
0x605: {  	v19 =	vmul.f32 v19, v19;
	v37 =	vmul.f32 v56, v58  }
0x606: {  	v3 =	vsub.f32 v54, v59;
	v28 =	vmul.f32 v28, v28;
	v57 =	vld.idx.msk [tilespmem:v42+s20+$0x0], $0xffff;
	v1 =	vmul.f32 v38, v18  }
0x607: {  	v46 =	vshra.s32 v14, $0x1;
	v55 =	vmul.f32 $5.000000000e-01, v14;
	v61 =	vld.idx.msk [tilespmem:v42+s21+$0x0], $0xffff;
	v39 =	vsub.f32 $1.500000000e+00, v37  }
0x608: {  	v20 =	vsub.s32 $0x5F3759DF, v46;
	v3 =	vmul.f32 v3, v3;
	v19 =	vadd.f32 v28, v19;
	v36 =	vld.idx.msk [tilespmem:v42+s22+$0x0], $0xffff;
	[tilespmem:s11+$0x18300] =	vst v1  }
0x609: {  	v60 =	vmul.f32 v20, v55;
	v0 =	vmul.f32 v56, v39;
	v51 =	vld [tilespmem:$0x1FFA0]  }
0x60a: {  	v27 =	vmul.f32 v8, v34;
	v3 =	vadd.f32 v3, v19  }
0x60b: {  	v40 =	vmul.f32 v20, v60;
	v42 =	vld.idx.msk [tilespmem:v41+s20+$0x0], $0xffff;
	v0 =	vmul.f32 v0, v2  }
0x60c: {  	v19 =	vshra.s32 v3, $0x1;
	v43 =	vsub.f32 v57, v25;
	v44 =	vsub.f32 v61, v24;
	v45 =	vld.idx.msk [tilespmem:v41+s21+$0x0], $0xffff  }
0x60d: {  	v50 =	vsub.f32 $1.500000000e+00, v40;
	v59 =	vmul.f32 $5.000000000e-01, v3;
	v19 =	vsub.s32 $0x5F3759DF, v19;
	v49 =	vld.idx.msk [tilespmem:v41+s22+$0x0], $0xffff;
	[tilespmem:s16+$0x18300] =	vst v0  }
0x60e: {  	v46 =	vsub.f32 v36, v23;
	v47 =	vmul.f32 v43, v43;
	v48 =	vmul.f32 v44, v44;
	v58 =	vld.idx.msk [tilespmem:v62+s20+$0x0], $0xffff  }
0x60f: {  	v55 =	vmul.f32 v20, v50;
	v61 =	vmul.f32 v19, v59;
	v60 =	vld.idx.msk [tilespmem:v62+s21+$0x0], $0xffff  }
0x610: {  	v53 =	vsub.f32 $1.500000000e+00, v27;
	v7 =	vmul.f32 v46, v46;
	v15 =	vadd.f32 v48, v47;
	v28 =	vld.idx.msk [tilespmem:v62+s22+$0x0], $0xffff  }
0x611: {  	v0 =	vmul.f32 v55, v14;
	v14 =	vmul.f32 v19, v61;
	v52 =	vld.idx.msk [tilespmem:v51+s20+$0x0], $0xffff  }
0x612: {  	v8 =	vmul.f32 v8, v53;
	v7 =	vadd.f32 v7, v15;
	v54 =	vld.idx.msk [tilespmem:v51+s21+$0x0], $0xffff  }
0x613: {  	v1 =	vmul.f32 v12, v32;
	v14 =	vsub.f32 $1.500000000e+00, v14;
	v56 =	vsub.f32 v42, v63  }
0x614: {  	v57 =	vsub.f32 v45, v5;
	v63 =	vshra.s32 v7, $0x1;
	v29 =	vmul.f32 $5.000000000e-01, v7;
	v17 =	vld.idx.msk [tilespmem:v51+s22+$0x0], $0xffff  }
0x615: {  	v31 =	vsub.f32 v49, v6;
	v2 =	vmul.f32 v56, v56;
	v5 =	vsub.f32 v58, v21  }
0x616: {  	v4 =	vmul.f32 v57, v57;
	v34 =	vsub.f32 v60, v26;
	v36 =	vsub.f32 v28, v30  }
0x617: {  	v6 =	vmul.f32 v31, v31;
	v12 =	vsub.f32 v52, v13;
	v33 =	vsub.f32 v54, v9  }
0x618: {  	v2 =	vadd.f32 v4, v2;
	v5 =	vmul.f32 v5, v5;
	v13 =	vmul.f32 v34, v34  }
0x619: {  	v35 =	vsub.f32 v17, v10;
	v12 =	vmul.f32 v12, v12;
	v9 =	vmul.f32 v33, v33  }
0x61a: {  	v40 =	vmul.f32 v36, v36;
	v2 =	vadd.f32 v6, v2;
	v5 =	vadd.f32 v13, v5  }
0x61b: {  	v32 =	vsub.s32 $0x5F3759DF, v63;
	v38 =	vmul.f32 v35, v35;
	v37 =	vadd.f32 v9, v12  }
0x61c: {  	v41 =	vshra.s32 v2, $0x1;
	v42 =	vmul.f32 $5.000000000e-01, v2;
	v5 =	vadd.f32 v40, v5  }
0x61d: {  	v39 =	vmul.f32 v32, v29;
	v44 =	vsub.s32 $0x5F3759DF, v41;
	v6 =	vadd.f32 v38, v37  }
0x61e: {  	v45 =	vmul.f32 v44, v42;
	v48 =	vshra.s32 v5, $0x1;
	v49 =	vmul.f32 $5.000000000e-01, v5  }
0x61f: {  	v17 =	vsub.s32 $0x5F3759DF, v48;
	v46 =	vshra.s32 v6, $0x1;
	v47 =	vmul.f32 $5.000000000e-01, v6  }
0x620: {  	v43 =	vmul.f32 v32, v39;
	v18 =	vmul.f32 v17, v49;
	v13 =	vsub.s32 $0x5F3759DF, v46  }
0x621: {  	v12 =	vmul.f32 v44, v45;
	v15 =	vmul.f32 v13, v47  }
0x622: {  	v53 =	vmul.f32 v19, v14;
	v9 =	vsub.f32 $1.500000000e+00, v43;
	v51 =	vmul.f32 v17, v18  }
0x623: {  	v50 =	vsub.f32 $1.500000000e+00, v12;
	v15 =	vmul.f32 v13, v15  }
0x624: {  	[tilespmem:s1+$0x18380] =	vst v1;
	v58 =	vmul.f32 v53, v3;
	v4 =	vmul.f32 v32, v9;
	v57 =	vsub.f32 $1.500000000e+00, v51  }
0x625: {  	[tilespmem:s8+$0x18380] =	vst v0;
	v52 =	vmul.f32 v8, v11;
	v56 =	vmul.f32 v44, v50;
	v54 =	vsub.f32 $1.500000000e+00, v15  }
0x626: {  	[tilespmem:s13+$0x18380] =	vst v58;
	v55 =	vmul.f32 v4, v7;
	v61 =	vmul.f32 v17, v57  }
0x627: {  	[tilespmem:s0+$0x18380] =	vst v52;
	v60 =	vmul.f32 v56, v2;
	v59 =	vmul.f32 v13, v54  }
.Ltmp5:
0x628: {  	[tilespmem:s6+$0x18380] =	vst v55;
	v63 =	vmul.f32 v61, v5;
	(pc) =	sbr.rel @p1 .LBB2_10-.Ltmp5, $4  }
0x629: {  	[tilespmem:s19+$0x18380] =	vst v60;
	v62 =	vmul.f32 v59, v6  }
0x62a: {  	s29 =	sshrl.u32 s9, $0x3;
	[tilespmem:s16+$0x18380] =	vst v63  }
0x62b: {  	s0 =	sadd.s32 s3, s29;
	[tilespmem:s11+$0x18380] =	vst v62  }
0x62c: {  	[hbm4b:s0+s4] =	stream.linear.scatter [tilespmem:s25], [sflag:$0x4], $0x4000, $0x38;
	[tilespmem:$0x1C000] =	vst v63  }
.Ltmp6:
0x62d: {  	(pc) =	sbr.rel .LBB2_4-.Ltmp6, $4  }
0x62e: {  	s0 =	sadd.s32 $0x8000, s9  }
0x62f: {  	s0 =	sshrl.u32 s0, $0x3  }
0x630: {  	s1 =	simm.s32 $0x10000;
	s31 =	sadd.s32 $0x1, s31;
	s0 =	sadd.s32 s2, s0  }
0x631: {  	[tilespmem:s1], [sflag:$0x2] =	stream.linear.gather [hbm4b:s0+s4], $0x4000, $0x38;
	[tilespmem:$0x1C000] =	vst v63  }
.LBB2_11:
0x632: {  	_ =	sfence.sel $0x180000  }
0x633: {  	[bflag:$0x0] =	sbarrier.arrive $0xFFFF  }
0x634: {  	_ =	strace $0x90000047  }
0x635: {  	s0 =	stileid.u32;
	[bflag:$0x2] =	sbarrier.arrive $0xFFFF  }
0x636: {  	p0 =	sne.s32 s0, $0x0;
	s0 =	rddreg [dreg:$0x3]  }
0x637: {  	s0 =	sadd.s32 @!p0 $0x100000, s0  }
0x638: {  	[sflag:s0] =	ssyncadd.tile.s32 @!p0 $0x1;
	_ =	shalt  }
.Lfunc_end2:
_tile_overlayer_lowered:
.L_overlay_start_2:
0x639: {  	(tag) =	ssettag $0x2  }
0x63a: {  	s0 =	rddreg [dreg:$0x0];
	s2 =	stileid.u32  }
0x63b: {  	s1 =	rddreg [dreg:$0x1];
	p0 =	sne.s32 s2, $0x0  }
0x63c: {  	s3 =	rddreg [dreg:$0x2];
	[bflag:$0x3] =	sbarrier.arrive $0xFFFF;
	s2 =	simm.s32 @!p0 $0x1C05  }
0x63d: {  	[timem:s3], [sflag:s2] =	dma.local @!p0 [hbm:s0], s1  }
0x63e: {  	s0 =	simm.s32 @!p0 $0x5  }
0x63f: {  	_ =	swait.ge @!p0 [sflag:s0], s1  }
0x640: {  	s1 =	ssub.s32 @!p0 $0x0, s1;
	[sflag:s0] =	ssyncset.done @!p0 $0x0  }
0x641: {  	[sflag:s0] =	ssyncadd.s32 @!p0 s1  }
0x642: {  	[bflag:$0x3] =	sbarrier.arrive $0xFFFF  }
0x643: {  	_ =	shalt  }

</sc_bundles>
